<compile_context>
chip_gen: v7x
topology: tpu7x:2x2x1
jax: 0.10.2.dev20260603
libtpu: 0.0.44.dev20260713+nightly
codegen_flags: <defaults>
</compile_context>

<pallas_src>
import jax
import jax.numpy as jnp
from jax import lax
from jax.experimental import pallas as pl
from jax.experimental.pallas import tpu as pltpu
from jax.experimental.pallas import tpu_sc as plsc

BATCH = 16384
F = 64
LANES = 16


def _gmf_body(nw, nc, user_hbm, item_hbm, ut_hbm, it_hbm, wb_hbm, out_hbm,
              uidx_v, iidx_v, eu_v, ei_v, out_v, wb_v, sem0, sem1):
    b_per_w = BATCH // nw
    ngroup = b_per_w // LANES
    wid = lax.axis_index("s") * nc + lax.axis_index("c")
    base = wid * b_per_w
    sems = (sem0, sem1)

    pltpu.sync_copy(user_hbm.at[pl.ds(base, b_per_w)], uidx_v)
    pltpu.sync_copy(item_hbm.at[pl.ds(base, b_per_w)], iidx_v)
    pltpu.sync_copy(wb_hbm, wb_v)

    w = [wb_v[pl.ds(k * LANES, LANES)] for k in range(F // LANES)]
    bias_v = wb_v[pl.ds(F, LANES)]
    lane_iota = lax.iota(jnp.int32, LANES)
    lane_masks = [lane_iota == i for i in range(LANES)]

    def fire(g, slot):
        r0 = g * LANES
        iv_u = uidx_v[pl.ds(r0, LANES)]
        iv_i = iidx_v[pl.ds(r0, LANES)]
        for i in range(LANES):
            pltpu.async_copy(ut_hbm.at[pl.ds(iv_u[i], 1)],
                             eu_v.at[slot].at[pl.ds(i, 1)], sems[slot])
            pltpu.async_copy(it_hbm.at[pl.ds(iv_i[i], 1)],
                             ei_v.at[slot].at[pl.ds(i, 1)], sems[slot])

    def drain_compute(g, slot):
        pltpu.make_async_copy(ut_hbm.at[pl.ds(0, LANES)],
                              eu_v.at[slot], sems[slot]).wait()
        pltpu.make_async_copy(it_hbm.at[pl.ds(0, LANES)],
                              ei_v.at[slot], sems[slot]).wait()
        outvec = jnp.zeros((LANES,), jnp.float32)
        for i in range(LANES):
            acc = (eu_v[slot, i, pl.ds(0, LANES)]
                   * ei_v[slot, i, pl.ds(0, LANES)]) * w[0]
            for k in range(1, F // LANES):
                acc = acc + (eu_v[slot, i, pl.ds(k * LANES, LANES)]
                             * ei_v[slot, i, pl.ds(k * LANES, LANES)]) * w[k]
            tot = jnp.full((LANES,), jnp.sum(acc), jnp.float32)
            outvec = jnp.where(lane_masks[i], tot, outvec)
        out_v[pl.ds(g * LANES, LANES)] = outvec + bias_v

    fire(0, 0)

    def group_body(c, _):
        parity = lax.rem(c, 2)

        @pl.when(parity == 0)
        def _():
            @pl.when(c + 1 < ngroup)
            def _():
                fire(c + 1, 1)
            drain_compute(c, 0)

        @pl.when(parity == 1)
        def _():
            @pl.when(c + 1 < ngroup)
            def _():
                fire(c + 1, 0)
            drain_compute(c, 1)

        return _

    lax.fori_loop(0, ngroup, group_body, None)

    pltpu.sync_copy(out_v, out_hbm.at[pl.ds(base, b_per_w)])


def kernel(user, item, user_table, item_table, W, b):
    info = plsc.get_sparse_core_info()
    nc, ns = info.num_cores, info.num_subcores
    nw = nc * ns
    b_per_w = BATCH // nw

    wb = jnp.concatenate([W.reshape(-1), jnp.full((LANES,), b[0], jnp.float32)])

    mesh = plsc.VectorSubcoreMesh(core_axis_name="c", subcore_axis_name="s")

    def body(*refs):
        _gmf_body(nw, nc, *refs)

    f = pl.kernel(
        body,
        mesh=mesh,
        compiler_params=pltpu.CompilerParams(needs_layout_passes=False),
        out_type=jax.ShapeDtypeStruct((BATCH,), jnp.float32),
        scratch_types=[
            pltpu.VMEM((b_per_w,), jnp.int32),
            pltpu.VMEM((b_per_w,), jnp.int32),
            pltpu.VMEM((2, LANES, F), jnp.float32),
            pltpu.VMEM((2, LANES, F), jnp.float32),
            pltpu.VMEM((b_per_w,), jnp.float32),
            pltpu.VMEM((F + LANES,), jnp.float32),
            pltpu.SemaphoreType.DMA,
            pltpu.SemaphoreType.DMA,
        ],
    )
    return f(user.astype(jnp.int32), item.astype(jnp.int32),
             user_table, item_table, wb)

# --- scband reference (transcript-rebuilt; emitter-appended) ---
"""Pipeline reference for scband-gmf-52553219834113 (READ-ONLY COPY).

The authoritative reference and input builder live on the scoring server;
editing this copy changes nothing except your own understanding.
"""

import jax, jax.numpy as jnp
import numpy as np

USER_NUM = 1000000
ITEM_NUM = 1000000
FACTOR_NUM = 64
BATCH = 16384


def setup_inputs(seed: int = 0) -> dict:
    key = jax.random.key(seed)
    k_user, k_item, k_ut, k_it, k_w, k_b = jax.random.split(key, 6)
    user = jax.random.randint(k_user, (BATCH,), 0, USER_NUM, dtype=jnp.int64 if jax.config.read('jax_enable_x64') else jnp.int32)
    item = jax.random.randint(k_item, (BATCH,), 0, ITEM_NUM, dtype=jnp.int64 if jax.config.read('jax_enable_x64') else jnp.int32)
    user_table = jax.random.normal(k_ut, (USER_NUM, FACTOR_NUM), dtype=jnp.float32) * 0.01
    item_table = jax.random.normal(k_it, (ITEM_NUM, FACTOR_NUM), dtype=jnp.float32) * 0.01
    bound = 1.0 / np.sqrt(FACTOR_NUM)
    W = jax.random.uniform(k_w, (1, FACTOR_NUM), dtype=jnp.float32, minval=-bound, maxval=bound)
    b = jax.random.uniform(k_b, (1,), dtype=jnp.float32, minval=-bound, maxval=bound)
    return {"user": user, "item": item, "user_table": user_table, "item_table": item_table, "W": W, "b": b}


def reference(user, item, user_table, item_table, W, b):
    # embedding lookups (SparseCore gather)
    embed_user = jnp.take(user_table, user, axis=0)   # [B, F]
    embed_item = jnp.take(item_table, item, axis=0)   # [B, F]
    output_gmf = embed_user * embed_item              # [B, F]
    prediction = output_gmf @ W.T + b                 # [B, 1]
    return prediction.reshape(-1)

if __name__ == "__main__":
    import jax
    _d = setup_inputs()
    print(jax.jit(kernel)(*tuple(_d.values())))

</pallas_src>

<mosaic_0001>
#map = affine_map<(d0, d1) -> (0)>
#map1 = affine_map<(d0, d1) -> (0, 0)>
module attributes {stable_mosaic.version = 14 : i64} {
  func.func @body(%arg0: i32, %arg1: i32, %arg2: memref<16384xi32, #tpu.memory_space<hbm>>, %arg3: memref<16384xi32, #tpu.memory_space<hbm>>, %arg4: memref<1000000x64xf32, #tpu.memory_space<hbm>>, %arg5: memref<1000000x64xf32, #tpu.memory_space<hbm>>, %arg6: memref<80xf32, #tpu.memory_space<hbm>>, %arg7: memref<16384xf32, #tpu.memory_space<hbm>>, %arg8: memref<512xi32, #tpu.memory_space<vmem>>, %arg9: memref<512xi32, #tpu.memory_space<vmem>>, %arg10: memref<2x16x64xf32, #tpu.memory_space<vmem>>, %arg11: memref<2x16x64xf32, #tpu.memory_space<vmem>>, %arg12: memref<512xf32, #tpu.memory_space<vmem>>, %arg13: memref<80xf32, #tpu.memory_space<vmem>>, %arg14: memref<!tpu.dma_semaphore, #tpu.memory_space<semaphore_mem>>, %arg15: memref<!tpu.dma_semaphore, #tpu.memory_space<semaphore_mem>>) attributes {dimension_semantics = [#tpu.dimension_semantics<core_parallel>, #tpu.dimension_semantics<subcore_parallel>], iteration_bounds = array<i64: 2, 16>, scalar_prefetch = 0 : i64, scratch_operands = 8 : i64, tpu.core_type = #tpu.core_type<sc_vector_subcore>, window_params = [{transform_indices = #map}, {transform_indices = #map}, {transform_indices = #map1}, {transform_indices = #map1}, {transform_indices = #map}, {transform_indices = #map}]} {
    %mul3A = arith.constant 2 : i32
    %mul3A_0 = arith.muli %arg1, %mul3A : i32
    %add3A = arith.addi %mul3A_0, %arg0 : i32
    %mul3A_1 = arith.constant 512 : i32
    %mul3A_2 = arith.muli %add3A, %mul3A_1 : i32
    "tpu.region"() ({
      %run_scoped3A = tpu.sem_alloc : memref<!tpu.dma_semaphore, #tpu.memory_space<semaphore_mem>>
      %dma_start3A_736 = tpu.memref_slice %arg2[%mul3A_2] : memref<16384xi32, #tpu.memory_space<hbm>> -> memref<512xi32, #tpu.memory_space<hbm>>
      %dma_start3A_737 = tpu.memref_slice %arg2[%mul3A_2] : memref<16384xi32, #tpu.memory_space<hbm>> -> memref<512xi32, #tpu.memory_space<hbm>>
      tpu.enqueue_dma source(%dma_start3A_737 : memref<512xi32, #tpu.memory_space<hbm>>) target(%arg8 : memref<512xi32, #tpu.memory_space<vmem>>) target_semaphore(%run_scoped3A : memref<!tpu.dma_semaphore, #tpu.memory_space<semaphore_mem>>)
      %dma_wait3A = tpu.memref_slice %arg2[%mul3A_2] : memref<16384xi32, #tpu.memory_space<hbm>> -> memref<512xi32, #tpu.memory_space<hbm>>
      %dma_wait3A_738 = tpu.memref_slice %arg2[%mul3A_2] : memref<16384xi32, #tpu.memory_space<hbm>> -> memref<512xi32, #tpu.memory_space<hbm>>
      tpu.wait_dma2 semaphore(%run_scoped3A : memref<!tpu.dma_semaphore, #tpu.memory_space<semaphore_mem>>) src(%dma_wait3A_738 : memref<512xi32, #tpu.memory_space<hbm>>) dst(%arg8 : memref<512xi32, #tpu.memory_space<vmem>>)
      tpu.yield
    }) : () -> ()
    "tpu.region"() ({
      %run_scoped3A = tpu.sem_alloc : memref<!tpu.dma_semaphore, #tpu.memory_space<semaphore_mem>>
      %dma_start3A_736 = tpu.memref_slice %arg3[%mul3A_2] : memref<16384xi32, #tpu.memory_space<hbm>> -> memref<512xi32, #tpu.memory_space<hbm>>
      %dma_start3A_737 = tpu.memref_slice %arg3[%mul3A_2] : memref<16384xi32, #tpu.memory_space<hbm>> -> memref<512xi32, #tpu.memory_space<hbm>>
      tpu.enqueue_dma source(%dma_start3A_737 : memref<512xi32, #tpu.memory_space<hbm>>) target(%arg9 : memref<512xi32, #tpu.memory_space<vmem>>) target_semaphore(%run_scoped3A : memref<!tpu.dma_semaphore, #tpu.memory_space<semaphore_mem>>)
      %dma_wait3A = tpu.memref_slice %arg3[%mul3A_2] : memref<16384xi32, #tpu.memory_space<hbm>> -> memref<512xi32, #tpu.memory_space<hbm>>
      %dma_wait3A_738 = tpu.memref_slice %arg3[%mul3A_2] : memref<16384xi32, #tpu.memory_space<hbm>> -> memref<512xi32, #tpu.memory_space<hbm>>
      tpu.wait_dma2 semaphore(%run_scoped3A : memref<!tpu.dma_semaphore, #tpu.memory_space<semaphore_mem>>) src(%dma_wait3A_738 : memref<512xi32, #tpu.memory_space<hbm>>) dst(%arg9 : memref<512xi32, #tpu.memory_space<vmem>>)
      tpu.yield
    }) : () -> ()
    "tpu.region"() ({
      %run_scoped3A = tpu.sem_alloc : memref<!tpu.dma_semaphore, #tpu.memory_space<semaphore_mem>>
      tpu.enqueue_dma source(%arg6 : memref<80xf32, #tpu.memory_space<hbm>>) target(%arg13 : memref<80xf32, #tpu.memory_space<vmem>>) target_semaphore(%run_scoped3A : memref<!tpu.dma_semaphore, #tpu.memory_space<semaphore_mem>>)
      tpu.wait_dma2 semaphore(%run_scoped3A : memref<!tpu.dma_semaphore, #tpu.memory_space<semaphore_mem>>) src(%arg6 : memref<80xf32, #tpu.memory_space<hbm>>) dst(%arg13 : memref<80xf32, #tpu.memory_space<vmem>>)
      tpu.yield
    }) : () -> ()
    %get3A = arith.constant 0 : index
    %get3A_3 = tpu.vector_load %arg13[%get3A] {strides = array<i32>} : memref<80xf32, #tpu.memory_space<vmem>>, vector<16xf32>,
    %get3A_4 = arith.constant 16 : index
    %get3A_5 = tpu.vector_load %arg13[%get3A_4] {strides = array<i32>} : memref<80xf32, #tpu.memory_space<vmem>>, vector<16xf32>,
    %get3A_6 = arith.constant 32 : index
    %get3A_7 = tpu.vector_load %arg13[%get3A_6] {strides = array<i32>} : memref<80xf32, #tpu.memory_space<vmem>>, vector<16xf32>,
    %get3A_8 = arith.constant 48 : index
    %get3A_9 = tpu.vector_load %arg13[%get3A_8] {strides = array<i32>} : memref<80xf32, #tpu.memory_space<vmem>>, vector<16xf32>,
    %get3A_10 = arith.constant 64 : index
    %get3A_11 = tpu.vector_load %arg13[%get3A_10] {strides = array<i32>} : memref<80xf32, #tpu.memory_space<vmem>>, vector<16xf32>,
    %iota3A = tpu.iota {dimensions = array<i32: 0>} : vector<16xi32>
    %eq3A = arith.constant 0 : i32
    %eq3A_12 = vector.broadcast %eq3A : i32 to vector<16xi32>
    %eq3A_13 = arith.cmpi eq, %iota3A, %eq3A_12 : vector<16xi32>
    %eq3A_14 = arith.constant 1 : i32
    %eq3A_15 = vector.broadcast %eq3A_14 : i32 to vector<16xi32>
    %eq3A_16 = arith.cmpi eq, %iota3A, %eq3A_15 : vector<16xi32>
    %eq3A_17 = arith.constant 2 : i32
    %eq3A_18 = vector.broadcast %eq3A_17 : i32 to vector<16xi32>
    %eq3A_19 = arith.cmpi eq, %iota3A, %eq3A_18 : vector<16xi32>
    %eq3A_20 = arith.constant 3 : i32
    %eq3A_21 = vector.broadcast %eq3A_20 : i32 to vector<16xi32>
    %eq3A_22 = arith.cmpi eq, %iota3A, %eq3A_21 : vector<16xi32>
    %eq3A_23 = arith.constant 4 : i32
    %eq3A_24 = vector.broadcast %eq3A_23 : i32 to vector<16xi32>
    %eq3A_25 = arith.cmpi eq, %iota3A, %eq3A_24 : vector<16xi32>
    %eq3A_26 = arith.constant 5 : i32
    %eq3A_27 = vector.broadcast %eq3A_26 : i32 to vector<16xi32>
    %eq3A_28 = arith.cmpi eq, %iota3A, %eq3A_27 : vector<16xi32>
    %eq3A_29 = arith.constant 6 : i32
    %eq3A_30 = vector.broadcast %eq3A_29 : i32 to vector<16xi32>
    %eq3A_31 = arith.cmpi eq, %iota3A, %eq3A_30 : vector<16xi32>
    %eq3A_32 = arith.constant 7 : i32
    %eq3A_33 = vector.broadcast %eq3A_32 : i32 to vector<16xi32>
    %eq3A_34 = arith.cmpi eq, %iota3A, %eq3A_33 : vector<16xi32>
    %eq3A_35 = arith.constant 8 : i32
    %eq3A_36 = vector.broadcast %eq3A_35 : i32 to vector<16xi32>
    %eq3A_37 = arith.cmpi eq, %iota3A, %eq3A_36 : vector<16xi32>
    %eq3A_38 = arith.constant 9 : i32
    %eq3A_39 = vector.broadcast %eq3A_38 : i32 to vector<16xi32>
    %eq3A_40 = arith.cmpi eq, %iota3A, %eq3A_39 : vector<16xi32>
    %eq3A_41 = arith.constant 10 : i32
    %eq3A_42 = vector.broadcast %eq3A_41 : i32 to vector<16xi32>
    %eq3A_43 = arith.cmpi eq, %iota3A, %eq3A_42 : vector<16xi32>
    %eq3A_44 = arith.constant 11 : i32
    %eq3A_45 = vector.broadcast %eq3A_44 : i32 to vector<16xi32>
    %eq3A_46 = arith.cmpi eq, %iota3A, %eq3A_45 : vector<16xi32>
    %eq3A_47 = arith.constant 12 : i32
    %eq3A_48 = vector.broadcast %eq3A_47 : i32 to vector<16xi32>
    %eq3A_49 = arith.cmpi eq, %iota3A, %eq3A_48 : vector<16xi32>
    %eq3A_50 = arith.constant 13 : i32
    %eq3A_51 = vector.broadcast %eq3A_50 : i32 to vector<16xi32>
    %eq3A_52 = arith.cmpi eq, %iota3A, %eq3A_51 : vector<16xi32>
    %eq3A_53 = arith.constant 14 : i32
    %eq3A_54 = vector.broadcast %eq3A_53 : i32 to vector<16xi32>
    %eq3A_55 = arith.cmpi eq, %iota3A, %eq3A_54 : vector<16xi32>
    %eq3A_56 = arith.constant 15 : i32
    %eq3A_57 = vector.broadcast %eq3A_56 : i32 to vector<16xi32>
    %eq3A_58 = arith.cmpi eq, %iota3A, %eq3A_57 : vector<16xi32>
    %get3A_59 = arith.constant 0 : index
    %get3A_60 = tpu.vector_load %arg8[%get3A_59] {strides = array<i32>} : memref<512xi32, #tpu.memory_space<vmem>>, vector<16xi32>,
    %get3A_61 = arith.constant 0 : index
    %get3A_62 = tpu.vector_load %arg9[%get3A_61] {strides = array<i32>} : memref<512xi32, #tpu.memory_space<vmem>>, vector<16xi32>,
    %slice3A = vector.extract_strided_slice %get3A_60 {offsets = [0], sizes = [1], strides = [1]} : vector<16xi32> to vector<1xi32>
    %squeeze3A = vector.extract %slice3A[0] : i32 from vector<1xi32>
    %dma_start3A = arith.constant 0 : i32
    %dma_start3A_63 = arith.constant 0 : i32
    %dma_start3A_64 = arith.constant 0 : i32
    %dma_start3A_65 = tpu.memref_slice %arg10[%dma_start3A, %dma_start3A_63, %dma_start3A_64] : memref<2x16x64xf32, #tpu.memory_space<vmem>> -> memref<1x16x64xf32, #tpu.memory_space<vmem>>
    %dma_start3A_66 = tpu.memref_squeeze %dma_start3A_65 : memref<1x16x64xf32, #tpu.memory_space<vmem>> -> memref<16x64xf32, #tpu.memory_space<vmem>>
    %dma_start3A_67 = arith.constant 0 : i32
    %dma_start3A_68 = arith.constant 0 : i32
    %dma_start3A_69 = tpu.memref_slice %dma_start3A_66[%dma_start3A_67, %dma_start3A_68] : memref<16x64xf32, #tpu.memory_space<vmem>> -> memref<1x64xf32, #tpu.memory_space<vmem>>
    %dma_start3A_70 = arith.constant 0 : i32
    %dma_start3A_71 = tpu.memref_slice %arg4[%squeeze3A, %dma_start3A_70] : memref<1000000x64xf32, #tpu.memory_space<hbm>> -> memref<1x64xf32, #tpu.memory_space<hbm>>
    %dma_start3A_72 = arith.constant 0 : i32
    %dma_start3A_73 = arith.constant 0 : i32
    %dma_start3A_74 = tpu.memref_slice %arg10[%dma_start3A, %dma_start3A_72, %dma_start3A_73] : memref<2x16x64xf32, #tpu.memory_space<vmem>> -> memref<1x16x64xf32, #tpu.memory_space<vmem>>
    %dma_start3A_75 = tpu.memref_squeeze %dma_start3A_74 : memref<1x16x64xf32, #tpu.memory_space<vmem>> -> memref<16x64xf32, #tpu.memory_space<vmem>>
    %dma_start3A_76 = arith.constant 0 : i32
    %dma_start3A_77 = arith.constant 0 : i32
    %dma_start3A_78 = tpu.memref_slice %dma_start3A_75[%dma_start3A_76, %dma_start3A_77] : memref<16x64xf32, #tpu.memory_space<vmem>> -> memref<1x64xf32, #tpu.memory_space<vmem>>
    %dma_start3A_79 = arith.constant 0 : i32
    %dma_start3A_80 = tpu.memref_slice %arg4[%squeeze3A, %dma_start3A_79] : memref<1000000x64xf32, #tpu.memory_space<hbm>> -> memref<1x64xf32, #tpu.memory_space<hbm>>
    tpu.enqueue_dma source(%dma_start3A_80 : memref<1x64xf32, #tpu.memory_space<hbm>>) target(%dma_start3A_78 : memref<1x64xf32, #tpu.memory_space<vmem>>) target_semaphore(%arg14 : memref<!tpu.dma_semaphore, #tpu.memory_space<semaphore_mem>>)
    %slice3A_81 = vector.extract_strided_slice %get3A_62 {offsets = [0], sizes = [1], strides = [1]} : vector<16xi32> to vector<1xi32>
    %squeeze3A_82 = vector.extract %slice3A_81[0] : i32 from vector<1xi32>
    %dma_start3A_83 = arith.constant 0 : i32
    %dma_start3A_84 = arith.constant 0 : i32
    %dma_start3A_85 = arith.constant 0 : i32
    %dma_start3A_86 = tpu.memref_slice %arg11[%dma_start3A_83, %dma_start3A_84, %dma_start3A_85] : memref<2x16x64xf32, #tpu.memory_space<vmem>> -> memref<1x16x64xf32, #tpu.memory_space<vmem>>
    %dma_start3A_87 = tpu.memref_squeeze %dma_start3A_86 : memref<1x16x64xf32, #tpu.memory_space<vmem>> -> memref<16x64xf32, #tpu.memory_space<vmem>>
    %dma_start3A_88 = arith.constant 0 : i32
    %dma_start3A_89 = arith.constant 0 : i32
    %dma_start3A_90 = tpu.memref_slice %dma_start3A_87[%dma_start3A_88, %dma_start3A_89] : memref<16x64xf32, #tpu.memory_space<vmem>> -> memref<1x64xf32, #tpu.memory_space<vmem>>
    %dma_start3A_91 = arith.constant 0 : i32
    %dma_start3A_92 = tpu.memref_slice %arg5[%squeeze3A_82, %dma_start3A_91] : memref<1000000x64xf32, #tpu.memory_space<hbm>> -> memref<1x64xf32, #tpu.memory_space<hbm>>
    %dma_start3A_93 = arith.constant 0 : i32
    %dma_start3A_94 = arith.constant 0 : i32
    %dma_start3A_95 = tpu.memref_slice %arg11[%dma_start3A_83, %dma_start3A_93, %dma_start3A_94] : memref<2x16x64xf32, #tpu.memory_space<vmem>> -> memref<1x16x64xf32, #tpu.memory_space<vmem>>
    %dma_start3A_96 = tpu.memref_squeeze %dma_start3A_95 : memref<1x16x64xf32, #tpu.memory_space<vmem>> -> memref<16x64xf32, #tpu.memory_space<vmem>>
    %dma_start3A_97 = arith.constant 0 : i32
    %dma_start3A_98 = arith.constant 0 : i32
    %dma_start3A_99 = tpu.memref_slice %dma_start3A_96[%dma_start3A_97, %dma_start3A_98] : memref<16x64xf32, #tpu.memory_space<vmem>> -> memref<1x64xf32, #tpu.memory_space<vmem>>
    %dma_start3A_100 = arith.constant 0 : i32
    %dma_start3A_101 = tpu.memref_slice %arg5[%squeeze3A_82, %dma_start3A_100] : memref<1000000x64xf32, #tpu.memory_space<hbm>> -> memref<1x64xf32, #tpu.memory_space<hbm>>
    tpu.enqueue_dma source(%dma_start3A_101 : memref<1x64xf32, #tpu.memory_space<hbm>>) target(%dma_start3A_99 : memref<1x64xf32, #tpu.memory_space<vmem>>) target_semaphore(%arg14 : memref<!tpu.dma_semaphore, #tpu.memory_space<semaphore_mem>>)
    %slice3A_102 = vector.extract_strided_slice %get3A_60 {offsets = [1], sizes = [1], strides = [1]} : vector<16xi32> to vector<1xi32>
    %squeeze3A_103 = vector.extract %slice3A_102[0] : i32 from vector<1xi32>
    %dma_start3A_104 = arith.constant 0 : i32
    %dma_start3A_105 = arith.constant 0 : i32
    %dma_start3A_106 = arith.constant 0 : i32
    %dma_start3A_107 = tpu.memref_slice %arg10[%dma_start3A_104, %dma_start3A_105, %dma_start3A_106] : memref<2x16x64xf32, #tpu.memory_space<vmem>> -> memref<1x16x64xf32, #tpu.memory_space<vmem>>
    %dma_start3A_108 = tpu.memref_squeeze %dma_start3A_107 : memref<1x16x64xf32, #tpu.memory_space<vmem>> -> memref<16x64xf32, #tpu.memory_space<vmem>>
    %dma_start3A_109 = arith.constant 1 : i32
    %dma_start3A_110 = arith.constant 0 : i32
    %dma_start3A_111 = tpu.memref_slice %dma_start3A_108[%dma_start3A_109, %dma_start3A_110] : memref<16x64xf32, #tpu.memory_space<vmem>> -> memref<1x64xf32, #tpu.memory_space<vmem>>
    %dma_start3A_112 = arith.constant 0 : i32
    %dma_start3A_113 = tpu.memref_slice %arg4[%squeeze3A_103, %dma_start3A_112] : memref<1000000x64xf32, #tpu.memory_space<hbm>> -> memref<1x64xf32, #tpu.memory_space<hbm>>
    %dma_start3A_114 = arith.constant 0 : i32
    %dma_start3A_115 = arith.constant 0 : i32
    %dma_start3A_116 = tpu.memref_slice %arg10[%dma_start3A_104, %dma_start3A_114, %dma_start3A_115] : memref<2x16x64xf32, #tpu.memory_space<vmem>> -> memref<1x16x64xf32, #tpu.memory_space<vmem>>
    %dma_start3A_117 = tpu.memref_squeeze %dma_start3A_116 : memref<1x16x64xf32, #tpu.memory_space<vmem>> -> memref<16x64xf32, #tpu.memory_space<vmem>>
    %dma_start3A_118 = arith.constant 1 : i32
    %dma_start3A_119 = arith.constant 0 : i32
    %dma_start3A_120 = tpu.memref_slice %dma_start3A_117[%dma_start3A_118, %dma_start3A_119] : memref<16x64xf32, #tpu.memory_space<vmem>> -> memref<1x64xf32, #tpu.memory_space<vmem>>
    %dma_start3A_121 = arith.constant 0 : i32
    %dma_start3A_122 = tpu.memref_slice %arg4[%squeeze3A_103, %dma_start3A_121] : memref<1000000x64xf32, #tpu.memory_space<hbm>> -> memref<1x64xf32, #tpu.memory_space<hbm>>
    tpu.enqueue_dma source(%dma_start3A_122 : memref<1x64xf32, #tpu.memory_space<hbm>>) target(%dma_start3A_120 : memref<1x64xf32, #tpu.memory_space<vmem>>) target_semaphore(%arg14 : memref<!tpu.dma_semaphore, #tpu.memory_space<semaphore_mem>>)
    %slice3A_123 = vector.extract_strided_slice %get3A_62 {offsets = [1], sizes = [1], strides = [1]} : vector<16xi32> to vector<1xi32>
    %squeeze3A_124 = vector.extract %slice3A_123[0] : i32 from vector<1xi32>
    %dma_start3A_125 = arith.constant 0 : i32
    %dma_start3A_126 = arith.constant 0 : i32
    %dma_start3A_127 = arith.constant 0 : i32
    %dma_start3A_128 = tpu.memref_slice %arg11[%dma_start3A_125, %dma_start3A_126, %dma_start3A_127] : memref<2x16x64xf32, #tpu.memory_space<vmem>> -> memref<1x16x64xf32, #tpu.memory_space<vmem>>
    %dma_start3A_129 = tpu.memref_squeeze %dma_start3A_128 : memref<1x16x64xf32, #tpu.memory_space<vmem>> -> memref<16x64xf32, #tpu.memory_space<vmem>>
    %dma_start3A_130 = arith.constant 1 : i32
    %dma_start3A_131 = arith.constant 0 : i32
    %dma_start3A_132 = tpu.memref_slice %dma_start3A_129[%dma_start3A_130, %dma_start3A_131] : memref<16x64xf32, #tpu.memory_space<vmem>> -> memref<1x64xf32, #tpu.memory_space<vmem>>
    %dma_start3A_133 = arith.constant 0 : i32
    %dma_start3A_134 = tpu.memref_slice %arg5[%squeeze3A_124, %dma_start3A_133] : memref<1000000x64xf32, #tpu.memory_space<hbm>> -> memref<1x64xf32, #tpu.memory_space<hbm>>
    %dma_start3A_135 = arith.constant 0 : i32
    %dma_start3A_136 = arith.constant 0 : i32
    %dma_start3A_137 = tpu.memref_slice %arg11[%dma_start3A_125, %dma_start3A_135, %dma_start3A_136] : memref<2x16x64xf32, #tpu.memory_space<vmem>> -> memref<1x16x64xf32, #tpu.memory_space<vmem>>
    %dma_start3A_138 = tpu.memref_squeeze %dma_start3A_137 : memref<1x16x64xf32, #tpu.memory_space<vmem>> -> memref<16x64xf32, #tpu.memory_space<vmem>>
    %dma_start3A_139 = arith.constant 1 : i32
    %dma_start3A_140 = arith.constant 0 : i32
    %dma_start3A_141 = tpu.memref_slice %dma_start3A_138[%dma_start3A_139, %dma_start3A_140] : memref<16x64xf32, #tpu.memory_space<vmem>> -> memref<1x64xf32, #tpu.memory_space<vmem>>
    %dma_start3A_142 = arith.constant 0 : i32
    %dma_start3A_143 = tpu.memref_slice %arg5[%squeeze3A_124, %dma_start3A_142] : memref<1000000x64xf32, #tpu.memory_space<hbm>> -> memref<1x64xf32, #tpu.memory_space<hbm>>
    tpu.enqueue_dma source(%dma_start3A_143 : memref<1x64xf32, #tpu.memory_space<hbm>>) target(%dma_start3A_141 : memref<1x64xf32, #tpu.memory_space<vmem>>) target_semaphore(%arg14 : memref<!tpu.dma_semaphore, #tpu.memory_space<semaphore_mem>>)
    %slice3A_144 = vector.extract_strided_slice %get3A_60 {offsets = [2], sizes = [1], strides = [1]} : vector<16xi32> to vector<1xi32>
    %squeeze3A_145 = vector.extract %slice3A_144[0] : i32 from vector<1xi32>
    %dma_start3A_146 = arith.constant 0 : i32
    %dma_start3A_147 = arith.constant 0 : i32
    %dma_start3A_148 = arith.constant 0 : i32
    %dma_start3A_149 = tpu.memref_slice %arg10[%dma_start3A_146, %dma_start3A_147, %dma_start3A_148] : memref<2x16x64xf32, #tpu.memory_space<vmem>> -> memref<1x16x64xf32, #tpu.memory_space<vmem>>
    %dma_start3A_150 = tpu.memref_squeeze %dma_start3A_149 : memref<1x16x64xf32, #tpu.memory_space<vmem>> -> memref<16x64xf32, #tpu.memory_space<vmem>>
    %dma_start3A_151 = arith.constant 2 : i32
    %dma_start3A_152 = arith.constant 0 : i32
    %dma_start3A_153 = tpu.memref_slice %dma_start3A_150[%dma_start3A_151, %dma_start3A_152] : memref<16x64xf32, #tpu.memory_space<vmem>> -> memref<1x64xf32, #tpu.memory_space<vmem>>
    %dma_start3A_154 = arith.constant 0 : i32
    %dma_start3A_155 = tpu.memref_slice %arg4[%squeeze3A_145, %dma_start3A_154] : memref<1000000x64xf32, #tpu.memory_space<hbm>> -> memref<1x64xf32, #tpu.memory_space<hbm>>
    %dma_start3A_156 = arith.constant 0 : i32
    %dma_start3A_157 = arith.constant 0 : i32
    %dma_start3A_158 = tpu.memref_slice %arg10[%dma_start3A_146, %dma_start3A_156, %dma_start3A_157] : memref<2x16x64xf32, #tpu.memory_space<vmem>> -> memref<1x16x64xf32, #tpu.memory_space<vmem>>
    %dma_start3A_159 = tpu.memref_squeeze %dma_start3A_158 : memref<1x16x64xf32, #tpu.memory_space<vmem>> -> memref<16x64xf32, #tpu.memory_space<vmem>>
    %dma_start3A_160 = arith.constant 2 : i32
    %dma_start3A_161 = arith.constant 0 : i32
    %dma_start3A_162 = tpu.memref_slice %dma_start3A_159[%dma_start3A_160, %dma_start3A_161] : memref<16x64xf32, #tpu.memory_space<vmem>> -> memref<1x64xf32, #tpu.memory_space<vmem>>
    %dma_start3A_163 = arith.constant 0 : i32
    %dma_start3A_164 = tpu.memref_slice %arg4[%squeeze3A_145, %dma_start3A_163] : memref<1000000x64xf32, #tpu.memory_space<hbm>> -> memref<1x64xf32, #tpu.memory_space<hbm>>
    tpu.enqueue_dma source(%dma_start3A_164 : memref<1x64xf32, #tpu.memory_space<hbm>>) target(%dma_start3A_162 : memref<1x64xf32, #tpu.memory_space<vmem>>) target_semaphore(%arg14 : memref<!tpu.dma_semaphore, #tpu.memory_space<semaphore_mem>>)
    %slice3A_165 = vector.extract_strided_slice %get3A_62 {offsets = [2], sizes = [1], strides = [1]} : vector<16xi32> to vector<1xi32>
    %squeeze3A_166 = vector.extract %slice3A_165[0] : i32 from vector<1xi32>
    %dma_start3A_167 = arith.constant 0 : i32
    %dma_start3A_168 = arith.constant 0 : i32
    %dma_start3A_169 = arith.constant 0 : i32
    %dma_start3A_170 = tpu.memref_slice %arg11[%dma_start3A_167, %dma_start3A_168, %dma_start3A_169] : memref<2x16x64xf32, #tpu.memory_space<vmem>> -> memref<1x16x64xf32, #tpu.memory_space<vmem>>
    %dma_start3A_171 = tpu.memref_squeeze %dma_start3A_170 : memref<1x16x64xf32, #tpu.memory_space<vmem>> -> memref<16x64xf32, #tpu.memory_space<vmem>>
    %dma_start3A_172 = arith.constant 2 : i32
    %dma_start3A_173 = arith.constant 0 : i32
    %dma_start3A_174 = tpu.memref_slice %dma_start3A_171[%dma_start3A_172, %dma_start3A_173] : memref<16x64xf32, #tpu.memory_space<vmem>> -> memref<1x64xf32, #tpu.memory_space<vmem>>
    %dma_start3A_175 = arith.constant 0 : i32
    %dma_start3A_176 = tpu.memref_slice %arg5[%squeeze3A_166, %dma_start3A_175] : memref<1000000x64xf32, #tpu.memory_space<hbm>> -> memref<1x64xf32, #tpu.memory_space<hbm>>
    %dma_start3A_177 = arith.constant 0 : i32
    %dma_start3A_178 = arith.constant 0 : i32
    %dma_start3A_179 = tpu.memref_slice %arg11[%dma_start3A_167, %dma_start3A_177, %dma_start3A_178] : memref<2x16x64xf32, #tpu.memory_space<vmem>> -> memref<1x16x64xf32, #tpu.memory_space<vmem>>
    %dma_start3A_180 = tpu.memref_squeeze %dma_start3A_179 : memref<1x16x64xf32, #tpu.memory_space<vmem>> -> memref<16x64xf32, #tpu.memory_space<vmem>>
    %dma_start3A_181 = arith.constant 2 : i32
    %dma_start3A_182 = arith.constant 0 : i32
    %dma_start3A_183 = tpu.memref_slice %dma_start3A_180[%dma_start3A_181, %dma_start3A_182] : memref<16x64xf32, #tpu.memory_space<vmem>> -> memref<1x64xf32, #tpu.memory_space<vmem>>
    %dma_start3A_184 = arith.constant 0 : i32
    %dma_start3A_185 = tpu.memref_slice %arg5[%squeeze3A_166, %dma_start3A_184] : memref<1000000x64xf32, #tpu.memory_space<hbm>> -> memref<1x64xf32, #tpu.memory_space<hbm>>
    tpu.enqueue_dma source(%dma_start3A_185 : memref<1x64xf32, #tpu.memory_space<hbm>>) target(%dma_start3A_183 : memref<1x64xf32, #tpu.memory_space<vmem>>) target_semaphore(%arg14 : memref<!tpu.dma_semaphore, #tpu.memory_space<semaphore_mem>>)
    %slice3A_186 = vector.extract_strided_slice %get3A_60 {offsets = [3], sizes = [1], strides = [1]} : vector<16xi32> to vector<1xi32>
    %squeeze3A_187 = vector.extract %slice3A_186[0] : i32 from vector<1xi32>
    %dma_start3A_188 = arith.constant 0 : i32
    %dma_start3A_189 = arith.constant 0 : i32
    %dma_start3A_190 = arith.constant 0 : i32
    %dma_start3A_191 = tpu.memref_slice %arg10[%dma_start3A_188, %dma_start3A_189, %dma_start3A_190] : memref<2x16x64xf32, #tpu.memory_space<vmem>> -> memref<1x16x64xf32, #tpu.memory_space<vmem>>
    %dma_start3A_192 = tpu.memref_squeeze %dma_start3A_191 : memref<1x16x64xf32, #tpu.memory_space<vmem>> -> memref<16x64xf32, #tpu.memory_space<vmem>>
    %dma_start3A_193 = arith.constant 3 : i32
    %dma_start3A_194 = arith.constant 0 : i32
    %dma_start3A_195 = tpu.memref_slice %dma_start3A_192[%dma_start3A_193, %dma_start3A_194] : memref<16x64xf32, #tpu.memory_space<vmem>> -> memref<1x64xf32, #tpu.memory_space<vmem>>
    %dma_start3A_196 = arith.constant 0 : i32
    %dma_start3A_197 = tpu.memref_slice %arg4[%squeeze3A_187, %dma_start3A_196] : memref<1000000x64xf32, #tpu.memory_space<hbm>> -> memref<1x64xf32, #tpu.memory_space<hbm>>
    %dma_start3A_198 = arith.constant 0 : i32
    %dma_start3A_199 = arith.constant 0 : i32
    %dma_start3A_200 = tpu.memref_slice %arg10[%dma_start3A_188, %dma_start3A_198, %dma_start3A_199] : memref<2x16x64xf32, #tpu.memory_space<vmem>> -> memref<1x16x64xf32, #tpu.memory_space<vmem>>
    %dma_start3A_201 = tpu.memref_squeeze %dma_start3A_200 : memref<1x16x64xf32, #tpu.memory_space<vmem>> -> memref<16x64xf32, #tpu.memory_space<vmem>>
    %dma_start3A_202 = arith.constant 3 : i32
    %dma_start3A_203 = arith.constant 0 : i32
    %dma_start3A_204 = tpu.memref_slice %dma_start3A_201[%dma_start3A_202, %dma_start3A_203] : memref<16x64xf32, #tpu.memory_space<vmem>> -> memref<1x64xf32, #tpu.memory_space<vmem>>
    %dma_start3A_205 = arith.constant 0 : i32
    %dma_start3A_206 = tpu.memref_slice %arg4[%squeeze3A_187, %dma_start3A_205] : memref<1000000x64xf32, #tpu.memory_space<hbm>> -> memref<1x64xf32, #tpu.memory_space<hbm>>
    tpu.enqueue_dma source(%dma_start3A_206 : memref<1x64xf32, #tpu.memory_space<hbm>>) target(%dma_start3A_204 : memref<1x64xf32, #tpu.memory_space<vmem>>) target_semaphore(%arg14 : memref<!tpu.dma_semaphore, #tpu.memory_space<semaphore_mem>>)
    %slice3A_207 = vector.extract_strided_slice %get3A_62 {offsets = [3], sizes = [1], strides = [1]} : vector<16xi32> to vector<1xi32>
    %squeeze3A_208 = vector.extract %slice3A_207[0] : i32 from vector<1xi32>
    %dma_start3A_209 = arith.constant 0 : i32
    %dma_start3A_210 = arith.constant 0 : i32
    %dma_start3A_211 = arith.constant 0 : i32
    %dma_start3A_212 = tpu.memref_slice %arg11[%dma_start3A_209, %dma_start3A_210, %dma_start3A_211] : memref<2x16x64xf32, #tpu.memory_space<vmem>> -> memref<1x16x64xf32, #tpu.memory_space<vmem>>
    %dma_start3A_213 = tpu.memref_squeeze %dma_start3A_212 : memref<1x16x64xf32, #tpu.memory_space<vmem>> -> memref<16x64xf32, #tpu.memory_space<vmem>>
    %dma_start3A_214 = arith.constant 3 : i32
    %dma_start3A_215 = arith.constant 0 : i32
    %dma_start3A_216 = tpu.memref_slice %dma_start3A_213[%dma_start3A_214, %dma_start3A_215] : memref<16x64xf32, #tpu.memory_space<vmem>> -> memref<1x64xf32, #tpu.memory_space<vmem>>
    %dma_start3A_217 = arith.constant 0 : i32
    %dma_start3A_218 = tpu.memref_slice %arg5[%squeeze3A_208, %dma_start3A_217] : memref<1000000x64xf32, #tpu.memory_space<hbm>> -> memref<1x64xf32, #tpu.memory_space<hbm>>
    %dma_start3A_219 = arith.constant 0 : i32
    %dma_start3A_220 = arith.constant 0 : i32
    %dma_start3A_221 = tpu.memref_slice %arg11[%dma_start3A_209, %dma_start3A_219, %dma_start3A_220] : memref<2x16x64xf32, #tpu.memory_space<vmem>> -> memref<1x16x64xf32, #tpu.memory_space<vmem>>
    %dma_start3A_222 = tpu.memref_squeeze %dma_start3A_221 : memref<1x16x64xf32, #tpu.memory_space<vmem>> -> memref<16x64xf32, #tpu.memory_space<vmem>>
    %dma_start3A_223 = arith.constant 3 : i32
    %dma_start3A_224 = arith.constant 0 : i32
    %dma_start3A_225 = tpu.memref_slice %dma_start3A_222[%dma_start3A_223, %dma_start3A_224] : memref<16x64xf32, #tpu.memory_space<vmem>> -> memref<1x64xf32, #tpu.memory_space<vmem>>
    %dma_start3A_226 = arith.constant 0 : i32
    %dma_start3A_227 = tpu.memref_slice %arg5[%squeeze3A_208, %dma_start3A_226] : memref<1000000x64xf32, #tpu.memory_space<hbm>> -> memref<1x64xf32, #tpu.memory_space<hbm>>
    tpu.enqueue_dma source(%dma_start3A_227 : memref<1x64xf32, #tpu.memory_space<hbm>>) target(%dma_start3A_225 : memref<1x64xf32, #tpu.memory_space<vmem>>) target_semaphore(%arg14 : memref<!tpu.dma_semaphore, #tpu.memory_space<semaphore_mem>>)
    %slice3A_228 = vector.extract_strided_slice %get3A_60 {offsets = [4], sizes = [1], strides = [1]} : vector<16xi32> to vector<1xi32>
    %squeeze3A_229 = vector.extract %slice3A_228[0] : i32 from vector<1xi32>
    %dma_start3A_230 = arith.constant 0 : i32
    %dma_start3A_231 = arith.constant 0 : i32
    %dma_start3A_232 = arith.constant 0 : i32
    %dma_start3A_233 = tpu.memref_slice %arg10[%dma_start3A_230, %dma_start3A_231, %dma_start3A_232] : memref<2x16x64xf32, #tpu.memory_space<vmem>> -> memref<1x16x64xf32, #tpu.memory_space<vmem>>
    %dma_start3A_234 = tpu.memref_squeeze %dma_start3A_233 : memref<1x16x64xf32, #tpu.memory_space<vmem>> -> memref<16x64xf32, #tpu.memory_space<vmem>>
    %dma_start3A_235 = arith.constant 4 : i32
    %dma_start3A_236 = arith.constant 0 : i32
    %dma_start3A_237 = tpu.memref_slice %dma_start3A_234[%dma_start3A_235, %dma_start3A_236] : memref<16x64xf32, #tpu.memory_space<vmem>> -> memref<1x64xf32, #tpu.memory_space<vmem>>
    %dma_start3A_238 = arith.constant 0 : i32
    %dma_start3A_239 = tpu.memref_slice %arg4[%squeeze3A_229, %dma_start3A_238] : memref<1000000x64xf32, #tpu.memory_space<hbm>> -> memref<1x64xf32, #tpu.memory_space<hbm>>
    %dma_start3A_240 = arith.constant 0 : i32
    %dma_start3A_241 = arith.constant 0 : i32
    %dma_start3A_242 = tpu.memref_slice %arg10[%dma_start3A_230, %dma_start3A_240, %dma_start3A_241] : memref<2x16x64xf32, #tpu.memory_space<vmem>> -> memref<1x16x64xf32, #tpu.memory_space<vmem>>
    %dma_start3A_243 = tpu.memref_squeeze %dma_start3A_242 : memref<1x16x64xf32, #tpu.memory_space<vmem>> -> memref<16x64xf32, #tpu.memory_space<vmem>>
    %dma_start3A_244 = arith.constant 4 : i32
    %dma_start3A_245 = arith.constant 0 : i32
    %dma_start3A_246 = tpu.memref_slice %dma_start3A_243[%dma_start3A_244, %dma_start3A_245] : memref<16x64xf32, #tpu.memory_space<vmem>> -> memref<1x64xf32, #tpu.memory_space<vmem>>
    %dma_start3A_247 = arith.constant 0 : i32
    %dma_start3A_248 = tpu.memref_slice %arg4[%squeeze3A_229, %dma_start3A_247] : memref<1000000x64xf32, #tpu.memory_space<hbm>> -> memref<1x64xf32, #tpu.memory_space<hbm>>
    tpu.enqueue_dma source(%dma_start3A_248 : memref<1x64xf32, #tpu.memory_space<hbm>>) target(%dma_start3A_246 : memref<1x64xf32, #tpu.memory_space<vmem>>) target_semaphore(%arg14 : memref<!tpu.dma_semaphore, #tpu.memory_space<semaphore_mem>>)
    %slice3A_249 = vector.extract_strided_slice %get3A_62 {offsets = [4], sizes = [1], strides = [1]} : vector<16xi32> to vector<1xi32>
    %squeeze3A_250 = vector.extract %slice3A_249[0] : i32 from vector<1xi32>
    %dma_start3A_251 = arith.constant 0 : i32
    %dma_start3A_252 = arith.constant 0 : i32
    %dma_start3A_253 = arith.constant 0 : i32
    %dma_start3A_254 = tpu.memref_slice %arg11[%dma_start3A_251, %dma_start3A_252, %dma_start3A_253] : memref<2x16x64xf32, #tpu.memory_space<vmem>> -> memref<1x16x64xf32, #tpu.memory_space<vmem>>
    %dma_start3A_255 = tpu.memref_squeeze %dma_start3A_254 : memref<1x16x64xf32, #tpu.memory_space<vmem>> -> memref<16x64xf32, #tpu.memory_space<vmem>>
    %dma_start3A_256 = arith.constant 4 : i32
    %dma_start3A_257 = arith.constant 0 : i32
    %dma_start3A_258 = tpu.memref_slice %dma_start3A_255[%dma_start3A_256, %dma_start3A_257] : memref<16x64xf32, #tpu.memory_space<vmem>> -> memref<1x64xf32, #tpu.memory_space<vmem>>
    %dma_start3A_259 = arith.constant 0 : i32
    %dma_start3A_260 = tpu.memref_slice %arg5[%squeeze3A_250, %dma_start3A_259] : memref<1000000x64xf32, #tpu.memory_space<hbm>> -> memref<1x64xf32, #tpu.memory_space<hbm>>
    %dma_start3A_261 = arith.constant 0 : i32
    %dma_start3A_262 = arith.constant 0 : i32
    %dma_start3A_263 = tpu.memref_slice %arg11[%dma_start3A_251, %dma_start3A_261, %dma_start3A_262] : memref<2x16x64xf32, #tpu.memory_space<vmem>> -> memref<1x16x64xf32, #tpu.memory_space<vmem>>
    %dma_start3A_264 = tpu.memref_squeeze %dma_start3A_263 : memref<1x16x64xf32, #tpu.memory_space<vmem>> -> memref<16x64xf32, #tpu.memory_space<vmem>>
    %dma_start3A_265 = arith.constant 4 : i32
    %dma_start3A_266 = arith.constant 0 : i32
    %dma_start3A_267 = tpu.memref_slice %dma_start3A_264[%dma_start3A_265, %dma_start3A_266] : memref<16x64xf32, #tpu.memory_space<vmem>> -> memref<1x64xf32, #tpu.memory_space<vmem>>
    %dma_start3A_268 = arith.constant 0 : i32
    %dma_start3A_269 = tpu.memref_slice %arg5[%squeeze3A_250, %dma_start3A_268] : memref<1000000x64xf32, #tpu.memory_space<hbm>> -> memref<1x64xf32, #tpu.memory_space<hbm>>
    tpu.enqueue_dma source(%dma_start3A_269 : memref<1x64xf32, #tpu.memory_space<hbm>>) target(%dma_start3A_267 : memref<1x64xf32, #tpu.memory_space<vmem>>) target_semaphore(%arg14 : memref<!tpu.dma_semaphore, #tpu.memory_space<semaphore_mem>>)
    %slice3A_270 = vector.extract_strided_slice %get3A_60 {offsets = [5], sizes = [1], strides = [1]} : vector<16xi32> to vector<1xi32>
    %squeeze3A_271 = vector.extract %slice3A_270[0] : i32 from vector<1xi32>
    %dma_start3A_272 = arith.constant 0 : i32
    %dma_start3A_273 = arith.constant 0 : i32
    %dma_start3A_274 = arith.constant 0 : i32
    %dma_start3A_275 = tpu.memref_slice %arg10[%dma_start3A_272, %dma_start3A_273, %dma_start3A_274] : memref<2x16x64xf32, #tpu.memory_space<vmem>> -> memref<1x16x64xf32, #tpu.memory_space<vmem>>
    %dma_start3A_276 = tpu.memref_squeeze %dma_start3A_275 : memref<1x16x64xf32, #tpu.memory_space<vmem>> -> memref<16x64xf32, #tpu.memory_space<vmem>>
    %dma_start3A_277 = arith.constant 5 : i32
    %dma_start3A_278 = arith.constant 0 : i32
    %dma_start3A_279 = tpu.memref_slice %dma_start3A_276[%dma_start3A_277, %dma_start3A_278] : memref<16x64xf32, #tpu.memory_space<vmem>> -> memref<1x64xf32, #tpu.memory_space<vmem>>
    %dma_start3A_280 = arith.constant 0 : i32
    %dma_start3A_281 = tpu.memref_slice %arg4[%squeeze3A_271, %dma_start3A_280] : memref<1000000x64xf32, #tpu.memory_space<hbm>> -> memref<1x64xf32, #tpu.memory_space<hbm>>
    %dma_start3A_282 = arith.constant 0 : i32
    %dma_start3A_283 = arith.constant 0 : i32
    %dma_start3A_284 = tpu.memref_slice %arg10[%dma_start3A_272, %dma_start3A_282, %dma_start3A_283] : memref<2x16x64xf32, #tpu.memory_space<vmem>> -> memref<1x16x64xf32, #tpu.memory_space<vmem>>
    %dma_start3A_285 = tpu.memref_squeeze %dma_start3A_284 : memref<1x16x64xf32, #tpu.memory_space<vmem>> -> memref<16x64xf32, #tpu.memory_space<vmem>>
    %dma_start3A_286 = arith.constant 5 : i32
    %dma_start3A_287 = arith.constant 0 : i32
    %dma_start3A_288 = tpu.memref_slice %dma_start3A_285[%dma_start3A_286, %dma_start3A_287] : memref<16x64xf32, #tpu.memory_space<vmem>> -> memref<1x64xf32, #tpu.memory_space<vmem>>
    %dma_start3A_289 = arith.constant 0 : i32
    %dma_start3A_290 = tpu.memref_slice %arg4[%squeeze3A_271, %dma_start3A_289] : memref<1000000x64xf32, #tpu.memory_space<hbm>> -> memref<1x64xf32, #tpu.memory_space<hbm>>
    tpu.enqueue_dma source(%dma_start3A_290 : memref<1x64xf32, #tpu.memory_space<hbm>>) target(%dma_start3A_288 : memref<1x64xf32, #tpu.memory_space<vmem>>) target_semaphore(%arg14 : memref<!tpu.dma_semaphore, #tpu.memory_space<semaphore_mem>>)
    %slice3A_291 = vector.extract_strided_slice %get3A_62 {offsets = [5], sizes = [1], strides = [1]} : vector<16xi32> to vector<1xi32>
    %squeeze3A_292 = vector.extract %slice3A_291[0] : i32 from vector<1xi32>
    %dma_start3A_293 = arith.constant 0 : i32
    %dma_start3A_294 = arith.constant 0 : i32
    %dma_start3A_295 = arith.constant 0 : i32
    %dma_start3A_296 = tpu.memref_slice %arg11[%dma_start3A_293, %dma_start3A_294, %dma_start3A_295] : memref<2x16x64xf32, #tpu.memory_space<vmem>> -> memref<1x16x64xf32, #tpu.memory_space<vmem>>
    %dma_start3A_297 = tpu.memref_squeeze %dma_start3A_296 : memref<1x16x64xf32, #tpu.memory_space<vmem>> -> memref<16x64xf32, #tpu.memory_space<vmem>>
    %dma_start3A_298 = arith.constant 5 : i32
    %dma_start3A_299 = arith.constant 0 : i32
    %dma_start3A_300 = tpu.memref_slice %dma_start3A_297[%dma_start3A_298, %dma_start3A_299] : memref<16x64xf32, #tpu.memory_space<vmem>> -> memref<1x64xf32, #tpu.memory_space<vmem>>
    %dma_start3A_301 = arith.constant 0 : i32
    %dma_start3A_302 = tpu.memref_slice %arg5[%squeeze3A_292, %dma_start3A_301] : memref<1000000x64xf32, #tpu.memory_space<hbm>> -> memref<1x64xf32, #tpu.memory_space<hbm>>
    %dma_start3A_303 = arith.constant 0 : i32
    %dma_start3A_304 = arith.constant 0 : i32
    %dma_start3A_305 = tpu.memref_slice %arg11[%dma_start3A_293, %dma_start3A_303, %dma_start3A_304] : memref<2x16x64xf32, #tpu.memory_space<vmem>> -> memref<1x16x64xf32, #tpu.memory_space<vmem>>
    %dma_start3A_306 = tpu.memref_squeeze %dma_start3A_305 : memref<1x16x64xf32, #tpu.memory_space<vmem>> -> memref<16x64xf32, #tpu.memory_space<vmem>>
    %dma_start3A_307 = arith.constant 5 : i32
    %dma_start3A_308 = arith.constant 0 : i32
    %dma_start3A_309 = tpu.memref_slice %dma_start3A_306[%dma_start3A_307, %dma_start3A_308] : memref<16x64xf32, #tpu.memory_space<vmem>> -> memref<1x64xf32, #tpu.memory_space<vmem>>
    %dma_start3A_310 = arith.constant 0 : i32
    %dma_start3A_311 = tpu.memref_slice %arg5[%squeeze3A_292, %dma_start3A_310] : memref<1000000x64xf32, #tpu.memory_space<hbm>> -> memref<1x64xf32, #tpu.memory_space<hbm>>
    tpu.enqueue_dma source(%dma_start3A_311 : memref<1x64xf32, #tpu.memory_space<hbm>>) target(%dma_start3A_309 : memref<1x64xf32, #tpu.memory_space<vmem>>) target_semaphore(%arg14 : memref<!tpu.dma_semaphore, #tpu.memory_space<semaphore_mem>>)
    %slice3A_312 = vector.extract_strided_slice %get3A_60 {offsets = [6], sizes = [1], strides = [1]} : vector<16xi32> to vector<1xi32>
    %squeeze3A_313 = vector.extract %slice3A_312[0] : i32 from vector<1xi32>
    %dma_start3A_314 = arith.constant 0 : i32
    %dma_start3A_315 = arith.constant 0 : i32
    %dma_start3A_316 = arith.constant 0 : i32
    %dma_start3A_317 = tpu.memref_slice %arg10[%dma_start3A_314, %dma_start3A_315, %dma_start3A_316] : memref<2x16x64xf32, #tpu.memory_space<vmem>> -> memref<1x16x64xf32, #tpu.memory_space<vmem>>
    %dma_start3A_318 = tpu.memref_squeeze %dma_start3A_317 : memref<1x16x64xf32, #tpu.memory_space<vmem>> -> memref<16x64xf32, #tpu.memory_space<vmem>>
    %dma_start3A_319 = arith.constant 6 : i32
    %dma_start3A_320 = arith.constant 0 : i32
    %dma_start3A_321 = tpu.memref_slice %dma_start3A_318[%dma_start3A_319, %dma_start3A_320] : memref<16x64xf32, #tpu.memory_space<vmem>> -> memref<1x64xf32, #tpu.memory_space<vmem>>
    %dma_start3A_322 = arith.constant 0 : i32
    %dma_start3A_323 = tpu.memref_slice %arg4[%squeeze3A_313, %dma_start3A_322] : memref<1000000x64xf32, #tpu.memory_space<hbm>> -> memref<1x64xf32, #tpu.memory_space<hbm>>
    %dma_start3A_324 = arith.constant 0 : i32
    %dma_start3A_325 = arith.constant 0 : i32
    %dma_start3A_326 = tpu.memref_slice %arg10[%dma_start3A_314, %dma_start3A_324, %dma_start3A_325] : memref<2x16x64xf32, #tpu.memory_space<vmem>> -> memref<1x16x64xf32, #tpu.memory_space<vmem>>
    %dma_start3A_327 = tpu.memref_squeeze %dma_start3A_326 : memref<1x16x64xf32, #tpu.memory_space<vmem>> -> memref<16x64xf32, #tpu.memory_space<vmem>>
    %dma_start3A_328 = arith.constant 6 : i32
    %dma_start3A_329 = arith.constant 0 : i32
    %dma_start3A_330 = tpu.memref_slice %dma_start3A_327[%dma_start3A_328, %dma_start3A_329] : memref<16x64xf32, #tpu.memory_space<vmem>> -> memref<1x64xf32, #tpu.memory_space<vmem>>
    %dma_start3A_331 = arith.constant 0 : i32
    %dma_start3A_332 = tpu.memref_slice %arg4[%squeeze3A_313, %dma_start3A_331] : memref<1000000x64xf32, #tpu.memory_space<hbm>> -> memref<1x64xf32, #tpu.memory_space<hbm>>
    tpu.enqueue_dma source(%dma_start3A_332 : memref<1x64xf32, #tpu.memory_space<hbm>>) target(%dma_start3A_330 : memref<1x64xf32, #tpu.memory_space<vmem>>) target_semaphore(%arg14 : memref<!tpu.dma_semaphore, #tpu.memory_space<semaphore_mem>>)
    %slice3A_333 = vector.extract_strided_slice %get3A_62 {offsets = [6], sizes = [1], strides = [1]} : vector<16xi32> to vector<1xi32>
    %squeeze3A_334 = vector.extract %slice3A_333[0] : i32 from vector<1xi32>
    %dma_start3A_335 = arith.constant 0 : i32
    %dma_start3A_336 = arith.constant 0 : i32
    %dma_start3A_337 = arith.constant 0 : i32
    %dma_start3A_338 = tpu.memref_slice %arg11[%dma_start3A_335, %dma_start3A_336, %dma_start3A_337] : memref<2x16x64xf32, #tpu.memory_space<vmem>> -> memref<1x16x64xf32, #tpu.memory_space<vmem>>
    %dma_start3A_339 = tpu.memref_squeeze %dma_start3A_338 : memref<1x16x64xf32, #tpu.memory_space<vmem>> -> memref<16x64xf32, #tpu.memory_space<vmem>>
    %dma_start3A_340 = arith.constant 6 : i32
    %dma_start3A_341 = arith.constant 0 : i32
    %dma_start3A_342 = tpu.memref_slice %dma_start3A_339[%dma_start3A_340, %dma_start3A_341] : memref<16x64xf32, #tpu.memory_space<vmem>> -> memref<1x64xf32, #tpu.memory_space<vmem>>
    %dma_start3A_343 = arith.constant 0 : i32
    %dma_start3A_344 = tpu.memref_slice %arg5[%squeeze3A_334, %dma_start3A_343] : memref<1000000x64xf32, #tpu.memory_space<hbm>> -> memref<1x64xf32, #tpu.memory_space<hbm>>
    %dma_start3A_345 = arith.constant 0 : i32
    %dma_start3A_346 = arith.constant 0 : i32
    %dma_start3A_347 = tpu.memref_slice %arg11[%dma_start3A_335, %dma_start3A_345, %dma_start3A_346] : memref<2x16x64xf32, #tpu.memory_space<vmem>> -> memref<1x16x64xf32, #tpu.memory_space<vmem>>
    %dma_start3A_348 = tpu.memref_squeeze %dma_start3A_347 : memref<1x16x64xf32, #tpu.memory_space<vmem>> -> memref<16x64xf32, #tpu.memory_space<vmem>>
    %dma_start3A_349 = arith.constant 6 : i32
    %dma_start3A_350 = arith.constant 0 : i32
    %dma_start3A_351 = tpu.memref_slice %dma_start3A_348[%dma_start3A_349, %dma_start3A_350] : memref<16x64xf32, #tpu.memory_space<vmem>> -> memref<1x64xf32, #tpu.memory_space<vmem>>
    %dma_start3A_352 = arith.constant 0 : i32
    %dma_start3A_353 = tpu.memref_slice %arg5[%squeeze3A_334, %dma_start3A_352] : memref<1000000x64xf32, #tpu.memory_space<hbm>> -> memref<1x64xf32, #tpu.memory_space<hbm>>
    tpu.enqueue_dma source(%dma_start3A_353 : memref<1x64xf32, #tpu.memory_space<hbm>>) target(%dma_start3A_351 : memref<1x64xf32, #tpu.memory_space<vmem>>) target_semaphore(%arg14 : memref<!tpu.dma_semaphore, #tpu.memory_space<semaphore_mem>>)
    %slice3A_354 = vector.extract_strided_slice %get3A_60 {offsets = [7], sizes = [1], strides = [1]} : vector<16xi32> to vector<1xi32>
    %squeeze3A_355 = vector.extract %slice3A_354[0] : i32 from vector<1xi32>
    %dma_start3A_356 = arith.constant 0 : i32
    %dma_start3A_357 = arith.constant 0 : i32
    %dma_start3A_358 = arith.constant 0 : i32
    %dma_start3A_359 = tpu.memref_slice %arg10[%dma_start3A_356, %dma_start3A_357, %dma_start3A_358] : memref<2x16x64xf32, #tpu.memory_space<vmem>> -> memref<1x16x64xf32, #tpu.memory_space<vmem>>
    %dma_start3A_360 = tpu.memref_squeeze %dma_start3A_359 : memref<1x16x64xf32, #tpu.memory_space<vmem>> -> memref<16x64xf32, #tpu.memory_space<vmem>>
    %dma_start3A_361 = arith.constant 7 : i32
    %dma_start3A_362 = arith.constant 0 : i32
    %dma_start3A_363 = tpu.memref_slice %dma_start3A_360[%dma_start3A_361, %dma_start3A_362] : memref<16x64xf32, #tpu.memory_space<vmem>> -> memref<1x64xf32, #tpu.memory_space<vmem>>
    %dma_start3A_364 = arith.constant 0 : i32
    %dma_start3A_365 = tpu.memref_slice %arg4[%squeeze3A_355, %dma_start3A_364] : memref<1000000x64xf32, #tpu.memory_space<hbm>> -> memref<1x64xf32, #tpu.memory_space<hbm>>
    %dma_start3A_366 = arith.constant 0 : i32
    %dma_start3A_367 = arith.constant 0 : i32
    %dma_start3A_368 = tpu.memref_slice %arg10[%dma_start3A_356, %dma_start3A_366, %dma_start3A_367] : memref<2x16x64xf32, #tpu.memory_space<vmem>> -> memref<1x16x64xf32, #tpu.memory_space<vmem>>
    %dma_start3A_369 = tpu.memref_squeeze %dma_start3A_368 : memref<1x16x64xf32, #tpu.memory_space<vmem>> -> memref<16x64xf32, #tpu.memory_space<vmem>>
    %dma_start3A_370 = arith.constant 7 : i32
    %dma_start3A_371 = arith.constant 0 : i32
    %dma_start3A_372 = tpu.memref_slice %dma_start3A_369[%dma_start3A_370, %dma_start3A_371] : memref<16x64xf32, #tpu.memory_space<vmem>> -> memref<1x64xf32, #tpu.memory_space<vmem>>
    %dma_start3A_373 = arith.constant 0 : i32
    %dma_start3A_374 = tpu.memref_slice %arg4[%squeeze3A_355, %dma_start3A_373] : memref<1000000x64xf32, #tpu.memory_space<hbm>> -> memref<1x64xf32, #tpu.memory_space<hbm>>
    tpu.enqueue_dma source(%dma_start3A_374 : memref<1x64xf32, #tpu.memory_space<hbm>>) target(%dma_start3A_372 : memref<1x64xf32, #tpu.memory_space<vmem>>) target_semaphore(%arg14 : memref<!tpu.dma_semaphore, #tpu.memory_space<semaphore_mem>>)
    %slice3A_375 = vector.extract_strided_slice %get3A_62 {offsets = [7], sizes = [1], strides = [1]} : vector<16xi32> to vector<1xi32>
    %squeeze3A_376 = vector.extract %slice3A_375[0] : i32 from vector<1xi32>
    %dma_start3A_377 = arith.constant 0 : i32
    %dma_start3A_378 = arith.constant 0 : i32
    %dma_start3A_379 = arith.constant 0 : i32
    %dma_start3A_380 = tpu.memref_slice %arg11[%dma_start3A_377, %dma_start3A_378, %dma_start3A_379] : memref<2x16x64xf32, #tpu.memory_space<vmem>> -> memref<1x16x64xf32, #tpu.memory_space<vmem>>
    %dma_start3A_381 = tpu.memref_squeeze %dma_start3A_380 : memref<1x16x64xf32, #tpu.memory_space<vmem>> -> memref<16x64xf32, #tpu.memory_space<vmem>>
    %dma_start3A_382 = arith.constant 7 : i32
    %dma_start3A_383 = arith.constant 0 : i32
    %dma_start3A_384 = tpu.memref_slice %dma_start3A_381[%dma_start3A_382, %dma_start3A_383] : memref<16x64xf32, #tpu.memory_space<vmem>> -> memref<1x64xf32, #tpu.memory_space<vmem>>
    %dma_start3A_385 = arith.constant 0 : i32
    %dma_start3A_386 = tpu.memref_slice %arg5[%squeeze3A_376, %dma_start3A_385] : memref<1000000x64xf32, #tpu.memory_space<hbm>> -> memref<1x64xf32, #tpu.memory_space<hbm>>
    %dma_start3A_387 = arith.constant 0 : i32
    %dma_start3A_388 = arith.constant 0 : i32
    %dma_start3A_389 = tpu.memref_slice %arg11[%dma_start3A_377, %dma_start3A_387, %dma_start3A_388] : memref<2x16x64xf32, #tpu.memory_space<vmem>> -> memref<1x16x64xf32, #tpu.memory_space<vmem>>
    %dma_start3A_390 = tpu.memref_squeeze %dma_start3A_389 : memref<1x16x64xf32, #tpu.memory_space<vmem>> -> memref<16x64xf32, #tpu.memory_space<vmem>>
    %dma_start3A_391 = arith.constant 7 : i32
    %dma_start3A_392 = arith.constant 0 : i32
    %dma_start3A_393 = tpu.memref_slice %dma_start3A_390[%dma_start3A_391, %dma_start3A_392] : memref<16x64xf32, #tpu.memory_space<vmem>> -> memref<1x64xf32, #tpu.memory_space<vmem>>
    %dma_start3A_394 = arith.constant 0 : i32
    %dma_start3A_395 = tpu.memref_slice %arg5[%squeeze3A_376, %dma_start3A_394] : memref<1000000x64xf32, #tpu.memory_space<hbm>> -> memref<1x64xf32, #tpu.memory_space<hbm>>
    tpu.enqueue_dma source(%dma_start3A_395 : memref<1x64xf32, #tpu.memory_space<hbm>>) target(%dma_start3A_393 : memref<1x64xf32, #tpu.memory_space<vmem>>) target_semaphore(%arg14 : memref<!tpu.dma_semaphore, #tpu.memory_space<semaphore_mem>>)
    %slice3A_396 = vector.extract_strided_slice %get3A_60 {offsets = [8], sizes = [1], strides = [1]} : vector<16xi32> to vector<1xi32>
    %squeeze3A_397 = vector.extract %slice3A_396[0] : i32 from vector<1xi32>
    %dma_start3A_398 = arith.constant 0 : i32
    %dma_start3A_399 = arith.constant 0 : i32
    %dma_start3A_400 = arith.constant 0 : i32
    %dma_start3A_401 = tpu.memref_slice %arg10[%dma_start3A_398, %dma_start3A_399, %dma_start3A_400] : memref<2x16x64xf32, #tpu.memory_space<vmem>> -> memref<1x16x64xf32, #tpu.memory_space<vmem>>
    %dma_start3A_402 = tpu.memref_squeeze %dma_start3A_401 : memref<1x16x64xf32, #tpu.memory_space<vmem>> -> memref<16x64xf32, #tpu.memory_space<vmem>>
    %dma_start3A_403 = arith.constant 8 : i32
    %dma_start3A_404 = arith.constant 0 : i32
    %dma_start3A_405 = tpu.memref_slice %dma_start3A_402[%dma_start3A_403, %dma_start3A_404] : memref<16x64xf32, #tpu.memory_space<vmem>> -> memref<1x64xf32, #tpu.memory_space<vmem>>
    %dma_start3A_406 = arith.constant 0 : i32
    %dma_start3A_407 = tpu.memref_slice %arg4[%squeeze3A_397, %dma_start3A_406] : memref<1000000x64xf32, #tpu.memory_space<hbm>> -> memref<1x64xf32, #tpu.memory_space<hbm>>
    %dma_start3A_408 = arith.constant 0 : i32
    %dma_start3A_409 = arith.constant 0 : i32
    %dma_start3A_410 = tpu.memref_slice %arg10[%dma_start3A_398, %dma_start3A_408, %dma_start3A_409] : memref<2x16x64xf32, #tpu.memory_space<vmem>> -> memref<1x16x64xf32, #tpu.memory_space<vmem>>
    %dma_start3A_411 = tpu.memref_squeeze %dma_start3A_410 : memref<1x16x64xf32, #tpu.memory_space<vmem>> -> memref<16x64xf32, #tpu.memory_space<vmem>>
    %dma_start3A_412 = arith.constant 8 : i32
    %dma_start3A_413 = arith.constant 0 : i32
    %dma_start3A_414 = tpu.memref_slice %dma_start3A_411[%dma_start3A_412, %dma_start3A_413] : memref<16x64xf32, #tpu.memory_space<vmem>> -> memref<1x64xf32, #tpu.memory_space<vmem>>
    %dma_start3A_415 = arith.constant 0 : i32
    %dma_start3A_416 = tpu.memref_slice %arg4[%squeeze3A_397, %dma_start3A_415] : memref<1000000x64xf32, #tpu.memory_space<hbm>> -> memref<1x64xf32, #tpu.memory_space<hbm>>
    tpu.enqueue_dma source(%dma_start3A_416 : memref<1x64xf32, #tpu.memory_space<hbm>>) target(%dma_start3A_414 : memref<1x64xf32, #tpu.memory_space<vmem>>) target_semaphore(%arg14 : memref<!tpu.dma_semaphore, #tpu.memory_space<semaphore_mem>>)
    %slice3A_417 = vector.extract_strided_slice %get3A_62 {offsets = [8], sizes = [1], strides = [1]} : vector<16xi32> to vector<1xi32>
    %squeeze3A_418 = vector.extract %slice3A_417[0] : i32 from vector<1xi32>
    %dma_start3A_419 = arith.constant 0 : i32
    %dma_start3A_420 = arith.constant 0 : i32
    %dma_start3A_421 = arith.constant 0 : i32
    %dma_start3A_422 = tpu.memref_slice %arg11[%dma_start3A_419, %dma_start3A_420, %dma_start3A_421] : memref<2x16x64xf32, #tpu.memory_space<vmem>> -> memref<1x16x64xf32, #tpu.memory_space<vmem>>
    %dma_start3A_423 = tpu.memref_squeeze %dma_start3A_422 : memref<1x16x64xf32, #tpu.memory_space<vmem>> -> memref<16x64xf32, #tpu.memory_space<vmem>>
    %dma_start3A_424 = arith.constant 8 : i32
    %dma_start3A_425 = arith.constant 0 : i32
    %dma_start3A_426 = tpu.memref_slice %dma_start3A_423[%dma_start3A_424, %dma_start3A_425] : memref<16x64xf32, #tpu.memory_space<vmem>> -> memref<1x64xf32, #tpu.memory_space<vmem>>
    %dma_start3A_427 = arith.constant 0 : i32
    %dma_start3A_428 = tpu.memref_slice %arg5[%squeeze3A_418, %dma_start3A_427] : memref<1000000x64xf32, #tpu.memory_space<hbm>> -> memref<1x64xf32, #tpu.memory_space<hbm>>
    %dma_start3A_429 = arith.constant 0 : i32
    %dma_start3A_430 = arith.constant 0 : i32
    %dma_start3A_431 = tpu.memref_slice %arg11[%dma_start3A_419, %dma_start3A_429, %dma_start3A_430] : memref<2x16x64xf32, #tpu.memory_space<vmem>> -> memref<1x16x64xf32, #tpu.memory_space<vmem>>
    %dma_start3A_432 = tpu.memref_squeeze %dma_start3A_431 : memref<1x16x64xf32, #tpu.memory_space<vmem>> -> memref<16x64xf32, #tpu.memory_space<vmem>>
    %dma_start3A_433 = arith.constant 8 : i32
    %dma_start3A_434 = arith.constant 0 : i32
    %dma_start3A_435 = tpu.memref_slice %dma_start3A_432[%dma_start3A_433, %dma_start3A_434] : memref<16x64xf32, #tpu.memory_space<vmem>> -> memref<1x64xf32, #tpu.memory_space<vmem>>
    %dma_start3A_436 = arith.constant 0 : i32
    %dma_start3A_437 = tpu.memref_slice %arg5[%squeeze3A_418, %dma_start3A_436] : memref<1000000x64xf32, #tpu.memory_space<hbm>> -> memref<1x64xf32, #tpu.memory_space<hbm>>
    tpu.enqueue_dma source(%dma_start3A_437 : memref<1x64xf32, #tpu.memory_space<hbm>>) target(%dma_start3A_435 : memref<1x64xf32, #tpu.memory_space<vmem>>) target_semaphore(%arg14 : memref<!tpu.dma_semaphore, #tpu.memory_space<semaphore_mem>>)
    %slice3A_438 = vector.extract_strided_slice %get3A_60 {offsets = [9], sizes = [1], strides = [1]} : vector<16xi32> to vector<1xi32>
    %squeeze3A_439 = vector.extract %slice3A_438[0] : i32 from vector<1xi32>
    %dma_start3A_440 = arith.constant 0 : i32
    %dma_start3A_441 = arith.constant 0 : i32
    %dma_start3A_442 = arith.constant 0 : i32
    %dma_start3A_443 = tpu.memref_slice %arg10[%dma_start3A_440, %dma_start3A_441, %dma_start3A_442] : memref<2x16x64xf32, #tpu.memory_space<vmem>> -> memref<1x16x64xf32, #tpu.memory_space<vmem>>
    %dma_start3A_444 = tpu.memref_squeeze %dma_start3A_443 : memref<1x16x64xf32, #tpu.memory_space<vmem>> -> memref<16x64xf32, #tpu.memory_space<vmem>>
    %dma_start3A_445 = arith.constant 9 : i32
    %dma_start3A_446 = arith.constant 0 : i32
    %dma_start3A_447 = tpu.memref_slice %dma_start3A_444[%dma_start3A_445, %dma_start3A_446] : memref<16x64xf32, #tpu.memory_space<vmem>> -> memref<1x64xf32, #tpu.memory_space<vmem>>
    %dma_start3A_448 = arith.constant 0 : i32
    %dma_start3A_449 = tpu.memref_slice %arg4[%squeeze3A_439, %dma_start3A_448] : memref<1000000x64xf32, #tpu.memory_space<hbm>> -> memref<1x64xf32, #tpu.memory_space<hbm>>
    %dma_start3A_450 = arith.constant 0 : i32
    %dma_start3A_451 = arith.constant 0 : i32
    %dma_start3A_452 = tpu.memref_slice %arg10[%dma_start3A_440, %dma_start3A_450, %dma_start3A_451] : memref<2x16x64xf32, #tpu.memory_space<vmem>> -> memref<1x16x64xf32, #tpu.memory_space<vmem>>
    %dma_start3A_453 = tpu.memref_squeeze %dma_start3A_452 : memref<1x16x64xf32, #tpu.memory_space<vmem>> -> memref<16x64xf32, #tpu.memory_space<vmem>>
    %dma_start3A_454 = arith.constant 9 : i32
    %dma_start3A_455 = arith.constant 0 : i32
    %dma_start3A_456 = tpu.memref_slice %dma_start3A_453[%dma_start3A_454, %dma_start3A_455] : memref<16x64xf32, #tpu.memory_space<vmem>> -> memref<1x64xf32, #tpu.memory_space<vmem>>
    %dma_start3A_457 = arith.constant 0 : i32
    %dma_start3A_458 = tpu.memref_slice %arg4[%squeeze3A_439, %dma_start3A_457] : memref<1000000x64xf32, #tpu.memory_space<hbm>> -> memref<1x64xf32, #tpu.memory_space<hbm>>
    tpu.enqueue_dma source(%dma_start3A_458 : memref<1x64xf32, #tpu.memory_space<hbm>>) target(%dma_start3A_456 : memref<1x64xf32, #tpu.memory_space<vmem>>) target_semaphore(%arg14 : memref<!tpu.dma_semaphore, #tpu.memory_space<semaphore_mem>>)
    %slice3A_459 = vector.extract_strided_slice %get3A_62 {offsets = [9], sizes = [1], strides = [1]} : vector<16xi32> to vector<1xi32>
    %squeeze3A_460 = vector.extract %slice3A_459[0] : i32 from vector<1xi32>
    %dma_start3A_461 = arith.constant 0 : i32
    %dma_start3A_462 = arith.constant 0 : i32
    %dma_start3A_463 = arith.constant 0 : i32
    %dma_start3A_464 = tpu.memref_slice %arg11[%dma_start3A_461, %dma_start3A_462, %dma_start3A_463] : memref<2x16x64xf32, #tpu.memory_space<vmem>> -> memref<1x16x64xf32, #tpu.memory_space<vmem>>
    %dma_start3A_465 = tpu.memref_squeeze %dma_start3A_464 : memref<1x16x64xf32, #tpu.memory_space<vmem>> -> memref<16x64xf32, #tpu.memory_space<vmem>>
    %dma_start3A_466 = arith.constant 9 : i32
    %dma_start3A_467 = arith.constant 0 : i32
    %dma_start3A_468 = tpu.memref_slice %dma_start3A_465[%dma_start3A_466, %dma_start3A_467] : memref<16x64xf32, #tpu.memory_space<vmem>> -> memref<1x64xf32, #tpu.memory_space<vmem>>
    %dma_start3A_469 = arith.constant 0 : i32
    %dma_start3A_470 = tpu.memref_slice %arg5[%squeeze3A_460, %dma_start3A_469] : memref<1000000x64xf32, #tpu.memory_space<hbm>> -> memref<1x64xf32, #tpu.memory_space<hbm>>
    %dma_start3A_471 = arith.constant 0 : i32
    %dma_start3A_472 = arith.constant 0 : i32
    %dma_start3A_473 = tpu.memref_slice %arg11[%dma_start3A_461, %dma_start3A_471, %dma_start3A_472] : memref<2x16x64xf32, #tpu.memory_space<vmem>> -> memref<1x16x64xf32, #tpu.memory_space<vmem>>
    %dma_start3A_474 = tpu.memref_squeeze %dma_start3A_473 : memref<1x16x64xf32, #tpu.memory_space<vmem>> -> memref<16x64xf32, #tpu.memory_space<vmem>>
    %dma_start3A_475 = arith.constant 9 : i32
    %dma_start3A_476 = arith.constant 0 : i32
    %dma_start3A_477 = tpu.memref_slice %dma_start3A_474[%dma_start3A_475, %dma_start3A_476] : memref<16x64xf32, #tpu.memory_space<vmem>> -> memref<1x64xf32, #tpu.memory_space<vmem>>
    %dma_start3A_478 = arith.constant 0 : i32
    %dma_start3A_479 = tpu.memref_slice %arg5[%squeeze3A_460, %dma_start3A_478] : memref<1000000x64xf32, #tpu.memory_space<hbm>> -> memref<1x64xf32, #tpu.memory_space<hbm>>
    tpu.enqueue_dma source(%dma_start3A_479 : memref<1x64xf32, #tpu.memory_space<hbm>>) target(%dma_start3A_477 : memref<1x64xf32, #tpu.memory_space<vmem>>) target_semaphore(%arg14 : memref<!tpu.dma_semaphore, #tpu.memory_space<semaphore_mem>>)
    %slice3A_480 = vector.extract_strided_slice %get3A_60 {offsets = [10], sizes = [1], strides = [1]} : vector<16xi32> to vector<1xi32>
    %squeeze3A_481 = vector.extract %slice3A_480[0] : i32 from vector<1xi32>
    %dma_start3A_482 = arith.constant 0 : i32
    %dma_start3A_483 = arith.constant 0 : i32
    %dma_start3A_484 = arith.constant 0 : i32
    %dma_start3A_485 = tpu.memref_slice %arg10[%dma_start3A_482, %dma_start3A_483, %dma_start3A_484] : memref<2x16x64xf32, #tpu.memory_space<vmem>> -> memref<1x16x64xf32, #tpu.memory_space<vmem>>
    %dma_start3A_486 = tpu.memref_squeeze %dma_start3A_485 : memref<1x16x64xf32, #tpu.memory_space<vmem>> -> memref<16x64xf32, #tpu.memory_space<vmem>>
    %dma_start3A_487 = arith.constant 10 : i32
    %dma_start3A_488 = arith.constant 0 : i32
    %dma_start3A_489 = tpu.memref_slice %dma_start3A_486[%dma_start3A_487, %dma_start3A_488] : memref<16x64xf32, #tpu.memory_space<vmem>> -> memref<1x64xf32, #tpu.memory_space<vmem>>
    %dma_start3A_490 = arith.constant 0 : i32
    %dma_start3A_491 = tpu.memref_slice %arg4[%squeeze3A_481, %dma_start3A_490] : memref<1000000x64xf32, #tpu.memory_space<hbm>> -> memref<1x64xf32, #tpu.memory_space<hbm>>
    %dma_start3A_492 = arith.constant 0 : i32
    %dma_start3A_493 = arith.constant 0 : i32
    %dma_start3A_494 = tpu.memref_slice %arg10[%dma_start3A_482, %dma_start3A_492, %dma_start3A_493] : memref<2x16x64xf32, #tpu.memory_space<vmem>> -> memref<1x16x64xf32, #tpu.memory_space<vmem>>
    %dma_start3A_495 = tpu.memref_squeeze %dma_start3A_494 : memref<1x16x64xf32, #tpu.memory_space<vmem>> -> memref<16x64xf32, #tpu.memory_space<vmem>>
    %dma_start3A_496 = arith.constant 10 : i32
    %dma_start3A_497 = arith.constant 0 : i32
    %dma_start3A_498 = tpu.memref_slice %dma_start3A_495[%dma_start3A_496, %dma_start3A_497] : memref<16x64xf32, #tpu.memory_space<vmem>> -> memref<1x64xf32, #tpu.memory_space<vmem>>
    %dma_start3A_499 = arith.constant 0 : i32
    %dma_start3A_500 = tpu.memref_slice %arg4[%squeeze3A_481, %dma_start3A_499] : memref<1000000x64xf32, #tpu.memory_space<hbm>> -> memref<1x64xf32, #tpu.memory_space<hbm>>
    tpu.enqueue_dma source(%dma_start3A_500 : memref<1x64xf32, #tpu.memory_space<hbm>>) target(%dma_start3A_498 : memref<1x64xf32, #tpu.memory_space<vmem>>) target_semaphore(%arg14 : memref<!tpu.dma_semaphore, #tpu.memory_space<semaphore_mem>>)
    %slice3A_501 = vector.extract_strided_slice %get3A_62 {offsets = [10], sizes = [1], strides = [1]} : vector<16xi32> to vector<1xi32>
    %squeeze3A_502 = vector.extract %slice3A_501[0] : i32 from vector<1xi32>
    %dma_start3A_503 = arith.constant 0 : i32
    %dma_start3A_504 = arith.constant 0 : i32
    %dma_start3A_505 = arith.constant 0 : i32
    %dma_start3A_506 = tpu.memref_slice %arg11[%dma_start3A_503, %dma_start3A_504, %dma_start3A_505] : memref<2x16x64xf32, #tpu.memory_space<vmem>> -> memref<1x16x64xf32, #tpu.memory_space<vmem>>
    %dma_start3A_507 = tpu.memref_squeeze %dma_start3A_506 : memref<1x16x64xf32, #tpu.memory_space<vmem>> -> memref<16x64xf32, #tpu.memory_space<vmem>>
    %dma_start3A_508 = arith.constant 10 : i32
    %dma_start3A_509 = arith.constant 0 : i32
    %dma_start3A_510 = tpu.memref_slice %dma_start3A_507[%dma_start3A_508, %dma_start3A_509] : memref<16x64xf32, #tpu.memory_space<vmem>> -> memref<1x64xf32, #tpu.memory_space<vmem>>
    %dma_start3A_511 = arith.constant 0 : i32
    %dma_start3A_512 = tpu.memref_slice %arg5[%squeeze3A_502, %dma_start3A_511] : memref<1000000x64xf32, #tpu.memory_space<hbm>> -> memref<1x64xf32, #tpu.memory_space<hbm>>
    %dma_start3A_513 = arith.constant 0 : i32
    %dma_start3A_514 = arith.constant 0 : i32
    %dma_start3A_515 = tpu.memref_slice %arg11[%dma_start3A_503, %dma_start3A_513, %dma_start3A_514] : memref<2x16x64xf32, #tpu.memory_space<vmem>> -> memref<1x16x64xf32, #tpu.memory_space<vmem>>
    %dma_start3A_516 = tpu.memref_squeeze %dma_start3A_515 : memref<1x16x64xf32, #tpu.memory_space<vmem>> -> memref<16x64xf32, #tpu.memory_space<vmem>>
    %dma_start3A_517 = arith.constant 10 : i32
    %dma_start3A_518 = arith.constant 0 : i32
    %dma_start3A_519 = tpu.memref_slice %dma_start3A_516[%dma_start3A_517, %dma_start3A_518] : memref<16x64xf32, #tpu.memory_space<vmem>> -> memref<1x64xf32, #tpu.memory_space<vmem>>
    %dma_start3A_520 = arith.constant 0 : i32
    %dma_start3A_521 = tpu.memref_slice %arg5[%squeeze3A_502, %dma_start3A_520] : memref<1000000x64xf32, #tpu.memory_space<hbm>> -> memref<1x64xf32, #tpu.memory_space<hbm>>
    tpu.enqueue_dma source(%dma_start3A_521 : memref<1x64xf32, #tpu.memory_space<hbm>>) target(%dma_start3A_519 : memref<1x64xf32, #tpu.memory_space<vmem>>) target_semaphore(%arg14 : memref<!tpu.dma_semaphore, #tpu.memory_space<semaphore_mem>>)
    %slice3A_522 = vector.extract_strided_slice %get3A_60 {offsets = [11], sizes = [1], strides = [1]} : vector<16xi32> to vector<1xi32>
    %squeeze3A_523 = vector.extract %slice3A_522[0] : i32 from vector<1xi32>
    %dma_start3A_524 = arith.constant 0 : i32
    %dma_start3A_525 = arith.constant 0 : i32
    %dma_start3A_526 = arith.constant 0 : i32
    %dma_start3A_527 = tpu.memref_slice %arg10[%dma_start3A_524, %dma_start3A_525, %dma_start3A_526] : memref<2x16x64xf32, #tpu.memory_space<vmem>> -> memref<1x16x64xf32, #tpu.memory_space<vmem>>
    %dma_start3A_528 = tpu.memref_squeeze %dma_start3A_527 : memref<1x16x64xf32, #tpu.memory_space<vmem>> -> memref<16x64xf32, #tpu.memory_space<vmem>>
    %dma_start3A_529 = arith.constant 11 : i32
    %dma_start3A_530 = arith.constant 0 : i32
    %dma_start3A_531 = tpu.memref_slice %dma_start3A_528[%dma_start3A_529, %dma_start3A_530] : memref<16x64xf32, #tpu.memory_space<vmem>> -> memref<1x64xf32, #tpu.memory_space<vmem>>
    %dma_start3A_532 = arith.constant 0 : i32
    %dma_start3A_533 = tpu.memref_slice %arg4[%squeeze3A_523, %dma_start3A_532] : memref<1000000x64xf32, #tpu.memory_space<hbm>> -> memref<1x64xf32, #tpu.memory_space<hbm>>
    %dma_start3A_534 = arith.constant 0 : i32
    %dma_start3A_535 = arith.constant 0 : i32
    %dma_start3A_536 = tpu.memref_slice %arg10[%dma_start3A_524, %dma_start3A_534, %dma_start3A_535] : memref<2x16x64xf32, #tpu.memory_space<vmem>> -> memref<1x16x64xf32, #tpu.memory_space<vmem>>
    %dma_start3A_537 = tpu.memref_squeeze %dma_start3A_536 : memref<1x16x64xf32, #tpu.memory_space<vmem>> -> memref<16x64xf32, #tpu.memory_space<vmem>>
    %dma_start3A_538 = arith.constant 11 : i32
    %dma_start3A_539 = arith.constant 0 : i32
    %dma_start3A_540 = tpu.memref_slice %dma_start3A_537[%dma_start3A_538, %dma_start3A_539] : memref<16x64xf32, #tpu.memory_space<vmem>> -> memref<1x64xf32, #tpu.memory_space<vmem>>
    %dma_start3A_541 = arith.constant 0 : i32
    %dma_start3A_542 = tpu.memref_slice %arg4[%squeeze3A_523, %dma_start3A_541] : memref<1000000x64xf32, #tpu.memory_space<hbm>> -> memref<1x64xf32, #tpu.memory_space<hbm>>
    tpu.enqueue_dma source(%dma_start3A_542 : memref<1x64xf32, #tpu.memory_space<hbm>>) target(%dma_start3A_540 : memref<1x64xf32, #tpu.memory_space<vmem>>) target_semaphore(%arg14 : memref<!tpu.dma_semaphore, #tpu.memory_space<semaphore_mem>>)
    %slice3A_543 = vector.extract_strided_slice %get3A_62 {offsets = [11], sizes = [1], strides = [1]} : vector<16xi32> to vector<1xi32>
    %squeeze3A_544 = vector.extract %slice3A_543[0] : i32 from vector<1xi32>
    %dma_start3A_545 = arith.constant 0 : i32
    %dma_start3A_546 = arith.constant 0 : i32
    %dma_start3A_547 = arith.constant 0 : i32
    %dma_start3A_548 = tpu.memref_slice %arg11[%dma_start3A_545, %dma_start3A_546, %dma_start3A_547] : memref<2x16x64xf32, #tpu.memory_space<vmem>> -> memref<1x16x64xf32, #tpu.memory_space<vmem>>
    %dma_start3A_549 = tpu.memref_squeeze %dma_start3A_548 : memref<1x16x64xf32, #tpu.memory_space<vmem>> -> memref<16x64xf32, #tpu.memory_space<vmem>>
    %dma_start3A_550 = arith.constant 11 : i32
    %dma_start3A_551 = arith.constant 0 : i32
    %dma_start3A_552 = tpu.memref_slice %dma_start3A_549[%dma_start3A_550, %dma_start3A_551] : memref<16x64xf32, #tpu.memory_space<vmem>> -> memref<1x64xf32, #tpu.memory_space<vmem>>
    %dma_start3A_553 = arith.constant 0 : i32
    %dma_start3A_554 = tpu.memref_slice %arg5[%squeeze3A_544, %dma_start3A_553] : memref<1000000x64xf32, #tpu.memory_space<hbm>> -> memref<1x64xf32, #tpu.memory_space<hbm>>
    %dma_start3A_555 = arith.constant 0 : i32
    %dma_start3A_556 = arith.constant 0 : i32
    %dma_start3A_557 = tpu.memref_slice %arg11[%dma_start3A_545, %dma_start3A_555, %dma_start3A_556] : memref<2x16x64xf32, #tpu.memory_space<vmem>> -> memref<1x16x64xf32, #tpu.memory_space<vmem>>
    %dma_start3A_558 = tpu.memref_squeeze %dma_start3A_557 : memref<1x16x64xf32, #tpu.memory_space<vmem>> -> memref<16x64xf32, #tpu.memory_space<vmem>>
    %dma_start3A_559 = arith.constant 11 : i32
    %dma_start3A_560 = arith.constant 0 : i32
    %dma_start3A_561 = tpu.memref_slice %dma_start3A_558[%dma_start3A_559, %dma_start3A_560] : memref<16x64xf32, #tpu.memory_space<vmem>> -> memref<1x64xf32, #tpu.memory_space<vmem>>
    %dma_start3A_562 = arith.constant 0 : i32
    %dma_start3A_563 = tpu.memref_slice %arg5[%squeeze3A_544, %dma_start3A_562] : memref<1000000x64xf32, #tpu.memory_space<hbm>> -> memref<1x64xf32, #tpu.memory_space<hbm>>
    tpu.enqueue_dma source(%dma_start3A_563 : memref<1x64xf32, #tpu.memory_space<hbm>>) target(%dma_start3A_561 : memref<1x64xf32, #tpu.memory_space<vmem>>) target_semaphore(%arg14 : memref<!tpu.dma_semaphore, #tpu.memory_space<semaphore_mem>>)
    %slice3A_564 = vector.extract_strided_slice %get3A_60 {offsets = [12], sizes = [1], strides = [1]} : vector<16xi32> to vector<1xi32>
    %squeeze3A_565 = vector.extract %slice3A_564[0] : i32 from vector<1xi32>
    %dma_start3A_566 = arith.constant 0 : i32
    %dma_start3A_567 = arith.constant 0 : i32
    %dma_start3A_568 = arith.constant 0 : i32
    %dma_start3A_569 = tpu.memref_slice %arg10[%dma_start3A_566, %dma_start3A_567, %dma_start3A_568] : memref<2x16x64xf32, #tpu.memory_space<vmem>> -> memref<1x16x64xf32, #tpu.memory_space<vmem>>
    %dma_start3A_570 = tpu.memref_squeeze %dma_start3A_569 : memref<1x16x64xf32, #tpu.memory_space<vmem>> -> memref<16x64xf32, #tpu.memory_space<vmem>>
    %dma_start3A_571 = arith.constant 12 : i32
    %dma_start3A_572 = arith.constant 0 : i32
    %dma_start3A_573 = tpu.memref_slice %dma_start3A_570[%dma_start3A_571, %dma_start3A_572] : memref<16x64xf32, #tpu.memory_space<vmem>> -> memref<1x64xf32, #tpu.memory_space<vmem>>
    %dma_start3A_574 = arith.constant 0 : i32
    %dma_start3A_575 = tpu.memref_slice %arg4[%squeeze3A_565, %dma_start3A_574] : memref<1000000x64xf32, #tpu.memory_space<hbm>> -> memref<1x64xf32, #tpu.memory_space<hbm>>
    %dma_start3A_576 = arith.constant 0 : i32
    %dma_start3A_577 = arith.constant 0 : i32
    %dma_start3A_578 = tpu.memref_slice %arg10[%dma_start3A_566, %dma_start3A_576, %dma_start3A_577] : memref<2x16x64xf32, #tpu.memory_space<vmem>> -> memref<1x16x64xf32, #tpu.memory_space<vmem>>
    %dma_start3A_579 = tpu.memref_squeeze %dma_start3A_578 : memref<1x16x64xf32, #tpu.memory_space<vmem>> -> memref<16x64xf32, #tpu.memory_space<vmem>>
    %dma_start3A_580 = arith.constant 12 : i32
    %dma_start3A_581 = arith.constant 0 : i32
    %dma_start3A_582 = tpu.memref_slice %dma_start3A_579[%dma_start3A_580, %dma_start3A_581] : memref<16x64xf32, #tpu.memory_space<vmem>> -> memref<1x64xf32, #tpu.memory_space<vmem>>
    %dma_start3A_583 = arith.constant 0 : i32
    %dma_start3A_584 = tpu.memref_slice %arg4[%squeeze3A_565, %dma_start3A_583] : memref<1000000x64xf32, #tpu.memory_space<hbm>> -> memref<1x64xf32, #tpu.memory_space<hbm>>
    tpu.enqueue_dma source(%dma_start3A_584 : memref<1x64xf32, #tpu.memory_space<hbm>>) target(%dma_start3A_582 : memref<1x64xf32, #tpu.memory_space<vmem>>) target_semaphore(%arg14 : memref<!tpu.dma_semaphore, #tpu.memory_space<semaphore_mem>>)
    %slice3A_585 = vector.extract_strided_slice %get3A_62 {offsets = [12], sizes = [1], strides = [1]} : vector<16xi32> to vector<1xi32>
    %squeeze3A_586 = vector.extract %slice3A_585[0] : i32 from vector<1xi32>
    %dma_start3A_587 = arith.constant 0 : i32
    %dma_start3A_588 = arith.constant 0 : i32
    %dma_start3A_589 = arith.constant 0 : i32
    %dma_start3A_590 = tpu.memref_slice %arg11[%dma_start3A_587, %dma_start3A_588, %dma_start3A_589] : memref<2x16x64xf32, #tpu.memory_space<vmem>> -> memref<1x16x64xf32, #tpu.memory_space<vmem>>
    %dma_start3A_591 = tpu.memref_squeeze %dma_start3A_590 : memref<1x16x64xf32, #tpu.memory_space<vmem>> -> memref<16x64xf32, #tpu.memory_space<vmem>>
    %dma_start3A_592 = arith.constant 12 : i32
    %dma_start3A_593 = arith.constant 0 : i32
    %dma_start3A_594 = tpu.memref_slice %dma_start3A_591[%dma_start3A_592, %dma_start3A_593] : memref<16x64xf32, #tpu.memory_space<vmem>> -> memref<1x64xf32, #tpu.memory_space<vmem>>
    %dma_start3A_595 = arith.constant 0 : i32
    %dma_start3A_596 = tpu.memref_slice %arg5[%squeeze3A_586, %dma_start3A_595] : memref<1000000x64xf32, #tpu.memory_space<hbm>> -> memref<1x64xf32, #tpu.memory_space<hbm>>
    %dma_start3A_597 = arith.constant 0 : i32
    %dma_start3A_598 = arith.constant 0 : i32
    %dma_start3A_599 = tpu.memref_slice %arg11[%dma_start3A_587, %dma_start3A_597, %dma_start3A_598] : memref<2x16x64xf32, #tpu.memory_space<vmem>> -> memref<1x16x64xf32, #tpu.memory_space<vmem>>
    %dma_start3A_600 = tpu.memref_squeeze %dma_start3A_599 : memref<1x16x64xf32, #tpu.memory_space<vmem>> -> memref<16x64xf32, #tpu.memory_space<vmem>>
    %dma_start3A_601 = arith.constant 12 : i32
    %dma_start3A_602 = arith.constant 0 : i32
    %dma_start3A_603 = tpu.memref_slice %dma_start3A_600[%dma_start3A_601, %dma_start3A_602] : memref<16x64xf32, #tpu.memory_space<vmem>> -> memref<1x64xf32, #tpu.memory_space<vmem>>
    %dma_start3A_604 = arith.constant 0 : i32
    %dma_start3A_605 = tpu.memref_slice %arg5[%squeeze3A_586, %dma_start3A_604] : memref<1000000x64xf32, #tpu.memory_space<hbm>> -> memref<1x64xf32, #tpu.memory_space<hbm>>
    tpu.enqueue_dma source(%dma_start3A_605 : memref<1x64xf32, #tpu.memory_space<hbm>>) target(%dma_start3A_603 : memref<1x64xf32, #tpu.memory_space<vmem>>) target_semaphore(%arg14 : memref<!tpu.dma_semaphore, #tpu.memory_space<semaphore_mem>>)
    %slice3A_606 = vector.extract_strided_slice %get3A_60 {offsets = [13], sizes = [1], strides = [1]} : vector<16xi32> to vector<1xi32>
    %squeeze3A_607 = vector.extract %slice3A_606[0] : i32 from vector<1xi32>
    %dma_start3A_608 = arith.constant 0 : i32
    %dma_start3A_609 = arith.constant 0 : i32
    %dma_start3A_610 = arith.constant 0 : i32
    %dma_start3A_611 = tpu.memref_slice %arg10[%dma_start3A_608, %dma_start3A_609, %dma_start3A_610] : memref<2x16x64xf32, #tpu.memory_space<vmem>> -> memref<1x16x64xf32, #tpu.memory_space<vmem>>
    %dma_start3A_612 = tpu.memref_squeeze %dma_start3A_611 : memref<1x16x64xf32, #tpu.memory_space<vmem>> -> memref<16x64xf32, #tpu.memory_space<vmem>>
    %dma_start3A_613 = arith.constant 13 : i32
    %dma_start3A_614 = arith.constant 0 : i32
    %dma_start3A_615 = tpu.memref_slice %dma_start3A_612[%dma_start3A_613, %dma_start3A_614] : memref<16x64xf32, #tpu.memory_space<vmem>> -> memref<1x64xf32, #tpu.memory_space<vmem>>
    %dma_start3A_616 = arith.constant 0 : i32
    %dma_start3A_617 = tpu.memref_slice %arg4[%squeeze3A_607, %dma_start3A_616] : memref<1000000x64xf32, #tpu.memory_space<hbm>> -> memref<1x64xf32, #tpu.memory_space<hbm>>
    %dma_start3A_618 = arith.constant 0 : i32
    %dma_start3A_619 = arith.constant 0 : i32
    %dma_start3A_620 = tpu.memref_slice %arg10[%dma_start3A_608, %dma_start3A_618, %dma_start3A_619] : memref<2x16x64xf32, #tpu.memory_space<vmem>> -> memref<1x16x64xf32, #tpu.memory_space<vmem>>
    %dma_start3A_621 = tpu.memref_squeeze %dma_start3A_620 : memref<1x16x64xf32, #tpu.memory_space<vmem>> -> memref<16x64xf32, #tpu.memory_space<vmem>>
    %dma_start3A_622 = arith.constant 13 : i32
    %dma_start3A_623 = arith.constant 0 : i32
    %dma_start3A_624 = tpu.memref_slice %dma_start3A_621[%dma_start3A_622, %dma_start3A_623] : memref<16x64xf32, #tpu.memory_space<vmem>> -> memref<1x64xf32, #tpu.memory_space<vmem>>
    %dma_start3A_625 = arith.constant 0 : i32
    %dma_start3A_626 = tpu.memref_slice %arg4[%squeeze3A_607, %dma_start3A_625] : memref<1000000x64xf32, #tpu.memory_space<hbm>> -> memref<1x64xf32, #tpu.memory_space<hbm>>
    tpu.enqueue_dma source(%dma_start3A_626 : memref<1x64xf32, #tpu.memory_space<hbm>>) target(%dma_start3A_624 : memref<1x64xf32, #tpu.memory_space<vmem>>) target_semaphore(%arg14 : memref<!tpu.dma_semaphore, #tpu.memory_space<semaphore_mem>>)
    %slice3A_627 = vector.extract_strided_slice %get3A_62 {offsets = [13], sizes = [1], strides = [1]} : vector<16xi32> to vector<1xi32>
    %squeeze3A_628 = vector.extract %slice3A_627[0] : i32 from vector<1xi32>
    %dma_start3A_629 = arith.constant 0 : i32
    %dma_start3A_630 = arith.constant 0 : i32
    %dma_start3A_631 = arith.constant 0 : i32
    %dma_start3A_632 = tpu.memref_slice %arg11[%dma_start3A_629, %dma_start3A_630, %dma_start3A_631] : memref<2x16x64xf32, #tpu.memory_space<vmem>> -> memref<1x16x64xf32, #tpu.memory_space<vmem>>
    %dma_start3A_633 = tpu.memref_squeeze %dma_start3A_632 : memref<1x16x64xf32, #tpu.memory_space<vmem>> -> memref<16x64xf32, #tpu.memory_space<vmem>>
    %dma_start3A_634 = arith.constant 13 : i32
    %dma_start3A_635 = arith.constant 0 : i32
    %dma_start3A_636 = tpu.memref_slice %dma_start3A_633[%dma_start3A_634, %dma_start3A_635] : memref<16x64xf32, #tpu.memory_space<vmem>> -> memref<1x64xf32, #tpu.memory_space<vmem>>
    %dma_start3A_637 = arith.constant 0 : i32
    %dma_start3A_638 = tpu.memref_slice %arg5[%squeeze3A_628, %dma_start3A_637] : memref<1000000x64xf32, #tpu.memory_space<hbm>> -> memref<1x64xf32, #tpu.memory_space<hbm>>
    %dma_start3A_639 = arith.constant 0 : i32
    %dma_start3A_640 = arith.constant 0 : i32
    %dma_start3A_641 = tpu.memref_slice %arg11[%dma_start3A_629, %dma_start3A_639, %dma_start3A_640] : memref<2x16x64xf32, #tpu.memory_space<vmem>> -> memref<1x16x64xf32, #tpu.memory_space<vmem>>
    %dma_start3A_642 = tpu.memref_squeeze %dma_start3A_641 : memref<1x16x64xf32, #tpu.memory_space<vmem>> -> memref<16x64xf32, #tpu.memory_space<vmem>>
    %dma_start3A_643 = arith.constant 13 : i32
    %dma_start3A_644 = arith.constant 0 : i32
    %dma_start3A_645 = tpu.memref_slice %dma_start3A_642[%dma_start3A_643, %dma_start3A_644] : memref<16x64xf32, #tpu.memory_space<vmem>> -> memref<1x64xf32, #tpu.memory_space<vmem>>
    %dma_start3A_646 = arith.constant 0 : i32
    %dma_start3A_647 = tpu.memref_slice %arg5[%squeeze3A_628, %dma_start3A_646] : memref<1000000x64xf32, #tpu.memory_space<hbm>> -> memref<1x64xf32, #tpu.memory_space<hbm>>
    tpu.enqueue_dma source(%dma_start3A_647 : memref<1x64xf32, #tpu.memory_space<hbm>>) target(%dma_start3A_645 : memref<1x64xf32, #tpu.memory_space<vmem>>) target_semaphore(%arg14 : memref<!tpu.dma_semaphore, #tpu.memory_space<semaphore_mem>>)
    %slice3A_648 = vector.extract_strided_slice %get3A_60 {offsets = [14], sizes = [1], strides = [1]} : vector<16xi32> to vector<1xi32>
    %squeeze3A_649 = vector.extract %slice3A_648[0] : i32 from vector<1xi32>
    %dma_start3A_650 = arith.constant 0 : i32
    %dma_start3A_651 = arith.constant 0 : i32
    %dma_start3A_652 = arith.constant 0 : i32
    %dma_start3A_653 = tpu.memref_slice %arg10[%dma_start3A_650, %dma_start3A_651, %dma_start3A_652] : memref<2x16x64xf32, #tpu.memory_space<vmem>> -> memref<1x16x64xf32, #tpu.memory_space<vmem>>
    %dma_start3A_654 = tpu.memref_squeeze %dma_start3A_653 : memref<1x16x64xf32, #tpu.memory_space<vmem>> -> memref<16x64xf32, #tpu.memory_space<vmem>>
    %dma_start3A_655 = arith.constant 14 : i32
    %dma_start3A_656 = arith.constant 0 : i32
    %dma_start3A_657 = tpu.memref_slice %dma_start3A_654[%dma_start3A_655, %dma_start3A_656] : memref<16x64xf32, #tpu.memory_space<vmem>> -> memref<1x64xf32, #tpu.memory_space<vmem>>
    %dma_start3A_658 = arith.constant 0 : i32
    %dma_start3A_659 = tpu.memref_slice %arg4[%squeeze3A_649, %dma_start3A_658] : memref<1000000x64xf32, #tpu.memory_space<hbm>> -> memref<1x64xf32, #tpu.memory_space<hbm>>
    %dma_start3A_660 = arith.constant 0 : i32
    %dma_start3A_661 = arith.constant 0 : i32
    %dma_start3A_662 = tpu.memref_slice %arg10[%dma_start3A_650, %dma_start3A_660, %dma_start3A_661] : memref<2x16x64xf32, #tpu.memory_space<vmem>> -> memref<1x16x64xf32, #tpu.memory_space<vmem>>
    %dma_start3A_663 = tpu.memref_squeeze %dma_start3A_662 : memref<1x16x64xf32, #tpu.memory_space<vmem>> -> memref<16x64xf32, #tpu.memory_space<vmem>>
    %dma_start3A_664 = arith.constant 14 : i32
    %dma_start3A_665 = arith.constant 0 : i32
    %dma_start3A_666 = tpu.memref_slice %dma_start3A_663[%dma_start3A_664, %dma_start3A_665] : memref<16x64xf32, #tpu.memory_space<vmem>> -> memref<1x64xf32, #tpu.memory_space<vmem>>
    %dma_start3A_667 = arith.constant 0 : i32
    %dma_start3A_668 = tpu.memref_slice %arg4[%squeeze3A_649, %dma_start3A_667] : memref<1000000x64xf32, #tpu.memory_space<hbm>> -> memref<1x64xf32, #tpu.memory_space<hbm>>
    tpu.enqueue_dma source(%dma_start3A_668 : memref<1x64xf32, #tpu.memory_space<hbm>>) target(%dma_start3A_666 : memref<1x64xf32, #tpu.memory_space<vmem>>) target_semaphore(%arg14 : memref<!tpu.dma_semaphore, #tpu.memory_space<semaphore_mem>>)
    %slice3A_669 = vector.extract_strided_slice %get3A_62 {offsets = [14], sizes = [1], strides = [1]} : vector<16xi32> to vector<1xi32>
    %squeeze3A_670 = vector.extract %slice3A_669[0] : i32 from vector<1xi32>
    %dma_start3A_671 = arith.constant 0 : i32
    %dma_start3A_672 = arith.constant 0 : i32
    %dma_start3A_673 = arith.constant 0 : i32
    %dma_start3A_674 = tpu.memref_slice %arg11[%dma_start3A_671, %dma_start3A_672, %dma_start3A_673] : memref<2x16x64xf32, #tpu.memory_space<vmem>> -> memref<1x16x64xf32, #tpu.memory_space<vmem>>
    %dma_start3A_675 = tpu.memref_squeeze %dma_start3A_674 : memref<1x16x64xf32, #tpu.memory_space<vmem>> -> memref<16x64xf32, #tpu.memory_space<vmem>>
    %dma_start3A_676 = arith.constant 14 : i32
    %dma_start3A_677 = arith.constant 0 : i32
    %dma_start3A_678 = tpu.memref_slice %dma_start3A_675[%dma_start3A_676, %dma_start3A_677] : memref<16x64xf32, #tpu.memory_space<vmem>> -> memref<1x64xf32, #tpu.memory_space<vmem>>
    %dma_start3A_679 = arith.constant 0 : i32
    %dma_start3A_680 = tpu.memref_slice %arg5[%squeeze3A_670, %dma_start3A_679] : memref<1000000x64xf32, #tpu.memory_space<hbm>> -> memref<1x64xf32, #tpu.memory_space<hbm>>
    %dma_start3A_681 = arith.constant 0 : i32
    %dma_start3A_682 = arith.constant 0 : i32
    %dma_start3A_683 = tpu.memref_slice %arg11[%dma_start3A_671, %dma_start3A_681, %dma_start3A_682] : memref<2x16x64xf32, #tpu.memory_space<vmem>> -> memref<1x16x64xf32, #tpu.memory_space<vmem>>
    %dma_start3A_684 = tpu.memref_squeeze %dma_start3A_683 : memref<1x16x64xf32, #tpu.memory_space<vmem>> -> memref<16x64xf32, #tpu.memory_space<vmem>>
    %dma_start3A_685 = arith.constant 14 : i32
    %dma_start3A_686 = arith.constant 0 : i32
    %dma_start3A_687 = tpu.memref_slice %dma_start3A_684[%dma_start3A_685, %dma_start3A_686] : memref<16x64xf32, #tpu.memory_space<vmem>> -> memref<1x64xf32, #tpu.memory_space<vmem>>
    %dma_start3A_688 = arith.constant 0 : i32
    %dma_start3A_689 = tpu.memref_slice %arg5[%squeeze3A_670, %dma_start3A_688] : memref<1000000x64xf32, #tpu.memory_space<hbm>> -> memref<1x64xf32, #tpu.memory_space<hbm>>
    tpu.enqueue_dma source(%dma_start3A_689 : memref<1x64xf32, #tpu.memory_space<hbm>>) target(%dma_start3A_687 : memref<1x64xf32, #tpu.memory_space<vmem>>) target_semaphore(%arg14 : memref<!tpu.dma_semaphore, #tpu.memory_space<semaphore_mem>>)
    %slice3A_690 = vector.extract_strided_slice %get3A_60 {offsets = [15], sizes = [1], strides = [1]} : vector<16xi32> to vector<1xi32>
    %squeeze3A_691 = vector.extract %slice3A_690[0] : i32 from vector<1xi32>
    %dma_start3A_692 = arith.constant 0 : i32
    %dma_start3A_693 = arith.constant 0 : i32
    %dma_start3A_694 = arith.constant 0 : i32
    %dma_start3A_695 = tpu.memref_slice %arg10[%dma_start3A_692, %dma_start3A_693, %dma_start3A_694] : memref<2x16x64xf32, #tpu.memory_space<vmem>> -> memref<1x16x64xf32, #tpu.memory_space<vmem>>
    %dma_start3A_696 = tpu.memref_squeeze %dma_start3A_695 : memref<1x16x64xf32, #tpu.memory_space<vmem>> -> memref<16x64xf32, #tpu.memory_space<vmem>>
    %dma_start3A_697 = arith.constant 15 : i32
    %dma_start3A_698 = arith.constant 0 : i32
    %dma_start3A_699 = tpu.memref_slice %dma_start3A_696[%dma_start3A_697, %dma_start3A_698] : memref<16x64xf32, #tpu.memory_space<vmem>> -> memref<1x64xf32, #tpu.memory_space<vmem>>
    %dma_start3A_700 = arith.constant 0 : i32
    %dma_start3A_701 = tpu.memref_slice %arg4[%squeeze3A_691, %dma_start3A_700] : memref<1000000x64xf32, #tpu.memory_space<hbm>> -> memref<1x64xf32, #tpu.memory_space<hbm>>
    %dma_start3A_702 = arith.constant 0 : i32
    %dma_start3A_703 = arith.constant 0 : i32
    %dma_start3A_704 = tpu.memref_slice %arg10[%dma_start3A_692, %dma_start3A_702, %dma_start3A_703] : memref<2x16x64xf32, #tpu.memory_space<vmem>> -> memref<1x16x64xf32, #tpu.memory_space<vmem>>
    %dma_start3A_705 = tpu.memref_squeeze %dma_start3A_704 : memref<1x16x64xf32, #tpu.memory_space<vmem>> -> memref<16x64xf32, #tpu.memory_space<vmem>>
    %dma_start3A_706 = arith.constant 15 : i32
    %dma_start3A_707 = arith.constant 0 : i32
    %dma_start3A_708 = tpu.memref_slice %dma_start3A_705[%dma_start3A_706, %dma_start3A_707] : memref<16x64xf32, #tpu.memory_space<vmem>> -> memref<1x64xf32, #tpu.memory_space<vmem>>
    %dma_start3A_709 = arith.constant 0 : i32
    %dma_start3A_710 = tpu.memref_slice %arg4[%squeeze3A_691, %dma_start3A_709] : memref<1000000x64xf32, #tpu.memory_space<hbm>> -> memref<1x64xf32, #tpu.memory_space<hbm>>
    tpu.enqueue_dma source(%dma_start3A_710 : memref<1x64xf32, #tpu.memory_space<hbm>>) target(%dma_start3A_708 : memref<1x64xf32, #tpu.memory_space<vmem>>) target_semaphore(%arg14 : memref<!tpu.dma_semaphore, #tpu.memory_space<semaphore_mem>>)
    %slice3A_711 = vector.extract_strided_slice %get3A_62 {offsets = [15], sizes = [1], strides = [1]} : vector<16xi32> to vector<1xi32>
    %squeeze3A_712 = vector.extract %slice3A_711[0] : i32 from vector<1xi32>
    %dma_start3A_713 = arith.constant 0 : i32
    %dma_start3A_714 = arith.constant 0 : i32
    %dma_start3A_715 = arith.constant 0 : i32
    %dma_start3A_716 = tpu.memref_slice %arg11[%dma_start3A_713, %dma_start3A_714, %dma_start3A_715] : memref<2x16x64xf32, #tpu.memory_space<vmem>> -> memref<1x16x64xf32, #tpu.memory_space<vmem>>
    %dma_start3A_717 = tpu.memref_squeeze %dma_start3A_716 : memref<1x16x64xf32, #tpu.memory_space<vmem>> -> memref<16x64xf32, #tpu.memory_space<vmem>>
    %dma_start3A_718 = arith.constant 15 : i32
    %dma_start3A_719 = arith.constant 0 : i32
    %dma_start3A_720 = tpu.memref_slice %dma_start3A_717[%dma_start3A_718, %dma_start3A_719] : memref<16x64xf32, #tpu.memory_space<vmem>> -> memref<1x64xf32, #tpu.memory_space<vmem>>
    %dma_start3A_721 = arith.constant 0 : i32
    %dma_start3A_722 = tpu.memref_slice %arg5[%squeeze3A_712, %dma_start3A_721] : memref<1000000x64xf32, #tpu.memory_space<hbm>> -> memref<1x64xf32, #tpu.memory_space<hbm>>
    %dma_start3A_723 = arith.constant 0 : i32
    %dma_start3A_724 = arith.constant 0 : i32
    %dma_start3A_725 = tpu.memref_slice %arg11[%dma_start3A_713, %dma_start3A_723, %dma_start3A_724] : memref<2x16x64xf32, #tpu.memory_space<vmem>> -> memref<1x16x64xf32, #tpu.memory_space<vmem>>
    %dma_start3A_726 = tpu.memref_squeeze %dma_start3A_725 : memref<1x16x64xf32, #tpu.memory_space<vmem>> -> memref<16x64xf32, #tpu.memory_space<vmem>>
    %dma_start3A_727 = arith.constant 15 : i32
    %dma_start3A_728 = arith.constant 0 : i32
    %dma_start3A_729 = tpu.memref_slice %dma_start3A_726[%dma_start3A_727, %dma_start3A_728] : memref<16x64xf32, #tpu.memory_space<vmem>> -> memref<1x64xf32, #tpu.memory_space<vmem>>
    %dma_start3A_730 = arith.constant 0 : i32
    %dma_start3A_731 = tpu.memref_slice %arg5[%squeeze3A_712, %dma_start3A_730] : memref<1000000x64xf32, #tpu.memory_space<hbm>> -> memref<1x64xf32, #tpu.memory_space<hbm>>
    tpu.enqueue_dma source(%dma_start3A_731 : memref<1x64xf32, #tpu.memory_space<hbm>>) target(%dma_start3A_729 : memref<1x64xf32, #tpu.memory_space<vmem>>) target_semaphore(%arg14 : memref<!tpu.dma_semaphore, #tpu.memory_space<semaphore_mem>>)
    %scan3A = arith.constant 0 : i32
    %scan3A_732 = arith.constant 32 : i32
    %scan3A_733 = arith.addi %scan3A, %scan3A_732 : i32
    %scan3A_734 = arith.constant 1 : i32
    scf.for %scan3A_736 = %scan3A to %scan3A_733 step %scan3A_734  : i32 {
      %rem3A = arith.constant 2 : i32
      %rem3A_737 = arith.remsi %scan3A_736, %rem3A : i32
      %eq3A_738 = arith.constant 0 : i32
      %eq3A_739 = arith.cmpi eq, %rem3A_737, %eq3A_738 : i32
      %convert_element_type3A = arith.extui %eq3A_739 : i1 to i32
      %cond3A = arith.constant 0 : i32
      %cond3A_740 = arith.cmpi ne, %convert_element_type3A, %cond3A : i32
      scf.if %cond3A_740 {
        %add3A_746 = arith.constant 1 : i32
        %add3A_747 = arith.addi %scan3A_736, %add3A_746 : i32
        %lt3A = arith.constant 32 : i32
        %lt3A_748 = arith.cmpi slt, %add3A_747, %lt3A : i32
        %convert_element_type3A_749 = arith.extui %lt3A_748 : i1 to i32
        %cond3A_750 = arith.constant 0 : i32
        %cond3A_751 = arith.cmpi ne, %convert_element_type3A_749, %cond3A_750 : i32
        scf.if %cond3A_751 {
          %add3A_1824 = arith.constant 1 : i32
          %add3A_1825 = arith.addi %scan3A_736, %add3A_1824 : i32
          %mul3A_1826 = arith.constant 16 : i32
          %mul3A_1827 = arith.muli %add3A_1825, %mul3A_1826 : i32
          %get3A_1828 = arith.index_cast %mul3A_1827 : i32 to index
          %get3A_1829 = tpu.vector_load %arg8[%get3A_1828] {strides = array<i32>} : memref<512xi32, #tpu.memory_space<vmem>>, vector<16xi32>,
          %get3A_1830 = arith.index_cast %mul3A_1827 : i32 to index
          %get3A_1831 = tpu.vector_load %arg9[%get3A_1830] {strides = array<i32>} : memref<512xi32, #tpu.memory_space<vmem>>, vector<16xi32>,
          %slice3A_1832 = vector.extract_strided_slice %get3A_1829 {offsets = [0], sizes = [1], strides = [1]} : vector<16xi32> to vector<1xi32>
          %squeeze3A_1833 = vector.extract %slice3A_1832[0] : i32 from vector<1xi32>
          %dma_start3A_1834 = arith.constant 1 : i32
          %dma_start3A_1835 = arith.constant 0 : i32
          %dma_start3A_1836 = arith.constant 0 : i32
          %dma_start3A_1837 = tpu.memref_slice %arg10[%dma_start3A_1834, %dma_start3A_1835, %dma_start3A_1836] : memref<2x16x64xf32, #tpu.memory_space<vmem>> -> memref<1x16x64xf32, #tpu.memory_space<vmem>>
          %dma_start3A_1838 = tpu.memref_squeeze %dma_start3A_1837 : memref<1x16x64xf32, #tpu.memory_space<vmem>> -> memref<16x64xf32, #tpu.memory_space<vmem>>
          %dma_start3A_1839 = arith.constant 0 : i32
          %dma_start3A_1840 = arith.constant 0 : i32
          %dma_start3A_1841 = tpu.memref_slice %dma_start3A_1838[%dma_start3A_1839, %dma_start3A_1840] : memref<16x64xf32, #tpu.memory_space<vmem>> -> memref<1x64xf32, #tpu.memory_space<vmem>>
          %dma_start3A_1842 = arith.constant 0 : i32
          %dma_start3A_1843 = tpu.memref_slice %arg4[%squeeze3A_1833, %dma_start3A_1842] : memref<1000000x64xf32, #tpu.memory_space<hbm>> -> memref<1x64xf32, #tpu.memory_space<hbm>>
          %dma_start3A_1844 = arith.constant 0 : i32
          %dma_start3A_1845 = arith.constant 0 : i32
          %dma_start3A_1846 = tpu.memref_slice %arg10[%dma_start3A_1834, %dma_start3A_1844, %dma_start3A_1845] : memref<2x16x64xf32, #tpu.memory_space<vmem>> -> memref<1x16x64xf32, #tpu.memory_space<vmem>>
          %dma_start3A_1847 = tpu.memref_squeeze %dma_start3A_1846 : memref<1x16x64xf32, #tpu.memory_space<vmem>> -> memref<16x64xf32, #tpu.memory_space<vmem>>
          %dma_start3A_1848 = arith.constant 0 : i32
          %dma_start3A_1849 = arith.constant 0 : i32
          %dma_start3A_1850 = tpu.memref_slice %dma_start3A_1847[%dma_start3A_1848, %dma_start3A_1849] : memref<16x64xf32, #tpu.memory_space<vmem>> -> memref<1x64xf32, #tpu.memory_space<vmem>>
          %dma_start3A_1851 = arith.constant 0 : i32
          %dma_start3A_1852 = tpu.memref_slice %arg4[%squeeze3A_1833, %dma_start3A_1851] : memref<1000000x64xf32, #tpu.memory_space<hbm>> -> memref<1x64xf32, #tpu.memory_space<hbm>>
          tpu.enqueue_dma source(%dma_start3A_1852 : memref<1x64xf32, #tpu.memory_space<hbm>>) target(%dma_start3A_1850 : memref<1x64xf32, #tpu.memory_space<vmem>>) target_semaphore(%arg15 : memref<!tpu.dma_semaphore, #tpu.memory_space<semaphore_mem>>)
          %slice3A_1853 = vector.extract_strided_slice %get3A_1831 {offsets = [0], sizes = [1], strides = [1]} : vector<16xi32> to vector<1xi32>
          %squeeze3A_1854 = vector.extract %slice3A_1853[0] : i32 from vector<1xi32>
          %dma_start3A_1855 = arith.constant 1 : i32
          %dma_start3A_1856 = arith.constant 0 : i32
          %dma_start3A_1857 = arith.constant 0 : i32
          %dma_start3A_1858 = tpu.memref_slice %arg11[%dma_start3A_1855, %dma_start3A_1856, %dma_start3A_1857] : memref<2x16x64xf32, #tpu.memory_space<vmem>> -> memref<1x16x64xf32, #tpu.memory_space<vmem>>
          %dma_start3A_1859 = tpu.memref_squeeze %dma_start3A_1858 : memref<1x16x64xf32, #tpu.memory_space<vmem>> -> memref<16x64xf32, #tpu.memory_space<vmem>>
          %dma_start3A_1860 = arith.constant 0 : i32
          %dma_start3A_1861 = arith.constant 0 : i32
          %dma_start3A_1862 = tpu.memref_slice %dma_start3A_1859[%dma_start3A_1860, %dma_start3A_1861] : memref<16x64xf32, #tpu.memory_space<vmem>> -> memref<1x64xf32, #tpu.memory_space<vmem>>
          %dma_start3A_1863 = arith.constant 0 : i32
          %dma_start3A_1864 = tpu.memref_slice %arg5[%squeeze3A_1854, %dma_start3A_1863] : memref<1000000x64xf32, #tpu.memory_space<hbm>> -> memref<1x64xf32, #tpu.memory_space<hbm>>
          %dma_start3A_1865 = arith.constant 0 : i32
          %dma_start3A_1866 = arith.constant 0 : i32
          %dma_start3A_1867 = tpu.memref_slice %arg11[%dma_start3A_1855, %dma_start3A_1865, %dma_start3A_1866] : memref<2x16x64xf32, #tpu.memory_space<vmem>> -> memref<1x16x64xf32, #tpu.memory_space<vmem>>
          %dma_start3A_1868 = tpu.memref_squeeze %dma_start3A_1867 : memref<1x16x64xf32, #tpu.memory_space<vmem>> -> memref<16x64xf32, #tpu.memory_space<vmem>>
          %dma_start3A_1869 = arith.constant 0 : i32
          %dma_start3A_1870 = arith.constant 0 : i32
          %dma_start3A_1871 = tpu.memref_slice %dma_start3A_1868[%dma_start3A_1869, %dma_start3A_1870] : memref<16x64xf32, #tpu.memory_space<vmem>> -> memref<1x64xf32, #tpu.memory_space<vmem>>
          %dma_start3A_1872 = arith.constant 0 : i32
          %dma_start3A_1873 = tpu.memref_slice %arg5[%squeeze3A_1854, %dma_start3A_1872] : memref<1000000x64xf32, #tpu.memory_space<hbm>> -> memref<1x64xf32, #tpu.memory_space<hbm>>
          tpu.enqueue_dma source(%dma_start3A_1873 : memref<1x64xf32, #tpu.memory_space<hbm>>) target(%dma_start3A_1871 : memref<1x64xf32, #tpu.memory_space<vmem>>) target_semaphore(%arg15 : memref<!tpu.dma_semaphore, #tpu.memory_space<semaphore_mem>>)
          %slice3A_1874 = vector.extract_strided_slice %get3A_1829 {offsets = [1], sizes = [1], strides = [1]} : vector<16xi32> to vector<1xi32>
          %squeeze3A_1875 = vector.extract %slice3A_1874[0] : i32 from vector<1xi32>
          %dma_start3A_1876 = arith.constant 1 : i32
          %dma_start3A_1877 = arith.constant 0 : i32
          %dma_start3A_1878 = arith.constant 0 : i32
          %dma_start3A_1879 = tpu.memref_slice %arg10[%dma_start3A_1876, %dma_start3A_1877, %dma_start3A_1878] : memref<2x16x64xf32, #tpu.memory_space<vmem>> -> memref<1x16x64xf32, #tpu.memory_space<vmem>>
          %dma_start3A_1880 = tpu.memref_squeeze %dma_start3A_1879 : memref<1x16x64xf32, #tpu.memory_space<vmem>> -> memref<16x64xf32, #tpu.memory_space<vmem>>
          %dma_start3A_1881 = arith.constant 1 : i32
          %dma_start3A_1882 = arith.constant 0 : i32
          %dma_start3A_1883 = tpu.memref_slice %dma_start3A_1880[%dma_start3A_1881, %dma_start3A_1882] : memref<16x64xf32, #tpu.memory_space<vmem>> -> memref<1x64xf32, #tpu.memory_space<vmem>>
          %dma_start3A_1884 = arith.constant 0 : i32
          %dma_start3A_1885 = tpu.memref_slice %arg4[%squeeze3A_1875, %dma_start3A_1884] : memref<1000000x64xf32, #tpu.memory_space<hbm>> -> memref<1x64xf32, #tpu.memory_space<hbm>>
          %dma_start3A_1886 = arith.constant 0 : i32
          %dma_start3A_1887 = arith.constant 0 : i32
          %dma_start3A_1888 = tpu.memref_slice %arg10[%dma_start3A_1876, %dma_start3A_1886, %dma_start3A_1887] : memref<2x16x64xf32, #tpu.memory_space<vmem>> -> memref<1x16x64xf32, #tpu.memory_space<vmem>>
          %dma_start3A_1889 = tpu.memref_squeeze %dma_start3A_1888 : memref<1x16x64xf32, #tpu.memory_space<vmem>> -> memref<16x64xf32, #tpu.memory_space<vmem>>
          %dma_start3A_1890 = arith.constant 1 : i32
          %dma_start3A_1891 = arith.constant 0 : i32
          %dma_start3A_1892 = tpu.memref_slice %dma_start3A_1889[%dma_start3A_1890, %dma_start3A_1891] : memref<16x64xf32, #tpu.memory_space<vmem>> -> memref<1x64xf32, #tpu.memory_space<vmem>>
          %dma_start3A_1893 = arith.constant 0 : i32
          %dma_start3A_1894 = tpu.memref_slice %arg4[%squeeze3A_1875, %dma_start3A_1893] : memref<1000000x64xf32, #tpu.memory_space<hbm>> -> memref<1x64xf32, #tpu.memory_space<hbm>>
          tpu.enqueue_dma source(%dma_start3A_1894 : memref<1x64xf32, #tpu.memory_space<hbm>>) target(%dma_start3A_1892 : memref<1x64xf32, #tpu.memory_space<vmem>>) target_semaphore(%arg15 : memref<!tpu.dma_semaphore, #tpu.memory_space<semaphore_mem>>)
          %slice3A_1895 = vector.extract_strided_slice %get3A_1831 {offsets = [1], sizes = [1], strides = [1]} : vector<16xi32> to vector<1xi32>
          %squeeze3A_1896 = vector.extract %slice3A_1895[0] : i32 from vector<1xi32>
          %dma_start3A_1897 = arith.constant 1 : i32
          %dma_start3A_1898 = arith.constant 0 : i32
          %dma_start3A_1899 = arith.constant 0 : i32
          %dma_start3A_1900 = tpu.memref_slice %arg11[%dma_start3A_1897, %dma_start3A_1898, %dma_start3A_1899] : memref<2x16x64xf32, #tpu.memory_space<vmem>> -> memref<1x16x64xf32, #tpu.memory_space<vmem>>
          %dma_start3A_1901 = tpu.memref_squeeze %dma_start3A_1900 : memref<1x16x64xf32, #tpu.memory_space<vmem>> -> memref<16x64xf32, #tpu.memory_space<vmem>>
          %dma_start3A_1902 = arith.constant 1 : i32
          %dma_start3A_1903 = arith.constant 0 : i32
          %dma_start3A_1904 = tpu.memref_slice %dma_start3A_1901[%dma_start3A_1902, %dma_start3A_1903] : memref<16x64xf32, #tpu.memory_space<vmem>> -> memref<1x64xf32, #tpu.memory_space<vmem>>
          %dma_start3A_1905 = arith.constant 0 : i32
          %dma_start3A_1906 = tpu.memref_slice %arg5[%squeeze3A_1896, %dma_start3A_1905] : memref<1000000x64xf32, #tpu.memory_space<hbm>> -> memref<1x64xf32, #tpu.memory_space<hbm>>
          %dma_start3A_1907 = arith.constant 0 : i32
          %dma_start3A_1908 = arith.constant 0 : i32
          %dma_start3A_1909 = tpu.memref_slice %arg11[%dma_start3A_1897, %dma_start3A_1907, %dma_start3A_1908] : memref<2x16x64xf32, #tpu.memory_space<vmem>> -> memref<1x16x64xf32, #tpu.memory_space<vmem>>
          %dma_start3A_1910 = tpu.memref_squeeze %dma_start3A_1909 : memref<1x16x64xf32, #tpu.memory_space<vmem>> -> memref<16x64xf32, #tpu.memory_space<vmem>>
          %dma_start3A_1911 = arith.constant 1 : i32
          %dma_start3A_1912 = arith.constant 0 : i32
          %dma_start3A_1913 = tpu.memref_slice %dma_start3A_1910[%dma_start3A_1911, %dma_start3A_1912] : memref<16x64xf32, #tpu.memory_space<vmem>> -> memref<1x64xf32, #tpu.memory_space<vmem>>
          %dma_start3A_1914 = arith.constant 0 : i32
          %dma_start3A_1915 = tpu.memref_slice %arg5[%squeeze3A_1896, %dma_start3A_1914] : memref<1000000x64xf32, #tpu.memory_space<hbm>> -> memref<1x64xf32, #tpu.memory_space<hbm>>
          tpu.enqueue_dma source(%dma_start3A_1915 : memref<1x64xf32, #tpu.memory_space<hbm>>) target(%dma_start3A_1913 : memref<1x64xf32, #tpu.memory_space<vmem>>) target_semaphore(%arg15 : memref<!tpu.dma_semaphore, #tpu.memory_space<semaphore_mem>>)
          %slice3A_1916 = vector.extract_strided_slice %get3A_1829 {offsets = [2], sizes = [1], strides = [1]} : vector<16xi32> to vector<1xi32>
          %squeeze3A_1917 = vector.extract %slice3A_1916[0] : i32 from vector<1xi32>
          %dma_start3A_1918 = arith.constant 1 : i32
          %dma_start3A_1919 = arith.constant 0 : i32
          %dma_start3A_1920 = arith.constant 0 : i32
          %dma_start3A_1921 = tpu.memref_slice %arg10[%dma_start3A_1918, %dma_start3A_1919, %dma_start3A_1920] : memref<2x16x64xf32, #tpu.memory_space<vmem>> -> memref<1x16x64xf32, #tpu.memory_space<vmem>>
          %dma_start3A_1922 = tpu.memref_squeeze %dma_start3A_1921 : memref<1x16x64xf32, #tpu.memory_space<vmem>> -> memref<16x64xf32, #tpu.memory_space<vmem>>
          %dma_start3A_1923 = arith.constant 2 : i32
          %dma_start3A_1924 = arith.constant 0 : i32
          %dma_start3A_1925 = tpu.memref_slice %dma_start3A_1922[%dma_start3A_1923, %dma_start3A_1924] : memref<16x64xf32, #tpu.memory_space<vmem>> -> memref<1x64xf32, #tpu.memory_space<vmem>>
          %dma_start3A_1926 = arith.constant 0 : i32
          %dma_start3A_1927 = tpu.memref_slice %arg4[%squeeze3A_1917, %dma_start3A_1926] : memref<1000000x64xf32, #tpu.memory_space<hbm>> -> memref<1x64xf32, #tpu.memory_space<hbm>>
          %dma_start3A_1928 = arith.constant 0 : i32
          %dma_start3A_1929 = arith.constant 0 : i32
          %dma_start3A_1930 = tpu.memref_slice %arg10[%dma_start3A_1918, %dma_start3A_1928, %dma_start3A_1929] : memref<2x16x64xf32, #tpu.memory_space<vmem>> -> memref<1x16x64xf32, #tpu.memory_space<vmem>>
          %dma_start3A_1931 = tpu.memref_squeeze %dma_start3A_1930 : memref<1x16x64xf32, #tpu.memory_space<vmem>> -> memref<16x64xf32, #tpu.memory_space<vmem>>
          %dma_start3A_1932 = arith.constant 2 : i32
          %dma_start3A_1933 = arith.constant 0 : i32
          %dma_start3A_1934 = tpu.memref_slice %dma_start3A_1931[%dma_start3A_1932, %dma_start3A_1933] : memref<16x64xf32, #tpu.memory_space<vmem>> -> memref<1x64xf32, #tpu.memory_space<vmem>>
          %dma_start3A_1935 = arith.constant 0 : i32
          %dma_start3A_1936 = tpu.memref_slice %arg4[%squeeze3A_1917, %dma_start3A_1935] : memref<1000000x64xf32, #tpu.memory_space<hbm>> -> memref<1x64xf32, #tpu.memory_space<hbm>>
          tpu.enqueue_dma source(%dma_start3A_1936 : memref<1x64xf32, #tpu.memory_space<hbm>>) target(%dma_start3A_1934 : memref<1x64xf32, #tpu.memory_space<vmem>>) target_semaphore(%arg15 : memref<!tpu.dma_semaphore, #tpu.memory_space<semaphore_mem>>)
          %slice3A_1937 = vector.extract_strided_slice %get3A_1831 {offsets = [2], sizes = [1], strides = [1]} : vector<16xi32> to vector<1xi32>
          %squeeze3A_1938 = vector.extract %slice3A_1937[0] : i32 from vector<1xi32>
          %dma_start3A_1939 = arith.constant 1 : i32
          %dma_start3A_1940 = arith.constant 0 : i32
          %dma_start3A_1941 = arith.constant 0 : i32
          %dma_start3A_1942 = tpu.memref_slice %arg11[%dma_start3A_1939, %dma_start3A_1940, %dma_start3A_1941] : memref<2x16x64xf32, #tpu.memory_space<vmem>> -> memref<1x16x64xf32, #tpu.memory_space<vmem>>
          %dma_start3A_1943 = tpu.memref_squeeze %dma_start3A_1942 : memref<1x16x64xf32, #tpu.memory_space<vmem>> -> memref<16x64xf32, #tpu.memory_space<vmem>>
          %dma_start3A_1944 = arith.constant 2 : i32
          %dma_start3A_1945 = arith.constant 0 : i32
          %dma_start3A_1946 = tpu.memref_slice %dma_start3A_1943[%dma_start3A_1944, %dma_start3A_1945] : memref<16x64xf32, #tpu.memory_space<vmem>> -> memref<1x64xf32, #tpu.memory_space<vmem>>
          %dma_start3A_1947 = arith.constant 0 : i32
          %dma_start3A_1948 = tpu.memref_slice %arg5[%squeeze3A_1938, %dma_start3A_1947] : memref<1000000x64xf32, #tpu.memory_space<hbm>> -> memref<1x64xf32, #tpu.memory_space<hbm>>
          %dma_start3A_1949 = arith.constant 0 : i32
          %dma_start3A_1950 = arith.constant 0 : i32
          %dma_start3A_1951 = tpu.memref_slice %arg11[%dma_start3A_1939, %dma_start3A_1949, %dma_start3A_1950] : memref<2x16x64xf32, #tpu.memory_space<vmem>> -> memref<1x16x64xf32, #tpu.memory_space<vmem>>
          %dma_start3A_1952 = tpu.memref_squeeze %dma_start3A_1951 : memref<1x16x64xf32, #tpu.memory_space<vmem>> -> memref<16x64xf32, #tpu.memory_space<vmem>>
          %dma_start3A_1953 = arith.constant 2 : i32
          %dma_start3A_1954 = arith.constant 0 : i32
          %dma_start3A_1955 = tpu.memref_slice %dma_start3A_1952[%dma_start3A_1953, %dma_start3A_1954] : memref<16x64xf32, #tpu.memory_space<vmem>> -> memref<1x64xf32, #tpu.memory_space<vmem>>
          %dma_start3A_1956 = arith.constant 0 : i32
          %dma_start3A_1957 = tpu.memref_slice %arg5[%squeeze3A_1938, %dma_start3A_1956] : memref<1000000x64xf32, #tpu.memory_space<hbm>> -> memref<1x64xf32, #tpu.memory_space<hbm>>
          tpu.enqueue_dma source(%dma_start3A_1957 : memref<1x64xf32, #tpu.memory_space<hbm>>) target(%dma_start3A_1955 : memref<1x64xf32, #tpu.memory_space<vmem>>) target_semaphore(%arg15 : memref<!tpu.dma_semaphore, #tpu.memory_space<semaphore_mem>>)
          %slice3A_1958 = vector.extract_strided_slice %get3A_1829 {offsets = [3], sizes = [1], strides = [1]} : vector<16xi32> to vector<1xi32>
          %squeeze3A_1959 = vector.extract %slice3A_1958[0] : i32 from vector<1xi32>
          %dma_start3A_1960 = arith.constant 1 : i32
          %dma_start3A_1961 = arith.constant 0 : i32
          %dma_start3A_1962 = arith.constant 0 : i32
          %dma_start3A_1963 = tpu.memref_slice %arg10[%dma_start3A_1960, %dma_start3A_1961, %dma_start3A_1962] : memref<2x16x64xf32, #tpu.memory_space<vmem>> -> memref<1x16x64xf32, #tpu.memory_space<vmem>>
          %dma_start3A_1964 = tpu.memref_squeeze %dma_start3A_1963 : memref<1x16x64xf32, #tpu.memory_space<vmem>> -> memref<16x64xf32, #tpu.memory_space<vmem>>
          %dma_start3A_1965 = arith.constant 3 : i32
          %dma_start3A_1966 = arith.constant 0 : i32
          %dma_start3A_1967 = tpu.memref_slice %dma_start3A_1964[%dma_start3A_1965, %dma_start3A_1966] : memref<16x64xf32, #tpu.memory_space<vmem>> -> memref<1x64xf32, #tpu.memory_space<vmem>>
          %dma_start3A_1968 = arith.constant 0 : i32
          %dma_start3A_1969 = tpu.memref_slice %arg4[%squeeze3A_1959, %dma_start3A_1968] : memref<1000000x64xf32, #tpu.memory_space<hbm>> -> memref<1x64xf32, #tpu.memory_space<hbm>>
          %dma_start3A_1970 = arith.constant 0 : i32
          %dma_start3A_1971 = arith.constant 0 : i32
          %dma_start3A_1972 = tpu.memref_slice %arg10[%dma_start3A_1960, %dma_start3A_1970, %dma_start3A_1971] : memref<2x16x64xf32, #tpu.memory_space<vmem>> -> memref<1x16x64xf32, #tpu.memory_space<vmem>>
          %dma_start3A_1973 = tpu.memref_squeeze %dma_start3A_1972 : memref<1x16x64xf32, #tpu.memory_space<vmem>> -> memref<16x64xf32, #tpu.memory_space<vmem>>
          %dma_start3A_1974 = arith.constant 3 : i32
          %dma_start3A_1975 = arith.constant 0 : i32
          %dma_start3A_1976 = tpu.memref_slice %dma_start3A_1973[%dma_start3A_1974, %dma_start3A_1975] : memref<16x64xf32, #tpu.memory_space<vmem>> -> memref<1x64xf32, #tpu.memory_space<vmem>>
          %dma_start3A_1977 = arith.constant 0 : i32
          %dma_start3A_1978 = tpu.memref_slice %arg4[%squeeze3A_1959, %dma_start3A_1977] : memref<1000000x64xf32, #tpu.memory_space<hbm>> -> memref<1x64xf32, #tpu.memory_space<hbm>>
          tpu.enqueue_dma source(%dma_start3A_1978 : memref<1x64xf32, #tpu.memory_space<hbm>>) target(%dma_start3A_1976 : memref<1x64xf32, #tpu.memory_space<vmem>>) target_semaphore(%arg15 : memref<!tpu.dma_semaphore, #tpu.memory_space<semaphore_mem>>)
          %slice3A_1979 = vector.extract_strided_slice %get3A_1831 {offsets = [3], sizes = [1], strides = [1]} : vector<16xi32> to vector<1xi32>
          %squeeze3A_1980 = vector.extract %slice3A_1979[0] : i32 from vector<1xi32>
          %dma_start3A_1981 = arith.constant 1 : i32
          %dma_start3A_1982 = arith.constant 0 : i32
          %dma_start3A_1983 = arith.constant 0 : i32
          %dma_start3A_1984 = tpu.memref_slice %arg11[%dma_start3A_1981, %dma_start3A_1982, %dma_start3A_1983] : memref<2x16x64xf32, #tpu.memory_space<vmem>> -> memref<1x16x64xf32, #tpu.memory_space<vmem>>
          %dma_start3A_1985 = tpu.memref_squeeze %dma_start3A_1984 : memref<1x16x64xf32, #tpu.memory_space<vmem>> -> memref<16x64xf32, #tpu.memory_space<vmem>>
          %dma_start3A_1986 = arith.constant 3 : i32
          %dma_start3A_1987 = arith.constant 0 : i32
          %dma_start3A_1988 = tpu.memref_slice %dma_start3A_1985[%dma_start3A_1986, %dma_start3A_1987] : memref<16x64xf32, #tpu.memory_space<vmem>> -> memref<1x64xf32, #tpu.memory_space<vmem>>
          %dma_start3A_1989 = arith.constant 0 : i32
          %dma_start3A_1990 = tpu.memref_slice %arg5[%squeeze3A_1980, %dma_start3A_1989] : memref<1000000x64xf32, #tpu.memory_space<hbm>> -> memref<1x64xf32, #tpu.memory_space<hbm>>
          %dma_start3A_1991 = arith.constant 0 : i32
          %dma_start3A_1992 = arith.constant 0 : i32
          %dma_start3A_1993 = tpu.memref_slice %arg11[%dma_start3A_1981, %dma_start3A_1991, %dma_start3A_1992] : memref<2x16x64xf32, #tpu.memory_space<vmem>> -> memref<1x16x64xf32, #tpu.memory_space<vmem>>
          %dma_start3A_1994 = tpu.memref_squeeze %dma_start3A_1993 : memref<1x16x64xf32, #tpu.memory_space<vmem>> -> memref<16x64xf32, #tpu.memory_space<vmem>>
          %dma_start3A_1995 = arith.constant 3 : i32
          %dma_start3A_1996 = arith.constant 0 : i32
          %dma_start3A_1997 = tpu.memref_slice %dma_start3A_1994[%dma_start3A_1995, %dma_start3A_1996] : memref<16x64xf32, #tpu.memory_space<vmem>> -> memref<1x64xf32, #tpu.memory_space<vmem>>
          %dma_start3A_1998 = arith.constant 0 : i32
          %dma_start3A_1999 = tpu.memref_slice %arg5[%squeeze3A_1980, %dma_start3A_1998] : memref<1000000x64xf32, #tpu.memory_space<hbm>> -> memref<1x64xf32, #tpu.memory_space<hbm>>
          tpu.enqueue_dma source(%dma_start3A_1999 : memref<1x64xf32, #tpu.memory_space<hbm>>) target(%dma_start3A_1997 : memref<1x64xf32, #tpu.memory_space<vmem>>) target_semaphore(%arg15 : memref<!tpu.dma_semaphore, #tpu.memory_space<semaphore_mem>>)
          %slice3A_2000 = vector.extract_strided_slice %get3A_1829 {offsets = [4], sizes = [1], strides = [1]} : vector<16xi32> to vector<1xi32>
          %squeeze3A_2001 = vector.extract %slice3A_2000[0] : i32 from vector<1xi32>
          %dma_start3A_2002 = arith.constant 1 : i32
          %dma_start3A_2003 = arith.constant 0 : i32
          %dma_start3A_2004 = arith.constant 0 : i32
          %dma_start3A_2005 = tpu.memref_slice %arg10[%dma_start3A_2002, %dma_start3A_2003, %dma_start3A_2004] : memref<2x16x64xf32, #tpu.memory_space<vmem>> -> memref<1x16x64xf32, #tpu.memory_space<vmem>>
          %dma_start3A_2006 = tpu.memref_squeeze %dma_start3A_2005 : memref<1x16x64xf32, #tpu.memory_space<vmem>> -> memref<16x64xf32, #tpu.memory_space<vmem>>
          %dma_start3A_2007 = arith.constant 4 : i32
          %dma_start3A_2008 = arith.constant 0 : i32
          %dma_start3A_2009 = tpu.memref_slice %dma_start3A_2006[%dma_start3A_2007, %dma_start3A_2008] : memref<16x64xf32, #tpu.memory_space<vmem>> -> memref<1x64xf32, #tpu.memory_space<vmem>>
          %dma_start3A_2010 = arith.constant 0 : i32
          %dma_start3A_2011 = tpu.memref_slice %arg4[%squeeze3A_2001, %dma_start3A_2010] : memref<1000000x64xf32, #tpu.memory_space<hbm>> -> memref<1x64xf32, #tpu.memory_space<hbm>>
          %dma_start3A_2012 = arith.constant 0 : i32
          %dma_start3A_2013 = arith.constant 0 : i32
          %dma_start3A_2014 = tpu.memref_slice %arg10[%dma_start3A_2002, %dma_start3A_2012, %dma_start3A_2013] : memref<2x16x64xf32, #tpu.memory_space<vmem>> -> memref<1x16x64xf32, #tpu.memory_space<vmem>>
          %dma_start3A_2015 = tpu.memref_squeeze %dma_start3A_2014 : memref<1x16x64xf32, #tpu.memory_space<vmem>> -> memref<16x64xf32, #tpu.memory_space<vmem>>
          %dma_start3A_2016 = arith.constant 4 : i32
          %dma_start3A_2017 = arith.constant 0 : i32
          %dma_start3A_2018 = tpu.memref_slice %dma_start3A_2015[%dma_start3A_2016, %dma_start3A_2017] : memref<16x64xf32, #tpu.memory_space<vmem>> -> memref<1x64xf32, #tpu.memory_space<vmem>>
          %dma_start3A_2019 = arith.constant 0 : i32
          %dma_start3A_2020 = tpu.memref_slice %arg4[%squeeze3A_2001, %dma_start3A_2019] : memref<1000000x64xf32, #tpu.memory_space<hbm>> -> memref<1x64xf32, #tpu.memory_space<hbm>>
          tpu.enqueue_dma source(%dma_start3A_2020 : memref<1x64xf32, #tpu.memory_space<hbm>>) target(%dma_start3A_2018 : memref<1x64xf32, #tpu.memory_space<vmem>>) target_semaphore(%arg15 : memref<!tpu.dma_semaphore, #tpu.memory_space<semaphore_mem>>)
          %slice3A_2021 = vector.extract_strided_slice %get3A_1831 {offsets = [4], sizes = [1], strides = [1]} : vector<16xi32> to vector<1xi32>
          %squeeze3A_2022 = vector.extract %slice3A_2021[0] : i32 from vector<1xi32>
          %dma_start3A_2023 = arith.constant 1 : i32
          %dma_start3A_2024 = arith.constant 0 : i32
          %dma_start3A_2025 = arith.constant 0 : i32
          %dma_start3A_2026 = tpu.memref_slice %arg11[%dma_start3A_2023, %dma_start3A_2024, %dma_start3A_2025] : memref<2x16x64xf32, #tpu.memory_space<vmem>> -> memref<1x16x64xf32, #tpu.memory_space<vmem>>
          %dma_start3A_2027 = tpu.memref_squeeze %dma_start3A_2026 : memref<1x16x64xf32, #tpu.memory_space<vmem>> -> memref<16x64xf32, #tpu.memory_space<vmem>>
          %dma_start3A_2028 = arith.constant 4 : i32
          %dma_start3A_2029 = arith.constant 0 : i32
          %dma_start3A_2030 = tpu.memref_slice %dma_start3A_2027[%dma_start3A_2028, %dma_start3A_2029] : memref<16x64xf32, #tpu.memory_space<vmem>> -> memref<1x64xf32, #tpu.memory_space<vmem>>
          %dma_start3A_2031 = arith.constant 0 : i32
          %dma_start3A_2032 = tpu.memref_slice %arg5[%squeeze3A_2022, %dma_start3A_2031] : memref<1000000x64xf32, #tpu.memory_space<hbm>> -> memref<1x64xf32, #tpu.memory_space<hbm>>
          %dma_start3A_2033 = arith.constant 0 : i32
          %dma_start3A_2034 = arith.constant 0 : i32
          %dma_start3A_2035 = tpu.memref_slice %arg11[%dma_start3A_2023, %dma_start3A_2033, %dma_start3A_2034] : memref<2x16x64xf32, #tpu.memory_space<vmem>> -> memref<1x16x64xf32, #tpu.memory_space<vmem>>
          %dma_start3A_2036 = tpu.memref_squeeze %dma_start3A_2035 : memref<1x16x64xf32, #tpu.memory_space<vmem>> -> memref<16x64xf32, #tpu.memory_space<vmem>>
          %dma_start3A_2037 = arith.constant 4 : i32
          %dma_start3A_2038 = arith.constant 0 : i32
          %dma_start3A_2039 = tpu.memref_slice %dma_start3A_2036[%dma_start3A_2037, %dma_start3A_2038] : memref<16x64xf32, #tpu.memory_space<vmem>> -> memref<1x64xf32, #tpu.memory_space<vmem>>
          %dma_start3A_2040 = arith.constant 0 : i32
          %dma_start3A_2041 = tpu.memref_slice %arg5[%squeeze3A_2022, %dma_start3A_2040] : memref<1000000x64xf32, #tpu.memory_space<hbm>> -> memref<1x64xf32, #tpu.memory_space<hbm>>
          tpu.enqueue_dma source(%dma_start3A_2041 : memref<1x64xf32, #tpu.memory_space<hbm>>) target(%dma_start3A_2039 : memref<1x64xf32, #tpu.memory_space<vmem>>) target_semaphore(%arg15 : memref<!tpu.dma_semaphore, #tpu.memory_space<semaphore_mem>>)
          %slice3A_2042 = vector.extract_strided_slice %get3A_1829 {offsets = [5], sizes = [1], strides = [1]} : vector<16xi32> to vector<1xi32>
          %squeeze3A_2043 = vector.extract %slice3A_2042[0] : i32 from vector<1xi32>
          %dma_start3A_2044 = arith.constant 1 : i32
          %dma_start3A_2045 = arith.constant 0 : i32
          %dma_start3A_2046 = arith.constant 0 : i32
          %dma_start3A_2047 = tpu.memref_slice %arg10[%dma_start3A_2044, %dma_start3A_2045, %dma_start3A_2046] : memref<2x16x64xf32, #tpu.memory_space<vmem>> -> memref<1x16x64xf32, #tpu.memory_space<vmem>>
          %dma_start3A_2048 = tpu.memref_squeeze %dma_start3A_2047 : memref<1x16x64xf32, #tpu.memory_space<vmem>> -> memref<16x64xf32, #tpu.memory_space<vmem>>
          %dma_start3A_2049 = arith.constant 5 : i32
          %dma_start3A_2050 = arith.constant 0 : i32
          %dma_start3A_2051 = tpu.memref_slice %dma_start3A_2048[%dma_start3A_2049, %dma_start3A_2050] : memref<16x64xf32, #tpu.memory_space<vmem>> -> memref<1x64xf32, #tpu.memory_space<vmem>>
          %dma_start3A_2052 = arith.constant 0 : i32
          %dma_start3A_2053 = tpu.memref_slice %arg4[%squeeze3A_2043, %dma_start3A_2052] : memref<1000000x64xf32, #tpu.memory_space<hbm>> -> memref<1x64xf32, #tpu.memory_space<hbm>>
          %dma_start3A_2054 = arith.constant 0 : i32
          %dma_start3A_2055 = arith.constant 0 : i32
          %dma_start3A_2056 = tpu.memref_slice %arg10[%dma_start3A_2044, %dma_start3A_2054, %dma_start3A_2055] : memref<2x16x64xf32, #tpu.memory_space<vmem>> -> memref<1x16x64xf32, #tpu.memory_space<vmem>>
          %dma_start3A_2057 = tpu.memref_squeeze %dma_start3A_2056 : memref<1x16x64xf32, #tpu.memory_space<vmem>> -> memref<16x64xf32, #tpu.memory_space<vmem>>
          %dma_start3A_2058 = arith.constant 5 : i32
          %dma_start3A_2059 = arith.constant 0 : i32
          %dma_start3A_2060 = tpu.memref_slice %dma_start3A_2057[%dma_start3A_2058, %dma_start3A_2059] : memref<16x64xf32, #tpu.memory_space<vmem>> -> memref<1x64xf32, #tpu.memory_space<vmem>>
          %dma_start3A_2061 = arith.constant 0 : i32
          %dma_start3A_2062 = tpu.memref_slice %arg4[%squeeze3A_2043, %dma_start3A_2061] : memref<1000000x64xf32, #tpu.memory_space<hbm>> -> memref<1x64xf32, #tpu.memory_space<hbm>>
          tpu.enqueue_dma source(%dma_start3A_2062 : memref<1x64xf32, #tpu.memory_space<hbm>>) target(%dma_start3A_2060 : memref<1x64xf32, #tpu.memory_space<vmem>>) target_semaphore(%arg15 : memref<!tpu.dma_semaphore, #tpu.memory_space<semaphore_mem>>)
          %slice3A_2063 = vector.extract_strided_slice %get3A_1831 {offsets = [5], sizes = [1], strides = [1]} : vector<16xi32> to vector<1xi32>
          %squeeze3A_2064 = vector.extract %slice3A_2063[0] : i32 from vector<1xi32>
          %dma_start3A_2065 = arith.constant 1 : i32
          %dma_start3A_2066 = arith.constant 0 : i32
          %dma_start3A_2067 = arith.constant 0 : i32
          %dma_start3A_2068 = tpu.memref_slice %arg11[%dma_start3A_2065, %dma_start3A_2066, %dma_start3A_2067] : memref<2x16x64xf32, #tpu.memory_space<vmem>> -> memref<1x16x64xf32, #tpu.memory_space<vmem>>
          %dma_start3A_2069 = tpu.memref_squeeze %dma_start3A_2068 : memref<1x16x64xf32, #tpu.memory_space<vmem>> -> memref<16x64xf32, #tpu.memory_space<vmem>>
          %dma_start3A_2070 = arith.constant 5 : i32
          %dma_start3A_2071 = arith.constant 0 : i32
          %dma_start3A_2072 = tpu.memref_slice %dma_start3A_2069[%dma_start3A_2070, %dma_start3A_2071] : memref<16x64xf32, #tpu.memory_space<vmem>> -> memref<1x64xf32, #tpu.memory_space<vmem>>
          %dma_start3A_2073 = arith.constant 0 : i32
          %dma_start3A_2074 = tpu.memref_slice %arg5[%squeeze3A_2064, %dma_start3A_2073] : memref<1000000x64xf32, #tpu.memory_space<hbm>> -> memref<1x64xf32, #tpu.memory_space<hbm>>
          %dma_start3A_2075 = arith.constant 0 : i32
          %dma_start3A_2076 = arith.constant 0 : i32
          %dma_start3A_2077 = tpu.memref_slice %arg11[%dma_start3A_2065, %dma_start3A_2075, %dma_start3A_2076] : memref<2x16x64xf32, #tpu.memory_space<vmem>> -> memref<1x16x64xf32, #tpu.memory_space<vmem>>
          %dma_start3A_2078 = tpu.memref_squeeze %dma_start3A_2077 : memref<1x16x64xf32, #tpu.memory_space<vmem>> -> memref<16x64xf32, #tpu.memory_space<vmem>>
          %dma_start3A_2079 = arith.constant 5 : i32
          %dma_start3A_2080 = arith.constant 0 : i32
          %dma_start3A_2081 = tpu.memref_slice %dma_start3A_2078[%dma_start3A_2079, %dma_start3A_2080] : memref<16x64xf32, #tpu.memory_space<vmem>> -> memref<1x64xf32, #tpu.memory_space<vmem>>
          %dma_start3A_2082 = arith.constant 0 : i32
          %dma_start3A_2083 = tpu.memref_slice %arg5[%squeeze3A_2064, %dma_start3A_2082] : memref<1000000x64xf32, #tpu.memory_space<hbm>> -> memref<1x64xf32, #tpu.memory_space<hbm>>
          tpu.enqueue_dma source(%dma_start3A_2083 : memref<1x64xf32, #tpu.memory_space<hbm>>) target(%dma_start3A_2081 : memref<1x64xf32, #tpu.memory_space<vmem>>) target_semaphore(%arg15 : memref<!tpu.dma_semaphore, #tpu.memory_space<semaphore_mem>>)
          %slice3A_2084 = vector.extract_strided_slice %get3A_1829 {offsets = [6], sizes = [1], strides = [1]} : vector<16xi32> to vector<1xi32>
          %squeeze3A_2085 = vector.extract %slice3A_2084[0] : i32 from vector<1xi32>
          %dma_start3A_2086 = arith.constant 1 : i32
          %dma_start3A_2087 = arith.constant 0 : i32
          %dma_start3A_2088 = arith.constant 0 : i32
          %dma_start3A_2089 = tpu.memref_slice %arg10[%dma_start3A_2086, %dma_start3A_2087, %dma_start3A_2088] : memref<2x16x64xf32, #tpu.memory_space<vmem>> -> memref<1x16x64xf32, #tpu.memory_space<vmem>>
          %dma_start3A_2090 = tpu.memref_squeeze %dma_start3A_2089 : memref<1x16x64xf32, #tpu.memory_space<vmem>> -> memref<16x64xf32, #tpu.memory_space<vmem>>
          %dma_start3A_2091 = arith.constant 6 : i32
          %dma_start3A_2092 = arith.constant 0 : i32
          %dma_start3A_2093 = tpu.memref_slice %dma_start3A_2090[%dma_start3A_2091, %dma_start3A_2092] : memref<16x64xf32, #tpu.memory_space<vmem>> -> memref<1x64xf32, #tpu.memory_space<vmem>>
          %dma_start3A_2094 = arith.constant 0 : i32
          %dma_start3A_2095 = tpu.memref_slice %arg4[%squeeze3A_2085, %dma_start3A_2094] : memref<1000000x64xf32, #tpu.memory_space<hbm>> -> memref<1x64xf32, #tpu.memory_space<hbm>>
          %dma_start3A_2096 = arith.constant 0 : i32
          %dma_start3A_2097 = arith.constant 0 : i32
          %dma_start3A_2098 = tpu.memref_slice %arg10[%dma_start3A_2086, %dma_start3A_2096, %dma_start3A_2097] : memref<2x16x64xf32, #tpu.memory_space<vmem>> -> memref<1x16x64xf32, #tpu.memory_space<vmem>>
          %dma_start3A_2099 = tpu.memref_squeeze %dma_start3A_2098 : memref<1x16x64xf32, #tpu.memory_space<vmem>> -> memref<16x64xf32, #tpu.memory_space<vmem>>
          %dma_start3A_2100 = arith.constant 6 : i32
          %dma_start3A_2101 = arith.constant 0 : i32
          %dma_start3A_2102 = tpu.memref_slice %dma_start3A_2099[%dma_start3A_2100, %dma_start3A_2101] : memref<16x64xf32, #tpu.memory_space<vmem>> -> memref<1x64xf32, #tpu.memory_space<vmem>>
          %dma_start3A_2103 = arith.constant 0 : i32
          %dma_start3A_2104 = tpu.memref_slice %arg4[%squeeze3A_2085, %dma_start3A_2103] : memref<1000000x64xf32, #tpu.memory_space<hbm>> -> memref<1x64xf32, #tpu.memory_space<hbm>>
          tpu.enqueue_dma source(%dma_start3A_2104 : memref<1x64xf32, #tpu.memory_space<hbm>>) target(%dma_start3A_2102 : memref<1x64xf32, #tpu.memory_space<vmem>>) target_semaphore(%arg15 : memref<!tpu.dma_semaphore, #tpu.memory_space<semaphore_mem>>)
          %slice3A_2105 = vector.extract_strided_slice %get3A_1831 {offsets = [6], sizes = [1], strides = [1]} : vector<16xi32> to vector<1xi32>
          %squeeze3A_2106 = vector.extract %slice3A_2105[0] : i32 from vector<1xi32>
          %dma_start3A_2107 = arith.constant 1 : i32
          %dma_start3A_2108 = arith.constant 0 : i32
          %dma_start3A_2109 = arith.constant 0 : i32
          %dma_start3A_2110 = tpu.memref_slice %arg11[%dma_start3A_2107, %dma_start3A_2108, %dma_start3A_2109] : memref<2x16x64xf32, #tpu.memory_space<vmem>> -> memref<1x16x64xf32, #tpu.memory_space<vmem>>
          %dma_start3A_2111 = tpu.memref_squeeze %dma_start3A_2110 : memref<1x16x64xf32, #tpu.memory_space<vmem>> -> memref<16x64xf32, #tpu.memory_space<vmem>>
          %dma_start3A_2112 = arith.constant 6 : i32
          %dma_start3A_2113 = arith.constant 0 : i32
          %dma_start3A_2114 = tpu.memref_slice %dma_start3A_2111[%dma_start3A_2112, %dma_start3A_2113] : memref<16x64xf32, #tpu.memory_space<vmem>> -> memref<1x64xf32, #tpu.memory_space<vmem>>
          %dma_start3A_2115 = arith.constant 0 : i32
          %dma_start3A_2116 = tpu.memref_slice %arg5[%squeeze3A_2106, %dma_start3A_2115] : memref<1000000x64xf32, #tpu.memory_space<hbm>> -> memref<1x64xf32, #tpu.memory_space<hbm>>
          %dma_start3A_2117 = arith.constant 0 : i32
          %dma_start3A_2118 = arith.constant 0 : i32
          %dma_start3A_2119 = tpu.memref_slice %arg11[%dma_start3A_2107, %dma_start3A_2117, %dma_start3A_2118] : memref<2x16x64xf32, #tpu.memory_space<vmem>> -> memref<1x16x64xf32, #tpu.memory_space<vmem>>
          %dma_start3A_2120 = tpu.memref_squeeze %dma_start3A_2119 : memref<1x16x64xf32, #tpu.memory_space<vmem>> -> memref<16x64xf32, #tpu.memory_space<vmem>>
          %dma_start3A_2121 = arith.constant 6 : i32
          %dma_start3A_2122 = arith.constant 0 : i32
          %dma_start3A_2123 = tpu.memref_slice %dma_start3A_2120[%dma_start3A_2121, %dma_start3A_2122] : memref<16x64xf32, #tpu.memory_space<vmem>> -> memref<1x64xf32, #tpu.memory_space<vmem>>
          %dma_start3A_2124 = arith.constant 0 : i32
          %dma_start3A_2125 = tpu.memref_slice %arg5[%squeeze3A_2106, %dma_start3A_2124] : memref<1000000x64xf32, #tpu.memory_space<hbm>> -> memref<1x64xf32, #tpu.memory_space<hbm>>
          tpu.enqueue_dma source(%dma_start3A_2125 : memref<1x64xf32, #tpu.memory_space<hbm>>) target(%dma_start3A_2123 : memref<1x64xf32, #tpu.memory_space<vmem>>) target_semaphore(%arg15 : memref<!tpu.dma_semaphore, #tpu.memory_space<semaphore_mem>>)
          %slice3A_2126 = vector.extract_strided_slice %get3A_1829 {offsets = [7], sizes = [1], strides = [1]} : vector<16xi32> to vector<1xi32>
          %squeeze3A_2127 = vector.extract %slice3A_2126[0] : i32 from vector<1xi32>
          %dma_start3A_2128 = arith.constant 1 : i32
          %dma_start3A_2129 = arith.constant 0 : i32
          %dma_start3A_2130 = arith.constant 0 : i32
          %dma_start3A_2131 = tpu.memref_slice %arg10[%dma_start3A_2128, %dma_start3A_2129, %dma_start3A_2130] : memref<2x16x64xf32, #tpu.memory_space<vmem>> -> memref<1x16x64xf32, #tpu.memory_space<vmem>>
          %dma_start3A_2132 = tpu.memref_squeeze %dma_start3A_2131 : memref<1x16x64xf32, #tpu.memory_space<vmem>> -> memref<16x64xf32, #tpu.memory_space<vmem>>
          %dma_start3A_2133 = arith.constant 7 : i32
          %dma_start3A_2134 = arith.constant 0 : i32
          %dma_start3A_2135 = tpu.memref_slice %dma_start3A_2132[%dma_start3A_2133, %dma_start3A_2134] : memref<16x64xf32, #tpu.memory_space<vmem>> -> memref<1x64xf32, #tpu.memory_space<vmem>>
          %dma_start3A_2136 = arith.constant 0 : i32
          %dma_start3A_2137 = tpu.memref_slice %arg4[%squeeze3A_2127, %dma_start3A_2136] : memref<1000000x64xf32, #tpu.memory_space<hbm>> -> memref<1x64xf32, #tpu.memory_space<hbm>>
          %dma_start3A_2138 = arith.constant 0 : i32
          %dma_start3A_2139 = arith.constant 0 : i32
          %dma_start3A_2140 = tpu.memref_slice %arg10[%dma_start3A_2128, %dma_start3A_2138, %dma_start3A_2139] : memref<2x16x64xf32, #tpu.memory_space<vmem>> -> memref<1x16x64xf32, #tpu.memory_space<vmem>>
          %dma_start3A_2141 = tpu.memref_squeeze %dma_start3A_2140 : memref<1x16x64xf32, #tpu.memory_space<vmem>> -> memref<16x64xf32, #tpu.memory_space<vmem>>
          %dma_start3A_2142 = arith.constant 7 : i32
          %dma_start3A_2143 = arith.constant 0 : i32
          %dma_start3A_2144 = tpu.memref_slice %dma_start3A_2141[%dma_start3A_2142, %dma_start3A_2143] : memref<16x64xf32, #tpu.memory_space<vmem>> -> memref<1x64xf32, #tpu.memory_space<vmem>>
          %dma_start3A_2145 = arith.constant 0 : i32
          %dma_start3A_2146 = tpu.memref_slice %arg4[%squeeze3A_2127, %dma_start3A_2145] : memref<1000000x64xf32, #tpu.memory_space<hbm>> -> memref<1x64xf32, #tpu.memory_space<hbm>>
          tpu.enqueue_dma source(%dma_start3A_2146 : memref<1x64xf32, #tpu.memory_space<hbm>>) target(%dma_start3A_2144 : memref<1x64xf32, #tpu.memory_space<vmem>>) target_semaphore(%arg15 : memref<!tpu.dma_semaphore, #tpu.memory_space<semaphore_mem>>)
          %slice3A_2147 = vector.extract_strided_slice %get3A_1831 {offsets = [7], sizes = [1], strides = [1]} : vector<16xi32> to vector<1xi32>
          %squeeze3A_2148 = vector.extract %slice3A_2147[0] : i32 from vector<1xi32>
          %dma_start3A_2149 = arith.constant 1 : i32
          %dma_start3A_2150 = arith.constant 0 : i32
          %dma_start3A_2151 = arith.constant 0 : i32
          %dma_start3A_2152 = tpu.memref_slice %arg11[%dma_start3A_2149, %dma_start3A_2150, %dma_start3A_2151] : memref<2x16x64xf32, #tpu.memory_space<vmem>> -> memref<1x16x64xf32, #tpu.memory_space<vmem>>
          %dma_start3A_2153 = tpu.memref_squeeze %dma_start3A_2152 : memref<1x16x64xf32, #tpu.memory_space<vmem>> -> memref<16x64xf32, #tpu.memory_space<vmem>>
          %dma_start3A_2154 = arith.constant 7 : i32
          %dma_start3A_2155 = arith.constant 0 : i32
          %dma_start3A_2156 = tpu.memref_slice %dma_start3A_2153[%dma_start3A_2154, %dma_start3A_2155] : memref<16x64xf32, #tpu.memory_space<vmem>> -> memref<1x64xf32, #tpu.memory_space<vmem>>
          %dma_start3A_2157 = arith.constant 0 : i32
          %dma_start3A_2158 = tpu.memref_slice %arg5[%squeeze3A_2148, %dma_start3A_2157] : memref<1000000x64xf32, #tpu.memory_space<hbm>> -> memref<1x64xf32, #tpu.memory_space<hbm>>
          %dma_start3A_2159 = arith.constant 0 : i32
          %dma_start3A_2160 = arith.constant 0 : i32
          %dma_start3A_2161 = tpu.memref_slice %arg11[%dma_start3A_2149, %dma_start3A_2159, %dma_start3A_2160] : memref<2x16x64xf32, #tpu.memory_space<vmem>> -> memref<1x16x64xf32, #tpu.memory_space<vmem>>
          %dma_start3A_2162 = tpu.memref_squeeze %dma_start3A_2161 : memref<1x16x64xf32, #tpu.memory_space<vmem>> -> memref<16x64xf32, #tpu.memory_space<vmem>>
          %dma_start3A_2163 = arith.constant 7 : i32
          %dma_start3A_2164 = arith.constant 0 : i32
          %dma_start3A_2165 = tpu.memref_slice %dma_start3A_2162[%dma_start3A_2163, %dma_start3A_2164] : memref<16x64xf32, #tpu.memory_space<vmem>> -> memref<1x64xf32, #tpu.memory_space<vmem>>
          %dma_start3A_2166 = arith.constant 0 : i32
          %dma_start3A_2167 = tpu.memref_slice %arg5[%squeeze3A_2148, %dma_start3A_2166] : memref<1000000x64xf32, #tpu.memory_space<hbm>> -> memref<1x64xf32, #tpu.memory_space<hbm>>
          tpu.enqueue_dma source(%dma_start3A_2167 : memref<1x64xf32, #tpu.memory_space<hbm>>) target(%dma_start3A_2165 : memref<1x64xf32, #tpu.memory_space<vmem>>) target_semaphore(%arg15 : memref<!tpu.dma_semaphore, #tpu.memory_space<semaphore_mem>>)
          %slice3A_2168 = vector.extract_strided_slice %get3A_1829 {offsets = [8], sizes = [1], strides = [1]} : vector<16xi32> to vector<1xi32>
          %squeeze3A_2169 = vector.extract %slice3A_2168[0] : i32 from vector<1xi32>
          %dma_start3A_2170 = arith.constant 1 : i32
          %dma_start3A_2171 = arith.constant 0 : i32
          %dma_start3A_2172 = arith.constant 0 : i32
          %dma_start3A_2173 = tpu.memref_slice %arg10[%dma_start3A_2170, %dma_start3A_2171, %dma_start3A_2172] : memref<2x16x64xf32, #tpu.memory_space<vmem>> -> memref<1x16x64xf32, #tpu.memory_space<vmem>>
          %dma_start3A_2174 = tpu.memref_squeeze %dma_start3A_2173 : memref<1x16x64xf32, #tpu.memory_space<vmem>> -> memref<16x64xf32, #tpu.memory_space<vmem>>
          %dma_start3A_2175 = arith.constant 8 : i32
          %dma_start3A_2176 = arith.constant 0 : i32
          %dma_start3A_2177 = tpu.memref_slice %dma_start3A_2174[%dma_start3A_2175, %dma_start3A_2176] : memref<16x64xf32, #tpu.memory_space<vmem>> -> memref<1x64xf32, #tpu.memory_space<vmem>>
          %dma_start3A_2178 = arith.constant 0 : i32
          %dma_start3A_2179 = tpu.memref_slice %arg4[%squeeze3A_2169, %dma_start3A_2178] : memref<1000000x64xf32, #tpu.memory_space<hbm>> -> memref<1x64xf32, #tpu.memory_space<hbm>>
          %dma_start3A_2180 = arith.constant 0 : i32
          %dma_start3A_2181 = arith.constant 0 : i32
          %dma_start3A_2182 = tpu.memref_slice %arg10[%dma_start3A_2170, %dma_start3A_2180, %dma_start3A_2181] : memref<2x16x64xf32, #tpu.memory_space<vmem>> -> memref<1x16x64xf32, #tpu.memory_space<vmem>>
          %dma_start3A_2183 = tpu.memref_squeeze %dma_start3A_2182 : memref<1x16x64xf32, #tpu.memory_space<vmem>> -> memref<16x64xf32, #tpu.memory_space<vmem>>
          %dma_start3A_2184 = arith.constant 8 : i32
          %dma_start3A_2185 = arith.constant 0 : i32
          %dma_start3A_2186 = tpu.memref_slice %dma_start3A_2183[%dma_start3A_2184, %dma_start3A_2185] : memref<16x64xf32, #tpu.memory_space<vmem>> -> memref<1x64xf32, #tpu.memory_space<vmem>>
          %dma_start3A_2187 = arith.constant 0 : i32
          %dma_start3A_2188 = tpu.memref_slice %arg4[%squeeze3A_2169, %dma_start3A_2187] : memref<1000000x64xf32, #tpu.memory_space<hbm>> -> memref<1x64xf32, #tpu.memory_space<hbm>>
          tpu.enqueue_dma source(%dma_start3A_2188 : memref<1x64xf32, #tpu.memory_space<hbm>>) target(%dma_start3A_2186 : memref<1x64xf32, #tpu.memory_space<vmem>>) target_semaphore(%arg15 : memref<!tpu.dma_semaphore, #tpu.memory_space<semaphore_mem>>)
          %slice3A_2189 = vector.extract_strided_slice %get3A_1831 {offsets = [8], sizes = [1], strides = [1]} : vector<16xi32> to vector<1xi32>
          %squeeze3A_2190 = vector.extract %slice3A_2189[0] : i32 from vector<1xi32>
          %dma_start3A_2191 = arith.constant 1 : i32
          %dma_start3A_2192 = arith.constant 0 : i32
          %dma_start3A_2193 = arith.constant 0 : i32
          %dma_start3A_2194 = tpu.memref_slice %arg11[%dma_start3A_2191, %dma_start3A_2192, %dma_start3A_2193] : memref<2x16x64xf32, #tpu.memory_space<vmem>> -> memref<1x16x64xf32, #tpu.memory_space<vmem>>
          %dma_start3A_2195 = tpu.memref_squeeze %dma_start3A_2194 : memref<1x16x64xf32, #tpu.memory_space<vmem>> -> memref<16x64xf32, #tpu.memory_space<vmem>>
          %dma_start3A_2196 = arith.constant 8 : i32
          %dma_start3A_2197 = arith.constant 0 : i32
          %dma_start3A_2198 = tpu.memref_slice %dma_start3A_2195[%dma_start3A_2196, %dma_start3A_2197] : memref<16x64xf32, #tpu.memory_space<vmem>> -> memref<1x64xf32, #tpu.memory_space<vmem>>
          %dma_start3A_2199 = arith.constant 0 : i32
          %dma_start3A_2200 = tpu.memref_slice %arg5[%squeeze3A_2190, %dma_start3A_2199] : memref<1000000x64xf32, #tpu.memory_space<hbm>> -> memref<1x64xf32, #tpu.memory_space<hbm>>
          %dma_start3A_2201 = arith.constant 0 : i32
          %dma_start3A_2202 = arith.constant 0 : i32
          %dma_start3A_2203 = tpu.memref_slice %arg11[%dma_start3A_2191, %dma_start3A_2201, %dma_start3A_2202] : memref<2x16x64xf32, #tpu.memory_space<vmem>> -> memref<1x16x64xf32, #tpu.memory_space<vmem>>
          %dma_start3A_2204 = tpu.memref_squeeze %dma_start3A_2203 : memref<1x16x64xf32, #tpu.memory_space<vmem>> -> memref<16x64xf32, #tpu.memory_space<vmem>>
          %dma_start3A_2205 = arith.constant 8 : i32
          %dma_start3A_2206 = arith.constant 0 : i32
          %dma_start3A_2207 = tpu.memref_slice %dma_start3A_2204[%dma_start3A_2205, %dma_start3A_2206] : memref<16x64xf32, #tpu.memory_space<vmem>> -> memref<1x64xf32, #tpu.memory_space<vmem>>
          %dma_start3A_2208 = arith.constant 0 : i32
          %dma_start3A_2209 = tpu.memref_slice %arg5[%squeeze3A_2190, %dma_start3A_2208] : memref<1000000x64xf32, #tpu.memory_space<hbm>> -> memref<1x64xf32, #tpu.memory_space<hbm>>
          tpu.enqueue_dma source(%dma_start3A_2209 : memref<1x64xf32, #tpu.memory_space<hbm>>) target(%dma_start3A_2207 : memref<1x64xf32, #tpu.memory_space<vmem>>) target_semaphore(%arg15 : memref<!tpu.dma_semaphore, #tpu.memory_space<semaphore_mem>>)
          %slice3A_2210 = vector.extract_strided_slice %get3A_1829 {offsets = [9], sizes = [1], strides = [1]} : vector<16xi32> to vector<1xi32>
          %squeeze3A_2211 = vector.extract %slice3A_2210[0] : i32 from vector<1xi32>
          %dma_start3A_2212 = arith.constant 1 : i32
          %dma_start3A_2213 = arith.constant 0 : i32
          %dma_start3A_2214 = arith.constant 0 : i32
          %dma_start3A_2215 = tpu.memref_slice %arg10[%dma_start3A_2212, %dma_start3A_2213, %dma_start3A_2214] : memref<2x16x64xf32, #tpu.memory_space<vmem>> -> memref<1x16x64xf32, #tpu.memory_space<vmem>>
          %dma_start3A_2216 = tpu.memref_squeeze %dma_start3A_2215 : memref<1x16x64xf32, #tpu.memory_space<vmem>> -> memref<16x64xf32, #tpu.memory_space<vmem>>
          %dma_start3A_2217 = arith.constant 9 : i32
          %dma_start3A_2218 = arith.constant 0 : i32
          %dma_start3A_2219 = tpu.memref_slice %dma_start3A_2216[%dma_start3A_2217, %dma_start3A_2218] : memref<16x64xf32, #tpu.memory_space<vmem>> -> memref<1x64xf32, #tpu.memory_space<vmem>>
          %dma_start3A_2220 = arith.constant 0 : i32
          %dma_start3A_2221 = tpu.memref_slice %arg4[%squeeze3A_2211, %dma_start3A_2220] : memref<1000000x64xf32, #tpu.memory_space<hbm>> -> memref<1x64xf32, #tpu.memory_space<hbm>>
          %dma_start3A_2222 = arith.constant 0 : i32
          %dma_start3A_2223 = arith.constant 0 : i32
          %dma_start3A_2224 = tpu.memref_slice %arg10[%dma_start3A_2212, %dma_start3A_2222, %dma_start3A_2223] : memref<2x16x64xf32, #tpu.memory_space<vmem>> -> memref<1x16x64xf32, #tpu.memory_space<vmem>>
          %dma_start3A_2225 = tpu.memref_squeeze %dma_start3A_2224 : memref<1x16x64xf32, #tpu.memory_space<vmem>> -> memref<16x64xf32, #tpu.memory_space<vmem>>
          %dma_start3A_2226 = arith.constant 9 : i32
          %dma_start3A_2227 = arith.constant 0 : i32
          %dma_start3A_2228 = tpu.memref_slice %dma_start3A_2225[%dma_start3A_2226, %dma_start3A_2227] : memref<16x64xf32, #tpu.memory_space<vmem>> -> memref<1x64xf32, #tpu.memory_space<vmem>>
          %dma_start3A_2229 = arith.constant 0 : i32
          %dma_start3A_2230 = tpu.memref_slice %arg4[%squeeze3A_2211, %dma_start3A_2229] : memref<1000000x64xf32, #tpu.memory_space<hbm>> -> memref<1x64xf32, #tpu.memory_space<hbm>>
          tpu.enqueue_dma source(%dma_start3A_2230 : memref<1x64xf32, #tpu.memory_space<hbm>>) target(%dma_start3A_2228 : memref<1x64xf32, #tpu.memory_space<vmem>>) target_semaphore(%arg15 : memref<!tpu.dma_semaphore, #tpu.memory_space<semaphore_mem>>)
          %slice3A_2231 = vector.extract_strided_slice %get3A_1831 {offsets = [9], sizes = [1], strides = [1]} : vector<16xi32> to vector<1xi32>
          %squeeze3A_2232 = vector.extract %slice3A_2231[0] : i32 from vector<1xi32>
          %dma_start3A_2233 = arith.constant 1 : i32
          %dma_start3A_2234 = arith.constant 0 : i32
          %dma_start3A_2235 = arith.constant 0 : i32
          %dma_start3A_2236 = tpu.memref_slice %arg11[%dma_start3A_2233, %dma_start3A_2234, %dma_start3A_2235] : memref<2x16x64xf32, #tpu.memory_space<vmem>> -> memref<1x16x64xf32, #tpu.memory_space<vmem>>
          %dma_start3A_2237 = tpu.memref_squeeze %dma_start3A_2236 : memref<1x16x64xf32, #tpu.memory_space<vmem>> -> memref<16x64xf32, #tpu.memory_space<vmem>>
          %dma_start3A_2238 = arith.constant 9 : i32
          %dma_start3A_2239 = arith.constant 0 : i32
          %dma_start3A_2240 = tpu.memref_slice %dma_start3A_2237[%dma_start3A_2238, %dma_start3A_2239] : memref<16x64xf32, #tpu.memory_space<vmem>> -> memref<1x64xf32, #tpu.memory_space<vmem>>
          %dma_start3A_2241 = arith.constant 0 : i32
          %dma_start3A_2242 = tpu.memref_slice %arg5[%squeeze3A_2232, %dma_start3A_2241] : memref<1000000x64xf32, #tpu.memory_space<hbm>> -> memref<1x64xf32, #tpu.memory_space<hbm>>
          %dma_start3A_2243 = arith.constant 0 : i32
          %dma_start3A_2244 = arith.constant 0 : i32
          %dma_start3A_2245 = tpu.memref_slice %arg11[%dma_start3A_2233, %dma_start3A_2243, %dma_start3A_2244] : memref<2x16x64xf32, #tpu.memory_space<vmem>> -> memref<1x16x64xf32, #tpu.memory_space<vmem>>
          %dma_start3A_2246 = tpu.memref_squeeze %dma_start3A_2245 : memref<1x16x64xf32, #tpu.memory_space<vmem>> -> memref<16x64xf32, #tpu.memory_space<vmem>>
          %dma_start3A_2247 = arith.constant 9 : i32
          %dma_start3A_2248 = arith.constant 0 : i32
          %dma_start3A_2249 = tpu.memref_slice %dma_start3A_2246[%dma_start3A_2247, %dma_start3A_2248] : memref<16x64xf32, #tpu.memory_space<vmem>> -> memref<1x64xf32, #tpu.memory_space<vmem>>
          %dma_start3A_2250 = arith.constant 0 : i32
          %dma_start3A_2251 = tpu.memref_slice %arg5[%squeeze3A_2232, %dma_start3A_2250] : memref<1000000x64xf32, #tpu.memory_space<hbm>> -> memref<1x64xf32, #tpu.memory_space<hbm>>
          tpu.enqueue_dma source(%dma_start3A_2251 : memref<1x64xf32, #tpu.memory_space<hbm>>) target(%dma_start3A_2249 : memref<1x64xf32, #tpu.memory_space<vmem>>) target_semaphore(%arg15 : memref<!tpu.dma_semaphore, #tpu.memory_space<semaphore_mem>>)
          %slice3A_2252 = vector.extract_strided_slice %get3A_1829 {offsets = [10], sizes = [1], strides = [1]} : vector<16xi32> to vector<1xi32>
          %squeeze3A_2253 = vector.extract %slice3A_2252[0] : i32 from vector<1xi32>
          %dma_start3A_2254 = arith.constant 1 : i32
          %dma_start3A_2255 = arith.constant 0 : i32
          %dma_start3A_2256 = arith.constant 0 : i32
          %dma_start3A_2257 = tpu.memref_slice %arg10[%dma_start3A_2254, %dma_start3A_2255, %dma_start3A_2256] : memref<2x16x64xf32, #tpu.memory_space<vmem>> -> memref<1x16x64xf32, #tpu.memory_space<vmem>>
          %dma_start3A_2258 = tpu.memref_squeeze %dma_start3A_2257 : memref<1x16x64xf32, #tpu.memory_space<vmem>> -> memref<16x64xf32, #tpu.memory_space<vmem>>
          %dma_start3A_2259 = arith.constant 10 : i32
          %dma_start3A_2260 = arith.constant 0 : i32
          %dma_start3A_2261 = tpu.memref_slice %dma_start3A_2258[%dma_start3A_2259, %dma_start3A_2260] : memref<16x64xf32, #tpu.memory_space<vmem>> -> memref<1x64xf32, #tpu.memory_space<vmem>>
          %dma_start3A_2262 = arith.constant 0 : i32
          %dma_start3A_2263 = tpu.memref_slice %arg4[%squeeze3A_2253, %dma_start3A_2262] : memref<1000000x64xf32, #tpu.memory_space<hbm>> -> memref<1x64xf32, #tpu.memory_space<hbm>>
          %dma_start3A_2264 = arith.constant 0 : i32
          %dma_start3A_2265 = arith.constant 0 : i32
          %dma_start3A_2266 = tpu.memref_slice %arg10[%dma_start3A_2254, %dma_start3A_2264, %dma_start3A_2265] : memref<2x16x64xf32, #tpu.memory_space<vmem>> -> memref<1x16x64xf32, #tpu.memory_space<vmem>>
          %dma_start3A_2267 = tpu.memref_squeeze %dma_start3A_2266 : memref<1x16x64xf32, #tpu.memory_space<vmem>> -> memref<16x64xf32, #tpu.memory_space<vmem>>
          %dma_start3A_2268 = arith.constant 10 : i32
          %dma_start3A_2269 = arith.constant 0 : i32
          %dma_start3A_2270 = tpu.memref_slice %dma_start3A_2267[%dma_start3A_2268, %dma_start3A_2269] : memref<16x64xf32, #tpu.memory_space<vmem>> -> memref<1x64xf32, #tpu.memory_space<vmem>>
          %dma_start3A_2271 = arith.constant 0 : i32
          %dma_start3A_2272 = tpu.memref_slice %arg4[%squeeze3A_2253, %dma_start3A_2271] : memref<1000000x64xf32, #tpu.memory_space<hbm>> -> memref<1x64xf32, #tpu.memory_space<hbm>>
          tpu.enqueue_dma source(%dma_start3A_2272 : memref<1x64xf32, #tpu.memory_space<hbm>>) target(%dma_start3A_2270 : memref<1x64xf32, #tpu.memory_space<vmem>>) target_semaphore(%arg15 : memref<!tpu.dma_semaphore, #tpu.memory_space<semaphore_mem>>)
          %slice3A_2273 = vector.extract_strided_slice %get3A_1831 {offsets = [10], sizes = [1], strides = [1]} : vector<16xi32> to vector<1xi32>
          %squeeze3A_2274 = vector.extract %slice3A_2273[0] : i32 from vector<1xi32>
          %dma_start3A_2275 = arith.constant 1 : i32
          %dma_start3A_2276 = arith.constant 0 : i32
          %dma_start3A_2277 = arith.constant 0 : i32
          %dma_start3A_2278 = tpu.memref_slice %arg11[%dma_start3A_2275, %dma_start3A_2276, %dma_start3A_2277] : memref<2x16x64xf32, #tpu.memory_space<vmem>> -> memref<1x16x64xf32, #tpu.memory_space<vmem>>
          %dma_start3A_2279 = tpu.memref_squeeze %dma_start3A_2278 : memref<1x16x64xf32, #tpu.memory_space<vmem>> -> memref<16x64xf32, #tpu.memory_space<vmem>>
          %dma_start3A_2280 = arith.constant 10 : i32
          %dma_start3A_2281 = arith.constant 0 : i32
          %dma_start3A_2282 = tpu.memref_slice %dma_start3A_2279[%dma_start3A_2280, %dma_start3A_2281] : memref<16x64xf32, #tpu.memory_space<vmem>> -> memref<1x64xf32, #tpu.memory_space<vmem>>
          %dma_start3A_2283 = arith.constant 0 : i32
          %dma_start3A_2284 = tpu.memref_slice %arg5[%squeeze3A_2274, %dma_start3A_2283] : memref<1000000x64xf32, #tpu.memory_space<hbm>> -> memref<1x64xf32, #tpu.memory_space<hbm>>
          %dma_start3A_2285 = arith.constant 0 : i32
          %dma_start3A_2286 = arith.constant 0 : i32
          %dma_start3A_2287 = tpu.memref_slice %arg11[%dma_start3A_2275, %dma_start3A_2285, %dma_start3A_2286] : memref<2x16x64xf32, #tpu.memory_space<vmem>> -> memref<1x16x64xf32, #tpu.memory_space<vmem>>
          %dma_start3A_2288 = tpu.memref_squeeze %dma_start3A_2287 : memref<1x16x64xf32, #tpu.memory_space<vmem>> -> memref<16x64xf32, #tpu.memory_space<vmem>>
          %dma_start3A_2289 = arith.constant 10 : i32
          %dma_start3A_2290 = arith.constant 0 : i32
          %dma_start3A_2291 = tpu.memref_slice %dma_start3A_2288[%dma_start3A_2289, %dma_start3A_2290] : memref<16x64xf32, #tpu.memory_space<vmem>> -> memref<1x64xf32, #tpu.memory_space<vmem>>
          %dma_start3A_2292 = arith.constant 0 : i32
          %dma_start3A_2293 = tpu.memref_slice %arg5[%squeeze3A_2274, %dma_start3A_2292] : memref<1000000x64xf32, #tpu.memory_space<hbm>> -> memref<1x64xf32, #tpu.memory_space<hbm>>
          tpu.enqueue_dma source(%dma_start3A_2293 : memref<1x64xf32, #tpu.memory_space<hbm>>) target(%dma_start3A_2291 : memref<1x64xf32, #tpu.memory_space<vmem>>) target_semaphore(%arg15 : memref<!tpu.dma_semaphore, #tpu.memory_space<semaphore_mem>>)
          %slice3A_2294 = vector.extract_strided_slice %get3A_1829 {offsets = [11], sizes = [1], strides = [1]} : vector<16xi32> to vector<1xi32>
          %squeeze3A_2295 = vector.extract %slice3A_2294[0] : i32 from vector<1xi32>
          %dma_start3A_2296 = arith.constant 1 : i32
          %dma_start3A_2297 = arith.constant 0 : i32
          %dma_start3A_2298 = arith.constant 0 : i32
          %dma_start3A_2299 = tpu.memref_slice %arg10[%dma_start3A_2296, %dma_start3A_2297, %dma_start3A_2298] : memref<2x16x64xf32, #tpu.memory_space<vmem>> -> memref<1x16x64xf32, #tpu.memory_space<vmem>>
          %dma_start3A_2300 = tpu.memref_squeeze %dma_start3A_2299 : memref<1x16x64xf32, #tpu.memory_space<vmem>> -> memref<16x64xf32, #tpu.memory_space<vmem>>
          %dma_start3A_2301 = arith.constant 11 : i32
          %dma_start3A_2302 = arith.constant 0 : i32
          %dma_start3A_2303 = tpu.memref_slice %dma_start3A_2300[%dma_start3A_2301, %dma_start3A_2302] : memref<16x64xf32, #tpu.memory_space<vmem>> -> memref<1x64xf32, #tpu.memory_space<vmem>>
          %dma_start3A_2304 = arith.constant 0 : i32
          %dma_start3A_2305 = tpu.memref_slice %arg4[%squeeze3A_2295, %dma_start3A_2304] : memref<1000000x64xf32, #tpu.memory_space<hbm>> -> memref<1x64xf32, #tpu.memory_space<hbm>>
          %dma_start3A_2306 = arith.constant 0 : i32
          %dma_start3A_2307 = arith.constant 0 : i32
          %dma_start3A_2308 = tpu.memref_slice %arg10[%dma_start3A_2296, %dma_start3A_2306, %dma_start3A_2307] : memref<2x16x64xf32, #tpu.memory_space<vmem>> -> memref<1x16x64xf32, #tpu.memory_space<vmem>>
          %dma_start3A_2309 = tpu.memref_squeeze %dma_start3A_2308 : memref<1x16x64xf32, #tpu.memory_space<vmem>> -> memref<16x64xf32, #tpu.memory_space<vmem>>
          %dma_start3A_2310 = arith.constant 11 : i32
          %dma_start3A_2311 = arith.constant 0 : i32
          %dma_start3A_2312 = tpu.memref_slice %dma_start3A_2309[%dma_start3A_2310, %dma_start3A_2311] : memref<16x64xf32, #tpu.memory_space<vmem>> -> memref<1x64xf32, #tpu.memory_space<vmem>>
          %dma_start3A_2313 = arith.constant 0 : i32
          %dma_start3A_2314 = tpu.memref_slice %arg4[%squeeze3A_2295, %dma_start3A_2313] : memref<1000000x64xf32, #tpu.memory_space<hbm>> -> memref<1x64xf32, #tpu.memory_space<hbm>>
          tpu.enqueue_dma source(%dma_start3A_2314 : memref<1x64xf32, #tpu.memory_space<hbm>>) target(%dma_start3A_2312 : memref<1x64xf32, #tpu.memory_space<vmem>>) target_semaphore(%arg15 : memref<!tpu.dma_semaphore, #tpu.memory_space<semaphore_mem>>)
          %slice3A_2315 = vector.extract_strided_slice %get3A_1831 {offsets = [11], sizes = [1], strides = [1]} : vector<16xi32> to vector<1xi32>
          %squeeze3A_2316 = vector.extract %slice3A_2315[0] : i32 from vector<1xi32>
          %dma_start3A_2317 = arith.constant 1 : i32
          %dma_start3A_2318 = arith.constant 0 : i32
          %dma_start3A_2319 = arith.constant 0 : i32
          %dma_start3A_2320 = tpu.memref_slice %arg11[%dma_start3A_2317, %dma_start3A_2318, %dma_start3A_2319] : memref<2x16x64xf32, #tpu.memory_space<vmem>> -> memref<1x16x64xf32, #tpu.memory_space<vmem>>
          %dma_start3A_2321 = tpu.memref_squeeze %dma_start3A_2320 : memref<1x16x64xf32, #tpu.memory_space<vmem>> -> memref<16x64xf32, #tpu.memory_space<vmem>>
          %dma_start3A_2322 = arith.constant 11 : i32
          %dma_start3A_2323 = arith.constant 0 : i32
          %dma_start3A_2324 = tpu.memref_slice %dma_start3A_2321[%dma_start3A_2322, %dma_start3A_2323] : memref<16x64xf32, #tpu.memory_space<vmem>> -> memref<1x64xf32, #tpu.memory_space<vmem>>
          %dma_start3A_2325 = arith.constant 0 : i32
          %dma_start3A_2326 = tpu.memref_slice %arg5[%squeeze3A_2316, %dma_start3A_2325] : memref<1000000x64xf32, #tpu.memory_space<hbm>> -> memref<1x64xf32, #tpu.memory_space<hbm>>
          %dma_start3A_2327 = arith.constant 0 : i32
          %dma_start3A_2328 = arith.constant 0 : i32
          %dma_start3A_2329 = tpu.memref_slice %arg11[%dma_start3A_2317, %dma_start3A_2327, %dma_start3A_2328] : memref<2x16x64xf32, #tpu.memory_space<vmem>> -> memref<1x16x64xf32, #tpu.memory_space<vmem>>
          %dma_start3A_2330 = tpu.memref_squeeze %dma_start3A_2329 : memref<1x16x64xf32, #tpu.memory_space<vmem>> -> memref<16x64xf32, #tpu.memory_space<vmem>>
          %dma_start3A_2331 = arith.constant 11 : i32
          %dma_start3A_2332 = arith.constant 0 : i32
          %dma_start3A_2333 = tpu.memref_slice %dma_start3A_2330[%dma_start3A_2331, %dma_start3A_2332] : memref<16x64xf32, #tpu.memory_space<vmem>> -> memref<1x64xf32, #tpu.memory_space<vmem>>
          %dma_start3A_2334 = arith.constant 0 : i32
          %dma_start3A_2335 = tpu.memref_slice %arg5[%squeeze3A_2316, %dma_start3A_2334] : memref<1000000x64xf32, #tpu.memory_space<hbm>> -> memref<1x64xf32, #tpu.memory_space<hbm>>
          tpu.enqueue_dma source(%dma_start3A_2335 : memref<1x64xf32, #tpu.memory_space<hbm>>) target(%dma_start3A_2333 : memref<1x64xf32, #tpu.memory_space<vmem>>) target_semaphore(%arg15 : memref<!tpu.dma_semaphore, #tpu.memory_space<semaphore_mem>>)
          %slice3A_2336 = vector.extract_strided_slice %get3A_1829 {offsets = [12], sizes = [1], strides = [1]} : vector<16xi32> to vector<1xi32>
          %squeeze3A_2337 = vector.extract %slice3A_2336[0] : i32 from vector<1xi32>
          %dma_start3A_2338 = arith.constant 1 : i32
          %dma_start3A_2339 = arith.constant 0 : i32
          %dma_start3A_2340 = arith.constant 0 : i32
          %dma_start3A_2341 = tpu.memref_slice %arg10[%dma_start3A_2338, %dma_start3A_2339, %dma_start3A_2340] : memref<2x16x64xf32, #tpu.memory_space<vmem>> -> memref<1x16x64xf32, #tpu.memory_space<vmem>>
          %dma_start3A_2342 = tpu.memref_squeeze %dma_start3A_2341 : memref<1x16x64xf32, #tpu.memory_space<vmem>> -> memref<16x64xf32, #tpu.memory_space<vmem>>
          %dma_start3A_2343 = arith.constant 12 : i32
          %dma_start3A_2344 = arith.constant 0 : i32
          %dma_start3A_2345 = tpu.memref_slice %dma_start3A_2342[%dma_start3A_2343, %dma_start3A_2344] : memref<16x64xf32, #tpu.memory_space<vmem>> -> memref<1x64xf32, #tpu.memory_space<vmem>>
          %dma_start3A_2346 = arith.constant 0 : i32
          %dma_start3A_2347 = tpu.memref_slice %arg4[%squeeze3A_2337, %dma_start3A_2346] : memref<1000000x64xf32, #tpu.memory_space<hbm>> -> memref<1x64xf32, #tpu.memory_space<hbm>>
          %dma_start3A_2348 = arith.constant 0 : i32
          %dma_start3A_2349 = arith.constant 0 : i32
          %dma_start3A_2350 = tpu.memref_slice %arg10[%dma_start3A_2338, %dma_start3A_2348, %dma_start3A_2349] : memref<2x16x64xf32, #tpu.memory_space<vmem>> -> memref<1x16x64xf32, #tpu.memory_space<vmem>>
          %dma_start3A_2351 = tpu.memref_squeeze %dma_start3A_2350 : memref<1x16x64xf32, #tpu.memory_space<vmem>> -> memref<16x64xf32, #tpu.memory_space<vmem>>
          %dma_start3A_2352 = arith.constant 12 : i32
          %dma_start3A_2353 = arith.constant 0 : i32
          %dma_start3A_2354 = tpu.memref_slice %dma_start3A_2351[%dma_start3A_2352, %dma_start3A_2353] : memref<16x64xf32, #tpu.memory_space<vmem>> -> memref<1x64xf32, #tpu.memory_space<vmem>>
          %dma_start3A_2355 = arith.constant 0 : i32
          %dma_start3A_2356 = tpu.memref_slice %arg4[%squeeze3A_2337, %dma_start3A_2355] : memref<1000000x64xf32, #tpu.memory_space<hbm>> -> memref<1x64xf32, #tpu.memory_space<hbm>>
          tpu.enqueue_dma source(%dma_start3A_2356 : memref<1x64xf32, #tpu.memory_space<hbm>>) target(%dma_start3A_2354 : memref<1x64xf32, #tpu.memory_space<vmem>>) target_semaphore(%arg15 : memref<!tpu.dma_semaphore, #tpu.memory_space<semaphore_mem>>)
          %slice3A_2357 = vector.extract_strided_slice %get3A_1831 {offsets = [12], sizes = [1], strides = [1]} : vector<16xi32> to vector<1xi32>
          %squeeze3A_2358 = vector.extract %slice3A_2357[0] : i32 from vector<1xi32>
          %dma_start3A_2359 = arith.constant 1 : i32
          %dma_start3A_2360 = arith.constant 0 : i32
          %dma_start3A_2361 = arith.constant 0 : i32
          %dma_start3A_2362 = tpu.memref_slice %arg11[%dma_start3A_2359, %dma_start3A_2360, %dma_start3A_2361] : memref<2x16x64xf32, #tpu.memory_space<vmem>> -> memref<1x16x64xf32, #tpu.memory_space<vmem>>
          %dma_start3A_2363 = tpu.memref_squeeze %dma_start3A_2362 : memref<1x16x64xf32, #tpu.memory_space<vmem>> -> memref<16x64xf32, #tpu.memory_space<vmem>>
          %dma_start3A_2364 = arith.constant 12 : i32
          %dma_start3A_2365 = arith.constant 0 : i32
          %dma_start3A_2366 = tpu.memref_slice %dma_start3A_2363[%dma_start3A_2364, %dma_start3A_2365] : memref<16x64xf32, #tpu.memory_space<vmem>> -> memref<1x64xf32, #tpu.memory_space<vmem>>
          %dma_start3A_2367 = arith.constant 0 : i32
          %dma_start3A_2368 = tpu.memref_slice %arg5[%squeeze3A_2358, %dma_start3A_2367] : memref<1000000x64xf32, #tpu.memory_space<hbm>> -> memref<1x64xf32, #tpu.memory_space<hbm>>
          %dma_start3A_2369 = arith.constant 0 : i32
          %dma_start3A_2370 = arith.constant 0 : i32
          %dma_start3A_2371 = tpu.memref_slice %arg11[%dma_start3A_2359, %dma_start3A_2369, %dma_start3A_2370] : memref<2x16x64xf32, #tpu.memory_space<vmem>> -> memref<1x16x64xf32, #tpu.memory_space<vmem>>
          %dma_start3A_2372 = tpu.memref_squeeze %dma_start3A_2371 : memref<1x16x64xf32, #tpu.memory_space<vmem>> -> memref<16x64xf32, #tpu.memory_space<vmem>>
          %dma_start3A_2373 = arith.constant 12 : i32
          %dma_start3A_2374 = arith.constant 0 : i32
          %dma_start3A_2375 = tpu.memref_slice %dma_start3A_2372[%dma_start3A_2373, %dma_start3A_2374] : memref<16x64xf32, #tpu.memory_space<vmem>> -> memref<1x64xf32, #tpu.memory_space<vmem>>
          %dma_start3A_2376 = arith.constant 0 : i32
          %dma_start3A_2377 = tpu.memref_slice %arg5[%squeeze3A_2358, %dma_start3A_2376] : memref<1000000x64xf32, #tpu.memory_space<hbm>> -> memref<1x64xf32, #tpu.memory_space<hbm>>
          tpu.enqueue_dma source(%dma_start3A_2377 : memref<1x64xf32, #tpu.memory_space<hbm>>) target(%dma_start3A_2375 : memref<1x64xf32, #tpu.memory_space<vmem>>) target_semaphore(%arg15 : memref<!tpu.dma_semaphore, #tpu.memory_space<semaphore_mem>>)
          %slice3A_2378 = vector.extract_strided_slice %get3A_1829 {offsets = [13], sizes = [1], strides = [1]} : vector<16xi32> to vector<1xi32>
          %squeeze3A_2379 = vector.extract %slice3A_2378[0] : i32 from vector<1xi32>
          %dma_start3A_2380 = arith.constant 1 : i32
          %dma_start3A_2381 = arith.constant 0 : i32
          %dma_start3A_2382 = arith.constant 0 : i32
          %dma_start3A_2383 = tpu.memref_slice %arg10[%dma_start3A_2380, %dma_start3A_2381, %dma_start3A_2382] : memref<2x16x64xf32, #tpu.memory_space<vmem>> -> memref<1x16x64xf32, #tpu.memory_space<vmem>>
          %dma_start3A_2384 = tpu.memref_squeeze %dma_start3A_2383 : memref<1x16x64xf32, #tpu.memory_space<vmem>> -> memref<16x64xf32, #tpu.memory_space<vmem>>
          %dma_start3A_2385 = arith.constant 13 : i32
          %dma_start3A_2386 = arith.constant 0 : i32
          %dma_start3A_2387 = tpu.memref_slice %dma_start3A_2384[%dma_start3A_2385, %dma_start3A_2386] : memref<16x64xf32, #tpu.memory_space<vmem>> -> memref<1x64xf32, #tpu.memory_space<vmem>>
          %dma_start3A_2388 = arith.constant 0 : i32
          %dma_start3A_2389 = tpu.memref_slice %arg4[%squeeze3A_2379, %dma_start3A_2388] : memref<1000000x64xf32, #tpu.memory_space<hbm>> -> memref<1x64xf32, #tpu.memory_space<hbm>>
          %dma_start3A_2390 = arith.constant 0 : i32
          %dma_start3A_2391 = arith.constant 0 : i32
          %dma_start3A_2392 = tpu.memref_slice %arg10[%dma_start3A_2380, %dma_start3A_2390, %dma_start3A_2391] : memref<2x16x64xf32, #tpu.memory_space<vmem>> -> memref<1x16x64xf32, #tpu.memory_space<vmem>>
          %dma_start3A_2393 = tpu.memref_squeeze %dma_start3A_2392 : memref<1x16x64xf32, #tpu.memory_space<vmem>> -> memref<16x64xf32, #tpu.memory_space<vmem>>
          %dma_start3A_2394 = arith.constant 13 : i32
          %dma_start3A_2395 = arith.constant 0 : i32
          %dma_start3A_2396 = tpu.memref_slice %dma_start3A_2393[%dma_start3A_2394, %dma_start3A_2395] : memref<16x64xf32, #tpu.memory_space<vmem>> -> memref<1x64xf32, #tpu.memory_space<vmem>>
          %dma_start3A_2397 = arith.constant 0 : i32
          %dma_start3A_2398 = tpu.memref_slice %arg4[%squeeze3A_2379, %dma_start3A_2397] : memref<1000000x64xf32, #tpu.memory_space<hbm>> -> memref<1x64xf32, #tpu.memory_space<hbm>>
          tpu.enqueue_dma source(%dma_start3A_2398 : memref<1x64xf32, #tpu.memory_space<hbm>>) target(%dma_start3A_2396 : memref<1x64xf32, #tpu.memory_space<vmem>>) target_semaphore(%arg15 : memref<!tpu.dma_semaphore, #tpu.memory_space<semaphore_mem>>)
          %slice3A_2399 = vector.extract_strided_slice %get3A_1831 {offsets = [13], sizes = [1], strides = [1]} : vector<16xi32> to vector<1xi32>
          %squeeze3A_2400 = vector.extract %slice3A_2399[0] : i32 from vector<1xi32>
          %dma_start3A_2401 = arith.constant 1 : i32
          %dma_start3A_2402 = arith.constant 0 : i32
          %dma_start3A_2403 = arith.constant 0 : i32
          %dma_start3A_2404 = tpu.memref_slice %arg11[%dma_start3A_2401, %dma_start3A_2402, %dma_start3A_2403] : memref<2x16x64xf32, #tpu.memory_space<vmem>> -> memref<1x16x64xf32, #tpu.memory_space<vmem>>
          %dma_start3A_2405 = tpu.memref_squeeze %dma_start3A_2404 : memref<1x16x64xf32, #tpu.memory_space<vmem>> -> memref<16x64xf32, #tpu.memory_space<vmem>>
          %dma_start3A_2406 = arith.constant 13 : i32
          %dma_start3A_2407 = arith.constant 0 : i32
          %dma_start3A_2408 = tpu.memref_slice %dma_start3A_2405[%dma_start3A_2406, %dma_start3A_2407] : memref<16x64xf32, #tpu.memory_space<vmem>> -> memref<1x64xf32, #tpu.memory_space<vmem>>
          %dma_start3A_2409 = arith.constant 0 : i32
          %dma_start3A_2410 = tpu.memref_slice %arg5[%squeeze3A_2400, %dma_start3A_2409] : memref<1000000x64xf32, #tpu.memory_space<hbm>> -> memref<1x64xf32, #tpu.memory_space<hbm>>
          %dma_start3A_2411 = arith.constant 0 : i32
          %dma_start3A_2412 = arith.constant 0 : i32
          %dma_start3A_2413 = tpu.memref_slice %arg11[%dma_start3A_2401, %dma_start3A_2411, %dma_start3A_2412] : memref<2x16x64xf32, #tpu.memory_space<vmem>> -> memref<1x16x64xf32, #tpu.memory_space<vmem>>
          %dma_start3A_2414 = tpu.memref_squeeze %dma_start3A_2413 : memref<1x16x64xf32, #tpu.memory_space<vmem>> -> memref<16x64xf32, #tpu.memory_space<vmem>>
          %dma_start3A_2415 = arith.constant 13 : i32
          %dma_start3A_2416 = arith.constant 0 : i32
          %dma_start3A_2417 = tpu.memref_slice %dma_start3A_2414[%dma_start3A_2415, %dma_start3A_2416] : memref<16x64xf32, #tpu.memory_space<vmem>> -> memref<1x64xf32, #tpu.memory_space<vmem>>
          %dma_start3A_2418 = arith.constant 0 : i32
          %dma_start3A_2419 = tpu.memref_slice %arg5[%squeeze3A_2400, %dma_start3A_2418] : memref<1000000x64xf32, #tpu.memory_space<hbm>> -> memref<1x64xf32, #tpu.memory_space<hbm>>
          tpu.enqueue_dma source(%dma_start3A_2419 : memref<1x64xf32, #tpu.memory_space<hbm>>) target(%dma_start3A_2417 : memref<1x64xf32, #tpu.memory_space<vmem>>) target_semaphore(%arg15 : memref<!tpu.dma_semaphore, #tpu.memory_space<semaphore_mem>>)
          %slice3A_2420 = vector.extract_strided_slice %get3A_1829 {offsets = [14], sizes = [1], strides = [1]} : vector<16xi32> to vector<1xi32>
          %squeeze3A_2421 = vector.extract %slice3A_2420[0] : i32 from vector<1xi32>
          %dma_start3A_2422 = arith.constant 1 : i32
          %dma_start3A_2423 = arith.constant 0 : i32
          %dma_start3A_2424 = arith.constant 0 : i32
          %dma_start3A_2425 = tpu.memref_slice %arg10[%dma_start3A_2422, %dma_start3A_2423, %dma_start3A_2424] : memref<2x16x64xf32, #tpu.memory_space<vmem>> -> memref<1x16x64xf32, #tpu.memory_space<vmem>>
          %dma_start3A_2426 = tpu.memref_squeeze %dma_start3A_2425 : memref<1x16x64xf32, #tpu.memory_space<vmem>> -> memref<16x64xf32, #tpu.memory_space<vmem>>
          %dma_start3A_2427 = arith.constant 14 : i32
          %dma_start3A_2428 = arith.constant 0 : i32
          %dma_start3A_2429 = tpu.memref_slice %dma_start3A_2426[%dma_start3A_2427, %dma_start3A_2428] : memref<16x64xf32, #tpu.memory_space<vmem>> -> memref<1x64xf32, #tpu.memory_space<vmem>>
          %dma_start3A_2430 = arith.constant 0 : i32
          %dma_start3A_2431 = tpu.memref_slice %arg4[%squeeze3A_2421, %dma_start3A_2430] : memref<1000000x64xf32, #tpu.memory_space<hbm>> -> memref<1x64xf32, #tpu.memory_space<hbm>>
          %dma_start3A_2432 = arith.constant 0 : i32
          %dma_start3A_2433 = arith.constant 0 : i32
          %dma_start3A_2434 = tpu.memref_slice %arg10[%dma_start3A_2422, %dma_start3A_2432, %dma_start3A_2433] : memref<2x16x64xf32, #tpu.memory_space<vmem>> -> memref<1x16x64xf32, #tpu.memory_space<vmem>>
          %dma_start3A_2435 = tpu.memref_squeeze %dma_start3A_2434 : memref<1x16x64xf32, #tpu.memory_space<vmem>> -> memref<16x64xf32, #tpu.memory_space<vmem>>
          %dma_start3A_2436 = arith.constant 14 : i32
          %dma_start3A_2437 = arith.constant 0 : i32
          %dma_start3A_2438 = tpu.memref_slice %dma_start3A_2435[%dma_start3A_2436, %dma_start3A_2437] : memref<16x64xf32, #tpu.memory_space<vmem>> -> memref<1x64xf32, #tpu.memory_space<vmem>>
          %dma_start3A_2439 = arith.constant 0 : i32
          %dma_start3A_2440 = tpu.memref_slice %arg4[%squeeze3A_2421, %dma_start3A_2439] : memref<1000000x64xf32, #tpu.memory_space<hbm>> -> memref<1x64xf32, #tpu.memory_space<hbm>>
          tpu.enqueue_dma source(%dma_start3A_2440 : memref<1x64xf32, #tpu.memory_space<hbm>>) target(%dma_start3A_2438 : memref<1x64xf32, #tpu.memory_space<vmem>>) target_semaphore(%arg15 : memref<!tpu.dma_semaphore, #tpu.memory_space<semaphore_mem>>)
          %slice3A_2441 = vector.extract_strided_slice %get3A_1831 {offsets = [14], sizes = [1], strides = [1]} : vector<16xi32> to vector<1xi32>
          %squeeze3A_2442 = vector.extract %slice3A_2441[0] : i32 from vector<1xi32>
          %dma_start3A_2443 = arith.constant 1 : i32
          %dma_start3A_2444 = arith.constant 0 : i32
          %dma_start3A_2445 = arith.constant 0 : i32
          %dma_start3A_2446 = tpu.memref_slice %arg11[%dma_start3A_2443, %dma_start3A_2444, %dma_start3A_2445] : memref<2x16x64xf32, #tpu.memory_space<vmem>> -> memref<1x16x64xf32, #tpu.memory_space<vmem>>
          %dma_start3A_2447 = tpu.memref_squeeze %dma_start3A_2446 : memref<1x16x64xf32, #tpu.memory_space<vmem>> -> memref<16x64xf32, #tpu.memory_space<vmem>>
          %dma_start3A_2448 = arith.constant 14 : i32
          %dma_start3A_2449 = arith.constant 0 : i32
          %dma_start3A_2450 = tpu.memref_slice %dma_start3A_2447[%dma_start3A_2448, %dma_start3A_2449] : memref<16x64xf32, #tpu.memory_space<vmem>> -> memref<1x64xf32, #tpu.memory_space<vmem>>
          %dma_start3A_2451 = arith.constant 0 : i32
          %dma_start3A_2452 = tpu.memref_slice %arg5[%squeeze3A_2442, %dma_start3A_2451] : memref<1000000x64xf32, #tpu.memory_space<hbm>> -> memref<1x64xf32, #tpu.memory_space<hbm>>
          %dma_start3A_2453 = arith.constant 0 : i32
          %dma_start3A_2454 = arith.constant 0 : i32
          %dma_start3A_2455 = tpu.memref_slice %arg11[%dma_start3A_2443, %dma_start3A_2453, %dma_start3A_2454] : memref<2x16x64xf32, #tpu.memory_space<vmem>> -> memref<1x16x64xf32, #tpu.memory_space<vmem>>
          %dma_start3A_2456 = tpu.memref_squeeze %dma_start3A_2455 : memref<1x16x64xf32, #tpu.memory_space<vmem>> -> memref<16x64xf32, #tpu.memory_space<vmem>>
          %dma_start3A_2457 = arith.constant 14 : i32
          %dma_start3A_2458 = arith.constant 0 : i32
          %dma_start3A_2459 = tpu.memref_slice %dma_start3A_2456[%dma_start3A_2457, %dma_start3A_2458] : memref<16x64xf32, #tpu.memory_space<vmem>> -> memref<1x64xf32, #tpu.memory_space<vmem>>
          %dma_start3A_2460 = arith.constant 0 : i32
          %dma_start3A_2461 = tpu.memref_slice %arg5[%squeeze3A_2442, %dma_start3A_2460] : memref<1000000x64xf32, #tpu.memory_space<hbm>> -> memref<1x64xf32, #tpu.memory_space<hbm>>
          tpu.enqueue_dma source(%dma_start3A_2461 : memref<1x64xf32, #tpu.memory_space<hbm>>) target(%dma_start3A_2459 : memref<1x64xf32, #tpu.memory_space<vmem>>) target_semaphore(%arg15 : memref<!tpu.dma_semaphore, #tpu.memory_space<semaphore_mem>>)
          %slice3A_2462 = vector.extract_strided_slice %get3A_1829 {offsets = [15], sizes = [1], strides = [1]} : vector<16xi32> to vector<1xi32>
          %squeeze3A_2463 = vector.extract %slice3A_2462[0] : i32 from vector<1xi32>
          %dma_start3A_2464 = arith.constant 1 : i32
          %dma_start3A_2465 = arith.constant 0 : i32
          %dma_start3A_2466 = arith.constant 0 : i32
          %dma_start3A_2467 = tpu.memref_slice %arg10[%dma_start3A_2464, %dma_start3A_2465, %dma_start3A_2466] : memref<2x16x64xf32, #tpu.memory_space<vmem>> -> memref<1x16x64xf32, #tpu.memory_space<vmem>>
          %dma_start3A_2468 = tpu.memref_squeeze %dma_start3A_2467 : memref<1x16x64xf32, #tpu.memory_space<vmem>> -> memref<16x64xf32, #tpu.memory_space<vmem>>
          %dma_start3A_2469 = arith.constant 15 : i32
          %dma_start3A_2470 = arith.constant 0 : i32
          %dma_start3A_2471 = tpu.memref_slice %dma_start3A_2468[%dma_start3A_2469, %dma_start3A_2470] : memref<16x64xf32, #tpu.memory_space<vmem>> -> memref<1x64xf32, #tpu.memory_space<vmem>>
          %dma_start3A_2472 = arith.constant 0 : i32
          %dma_start3A_2473 = tpu.memref_slice %arg4[%squeeze3A_2463, %dma_start3A_2472] : memref<1000000x64xf32, #tpu.memory_space<hbm>> -> memref<1x64xf32, #tpu.memory_space<hbm>>
          %dma_start3A_2474 = arith.constant 0 : i32
          %dma_start3A_2475 = arith.constant 0 : i32
          %dma_start3A_2476 = tpu.memref_slice %arg10[%dma_start3A_2464, %dma_start3A_2474, %dma_start3A_2475] : memref<2x16x64xf32, #tpu.memory_space<vmem>> -> memref<1x16x64xf32, #tpu.memory_space<vmem>>
          %dma_start3A_2477 = tpu.memref_squeeze %dma_start3A_2476 : memref<1x16x64xf32, #tpu.memory_space<vmem>> -> memref<16x64xf32, #tpu.memory_space<vmem>>
          %dma_start3A_2478 = arith.constant 15 : i32
          %dma_start3A_2479 = arith.constant 0 : i32
          %dma_start3A_2480 = tpu.memref_slice %dma_start3A_2477[%dma_start3A_2478, %dma_start3A_2479] : memref<16x64xf32, #tpu.memory_space<vmem>> -> memref<1x64xf32, #tpu.memory_space<vmem>>
          %dma_start3A_2481 = arith.constant 0 : i32
          %dma_start3A_2482 = tpu.memref_slice %arg4[%squeeze3A_2463, %dma_start3A_2481] : memref<1000000x64xf32, #tpu.memory_space<hbm>> -> memref<1x64xf32, #tpu.memory_space<hbm>>
          tpu.enqueue_dma source(%dma_start3A_2482 : memref<1x64xf32, #tpu.memory_space<hbm>>) target(%dma_start3A_2480 : memref<1x64xf32, #tpu.memory_space<vmem>>) target_semaphore(%arg15 : memref<!tpu.dma_semaphore, #tpu.memory_space<semaphore_mem>>)
          %slice3A_2483 = vector.extract_strided_slice %get3A_1831 {offsets = [15], sizes = [1], strides = [1]} : vector<16xi32> to vector<1xi32>
          %squeeze3A_2484 = vector.extract %slice3A_2483[0] : i32 from vector<1xi32>
          %dma_start3A_2485 = arith.constant 1 : i32
          %dma_start3A_2486 = arith.constant 0 : i32
          %dma_start3A_2487 = arith.constant 0 : i32
          %dma_start3A_2488 = tpu.memref_slice %arg11[%dma_start3A_2485, %dma_start3A_2486, %dma_start3A_2487] : memref<2x16x64xf32, #tpu.memory_space<vmem>> -> memref<1x16x64xf32, #tpu.memory_space<vmem>>
          %dma_start3A_2489 = tpu.memref_squeeze %dma_start3A_2488 : memref<1x16x64xf32, #tpu.memory_space<vmem>> -> memref<16x64xf32, #tpu.memory_space<vmem>>
          %dma_start3A_2490 = arith.constant 15 : i32
          %dma_start3A_2491 = arith.constant 0 : i32
          %dma_start3A_2492 = tpu.memref_slice %dma_start3A_2489[%dma_start3A_2490, %dma_start3A_2491] : memref<16x64xf32, #tpu.memory_space<vmem>> -> memref<1x64xf32, #tpu.memory_space<vmem>>
          %dma_start3A_2493 = arith.constant 0 : i32
          %dma_start3A_2494 = tpu.memref_slice %arg5[%squeeze3A_2484, %dma_start3A_2493] : memref<1000000x64xf32, #tpu.memory_space<hbm>> -> memref<1x64xf32, #tpu.memory_space<hbm>>
          %dma_start3A_2495 = arith.constant 0 : i32
          %dma_start3A_2496 = arith.constant 0 : i32
          %dma_start3A_2497 = tpu.memref_slice %arg11[%dma_start3A_2485, %dma_start3A_2495, %dma_start3A_2496] : memref<2x16x64xf32, #tpu.memory_space<vmem>> -> memref<1x16x64xf32, #tpu.memory_space<vmem>>
          %dma_start3A_2498 = tpu.memref_squeeze %dma_start3A_2497 : memref<1x16x64xf32, #tpu.memory_space<vmem>> -> memref<16x64xf32, #tpu.memory_space<vmem>>
          %dma_start3A_2499 = arith.constant 15 : i32
          %dma_start3A_2500 = arith.constant 0 : i32
          %dma_start3A_2501 = tpu.memref_slice %dma_start3A_2498[%dma_start3A_2499, %dma_start3A_2500] : memref<16x64xf32, #tpu.memory_space<vmem>> -> memref<1x64xf32, #tpu.memory_space<vmem>>
          %dma_start3A_2502 = arith.constant 0 : i32
          %dma_start3A_2503 = tpu.memref_slice %arg5[%squeeze3A_2484, %dma_start3A_2502] : memref<1000000x64xf32, #tpu.memory_space<hbm>> -> memref<1x64xf32, #tpu.memory_space<hbm>>
          tpu.enqueue_dma source(%dma_start3A_2503 : memref<1x64xf32, #tpu.memory_space<hbm>>) target(%dma_start3A_2501 : memref<1x64xf32, #tpu.memory_space<vmem>>) target_semaphore(%arg15 : memref<!tpu.dma_semaphore, #tpu.memory_space<semaphore_mem>>)
        } else {
        }
        %dma_wait3A = arith.constant 0 : i32
        %dma_wait3A_752 = arith.constant 0 : i32
        %dma_wait3A_753 = arith.constant 0 : i32
        %dma_wait3A_754 = tpu.memref_slice %arg10[%dma_wait3A, %dma_wait3A_752, %dma_wait3A_753] : memref<2x16x64xf32, #tpu.memory_space<vmem>> -> memref<1x16x64xf32, #tpu.memory_space<vmem>>
        %dma_wait3A_755 = tpu.memref_squeeze %dma_wait3A_754 : memref<1x16x64xf32, #tpu.memory_space<vmem>> -> memref<16x64xf32, #tpu.memory_space<vmem>>
        %dma_wait3A_756 = arith.constant 0 : i32
        %dma_wait3A_757 = arith.constant 0 : i32
        %dma_wait3A_758 = tpu.memref_slice %arg4[%dma_wait3A_756, %dma_wait3A_757] : memref<1000000x64xf32, #tpu.memory_space<hbm>> -> memref<16x64xf32, #tpu.memory_space<hbm>>
        %dma_wait3A_759 = arith.constant 0 : i32
        %dma_wait3A_760 = arith.constant 0 : i32
        %dma_wait3A_761 = tpu.memref_slice %arg10[%dma_wait3A, %dma_wait3A_759, %dma_wait3A_760] : memref<2x16x64xf32, #tpu.memory_space<vmem>> -> memref<1x16x64xf32, #tpu.memory_space<vmem>>
        %dma_wait3A_762 = tpu.memref_squeeze %dma_wait3A_761 : memref<1x16x64xf32, #tpu.memory_space<vmem>> -> memref<16x64xf32, #tpu.memory_space<vmem>>
        %dma_wait3A_763 = arith.constant 0 : i32
        %dma_wait3A_764 = arith.constant 0 : i32
        %dma_wait3A_765 = tpu.memref_slice %arg4[%dma_wait3A_763, %dma_wait3A_764] : memref<1000000x64xf32, #tpu.memory_space<hbm>> -> memref<16x64xf32, #tpu.memory_space<hbm>>
        tpu.wait_dma2 semaphore(%arg14 : memref<!tpu.dma_semaphore, #tpu.memory_space<semaphore_mem>>) src(%dma_wait3A_765 : memref<16x64xf32, #tpu.memory_space<hbm>>) dst(%dma_wait3A_762 : memref<16x64xf32, #tpu.memory_space<vmem>>)
        %dma_wait3A_766 = arith.constant 0 : i32
        %dma_wait3A_767 = arith.constant 0 : i32
        %dma_wait3A_768 = arith.constant 0 : i32
        %dma_wait3A_769 = tpu.memref_slice %arg11[%dma_wait3A_766, %dma_wait3A_767, %dma_wait3A_768] : memref<2x16x64xf32, #tpu.memory_space<vmem>> -> memref<1x16x64xf32, #tpu.memory_space<vmem>>
        %dma_wait3A_770 = tpu.memref_squeeze %dma_wait3A_769 : memref<1x16x64xf32, #tpu.memory_space<vmem>> -> memref<16x64xf32, #tpu.memory_space<vmem>>
        %dma_wait3A_771 = arith.constant 0 : i32
        %dma_wait3A_772 = arith.constant 0 : i32
        %dma_wait3A_773 = tpu.memref_slice %arg5[%dma_wait3A_771, %dma_wait3A_772] : memref<1000000x64xf32, #tpu.memory_space<hbm>> -> memref<16x64xf32, #tpu.memory_space<hbm>>
        %dma_wait3A_774 = arith.constant 0 : i32
        %dma_wait3A_775 = arith.constant 0 : i32
        %dma_wait3A_776 = tpu.memref_slice %arg11[%dma_wait3A_766, %dma_wait3A_774, %dma_wait3A_775] : memref<2x16x64xf32, #tpu.memory_space<vmem>> -> memref<1x16x64xf32, #tpu.memory_space<vmem>>
        %dma_wait3A_777 = tpu.memref_squeeze %dma_wait3A_776 : memref<1x16x64xf32, #tpu.memory_space<vmem>> -> memref<16x64xf32, #tpu.memory_space<vmem>>
        %dma_wait3A_778 = arith.constant 0 : i32
        %dma_wait3A_779 = arith.constant 0 : i32
        %dma_wait3A_780 = tpu.memref_slice %arg5[%dma_wait3A_778, %dma_wait3A_779] : memref<1000000x64xf32, #tpu.memory_space<hbm>> -> memref<16x64xf32, #tpu.memory_space<hbm>>
        tpu.wait_dma2 semaphore(%arg14 : memref<!tpu.dma_semaphore, #tpu.memory_space<semaphore_mem>>) src(%dma_wait3A_780 : memref<16x64xf32, #tpu.memory_space<hbm>>) dst(%dma_wait3A_777 : memref<16x64xf32, #tpu.memory_space<vmem>>)
        %broadcast_in_dim3A = arith.constant 0.000000e+00 : f32
        %broadcast_in_dim3A_781 = vector.broadcast %broadcast_in_dim3A : f32 to vector<16xf32>
        %get3A_782 = arith.constant 0 : i32
        %get3A_783 = arith.constant 0 : i32
        %get3A_784 = arith.index_cast %get3A_782 : i32 to index
        %get3A_785 = arith.index_cast %get3A_783 : i32 to index
        %get3A_786 = arith.constant 0 : index
        %get3A_787 = tpu.vector_load %arg10[%get3A_784, %get3A_785, %get3A_786] {strides = array<i32>} : memref<2x16x64xf32, #tpu.memory_space<vmem>>, vector<16xf32>,
        %get3A_788 = arith.constant 0 : i32
        %get3A_789 = arith.constant 0 : i32
        %get3A_790 = arith.index_cast %get3A_788 : i32 to index
        %get3A_791 = arith.index_cast %get3A_789 : i32 to index
        %get3A_792 = arith.constant 0 : index
        %get3A_793 = tpu.vector_load %arg11[%get3A_790, %get3A_791, %get3A_792] {strides = array<i32>} : memref<2x16x64xf32, #tpu.memory_space<vmem>>, vector<16xf32>,
        %mul3A_794 = arith.mulf %get3A_787, %get3A_793 : vector<16xf32>
        %mul3A_795 = arith.mulf %mul3A_794, %get3A_3 : vector<16xf32>
        %get3A_796 = arith.constant 0 : i32
        %get3A_797 = arith.constant 0 : i32
        %get3A_798 = arith.index_cast %get3A_796 : i32 to index
        %get3A_799 = arith.index_cast %get3A_797 : i32 to index
        %get3A_800 = arith.constant 16 : index
        %get3A_801 = tpu.vector_load %arg10[%get3A_798, %get3A_799, %get3A_800] {strides = array<i32>} : memref<2x16x64xf32, #tpu.memory_space<vmem>>, vector<16xf32>,
        %get3A_802 = arith.constant 0 : i32
        %get3A_803 = arith.constant 0 : i32
        %get3A_804 = arith.index_cast %get3A_802 : i32 to index
        %get3A_805 = arith.index_cast %get3A_803 : i32 to index
        %get3A_806 = arith.constant 16 : index
        %get3A_807 = tpu.vector_load %arg11[%get3A_804, %get3A_805, %get3A_806] {strides = array<i32>} : memref<2x16x64xf32, #tpu.memory_space<vmem>>, vector<16xf32>,
        %mul3A_808 = arith.mulf %get3A_801, %get3A_807 : vector<16xf32>
        %mul3A_809 = arith.mulf %mul3A_808, %get3A_5 : vector<16xf32>
        %add3A_810 = arith.addf %mul3A_795, %mul3A_809 : vector<16xf32>
        %get3A_811 = arith.constant 0 : i32
        %get3A_812 = arith.constant 0 : i32
        %get3A_813 = arith.index_cast %get3A_811 : i32 to index
        %get3A_814 = arith.index_cast %get3A_812 : i32 to index
        %get3A_815 = arith.constant 32 : index
        %get3A_816 = tpu.vector_load %arg10[%get3A_813, %get3A_814, %get3A_815] {strides = array<i32>} : memref<2x16x64xf32, #tpu.memory_space<vmem>>, vector<16xf32>,
        %get3A_817 = arith.constant 0 : i32
        %get3A_818 = arith.constant 0 : i32
        %get3A_819 = arith.index_cast %get3A_817 : i32 to index
        %get3A_820 = arith.index_cast %get3A_818 : i32 to index
        %get3A_821 = arith.constant 32 : index
        %get3A_822 = tpu.vector_load %arg11[%get3A_819, %get3A_820, %get3A_821] {strides = array<i32>} : memref<2x16x64xf32, #tpu.memory_space<vmem>>, vector<16xf32>,
        %mul3A_823 = arith.mulf %get3A_816, %get3A_822 : vector<16xf32>
        %mul3A_824 = arith.mulf %mul3A_823, %get3A_7 : vector<16xf32>
        %add3A_825 = arith.addf %add3A_810, %mul3A_824 : vector<16xf32>
        %get3A_826 = arith.constant 0 : i32
        %get3A_827 = arith.constant 0 : i32
        %get3A_828 = arith.index_cast %get3A_826 : i32 to index
        %get3A_829 = arith.index_cast %get3A_827 : i32 to index
        %get3A_830 = arith.constant 48 : index
        %get3A_831 = tpu.vector_load %arg10[%get3A_828, %get3A_829, %get3A_830] {strides = array<i32>} : memref<2x16x64xf32, #tpu.memory_space<vmem>>, vector<16xf32>,
        %get3A_832 = arith.constant 0 : i32
        %get3A_833 = arith.constant 0 : i32
        %get3A_834 = arith.index_cast %get3A_832 : i32 to index
        %get3A_835 = arith.index_cast %get3A_833 : i32 to index
        %get3A_836 = arith.constant 48 : index
        %get3A_837 = tpu.vector_load %arg11[%get3A_834, %get3A_835, %get3A_836] {strides = array<i32>} : memref<2x16x64xf32, #tpu.memory_space<vmem>>, vector<16xf32>,
        %mul3A_838 = arith.mulf %get3A_831, %get3A_837 : vector<16xf32>
        %mul3A_839 = arith.mulf %mul3A_838, %get3A_9 : vector<16xf32>
        %add3A_840 = arith.addf %add3A_825, %mul3A_839 : vector<16xf32>
        %reduce_sum3A = arith.constant true
        %reduce_sum3A_841 = vector.broadcast %reduce_sum3A : i1 to vector<16xi1>
        %reduce_sum3A_842 = tpu.scan <sum>, %add3A_840 masked %reduce_sum3A_841 : vector<16xf32>, vector<16xi1> -> vector<16xf32>
        %reduce_sum3A_843 = vector.extract %reduce_sum3A_842[15] : f32 from vector<16xf32>
        %broadcast_in_dim3A_844 = vector.broadcast %reduce_sum3A_843 : f32 to vector<16xf32>
        %select_n3A = arith.select %eq3A_13, %broadcast_in_dim3A_844, %broadcast_in_dim3A_781 : vector<16xi1>, vector<16xf32>
        %get3A_845 = arith.constant 0 : i32
        %get3A_846 = arith.constant 1 : i32
        %get3A_847 = arith.index_cast %get3A_845 : i32 to index
        %get3A_848 = arith.index_cast %get3A_846 : i32 to index
        %get3A_849 = arith.constant 0 : index
        %get3A_850 = tpu.vector_load %arg10[%get3A_847, %get3A_848, %get3A_849] {strides = array<i32>} : memref<2x16x64xf32, #tpu.memory_space<vmem>>, vector<16xf32>,
        %get3A_851 = arith.constant 0 : i32
        %get3A_852 = arith.constant 1 : i32
        %get3A_853 = arith.index_cast %get3A_851 : i32 to index
        %get3A_854 = arith.index_cast %get3A_852 : i32 to index
        %get3A_855 = arith.constant 0 : index
        %get3A_856 = tpu.vector_load %arg11[%get3A_853, %get3A_854, %get3A_855] {strides = array<i32>} : memref<2x16x64xf32, #tpu.memory_space<vmem>>, vector<16xf32>,
        %mul3A_857 = arith.mulf %get3A_850, %get3A_856 : vector<16xf32>
        %mul3A_858 = arith.mulf %mul3A_857, %get3A_3 : vector<16xf32>
        %get3A_859 = arith.constant 0 : i32
        %get3A_860 = arith.constant 1 : i32
        %get3A_861 = arith.index_cast %get3A_859 : i32 to index
        %get3A_862 = arith.index_cast %get3A_860 : i32 to index
        %get3A_863 = arith.constant 16 : index
        %get3A_864 = tpu.vector_load %arg10[%get3A_861, %get3A_862, %get3A_863] {strides = array<i32>} : memref<2x16x64xf32, #tpu.memory_space<vmem>>, vector<16xf32>,
        %get3A_865 = arith.constant 0 : i32
        %get3A_866 = arith.constant 1 : i32
        %get3A_867 = arith.index_cast %get3A_865 : i32 to index
        %get3A_868 = arith.index_cast %get3A_866 : i32 to index
        %get3A_869 = arith.constant 16 : index
        %get3A_870 = tpu.vector_load %arg11[%get3A_867, %get3A_868, %get3A_869] {strides = array<i32>} : memref<2x16x64xf32, #tpu.memory_space<vmem>>, vector<16xf32>,
        %mul3A_871 = arith.mulf %get3A_864, %get3A_870 : vector<16xf32>
        %mul3A_872 = arith.mulf %mul3A_871, %get3A_5 : vector<16xf32>
        %add3A_873 = arith.addf %mul3A_858, %mul3A_872 : vector<16xf32>
        %get3A_874 = arith.constant 0 : i32
        %get3A_875 = arith.constant 1 : i32
        %get3A_876 = arith.index_cast %get3A_874 : i32 to index
        %get3A_877 = arith.index_cast %get3A_875 : i32 to index
        %get3A_878 = arith.constant 32 : index
        %get3A_879 = tpu.vector_load %arg10[%get3A_876, %get3A_877, %get3A_878] {strides = array<i32>} : memref<2x16x64xf32, #tpu.memory_space<vmem>>, vector<16xf32>,
        %get3A_880 = arith.constant 0 : i32
        %get3A_881 = arith.constant 1 : i32
        %get3A_882 = arith.index_cast %get3A_880 : i32 to index
        %get3A_883 = arith.index_cast %get3A_881 : i32 to index
        %get3A_884 = arith.constant 32 : index
        %get3A_885 = tpu.vector_load %arg11[%get3A_882, %get3A_883, %get3A_884] {strides = array<i32>} : memref<2x16x64xf32, #tpu.memory_space<vmem>>, vector<16xf32>,
        %mul3A_886 = arith.mulf %get3A_879, %get3A_885 : vector<16xf32>
        %mul3A_887 = arith.mulf %mul3A_886, %get3A_7 : vector<16xf32>
        %add3A_888 = arith.addf %add3A_873, %mul3A_887 : vector<16xf32>
        %get3A_889 = arith.constant 0 : i32
        %get3A_890 = arith.constant 1 : i32
        %get3A_891 = arith.index_cast %get3A_889 : i32 to index
        %get3A_892 = arith.index_cast %get3A_890 : i32 to index
        %get3A_893 = arith.constant 48 : index
        %get3A_894 = tpu.vector_load %arg10[%get3A_891, %get3A_892, %get3A_893] {strides = array<i32>} : memref<2x16x64xf32, #tpu.memory_space<vmem>>, vector<16xf32>,
        %get3A_895 = arith.constant 0 : i32
        %get3A_896 = arith.constant 1 : i32
        %get3A_897 = arith.index_cast %get3A_895 : i32 to index
        %get3A_898 = arith.index_cast %get3A_896 : i32 to index
        %get3A_899 = arith.constant 48 : index
        %get3A_900 = tpu.vector_load %arg11[%get3A_897, %get3A_898, %get3A_899] {strides = array<i32>} : memref<2x16x64xf32, #tpu.memory_space<vmem>>, vector<16xf32>,
        %mul3A_901 = arith.mulf %get3A_894, %get3A_900 : vector<16xf32>
        %mul3A_902 = arith.mulf %mul3A_901, %get3A_9 : vector<16xf32>
        %add3A_903 = arith.addf %add3A_888, %mul3A_902 : vector<16xf32>
        %reduce_sum3A_904 = arith.constant true
        %reduce_sum3A_905 = vector.broadcast %reduce_sum3A_904 : i1 to vector<16xi1>
        %reduce_sum3A_906 = tpu.scan <sum>, %add3A_903 masked %reduce_sum3A_905 : vector<16xf32>, vector<16xi1> -> vector<16xf32>
        %reduce_sum3A_907 = vector.extract %reduce_sum3A_906[15] : f32 from vector<16xf32>
        %broadcast_in_dim3A_908 = vector.broadcast %reduce_sum3A_907 : f32 to vector<16xf32>
        %select_n3A_909 = arith.select %eq3A_16, %broadcast_in_dim3A_908, %select_n3A : vector<16xi1>, vector<16xf32>
        %get3A_910 = arith.constant 0 : i32
        %get3A_911 = arith.constant 2 : i32
        %get3A_912 = arith.index_cast %get3A_910 : i32 to index
        %get3A_913 = arith.index_cast %get3A_911 : i32 to index
        %get3A_914 = arith.constant 0 : index
        %get3A_915 = tpu.vector_load %arg10[%get3A_912, %get3A_913, %get3A_914] {strides = array<i32>} : memref<2x16x64xf32, #tpu.memory_space<vmem>>, vector<16xf32>,
        %get3A_916 = arith.constant 0 : i32
        %get3A_917 = arith.constant 2 : i32
        %get3A_918 = arith.index_cast %get3A_916 : i32 to index
        %get3A_919 = arith.index_cast %get3A_917 : i32 to index
        %get3A_920 = arith.constant 0 : index
        %get3A_921 = tpu.vector_load %arg11[%get3A_918, %get3A_919, %get3A_920] {strides = array<i32>} : memref<2x16x64xf32, #tpu.memory_space<vmem>>, vector<16xf32>,
        %mul3A_922 = arith.mulf %get3A_915, %get3A_921 : vector<16xf32>
        %mul3A_923 = arith.mulf %mul3A_922, %get3A_3 : vector<16xf32>
        %get3A_924 = arith.constant 0 : i32
        %get3A_925 = arith.constant 2 : i32
        %get3A_926 = arith.index_cast %get3A_924 : i32 to index
        %get3A_927 = arith.index_cast %get3A_925 : i32 to index
        %get3A_928 = arith.constant 16 : index
        %get3A_929 = tpu.vector_load %arg10[%get3A_926, %get3A_927, %get3A_928] {strides = array<i32>} : memref<2x16x64xf32, #tpu.memory_space<vmem>>, vector<16xf32>,
        %get3A_930 = arith.constant 0 : i32
        %get3A_931 = arith.constant 2 : i32
        %get3A_932 = arith.index_cast %get3A_930 : i32 to index
        %get3A_933 = arith.index_cast %get3A_931 : i32 to index
        %get3A_934 = arith.constant 16 : index
        %get3A_935 = tpu.vector_load %arg11[%get3A_932, %get3A_933, %get3A_934] {strides = array<i32>} : memref<2x16x64xf32, #tpu.memory_space<vmem>>, vector<16xf32>,
        %mul3A_936 = arith.mulf %get3A_929, %get3A_935 : vector<16xf32>
        %mul3A_937 = arith.mulf %mul3A_936, %get3A_5 : vector<16xf32>
        %add3A_938 = arith.addf %mul3A_923, %mul3A_937 : vector<16xf32>
        %get3A_939 = arith.constant 0 : i32
        %get3A_940 = arith.constant 2 : i32
        %get3A_941 = arith.index_cast %get3A_939 : i32 to index
        %get3A_942 = arith.index_cast %get3A_940 : i32 to index
        %get3A_943 = arith.constant 32 : index
        %get3A_944 = tpu.vector_load %arg10[%get3A_941, %get3A_942, %get3A_943] {strides = array<i32>} : memref<2x16x64xf32, #tpu.memory_space<vmem>>, vector<16xf32>,
        %get3A_945 = arith.constant 0 : i32
        %get3A_946 = arith.constant 2 : i32
        %get3A_947 = arith.index_cast %get3A_945 : i32 to index
        %get3A_948 = arith.index_cast %get3A_946 : i32 to index
        %get3A_949 = arith.constant 32 : index
        %get3A_950 = tpu.vector_load %arg11[%get3A_947, %get3A_948, %get3A_949] {strides = array<i32>} : memref<2x16x64xf32, #tpu.memory_space<vmem>>, vector<16xf32>,
        %mul3A_951 = arith.mulf %get3A_944, %get3A_950 : vector<16xf32>
        %mul3A_952 = arith.mulf %mul3A_951, %get3A_7 : vector<16xf32>
        %add3A_953 = arith.addf %add3A_938, %mul3A_952 : vector<16xf32>
        %get3A_954 = arith.constant 0 : i32
        %get3A_955 = arith.constant 2 : i32
        %get3A_956 = arith.index_cast %get3A_954 : i32 to index
        %get3A_957 = arith.index_cast %get3A_955 : i32 to index
        %get3A_958 = arith.constant 48 : index
        %get3A_959 = tpu.vector_load %arg10[%get3A_956, %get3A_957, %get3A_958] {strides = array<i32>} : memref<2x16x64xf32, #tpu.memory_space<vmem>>, vector<16xf32>,
        %get3A_960 = arith.constant 0 : i32
        %get3A_961 = arith.constant 2 : i32
        %get3A_962 = arith.index_cast %get3A_960 : i32 to index
        %get3A_963 = arith.index_cast %get3A_961 : i32 to index
        %get3A_964 = arith.constant 48 : index
        %get3A_965 = tpu.vector_load %arg11[%get3A_962, %get3A_963, %get3A_964] {strides = array<i32>} : memref<2x16x64xf32, #tpu.memory_space<vmem>>, vector<16xf32>,
        %mul3A_966 = arith.mulf %get3A_959, %get3A_965 : vector<16xf32>
        %mul3A_967 = arith.mulf %mul3A_966, %get3A_9 : vector<16xf32>
        %add3A_968 = arith.addf %add3A_953, %mul3A_967 : vector<16xf32>
        %reduce_sum3A_969 = arith.constant true
        %reduce_sum3A_970 = vector.broadcast %reduce_sum3A_969 : i1 to vector<16xi1>
        %reduce_sum3A_971 = tpu.scan <sum>, %add3A_968 masked %reduce_sum3A_970 : vector<16xf32>, vector<16xi1> -> vector<16xf32>
        %reduce_sum3A_972 = vector.extract %reduce_sum3A_971[15] : f32 from vector<16xf32>
        %broadcast_in_dim3A_973 = vector.broadcast %reduce_sum3A_972 : f32 to vector<16xf32>
        %select_n3A_974 = arith.select %eq3A_19, %broadcast_in_dim3A_973, %select_n3A_909 : vector<16xi1>, vector<16xf32>
        %get3A_975 = arith.constant 0 : i32
        %get3A_976 = arith.constant 3 : i32
        %get3A_977 = arith.index_cast %get3A_975 : i32 to index
        %get3A_978 = arith.index_cast %get3A_976 : i32 to index
        %get3A_979 = arith.constant 0 : index
        %get3A_980 = tpu.vector_load %arg10[%get3A_977, %get3A_978, %get3A_979] {strides = array<i32>} : memref<2x16x64xf32, #tpu.memory_space<vmem>>, vector<16xf32>,
        %get3A_981 = arith.constant 0 : i32
        %get3A_982 = arith.constant 3 : i32
        %get3A_983 = arith.index_cast %get3A_981 : i32 to index
        %get3A_984 = arith.index_cast %get3A_982 : i32 to index
        %get3A_985 = arith.constant 0 : index
        %get3A_986 = tpu.vector_load %arg11[%get3A_983, %get3A_984, %get3A_985] {strides = array<i32>} : memref<2x16x64xf32, #tpu.memory_space<vmem>>, vector<16xf32>,
        %mul3A_987 = arith.mulf %get3A_980, %get3A_986 : vector<16xf32>
        %mul3A_988 = arith.mulf %mul3A_987, %get3A_3 : vector<16xf32>
        %get3A_989 = arith.constant 0 : i32
        %get3A_990 = arith.constant 3 : i32
        %get3A_991 = arith.index_cast %get3A_989 : i32 to index
        %get3A_992 = arith.index_cast %get3A_990 : i32 to index
        %get3A_993 = arith.constant 16 : index
        %get3A_994 = tpu.vector_load %arg10[%get3A_991, %get3A_992, %get3A_993] {strides = array<i32>} : memref<2x16x64xf32, #tpu.memory_space<vmem>>, vector<16xf32>,
        %get3A_995 = arith.constant 0 : i32
        %get3A_996 = arith.constant 3 : i32
        %get3A_997 = arith.index_cast %get3A_995 : i32 to index
        %get3A_998 = arith.index_cast %get3A_996 : i32 to index
        %get3A_999 = arith.constant 16 : index
        %get3A_1000 = tpu.vector_load %arg11[%get3A_997, %get3A_998, %get3A_999] {strides = array<i32>} : memref<2x16x64xf32, #tpu.memory_space<vmem>>, vector<16xf32>,
        %mul3A_1001 = arith.mulf %get3A_994, %get3A_1000 : vector<16xf32>
        %mul3A_1002 = arith.mulf %mul3A_1001, %get3A_5 : vector<16xf32>
        %add3A_1003 = arith.addf %mul3A_988, %mul3A_1002 : vector<16xf32>
        %get3A_1004 = arith.constant 0 : i32
        %get3A_1005 = arith.constant 3 : i32
        %get3A_1006 = arith.index_cast %get3A_1004 : i32 to index
        %get3A_1007 = arith.index_cast %get3A_1005 : i32 to index
        %get3A_1008 = arith.constant 32 : index
        %get3A_1009 = tpu.vector_load %arg10[%get3A_1006, %get3A_1007, %get3A_1008] {strides = array<i32>} : memref<2x16x64xf32, #tpu.memory_space<vmem>>, vector<16xf32>,
        %get3A_1010 = arith.constant 0 : i32
        %get3A_1011 = arith.constant 3 : i32
        %get3A_1012 = arith.index_cast %get3A_1010 : i32 to index
        %get3A_1013 = arith.index_cast %get3A_1011 : i32 to index
        %get3A_1014 = arith.constant 32 : index
        %get3A_1015 = tpu.vector_load %arg11[%get3A_1012, %get3A_1013, %get3A_1014] {strides = array<i32>} : memref<2x16x64xf32, #tpu.memory_space<vmem>>, vector<16xf32>,
        %mul3A_1016 = arith.mulf %get3A_1009, %get3A_1015 : vector<16xf32>
        %mul3A_1017 = arith.mulf %mul3A_1016, %get3A_7 : vector<16xf32>
        %add3A_1018 = arith.addf %add3A_1003, %mul3A_1017 : vector<16xf32>
        %get3A_1019 = arith.constant 0 : i32
        %get3A_1020 = arith.constant 3 : i32
        %get3A_1021 = arith.index_cast %get3A_1019 : i32 to index
        %get3A_1022 = arith.index_cast %get3A_1020 : i32 to index
        %get3A_1023 = arith.constant 48 : index
        %get3A_1024 = tpu.vector_load %arg10[%get3A_1021, %get3A_1022, %get3A_1023] {strides = array<i32>} : memref<2x16x64xf32, #tpu.memory_space<vmem>>, vector<16xf32>,
        %get3A_1025 = arith.constant 0 : i32
        %get3A_1026 = arith.constant 3 : i32
        %get3A_1027 = arith.index_cast %get3A_1025 : i32 to index
        %get3A_1028 = arith.index_cast %get3A_1026 : i32 to index
        %get3A_1029 = arith.constant 48 : index
        %get3A_1030 = tpu.vector_load %arg11[%get3A_1027, %get3A_1028, %get3A_1029] {strides = array<i32>} : memref<2x16x64xf32, #tpu.memory_space<vmem>>, vector<16xf32>,
        %mul3A_1031 = arith.mulf %get3A_1024, %get3A_1030 : vector<16xf32>
        %mul3A_1032 = arith.mulf %mul3A_1031, %get3A_9 : vector<16xf32>
        %add3A_1033 = arith.addf %add3A_1018, %mul3A_1032 : vector<16xf32>
        %reduce_sum3A_1034 = arith.constant true
        %reduce_sum3A_1035 = vector.broadcast %reduce_sum3A_1034 : i1 to vector<16xi1>
        %reduce_sum3A_1036 = tpu.scan <sum>, %add3A_1033 masked %reduce_sum3A_1035 : vector<16xf32>, vector<16xi1> -> vector<16xf32>
        %reduce_sum3A_1037 = vector.extract %reduce_sum3A_1036[15] : f32 from vector<16xf32>
        %broadcast_in_dim3A_1038 = vector.broadcast %reduce_sum3A_1037 : f32 to vector<16xf32>
        %select_n3A_1039 = arith.select %eq3A_22, %broadcast_in_dim3A_1038, %select_n3A_974 : vector<16xi1>, vector<16xf32>
        %get3A_1040 = arith.constant 0 : i32
        %get3A_1041 = arith.constant 4 : i32
        %get3A_1042 = arith.index_cast %get3A_1040 : i32 to index
        %get3A_1043 = arith.index_cast %get3A_1041 : i32 to index
        %get3A_1044 = arith.constant 0 : index
        %get3A_1045 = tpu.vector_load %arg10[%get3A_1042, %get3A_1043, %get3A_1044] {strides = array<i32>} : memref<2x16x64xf32, #tpu.memory_space<vmem>>, vector<16xf32>,
        %get3A_1046 = arith.constant 0 : i32
        %get3A_1047 = arith.constant 4 : i32
        %get3A_1048 = arith.index_cast %get3A_1046 : i32 to index
        %get3A_1049 = arith.index_cast %get3A_1047 : i32 to index
        %get3A_1050 = arith.constant 0 : index
        %get3A_1051 = tpu.vector_load %arg11[%get3A_1048, %get3A_1049, %get3A_1050] {strides = array<i32>} : memref<2x16x64xf32, #tpu.memory_space<vmem>>, vector<16xf32>,
        %mul3A_1052 = arith.mulf %get3A_1045, %get3A_1051 : vector<16xf32>
        %mul3A_1053 = arith.mulf %mul3A_1052, %get3A_3 : vector<16xf32>
        %get3A_1054 = arith.constant 0 : i32
        %get3A_1055 = arith.constant 4 : i32
        %get3A_1056 = arith.index_cast %get3A_1054 : i32 to index
        %get3A_1057 = arith.index_cast %get3A_1055 : i32 to index
        %get3A_1058 = arith.constant 16 : index
        %get3A_1059 = tpu.vector_load %arg10[%get3A_1056, %get3A_1057, %get3A_1058] {strides = array<i32>} : memref<2x16x64xf32, #tpu.memory_space<vmem>>, vector<16xf32>,
        %get3A_1060 = arith.constant 0 : i32
        %get3A_1061 = arith.constant 4 : i32
        %get3A_1062 = arith.index_cast %get3A_1060 : i32 to index
        %get3A_1063 = arith.index_cast %get3A_1061 : i32 to index
        %get3A_1064 = arith.constant 16 : index
        %get3A_1065 = tpu.vector_load %arg11[%get3A_1062, %get3A_1063, %get3A_1064] {strides = array<i32>} : memref<2x16x64xf32, #tpu.memory_space<vmem>>, vector<16xf32>,
        %mul3A_1066 = arith.mulf %get3A_1059, %get3A_1065 : vector<16xf32>
        %mul3A_1067 = arith.mulf %mul3A_1066, %get3A_5 : vector<16xf32>
        %add3A_1068 = arith.addf %mul3A_1053, %mul3A_1067 : vector<16xf32>
        %get3A_1069 = arith.constant 0 : i32
        %get3A_1070 = arith.constant 4 : i32
        %get3A_1071 = arith.index_cast %get3A_1069 : i32 to index
        %get3A_1072 = arith.index_cast %get3A_1070 : i32 to index
        %get3A_1073 = arith.constant 32 : index
        %get3A_1074 = tpu.vector_load %arg10[%get3A_1071, %get3A_1072, %get3A_1073] {strides = array<i32>} : memref<2x16x64xf32, #tpu.memory_space<vmem>>, vector<16xf32>,
        %get3A_1075 = arith.constant 0 : i32
        %get3A_1076 = arith.constant 4 : i32
        %get3A_1077 = arith.index_cast %get3A_1075 : i32 to index
        %get3A_1078 = arith.index_cast %get3A_1076 : i32 to index
        %get3A_1079 = arith.constant 32 : index
        %get3A_1080 = tpu.vector_load %arg11[%get3A_1077, %get3A_1078, %get3A_1079] {strides = array<i32>} : memref<2x16x64xf32, #tpu.memory_space<vmem>>, vector<16xf32>,
        %mul3A_1081 = arith.mulf %get3A_1074, %get3A_1080 : vector<16xf32>
        %mul3A_1082 = arith.mulf %mul3A_1081, %get3A_7 : vector<16xf32>
        %add3A_1083 = arith.addf %add3A_1068, %mul3A_1082 : vector<16xf32>
        %get3A_1084 = arith.constant 0 : i32
        %get3A_1085 = arith.constant 4 : i32
        %get3A_1086 = arith.index_cast %get3A_1084 : i32 to index
        %get3A_1087 = arith.index_cast %get3A_1085 : i32 to index
        %get3A_1088 = arith.constant 48 : index
        %get3A_1089 = tpu.vector_load %arg10[%get3A_1086, %get3A_1087, %get3A_1088] {strides = array<i32>} : memref<2x16x64xf32, #tpu.memory_space<vmem>>, vector<16xf32>,
        %get3A_1090 = arith.constant 0 : i32
        %get3A_1091 = arith.constant 4 : i32
        %get3A_1092 = arith.index_cast %get3A_1090 : i32 to index
        %get3A_1093 = arith.index_cast %get3A_1091 : i32 to index
        %get3A_1094 = arith.constant 48 : index
        %get3A_1095 = tpu.vector_load %arg11[%get3A_1092, %get3A_1093, %get3A_1094] {strides = array<i32>} : memref<2x16x64xf32, #tpu.memory_space<vmem>>, vector<16xf32>,
        %mul3A_1096 = arith.mulf %get3A_1089, %get3A_1095 : vector<16xf32>
        %mul3A_1097 = arith.mulf %mul3A_1096, %get3A_9 : vector<16xf32>
        %add3A_1098 = arith.addf %add3A_1083, %mul3A_1097 : vector<16xf32>
        %reduce_sum3A_1099 = arith.constant true
        %reduce_sum3A_1100 = vector.broadcast %reduce_sum3A_1099 : i1 to vector<16xi1>
        %reduce_sum3A_1101 = tpu.scan <sum>, %add3A_1098 masked %reduce_sum3A_1100 : vector<16xf32>, vector<16xi1> -> vector<16xf32>
        %reduce_sum3A_1102 = vector.extract %reduce_sum3A_1101[15] : f32 from vector<16xf32>
        %broadcast_in_dim3A_1103 = vector.broadcast %reduce_sum3A_1102 : f32 to vector<16xf32>
        %select_n3A_1104 = arith.select %eq3A_25, %broadcast_in_dim3A_1103, %select_n3A_1039 : vector<16xi1>, vector<16xf32>
        %get3A_1105 = arith.constant 0 : i32
        %get3A_1106 = arith.constant 5 : i32
        %get3A_1107 = arith.index_cast %get3A_1105 : i32 to index
        %get3A_1108 = arith.index_cast %get3A_1106 : i32 to index
        %get3A_1109 = arith.constant 0 : index
        %get3A_1110 = tpu.vector_load %arg10[%get3A_1107, %get3A_1108, %get3A_1109] {strides = array<i32>} : memref<2x16x64xf32, #tpu.memory_space<vmem>>, vector<16xf32>,
        %get3A_1111 = arith.constant 0 : i32
        %get3A_1112 = arith.constant 5 : i32
        %get3A_1113 = arith.index_cast %get3A_1111 : i32 to index
        %get3A_1114 = arith.index_cast %get3A_1112 : i32 to index
        %get3A_1115 = arith.constant 0 : index
        %get3A_1116 = tpu.vector_load %arg11[%get3A_1113, %get3A_1114, %get3A_1115] {strides = array<i32>} : memref<2x16x64xf32, #tpu.memory_space<vmem>>, vector<16xf32>,
        %mul3A_1117 = arith.mulf %get3A_1110, %get3A_1116 : vector<16xf32>
        %mul3A_1118 = arith.mulf %mul3A_1117, %get3A_3 : vector<16xf32>
        %get3A_1119 = arith.constant 0 : i32
        %get3A_1120 = arith.constant 5 : i32
        %get3A_1121 = arith.index_cast %get3A_1119 : i32 to index
        %get3A_1122 = arith.index_cast %get3A_1120 : i32 to index
        %get3A_1123 = arith.constant 16 : index
        %get3A_1124 = tpu.vector_load %arg10[%get3A_1121, %get3A_1122, %get3A_1123] {strides = array<i32>} : memref<2x16x64xf32, #tpu.memory_space<vmem>>, vector<16xf32>,
        %get3A_1125 = arith.constant 0 : i32
        %get3A_1126 = arith.constant 5 : i32
        %get3A_1127 = arith.index_cast %get3A_1125 : i32 to index
        %get3A_1128 = arith.index_cast %get3A_1126 : i32 to index
        %get3A_1129 = arith.constant 16 : index
        %get3A_1130 = tpu.vector_load %arg11[%get3A_1127, %get3A_1128, %get3A_1129] {strides = array<i32>} : memref<2x16x64xf32, #tpu.memory_space<vmem>>, vector<16xf32>,
        %mul3A_1131 = arith.mulf %get3A_1124, %get3A_1130 : vector<16xf32>
        %mul3A_1132 = arith.mulf %mul3A_1131, %get3A_5 : vector<16xf32>
        %add3A_1133 = arith.addf %mul3A_1118, %mul3A_1132 : vector<16xf32>
        %get3A_1134 = arith.constant 0 : i32
        %get3A_1135 = arith.constant 5 : i32
        %get3A_1136 = arith.index_cast %get3A_1134 : i32 to index
        %get3A_1137 = arith.index_cast %get3A_1135 : i32 to index
        %get3A_1138 = arith.constant 32 : index
        %get3A_1139 = tpu.vector_load %arg10[%get3A_1136, %get3A_1137, %get3A_1138] {strides = array<i32>} : memref<2x16x64xf32, #tpu.memory_space<vmem>>, vector<16xf32>,
        %get3A_1140 = arith.constant 0 : i32
        %get3A_1141 = arith.constant 5 : i32
        %get3A_1142 = arith.index_cast %get3A_1140 : i32 to index
        %get3A_1143 = arith.index_cast %get3A_1141 : i32 to index
        %get3A_1144 = arith.constant 32 : index
        %get3A_1145 = tpu.vector_load %arg11[%get3A_1142, %get3A_1143, %get3A_1144] {strides = array<i32>} : memref<2x16x64xf32, #tpu.memory_space<vmem>>, vector<16xf32>,
        %mul3A_1146 = arith.mulf %get3A_1139, %get3A_1145 : vector<16xf32>
        %mul3A_1147 = arith.mulf %mul3A_1146, %get3A_7 : vector<16xf32>
        %add3A_1148 = arith.addf %add3A_1133, %mul3A_1147 : vector<16xf32>
        %get3A_1149 = arith.constant 0 : i32
        %get3A_1150 = arith.constant 5 : i32
        %get3A_1151 = arith.index_cast %get3A_1149 : i32 to index
        %get3A_1152 = arith.index_cast %get3A_1150 : i32 to index
        %get3A_1153 = arith.constant 48 : index
        %get3A_1154 = tpu.vector_load %arg10[%get3A_1151, %get3A_1152, %get3A_1153] {strides = array<i32>} : memref<2x16x64xf32, #tpu.memory_space<vmem>>, vector<16xf32>,
        %get3A_1155 = arith.constant 0 : i32
        %get3A_1156 = arith.constant 5 : i32
        %get3A_1157 = arith.index_cast %get3A_1155 : i32 to index
        %get3A_1158 = arith.index_cast %get3A_1156 : i32 to index
        %get3A_1159 = arith.constant 48 : index
        %get3A_1160 = tpu.vector_load %arg11[%get3A_1157, %get3A_1158, %get3A_1159] {strides = array<i32>} : memref<2x16x64xf32, #tpu.memory_space<vmem>>, vector<16xf32>,
        %mul3A_1161 = arith.mulf %get3A_1154, %get3A_1160 : vector<16xf32>
        %mul3A_1162 = arith.mulf %mul3A_1161, %get3A_9 : vector<16xf32>
        %add3A_1163 = arith.addf %add3A_1148, %mul3A_1162 : vector<16xf32>
        %reduce_sum3A_1164 = arith.constant true
        %reduce_sum3A_1165 = vector.broadcast %reduce_sum3A_1164 : i1 to vector<16xi1>
        %reduce_sum3A_1166 = tpu.scan <sum>, %add3A_1163 masked %reduce_sum3A_1165 : vector<16xf32>, vector<16xi1> -> vector<16xf32>
        %reduce_sum3A_1167 = vector.extract %reduce_sum3A_1166[15] : f32 from vector<16xf32>
        %broadcast_in_dim3A_1168 = vector.broadcast %reduce_sum3A_1167 : f32 to vector<16xf32>
        %select_n3A_1169 = arith.select %eq3A_28, %broadcast_in_dim3A_1168, %select_n3A_1104 : vector<16xi1>, vector<16xf32>
        %get3A_1170 = arith.constant 0 : i32
        %get3A_1171 = arith.constant 6 : i32
        %get3A_1172 = arith.index_cast %get3A_1170 : i32 to index
        %get3A_1173 = arith.index_cast %get3A_1171 : i32 to index
        %get3A_1174 = arith.constant 0 : index
        %get3A_1175 = tpu.vector_load %arg10[%get3A_1172, %get3A_1173, %get3A_1174] {strides = array<i32>} : memref<2x16x64xf32, #tpu.memory_space<vmem>>, vector<16xf32>,
        %get3A_1176 = arith.constant 0 : i32
        %get3A_1177 = arith.constant 6 : i32
        %get3A_1178 = arith.index_cast %get3A_1176 : i32 to index
        %get3A_1179 = arith.index_cast %get3A_1177 : i32 to index
        %get3A_1180 = arith.constant 0 : index
        %get3A_1181 = tpu.vector_load %arg11[%get3A_1178, %get3A_1179, %get3A_1180] {strides = array<i32>} : memref<2x16x64xf32, #tpu.memory_space<vmem>>, vector<16xf32>,
        %mul3A_1182 = arith.mulf %get3A_1175, %get3A_1181 : vector<16xf32>
        %mul3A_1183 = arith.mulf %mul3A_1182, %get3A_3 : vector<16xf32>
        %get3A_1184 = arith.constant 0 : i32
        %get3A_1185 = arith.constant 6 : i32
        %get3A_1186 = arith.index_cast %get3A_1184 : i32 to index
        %get3A_1187 = arith.index_cast %get3A_1185 : i32 to index
        %get3A_1188 = arith.constant 16 : index
        %get3A_1189 = tpu.vector_load %arg10[%get3A_1186, %get3A_1187, %get3A_1188] {strides = array<i32>} : memref<2x16x64xf32, #tpu.memory_space<vmem>>, vector<16xf32>,
        %get3A_1190 = arith.constant 0 : i32
        %get3A_1191 = arith.constant 6 : i32
        %get3A_1192 = arith.index_cast %get3A_1190 : i32 to index
        %get3A_1193 = arith.index_cast %get3A_1191 : i32 to index
        %get3A_1194 = arith.constant 16 : index
        %get3A_1195 = tpu.vector_load %arg11[%get3A_1192, %get3A_1193, %get3A_1194] {strides = array<i32>} : memref<2x16x64xf32, #tpu.memory_space<vmem>>, vector<16xf32>,
        %mul3A_1196 = arith.mulf %get3A_1189, %get3A_1195 : vector<16xf32>
        %mul3A_1197 = arith.mulf %mul3A_1196, %get3A_5 : vector<16xf32>
        %add3A_1198 = arith.addf %mul3A_1183, %mul3A_1197 : vector<16xf32>
        %get3A_1199 = arith.constant 0 : i32
        %get3A_1200 = arith.constant 6 : i32
        %get3A_1201 = arith.index_cast %get3A_1199 : i32 to index
        %get3A_1202 = arith.index_cast %get3A_1200 : i32 to index
        %get3A_1203 = arith.constant 32 : index
        %get3A_1204 = tpu.vector_load %arg10[%get3A_1201, %get3A_1202, %get3A_1203] {strides = array<i32>} : memref<2x16x64xf32, #tpu.memory_space<vmem>>, vector<16xf32>,
        %get3A_1205 = arith.constant 0 : i32
        %get3A_1206 = arith.constant 6 : i32
        %get3A_1207 = arith.index_cast %get3A_1205 : i32 to index
        %get3A_1208 = arith.index_cast %get3A_1206 : i32 to index
        %get3A_1209 = arith.constant 32 : index
        %get3A_1210 = tpu.vector_load %arg11[%get3A_1207, %get3A_1208, %get3A_1209] {strides = array<i32>} : memref<2x16x64xf32, #tpu.memory_space<vmem>>, vector<16xf32>,
        %mul3A_1211 = arith.mulf %get3A_1204, %get3A_1210 : vector<16xf32>
        %mul3A_1212 = arith.mulf %mul3A_1211, %get3A_7 : vector<16xf32>
        %add3A_1213 = arith.addf %add3A_1198, %mul3A_1212 : vector<16xf32>
        %get3A_1214 = arith.constant 0 : i32
        %get3A_1215 = arith.constant 6 : i32
        %get3A_1216 = arith.index_cast %get3A_1214 : i32 to index
        %get3A_1217 = arith.index_cast %get3A_1215 : i32 to index
        %get3A_1218 = arith.constant 48 : index
        %get3A_1219 = tpu.vector_load %arg10[%get3A_1216, %get3A_1217, %get3A_1218] {strides = array<i32>} : memref<2x16x64xf32, #tpu.memory_space<vmem>>, vector<16xf32>,
        %get3A_1220 = arith.constant 0 : i32
        %get3A_1221 = arith.constant 6 : i32
        %get3A_1222 = arith.index_cast %get3A_1220 : i32 to index
        %get3A_1223 = arith.index_cast %get3A_1221 : i32 to index
        %get3A_1224 = arith.constant 48 : index
        %get3A_1225 = tpu.vector_load %arg11[%get3A_1222, %get3A_1223, %get3A_1224] {strides = array<i32>} : memref<2x16x64xf32, #tpu.memory_space<vmem>>, vector<16xf32>,
        %mul3A_1226 = arith.mulf %get3A_1219, %get3A_1225 : vector<16xf32>
        %mul3A_1227 = arith.mulf %mul3A_1226, %get3A_9 : vector<16xf32>
        %add3A_1228 = arith.addf %add3A_1213, %mul3A_1227 : vector<16xf32>
        %reduce_sum3A_1229 = arith.constant true
        %reduce_sum3A_1230 = vector.broadcast %reduce_sum3A_1229 : i1 to vector<16xi1>
        %reduce_sum3A_1231 = tpu.scan <sum>, %add3A_1228 masked %reduce_sum3A_1230 : vector<16xf32>, vector<16xi1> -> vector<16xf32>
        %reduce_sum3A_1232 = vector.extract %reduce_sum3A_1231[15] : f32 from vector<16xf32>
        %broadcast_in_dim3A_1233 = vector.broadcast %reduce_sum3A_1232 : f32 to vector<16xf32>
        %select_n3A_1234 = arith.select %eq3A_31, %broadcast_in_dim3A_1233, %select_n3A_1169 : vector<16xi1>, vector<16xf32>
        %get3A_1235 = arith.constant 0 : i32
        %get3A_1236 = arith.constant 7 : i32
        %get3A_1237 = arith.index_cast %get3A_1235 : i32 to index
        %get3A_1238 = arith.index_cast %get3A_1236 : i32 to index
        %get3A_1239 = arith.constant 0 : index
        %get3A_1240 = tpu.vector_load %arg10[%get3A_1237, %get3A_1238, %get3A_1239] {strides = array<i32>} : memref<2x16x64xf32, #tpu.memory_space<vmem>>, vector<16xf32>,
        %get3A_1241 = arith.constant 0 : i32
        %get3A_1242 = arith.constant 7 : i32
        %get3A_1243 = arith.index_cast %get3A_1241 : i32 to index
        %get3A_1244 = arith.index_cast %get3A_1242 : i32 to index
        %get3A_1245 = arith.constant 0 : index
        %get3A_1246 = tpu.vector_load %arg11[%get3A_1243, %get3A_1244, %get3A_1245] {strides = array<i32>} : memref<2x16x64xf32, #tpu.memory_space<vmem>>, vector<16xf32>,
        %mul3A_1247 = arith.mulf %get3A_1240, %get3A_1246 : vector<16xf32>
        %mul3A_1248 = arith.mulf %mul3A_1247, %get3A_3 : vector<16xf32>
        %get3A_1249 = arith.constant 0 : i32
        %get3A_1250 = arith.constant 7 : i32
        %get3A_1251 = arith.index_cast %get3A_1249 : i32 to index
        %get3A_1252 = arith.index_cast %get3A_1250 : i32 to index
        %get3A_1253 = arith.constant 16 : index
        %get3A_1254 = tpu.vector_load %arg10[%get3A_1251, %get3A_1252, %get3A_1253] {strides = array<i32>} : memref<2x16x64xf32, #tpu.memory_space<vmem>>, vector<16xf32>,
        %get3A_1255 = arith.constant 0 : i32
        %get3A_1256 = arith.constant 7 : i32
        %get3A_1257 = arith.index_cast %get3A_1255 : i32 to index
        %get3A_1258 = arith.index_cast %get3A_1256 : i32 to index
        %get3A_1259 = arith.constant 16 : index
        %get3A_1260 = tpu.vector_load %arg11[%get3A_1257, %get3A_1258, %get3A_1259] {strides = array<i32>} : memref<2x16x64xf32, #tpu.memory_space<vmem>>, vector<16xf32>,
        %mul3A_1261 = arith.mulf %get3A_1254, %get3A_1260 : vector<16xf32>
        %mul3A_1262 = arith.mulf %mul3A_1261, %get3A_5 : vector<16xf32>
        %add3A_1263 = arith.addf %mul3A_1248, %mul3A_1262 : vector<16xf32>
        %get3A_1264 = arith.constant 0 : i32
        %get3A_1265 = arith.constant 7 : i32
        %get3A_1266 = arith.index_cast %get3A_1264 : i32 to index
        %get3A_1267 = arith.index_cast %get3A_1265 : i32 to index
        %get3A_1268 = arith.constant 32 : index
        %get3A_1269 = tpu.vector_load %arg10[%get3A_1266, %get3A_1267, %get3A_1268] {strides = array<i32>} : memref<2x16x64xf32, #tpu.memory_space<vmem>>, vector<16xf32>,
        %get3A_1270 = arith.constant 0 : i32
        %get3A_1271 = arith.constant 7 : i32
        %get3A_1272 = arith.index_cast %get3A_1270 : i32 to index
        %get3A_1273 = arith.index_cast %get3A_1271 : i32 to index
        %get3A_1274 = arith.constant 32 : index
        %get3A_1275 = tpu.vector_load %arg11[%get3A_1272, %get3A_1273, %get3A_1274] {strides = array<i32>} : memref<2x16x64xf32, #tpu.memory_space<vmem>>, vector<16xf32>,
        %mul3A_1276 = arith.mulf %get3A_1269, %get3A_1275 : vector<16xf32>
        %mul3A_1277 = arith.mulf %mul3A_1276, %get3A_7 : vector<16xf32>
        %add3A_1278 = arith.addf %add3A_1263, %mul3A_1277 : vector<16xf32>
        %get3A_1279 = arith.constant 0 : i32
        %get3A_1280 = arith.constant 7 : i32
        %get3A_1281 = arith.index_cast %get3A_1279 : i32 to index
        %get3A_1282 = arith.index_cast %get3A_1280 : i32 to index
        %get3A_1283 = arith.constant 48 : index
        %get3A_1284 = tpu.vector_load %arg10[%get3A_1281, %get3A_1282, %get3A_1283] {strides = array<i32>} : memref<2x16x64xf32, #tpu.memory_space<vmem>>, vector<16xf32>,
        %get3A_1285 = arith.constant 0 : i32
        %get3A_1286 = arith.constant 7 : i32
        %get3A_1287 = arith.index_cast %get3A_1285 : i32 to index
        %get3A_1288 = arith.index_cast %get3A_1286 : i32 to index
        %get3A_1289 = arith.constant 48 : index
        %get3A_1290 = tpu.vector_load %arg11[%get3A_1287, %get3A_1288, %get3A_1289] {strides = array<i32>} : memref<2x16x64xf32, #tpu.memory_space<vmem>>, vector<16xf32>,
        %mul3A_1291 = arith.mulf %get3A_1284, %get3A_1290 : vector<16xf32>
        %mul3A_1292 = arith.mulf %mul3A_1291, %get3A_9 : vector<16xf32>
        %add3A_1293 = arith.addf %add3A_1278, %mul3A_1292 : vector<16xf32>
        %reduce_sum3A_1294 = arith.constant true
        %reduce_sum3A_1295 = vector.broadcast %reduce_sum3A_1294 : i1 to vector<16xi1>
        %reduce_sum3A_1296 = tpu.scan <sum>, %add3A_1293 masked %reduce_sum3A_1295 : vector<16xf32>, vector<16xi1> -> vector<16xf32>
        %reduce_sum3A_1297 = vector.extract %reduce_sum3A_1296[15] : f32 from vector<16xf32>
        %broadcast_in_dim3A_1298 = vector.broadcast %reduce_sum3A_1297 : f32 to vector<16xf32>
        %select_n3A_1299 = arith.select %eq3A_34, %broadcast_in_dim3A_1298, %select_n3A_1234 : vector<16xi1>, vector<16xf32>
        %get3A_1300 = arith.constant 0 : i32
        %get3A_1301 = arith.constant 8 : i32
        %get3A_1302 = arith.index_cast %get3A_1300 : i32 to index
        %get3A_1303 = arith.index_cast %get3A_1301 : i32 to index
        %get3A_1304 = arith.constant 0 : index
        %get3A_1305 = tpu.vector_load %arg10[%get3A_1302, %get3A_1303, %get3A_1304] {strides = array<i32>} : memref<2x16x64xf32, #tpu.memory_space<vmem>>, vector<16xf32>,
        %get3A_1306 = arith.constant 0 : i32
        %get3A_1307 = arith.constant 8 : i32
        %get3A_1308 = arith.index_cast %get3A_1306 : i32 to index
        %get3A_1309 = arith.index_cast %get3A_1307 : i32 to index
        %get3A_1310 = arith.constant 0 : index
        %get3A_1311 = tpu.vector_load %arg11[%get3A_1308, %get3A_1309, %get3A_1310] {strides = array<i32>} : memref<2x16x64xf32, #tpu.memory_space<vmem>>, vector<16xf32>,
        %mul3A_1312 = arith.mulf %get3A_1305, %get3A_1311 : vector<16xf32>
        %mul3A_1313 = arith.mulf %mul3A_1312, %get3A_3 : vector<16xf32>
        %get3A_1314 = arith.constant 0 : i32
        %get3A_1315 = arith.constant 8 : i32
        %get3A_1316 = arith.index_cast %get3A_1314 : i32 to index
        %get3A_1317 = arith.index_cast %get3A_1315 : i32 to index
        %get3A_1318 = arith.constant 16 : index
        %get3A_1319 = tpu.vector_load %arg10[%get3A_1316, %get3A_1317, %get3A_1318] {strides = array<i32>} : memref<2x16x64xf32, #tpu.memory_space<vmem>>, vector<16xf32>,
        %get3A_1320 = arith.constant 0 : i32
        %get3A_1321 = arith.constant 8 : i32
        %get3A_1322 = arith.index_cast %get3A_1320 : i32 to index
        %get3A_1323 = arith.index_cast %get3A_1321 : i32 to index
        %get3A_1324 = arith.constant 16 : index
        %get3A_1325 = tpu.vector_load %arg11[%get3A_1322, %get3A_1323, %get3A_1324] {strides = array<i32>} : memref<2x16x64xf32, #tpu.memory_space<vmem>>, vector<16xf32>,
        %mul3A_1326 = arith.mulf %get3A_1319, %get3A_1325 : vector<16xf32>
        %mul3A_1327 = arith.mulf %mul3A_1326, %get3A_5 : vector<16xf32>
        %add3A_1328 = arith.addf %mul3A_1313, %mul3A_1327 : vector<16xf32>
        %get3A_1329 = arith.constant 0 : i32
        %get3A_1330 = arith.constant 8 : i32
        %get3A_1331 = arith.index_cast %get3A_1329 : i32 to index
        %get3A_1332 = arith.index_cast %get3A_1330 : i32 to index
        %get3A_1333 = arith.constant 32 : index
        %get3A_1334 = tpu.vector_load %arg10[%get3A_1331, %get3A_1332, %get3A_1333] {strides = array<i32>} : memref<2x16x64xf32, #tpu.memory_space<vmem>>, vector<16xf32>,
        %get3A_1335 = arith.constant 0 : i32
        %get3A_1336 = arith.constant 8 : i32
        %get3A_1337 = arith.index_cast %get3A_1335 : i32 to index
        %get3A_1338 = arith.index_cast %get3A_1336 : i32 to index
        %get3A_1339 = arith.constant 32 : index
        %get3A_1340 = tpu.vector_load %arg11[%get3A_1337, %get3A_1338, %get3A_1339] {strides = array<i32>} : memref<2x16x64xf32, #tpu.memory_space<vmem>>, vector<16xf32>,
        %mul3A_1341 = arith.mulf %get3A_1334, %get3A_1340 : vector<16xf32>
        %mul3A_1342 = arith.mulf %mul3A_1341, %get3A_7 : vector<16xf32>
        %add3A_1343 = arith.addf %add3A_1328, %mul3A_1342 : vector<16xf32>
        %get3A_1344 = arith.constant 0 : i32
        %get3A_1345 = arith.constant 8 : i32
        %get3A_1346 = arith.index_cast %get3A_1344 : i32 to index
        %get3A_1347 = arith.index_cast %get3A_1345 : i32 to index
        %get3A_1348 = arith.constant 48 : index
        %get3A_1349 = tpu.vector_load %arg10[%get3A_1346, %get3A_1347, %get3A_1348] {strides = array<i32>} : memref<2x16x64xf32, #tpu.memory_space<vmem>>, vector<16xf32>,
        %get3A_1350 = arith.constant 0 : i32
        %get3A_1351 = arith.constant 8 : i32
        %get3A_1352 = arith.index_cast %get3A_1350 : i32 to index
        %get3A_1353 = arith.index_cast %get3A_1351 : i32 to index
        %get3A_1354 = arith.constant 48 : index
        %get3A_1355 = tpu.vector_load %arg11[%get3A_1352, %get3A_1353, %get3A_1354] {strides = array<i32>} : memref<2x16x64xf32, #tpu.memory_space<vmem>>, vector<16xf32>,
        %mul3A_1356 = arith.mulf %get3A_1349, %get3A_1355 : vector<16xf32>
        %mul3A_1357 = arith.mulf %mul3A_1356, %get3A_9 : vector<16xf32>
        %add3A_1358 = arith.addf %add3A_1343, %mul3A_1357 : vector<16xf32>
        %reduce_sum3A_1359 = arith.constant true
        %reduce_sum3A_1360 = vector.broadcast %reduce_sum3A_1359 : i1 to vector<16xi1>
        %reduce_sum3A_1361 = tpu.scan <sum>, %add3A_1358 masked %reduce_sum3A_1360 : vector<16xf32>, vector<16xi1> -> vector<16xf32>
        %reduce_sum3A_1362 = vector.extract %reduce_sum3A_1361[15] : f32 from vector<16xf32>
        %broadcast_in_dim3A_1363 = vector.broadcast %reduce_sum3A_1362 : f32 to vector<16xf32>
        %select_n3A_1364 = arith.select %eq3A_37, %broadcast_in_dim3A_1363, %select_n3A_1299 : vector<16xi1>, vector<16xf32>
        %get3A_1365 = arith.constant 0 : i32
        %get3A_1366 = arith.constant 9 : i32
        %get3A_1367 = arith.index_cast %get3A_1365 : i32 to index
        %get3A_1368 = arith.index_cast %get3A_1366 : i32 to index
        %get3A_1369 = arith.constant 0 : index
        %get3A_1370 = tpu.vector_load %arg10[%get3A_1367, %get3A_1368, %get3A_1369] {strides = array<i32>} : memref<2x16x64xf32, #tpu.memory_space<vmem>>, vector<16xf32>,
        %get3A_1371 = arith.constant 0 : i32
        %get3A_1372 = arith.constant 9 : i32
        %get3A_1373 = arith.index_cast %get3A_1371 : i32 to index
        %get3A_1374 = arith.index_cast %get3A_1372 : i32 to index
        %get3A_1375 = arith.constant 0 : index
        %get3A_1376 = tpu.vector_load %arg11[%get3A_1373, %get3A_1374, %get3A_1375] {strides = array<i32>} : memref<2x16x64xf32, #tpu.memory_space<vmem>>, vector<16xf32>,
        %mul3A_1377 = arith.mulf %get3A_1370, %get3A_1376 : vector<16xf32>
        %mul3A_1378 = arith.mulf %mul3A_1377, %get3A_3 : vector<16xf32>
        %get3A_1379 = arith.constant 0 : i32
        %get3A_1380 = arith.constant 9 : i32
        %get3A_1381 = arith.index_cast %get3A_1379 : i32 to index
        %get3A_1382 = arith.index_cast %get3A_1380 : i32 to index
        %get3A_1383 = arith.constant 16 : index
        %get3A_1384 = tpu.vector_load %arg10[%get3A_1381, %get3A_1382, %get3A_1383] {strides = array<i32>} : memref<2x16x64xf32, #tpu.memory_space<vmem>>, vector<16xf32>,
        %get3A_1385 = arith.constant 0 : i32
        %get3A_1386 = arith.constant 9 : i32
        %get3A_1387 = arith.index_cast %get3A_1385 : i32 to index
        %get3A_1388 = arith.index_cast %get3A_1386 : i32 to index
        %get3A_1389 = arith.constant 16 : index
        %get3A_1390 = tpu.vector_load %arg11[%get3A_1387, %get3A_1388, %get3A_1389] {strides = array<i32>} : memref<2x16x64xf32, #tpu.memory_space<vmem>>, vector<16xf32>,
        %mul3A_1391 = arith.mulf %get3A_1384, %get3A_1390 : vector<16xf32>
        %mul3A_1392 = arith.mulf %mul3A_1391, %get3A_5 : vector<16xf32>
        %add3A_1393 = arith.addf %mul3A_1378, %mul3A_1392 : vector<16xf32>
        %get3A_1394 = arith.constant 0 : i32
        %get3A_1395 = arith.constant 9 : i32
        %get3A_1396 = arith.index_cast %get3A_1394 : i32 to index
        %get3A_1397 = arith.index_cast %get3A_1395 : i32 to index
        %get3A_1398 = arith.constant 32 : index
        %get3A_1399 = tpu.vector_load %arg10[%get3A_1396, %get3A_1397, %get3A_1398] {strides = array<i32>} : memref<2x16x64xf32, #tpu.memory_space<vmem>>, vector<16xf32>,
        %get3A_1400 = arith.constant 0 : i32
        %get3A_1401 = arith.constant 9 : i32
        %get3A_1402 = arith.index_cast %get3A_1400 : i32 to index
        %get3A_1403 = arith.index_cast %get3A_1401 : i32 to index
        %get3A_1404 = arith.constant 32 : index
        %get3A_1405 = tpu.vector_load %arg11[%get3A_1402, %get3A_1403, %get3A_1404] {strides = array<i32>} : memref<2x16x64xf32, #tpu.memory_space<vmem>>, vector<16xf32>,
        %mul3A_1406 = arith.mulf %get3A_1399, %get3A_1405 : vector<16xf32>
        %mul3A_1407 = arith.mulf %mul3A_1406, %get3A_7 : vector<16xf32>
        %add3A_1408 = arith.addf %add3A_1393, %mul3A_1407 : vector<16xf32>
        %get3A_1409 = arith.constant 0 : i32
        %get3A_1410 = arith.constant 9 : i32
        %get3A_1411 = arith.index_cast %get3A_1409 : i32 to index
        %get3A_1412 = arith.index_cast %get3A_1410 : i32 to index
        %get3A_1413 = arith.constant 48 : index
        %get3A_1414 = tpu.vector_load %arg10[%get3A_1411, %get3A_1412, %get3A_1413] {strides = array<i32>} : memref<2x16x64xf32, #tpu.memory_space<vmem>>, vector<16xf32>,
        %get3A_1415 = arith.constant 0 : i32
        %get3A_1416 = arith.constant 9 : i32
        %get3A_1417 = arith.index_cast %get3A_1415 : i32 to index
        %get3A_1418 = arith.index_cast %get3A_1416 : i32 to index
        %get3A_1419 = arith.constant 48 : index
        %get3A_1420 = tpu.vector_load %arg11[%get3A_1417, %get3A_1418, %get3A_1419] {strides = array<i32>} : memref<2x16x64xf32, #tpu.memory_space<vmem>>, vector<16xf32>,
        %mul3A_1421 = arith.mulf %get3A_1414, %get3A_1420 : vector<16xf32>
        %mul3A_1422 = arith.mulf %mul3A_1421, %get3A_9 : vector<16xf32>
        %add3A_1423 = arith.addf %add3A_1408, %mul3A_1422 : vector<16xf32>
        %reduce_sum3A_1424 = arith.constant true
        %reduce_sum3A_1425 = vector.broadcast %reduce_sum3A_1424 : i1 to vector<16xi1>
        %reduce_sum3A_1426 = tpu.scan <sum>, %add3A_1423 masked %reduce_sum3A_1425 : vector<16xf32>, vector<16xi1> -> vector<16xf32>
        %reduce_sum3A_1427 = vector.extract %reduce_sum3A_1426[15] : f32 from vector<16xf32>
        %broadcast_in_dim3A_1428 = vector.broadcast %reduce_sum3A_1427 : f32 to vector<16xf32>
        %select_n3A_1429 = arith.select %eq3A_40, %broadcast_in_dim3A_1428, %select_n3A_1364 : vector<16xi1>, vector<16xf32>
        %get3A_1430 = arith.constant 0 : i32
        %get3A_1431 = arith.constant 10 : i32
        %get3A_1432 = arith.index_cast %get3A_1430 : i32 to index
        %get3A_1433 = arith.index_cast %get3A_1431 : i32 to index
        %get3A_1434 = arith.constant 0 : index
        %get3A_1435 = tpu.vector_load %arg10[%get3A_1432, %get3A_1433, %get3A_1434] {strides = array<i32>} : memref<2x16x64xf32, #tpu.memory_space<vmem>>, vector<16xf32>,
        %get3A_1436 = arith.constant 0 : i32
        %get3A_1437 = arith.constant 10 : i32
        %get3A_1438 = arith.index_cast %get3A_1436 : i32 to index
        %get3A_1439 = arith.index_cast %get3A_1437 : i32 to index
        %get3A_1440 = arith.constant 0 : index
        %get3A_1441 = tpu.vector_load %arg11[%get3A_1438, %get3A_1439, %get3A_1440] {strides = array<i32>} : memref<2x16x64xf32, #tpu.memory_space<vmem>>, vector<16xf32>,
        %mul3A_1442 = arith.mulf %get3A_1435, %get3A_1441 : vector<16xf32>
        %mul3A_1443 = arith.mulf %mul3A_1442, %get3A_3 : vector<16xf32>
        %get3A_1444 = arith.constant 0 : i32
        %get3A_1445 = arith.constant 10 : i32
        %get3A_1446 = arith.index_cast %get3A_1444 : i32 to index
        %get3A_1447 = arith.index_cast %get3A_1445 : i32 to index
        %get3A_1448 = arith.constant 16 : index
        %get3A_1449 = tpu.vector_load %arg10[%get3A_1446, %get3A_1447, %get3A_1448] {strides = array<i32>} : memref<2x16x64xf32, #tpu.memory_space<vmem>>, vector<16xf32>,
        %get3A_1450 = arith.constant 0 : i32
        %get3A_1451 = arith.constant 10 : i32
        %get3A_1452 = arith.index_cast %get3A_1450 : i32 to index
        %get3A_1453 = arith.index_cast %get3A_1451 : i32 to index
        %get3A_1454 = arith.constant 16 : index
        %get3A_1455 = tpu.vector_load %arg11[%get3A_1452, %get3A_1453, %get3A_1454] {strides = array<i32>} : memref<2x16x64xf32, #tpu.memory_space<vmem>>, vector<16xf32>,
        %mul3A_1456 = arith.mulf %get3A_1449, %get3A_1455 : vector<16xf32>
        %mul3A_1457 = arith.mulf %mul3A_1456, %get3A_5 : vector<16xf32>
        %add3A_1458 = arith.addf %mul3A_1443, %mul3A_1457 : vector<16xf32>
        %get3A_1459 = arith.constant 0 : i32
        %get3A_1460 = arith.constant 10 : i32
        %get3A_1461 = arith.index_cast %get3A_1459 : i32 to index
        %get3A_1462 = arith.index_cast %get3A_1460 : i32 to index
        %get3A_1463 = arith.constant 32 : index
        %get3A_1464 = tpu.vector_load %arg10[%get3A_1461, %get3A_1462, %get3A_1463] {strides = array<i32>} : memref<2x16x64xf32, #tpu.memory_space<vmem>>, vector<16xf32>,
        %get3A_1465 = arith.constant 0 : i32
        %get3A_1466 = arith.constant 10 : i32
        %get3A_1467 = arith.index_cast %get3A_1465 : i32 to index
        %get3A_1468 = arith.index_cast %get3A_1466 : i32 to index
        %get3A_1469 = arith.constant 32 : index
        %get3A_1470 = tpu.vector_load %arg11[%get3A_1467, %get3A_1468, %get3A_1469] {strides = array<i32>} : memref<2x16x64xf32, #tpu.memory_space<vmem>>, vector<16xf32>,
        %mul3A_1471 = arith.mulf %get3A_1464, %get3A_1470 : vector<16xf32>
        %mul3A_1472 = arith.mulf %mul3A_1471, %get3A_7 : vector<16xf32>
        %add3A_1473 = arith.addf %add3A_1458, %mul3A_1472 : vector<16xf32>
        %get3A_1474 = arith.constant 0 : i32
        %get3A_1475 = arith.constant 10 : i32
        %get3A_1476 = arith.index_cast %get3A_1474 : i32 to index
        %get3A_1477 = arith.index_cast %get3A_1475 : i32 to index
        %get3A_1478 = arith.constant 48 : index
        %get3A_1479 = tpu.vector_load %arg10[%get3A_1476, %get3A_1477, %get3A_1478] {strides = array<i32>} : memref<2x16x64xf32, #tpu.memory_space<vmem>>, vector<16xf32>,
        %get3A_1480 = arith.constant 0 : i32
        %get3A_1481 = arith.constant 10 : i32
        %get3A_1482 = arith.index_cast %get3A_1480 : i32 to index
        %get3A_1483 = arith.index_cast %get3A_1481 : i32 to index
        %get3A_1484 = arith.constant 48 : index
        %get3A_1485 = tpu.vector_load %arg11[%get3A_1482, %get3A_1483, %get3A_1484] {strides = array<i32>} : memref<2x16x64xf32, #tpu.memory_space<vmem>>, vector<16xf32>,
        %mul3A_1486 = arith.mulf %get3A_1479, %get3A_1485 : vector<16xf32>
        %mul3A_1487 = arith.mulf %mul3A_1486, %get3A_9 : vector<16xf32>
        %add3A_1488 = arith.addf %add3A_1473, %mul3A_1487 : vector<16xf32>
        %reduce_sum3A_1489 = arith.constant true
        %reduce_sum3A_1490 = vector.broadcast %reduce_sum3A_1489 : i1 to vector<16xi1>
        %reduce_sum3A_1491 = tpu.scan <sum>, %add3A_1488 masked %reduce_sum3A_1490 : vector<16xf32>, vector<16xi1> -> vector<16xf32>
        %reduce_sum3A_1492 = vector.extract %reduce_sum3A_1491[15] : f32 from vector<16xf32>
        %broadcast_in_dim3A_1493 = vector.broadcast %reduce_sum3A_1492 : f32 to vector<16xf32>
        %select_n3A_1494 = arith.select %eq3A_43, %broadcast_in_dim3A_1493, %select_n3A_1429 : vector<16xi1>, vector<16xf32>
        %get3A_1495 = arith.constant 0 : i32
        %get3A_1496 = arith.constant 11 : i32
        %get3A_1497 = arith.index_cast %get3A_1495 : i32 to index
        %get3A_1498 = arith.index_cast %get3A_1496 : i32 to index
        %get3A_1499 = arith.constant 0 : index
        %get3A_1500 = tpu.vector_load %arg10[%get3A_1497, %get3A_1498, %get3A_1499] {strides = array<i32>} : memref<2x16x64xf32, #tpu.memory_space<vmem>>, vector<16xf32>,
        %get3A_1501 = arith.constant 0 : i32
        %get3A_1502 = arith.constant 11 : i32
        %get3A_1503 = arith.index_cast %get3A_1501 : i32 to index
        %get3A_1504 = arith.index_cast %get3A_1502 : i32 to index
        %get3A_1505 = arith.constant 0 : index
        %get3A_1506 = tpu.vector_load %arg11[%get3A_1503, %get3A_1504, %get3A_1505] {strides = array<i32>} : memref<2x16x64xf32, #tpu.memory_space<vmem>>, vector<16xf32>,
        %mul3A_1507 = arith.mulf %get3A_1500, %get3A_1506 : vector<16xf32>
        %mul3A_1508 = arith.mulf %mul3A_1507, %get3A_3 : vector<16xf32>
        %get3A_1509 = arith.constant 0 : i32
        %get3A_1510 = arith.constant 11 : i32
        %get3A_1511 = arith.index_cast %get3A_1509 : i32 to index
        %get3A_1512 = arith.index_cast %get3A_1510 : i32 to index
        %get3A_1513 = arith.constant 16 : index
        %get3A_1514 = tpu.vector_load %arg10[%get3A_1511, %get3A_1512, %get3A_1513] {strides = array<i32>} : memref<2x16x64xf32, #tpu.memory_space<vmem>>, vector<16xf32>,
        %get3A_1515 = arith.constant 0 : i32
        %get3A_1516 = arith.constant 11 : i32
        %get3A_1517 = arith.index_cast %get3A_1515 : i32 to index
        %get3A_1518 = arith.index_cast %get3A_1516 : i32 to index
        %get3A_1519 = arith.constant 16 : index
        %get3A_1520 = tpu.vector_load %arg11[%get3A_1517, %get3A_1518, %get3A_1519] {strides = array<i32>} : memref<2x16x64xf32, #tpu.memory_space<vmem>>, vector<16xf32>,
        %mul3A_1521 = arith.mulf %get3A_1514, %get3A_1520 : vector<16xf32>
        %mul3A_1522 = arith.mulf %mul3A_1521, %get3A_5 : vector<16xf32>
        %add3A_1523 = arith.addf %mul3A_1508, %mul3A_1522 : vector<16xf32>
        %get3A_1524 = arith.constant 0 : i32
        %get3A_1525 = arith.constant 11 : i32
        %get3A_1526 = arith.index_cast %get3A_1524 : i32 to index
        %get3A_1527 = arith.index_cast %get3A_1525 : i32 to index
        %get3A_1528 = arith.constant 32 : index
        %get3A_1529 = tpu.vector_load %arg10[%get3A_1526, %get3A_1527, %get3A_1528] {strides = array<i32>} : memref<2x16x64xf32, #tpu.memory_space<vmem>>, vector<16xf32>,
        %get3A_1530 = arith.constant 0 : i32
        %get3A_1531 = arith.constant 11 : i32
        %get3A_1532 = arith.index_cast %get3A_1530 : i32 to index
        %get3A_1533 = arith.index_cast %get3A_1531 : i32 to index
        %get3A_1534 = arith.constant 32 : index
        %get3A_1535 = tpu.vector_load %arg11[%get3A_1532, %get3A_1533, %get3A_1534] {strides = array<i32>} : memref<2x16x64xf32, #tpu.memory_space<vmem>>, vector<16xf32>,
        %mul3A_1536 = arith.mulf %get3A_1529, %get3A_1535 : vector<16xf32>
        %mul3A_1537 = arith.mulf %mul3A_1536, %get3A_7 : vector<16xf32>
        %add3A_1538 = arith.addf %add3A_1523, %mul3A_1537 : vector<16xf32>
        %get3A_1539 = arith.constant 0 : i32
        %get3A_1540 = arith.constant 11 : i32
        %get3A_1541 = arith.index_cast %get3A_1539 : i32 to index
        %get3A_1542 = arith.index_cast %get3A_1540 : i32 to index
        %get3A_1543 = arith.constant 48 : index
        %get3A_1544 = tpu.vector_load %arg10[%get3A_1541, %get3A_1542, %get3A_1543] {strides = array<i32>} : memref<2x16x64xf32, #tpu.memory_space<vmem>>, vector<16xf32>,
        %get3A_1545 = arith.constant 0 : i32
        %get3A_1546 = arith.constant 11 : i32
        %get3A_1547 = arith.index_cast %get3A_1545 : i32 to index
        %get3A_1548 = arith.index_cast %get3A_1546 : i32 to index
        %get3A_1549 = arith.constant 48 : index
        %get3A_1550 = tpu.vector_load %arg11[%get3A_1547, %get3A_1548, %get3A_1549] {strides = array<i32>} : memref<2x16x64xf32, #tpu.memory_space<vmem>>, vector<16xf32>,
        %mul3A_1551 = arith.mulf %get3A_1544, %get3A_1550 : vector<16xf32>
        %mul3A_1552 = arith.mulf %mul3A_1551, %get3A_9 : vector<16xf32>
        %add3A_1553 = arith.addf %add3A_1538, %mul3A_1552 : vector<16xf32>
        %reduce_sum3A_1554 = arith.constant true
        %reduce_sum3A_1555 = vector.broadcast %reduce_sum3A_1554 : i1 to vector<16xi1>
        %reduce_sum3A_1556 = tpu.scan <sum>, %add3A_1553 masked %reduce_sum3A_1555 : vector<16xf32>, vector<16xi1> -> vector<16xf32>
        %reduce_sum3A_1557 = vector.extract %reduce_sum3A_1556[15] : f32 from vector<16xf32>
        %broadcast_in_dim3A_1558 = vector.broadcast %reduce_sum3A_1557 : f32 to vector<16xf32>
        %select_n3A_1559 = arith.select %eq3A_46, %broadcast_in_dim3A_1558, %select_n3A_1494 : vector<16xi1>, vector<16xf32>
        %get3A_1560 = arith.constant 0 : i32
        %get3A_1561 = arith.constant 12 : i32
        %get3A_1562 = arith.index_cast %get3A_1560 : i32 to index
        %get3A_1563 = arith.index_cast %get3A_1561 : i32 to index
        %get3A_1564 = arith.constant 0 : index
        %get3A_1565 = tpu.vector_load %arg10[%get3A_1562, %get3A_1563, %get3A_1564] {strides = array<i32>} : memref<2x16x64xf32, #tpu.memory_space<vmem>>, vector<16xf32>,
        %get3A_1566 = arith.constant 0 : i32
        %get3A_1567 = arith.constant 12 : i32
        %get3A_1568 = arith.index_cast %get3A_1566 : i32 to index
        %get3A_1569 = arith.index_cast %get3A_1567 : i32 to index
        %get3A_1570 = arith.constant 0 : index
        %get3A_1571 = tpu.vector_load %arg11[%get3A_1568, %get3A_1569, %get3A_1570] {strides = array<i32>} : memref<2x16x64xf32, #tpu.memory_space<vmem>>, vector<16xf32>,
        %mul3A_1572 = arith.mulf %get3A_1565, %get3A_1571 : vector<16xf32>
        %mul3A_1573 = arith.mulf %mul3A_1572, %get3A_3 : vector<16xf32>
        %get3A_1574 = arith.constant 0 : i32
        %get3A_1575 = arith.constant 12 : i32
        %get3A_1576 = arith.index_cast %get3A_1574 : i32 to index
        %get3A_1577 = arith.index_cast %get3A_1575 : i32 to index
        %get3A_1578 = arith.constant 16 : index
        %get3A_1579 = tpu.vector_load %arg10[%get3A_1576, %get3A_1577, %get3A_1578] {strides = array<i32>} : memref<2x16x64xf32, #tpu.memory_space<vmem>>, vector<16xf32>,
        %get3A_1580 = arith.constant 0 : i32
        %get3A_1581 = arith.constant 12 : i32
        %get3A_1582 = arith.index_cast %get3A_1580 : i32 to index
        %get3A_1583 = arith.index_cast %get3A_1581 : i32 to index
        %get3A_1584 = arith.constant 16 : index
        %get3A_1585 = tpu.vector_load %arg11[%get3A_1582, %get3A_1583, %get3A_1584] {strides = array<i32>} : memref<2x16x64xf32, #tpu.memory_space<vmem>>, vector<16xf32>,
        %mul3A_1586 = arith.mulf %get3A_1579, %get3A_1585 : vector<16xf32>
        %mul3A_1587 = arith.mulf %mul3A_1586, %get3A_5 : vector<16xf32>
        %add3A_1588 = arith.addf %mul3A_1573, %mul3A_1587 : vector<16xf32>
        %get3A_1589 = arith.constant 0 : i32
        %get3A_1590 = arith.constant 12 : i32
        %get3A_1591 = arith.index_cast %get3A_1589 : i32 to index
        %get3A_1592 = arith.index_cast %get3A_1590 : i32 to index
        %get3A_1593 = arith.constant 32 : index
        %get3A_1594 = tpu.vector_load %arg10[%get3A_1591, %get3A_1592, %get3A_1593] {strides = array<i32>} : memref<2x16x64xf32, #tpu.memory_space<vmem>>, vector<16xf32>,
        %get3A_1595 = arith.constant 0 : i32
        %get3A_1596 = arith.constant 12 : i32
        %get3A_1597 = arith.index_cast %get3A_1595 : i32 to index
        %get3A_1598 = arith.index_cast %get3A_1596 : i32 to index
        %get3A_1599 = arith.constant 32 : index
        %get3A_1600 = tpu.vector_load %arg11[%get3A_1597, %get3A_1598, %get3A_1599] {strides = array<i32>} : memref<2x16x64xf32, #tpu.memory_space<vmem>>, vector<16xf32>,
        %mul3A_1601 = arith.mulf %get3A_1594, %get3A_1600 : vector<16xf32>
        %mul3A_1602 = arith.mulf %mul3A_1601, %get3A_7 : vector<16xf32>
        %add3A_1603 = arith.addf %add3A_1588, %mul3A_1602 : vector<16xf32>
        %get3A_1604 = arith.constant 0 : i32
        %get3A_1605 = arith.constant 12 : i32
        %get3A_1606 = arith.index_cast %get3A_1604 : i32 to index
        %get3A_1607 = arith.index_cast %get3A_1605 : i32 to index
        %get3A_1608 = arith.constant 48 : index
        %get3A_1609 = tpu.vector_load %arg10[%get3A_1606, %get3A_1607, %get3A_1608] {strides = array<i32>} : memref<2x16x64xf32, #tpu.memory_space<vmem>>, vector<16xf32>,
        %get3A_1610 = arith.constant 0 : i32
        %get3A_1611 = arith.constant 12 : i32
        %get3A_1612 = arith.index_cast %get3A_1610 : i32 to index
        %get3A_1613 = arith.index_cast %get3A_1611 : i32 to index
        %get3A_1614 = arith.constant 48 : index
        %get3A_1615 = tpu.vector_load %arg11[%get3A_1612, %get3A_1613, %get3A_1614] {strides = array<i32>} : memref<2x16x64xf32, #tpu.memory_space<vmem>>, vector<16xf32>,
        %mul3A_1616 = arith.mulf %get3A_1609, %get3A_1615 : vector<16xf32>
        %mul3A_1617 = arith.mulf %mul3A_1616, %get3A_9 : vector<16xf32>
        %add3A_1618 = arith.addf %add3A_1603, %mul3A_1617 : vector<16xf32>
        %reduce_sum3A_1619 = arith.constant true
        %reduce_sum3A_1620 = vector.broadcast %reduce_sum3A_1619 : i1 to vector<16xi1>
        %reduce_sum3A_1621 = tpu.scan <sum>, %add3A_1618 masked %reduce_sum3A_1620 : vector<16xf32>, vector<16xi1> -> vector<16xf32>
        %reduce_sum3A_1622 = vector.extract %reduce_sum3A_1621[15] : f32 from vector<16xf32>
        %broadcast_in_dim3A_1623 = vector.broadcast %reduce_sum3A_1622 : f32 to vector<16xf32>
        %select_n3A_1624 = arith.select %eq3A_49, %broadcast_in_dim3A_1623, %select_n3A_1559 : vector<16xi1>, vector<16xf32>
        %get3A_1625 = arith.constant 0 : i32
        %get3A_1626 = arith.constant 13 : i32
        %get3A_1627 = arith.index_cast %get3A_1625 : i32 to index
        %get3A_1628 = arith.index_cast %get3A_1626 : i32 to index
        %get3A_1629 = arith.constant 0 : index
        %get3A_1630 = tpu.vector_load %arg10[%get3A_1627, %get3A_1628, %get3A_1629] {strides = array<i32>} : memref<2x16x64xf32, #tpu.memory_space<vmem>>, vector<16xf32>,
        %get3A_1631 = arith.constant 0 : i32
        %get3A_1632 = arith.constant 13 : i32
        %get3A_1633 = arith.index_cast %get3A_1631 : i32 to index
        %get3A_1634 = arith.index_cast %get3A_1632 : i32 to index
        %get3A_1635 = arith.constant 0 : index
        %get3A_1636 = tpu.vector_load %arg11[%get3A_1633, %get3A_1634, %get3A_1635] {strides = array<i32>} : memref<2x16x64xf32, #tpu.memory_space<vmem>>, vector<16xf32>,
        %mul3A_1637 = arith.mulf %get3A_1630, %get3A_1636 : vector<16xf32>
        %mul3A_1638 = arith.mulf %mul3A_1637, %get3A_3 : vector<16xf32>
        %get3A_1639 = arith.constant 0 : i32
        %get3A_1640 = arith.constant 13 : i32
        %get3A_1641 = arith.index_cast %get3A_1639 : i32 to index
        %get3A_1642 = arith.index_cast %get3A_1640 : i32 to index
        %get3A_1643 = arith.constant 16 : index
        %get3A_1644 = tpu.vector_load %arg10[%get3A_1641, %get3A_1642, %get3A_1643] {strides = array<i32>} : memref<2x16x64xf32, #tpu.memory_space<vmem>>, vector<16xf32>,
        %get3A_1645 = arith.constant 0 : i32
        %get3A_1646 = arith.constant 13 : i32
        %get3A_1647 = arith.index_cast %get3A_1645 : i32 to index
        %get3A_1648 = arith.index_cast %get3A_1646 : i32 to index
        %get3A_1649 = arith.constant 16 : index
        %get3A_1650 = tpu.vector_load %arg11[%get3A_1647, %get3A_1648, %get3A_1649] {strides = array<i32>} : memref<2x16x64xf32, #tpu.memory_space<vmem>>, vector<16xf32>,
        %mul3A_1651 = arith.mulf %get3A_1644, %get3A_1650 : vector<16xf32>
        %mul3A_1652 = arith.mulf %mul3A_1651, %get3A_5 : vector<16xf32>
        %add3A_1653 = arith.addf %mul3A_1638, %mul3A_1652 : vector<16xf32>
        %get3A_1654 = arith.constant 0 : i32
        %get3A_1655 = arith.constant 13 : i32
        %get3A_1656 = arith.index_cast %get3A_1654 : i32 to index
        %get3A_1657 = arith.index_cast %get3A_1655 : i32 to index
        %get3A_1658 = arith.constant 32 : index
        %get3A_1659 = tpu.vector_load %arg10[%get3A_1656, %get3A_1657, %get3A_1658] {strides = array<i32>} : memref<2x16x64xf32, #tpu.memory_space<vmem>>, vector<16xf32>,
        %get3A_1660 = arith.constant 0 : i32
        %get3A_1661 = arith.constant 13 : i32
        %get3A_1662 = arith.index_cast %get3A_1660 : i32 to index
        %get3A_1663 = arith.index_cast %get3A_1661 : i32 to index
        %get3A_1664 = arith.constant 32 : index
        %get3A_1665 = tpu.vector_load %arg11[%get3A_1662, %get3A_1663, %get3A_1664] {strides = array<i32>} : memref<2x16x64xf32, #tpu.memory_space<vmem>>, vector<16xf32>,
        %mul3A_1666 = arith.mulf %get3A_1659, %get3A_1665 : vector<16xf32>
        %mul3A_1667 = arith.mulf %mul3A_1666, %get3A_7 : vector<16xf32>
        %add3A_1668 = arith.addf %add3A_1653, %mul3A_1667 : vector<16xf32>
        %get3A_1669 = arith.constant 0 : i32
        %get3A_1670 = arith.constant 13 : i32
        %get3A_1671 = arith.index_cast %get3A_1669 : i32 to index
        %get3A_1672 = arith.index_cast %get3A_1670 : i32 to index
        %get3A_1673 = arith.constant 48 : index
        %get3A_1674 = tpu.vector_load %arg10[%get3A_1671, %get3A_1672, %get3A_1673] {strides = array<i32>} : memref<2x16x64xf32, #tpu.memory_space<vmem>>, vector<16xf32>,
        %get3A_1675 = arith.constant 0 : i32
        %get3A_1676 = arith.constant 13 : i32
        %get3A_1677 = arith.index_cast %get3A_1675 : i32 to index
        %get3A_1678 = arith.index_cast %get3A_1676 : i32 to index
        %get3A_1679 = arith.constant 48 : index
        %get3A_1680 = tpu.vector_load %arg11[%get3A_1677, %get3A_1678, %get3A_1679] {strides = array<i32>} : memref<2x16x64xf32, #tpu.memory_space<vmem>>, vector<16xf32>,
        %mul3A_1681 = arith.mulf %get3A_1674, %get3A_1680 : vector<16xf32>
        %mul3A_1682 = arith.mulf %mul3A_1681, %get3A_9 : vector<16xf32>
        %add3A_1683 = arith.addf %add3A_1668, %mul3A_1682 : vector<16xf32>
        %reduce_sum3A_1684 = arith.constant true
        %reduce_sum3A_1685 = vector.broadcast %reduce_sum3A_1684 : i1 to vector<16xi1>
        %reduce_sum3A_1686 = tpu.scan <sum>, %add3A_1683 masked %reduce_sum3A_1685 : vector<16xf32>, vector<16xi1> -> vector<16xf32>
        %reduce_sum3A_1687 = vector.extract %reduce_sum3A_1686[15] : f32 from vector<16xf32>
        %broadcast_in_dim3A_1688 = vector.broadcast %reduce_sum3A_1687 : f32 to vector<16xf32>
        %select_n3A_1689 = arith.select %eq3A_52, %broadcast_in_dim3A_1688, %select_n3A_1624 : vector<16xi1>, vector<16xf32>
        %get3A_1690 = arith.constant 0 : i32
        %get3A_1691 = arith.constant 14 : i32
        %get3A_1692 = arith.index_cast %get3A_1690 : i32 to index
        %get3A_1693 = arith.index_cast %get3A_1691 : i32 to index
        %get3A_1694 = arith.constant 0 : index
        %get3A_1695 = tpu.vector_load %arg10[%get3A_1692, %get3A_1693, %get3A_1694] {strides = array<i32>} : memref<2x16x64xf32, #tpu.memory_space<vmem>>, vector<16xf32>,
        %get3A_1696 = arith.constant 0 : i32
        %get3A_1697 = arith.constant 14 : i32
        %get3A_1698 = arith.index_cast %get3A_1696 : i32 to index
        %get3A_1699 = arith.index_cast %get3A_1697 : i32 to index
        %get3A_1700 = arith.constant 0 : index
        %get3A_1701 = tpu.vector_load %arg11[%get3A_1698, %get3A_1699, %get3A_1700] {strides = array<i32>} : memref<2x16x64xf32, #tpu.memory_space<vmem>>, vector<16xf32>,
        %mul3A_1702 = arith.mulf %get3A_1695, %get3A_1701 : vector<16xf32>
        %mul3A_1703 = arith.mulf %mul3A_1702, %get3A_3 : vector<16xf32>
        %get3A_1704 = arith.constant 0 : i32
        %get3A_1705 = arith.constant 14 : i32
        %get3A_1706 = arith.index_cast %get3A_1704 : i32 to index
        %get3A_1707 = arith.index_cast %get3A_1705 : i32 to index
        %get3A_1708 = arith.constant 16 : index
        %get3A_1709 = tpu.vector_load %arg10[%get3A_1706, %get3A_1707, %get3A_1708] {strides = array<i32>} : memref<2x16x64xf32, #tpu.memory_space<vmem>>, vector<16xf32>,
        %get3A_1710 = arith.constant 0 : i32
        %get3A_1711 = arith.constant 14 : i32
        %get3A_1712 = arith.index_cast %get3A_1710 : i32 to index
        %get3A_1713 = arith.index_cast %get3A_1711 : i32 to index
        %get3A_1714 = arith.constant 16 : index
        %get3A_1715 = tpu.vector_load %arg11[%get3A_1712, %get3A_1713, %get3A_1714] {strides = array<i32>} : memref<2x16x64xf32, #tpu.memory_space<vmem>>, vector<16xf32>,
        %mul3A_1716 = arith.mulf %get3A_1709, %get3A_1715 : vector<16xf32>
        %mul3A_1717 = arith.mulf %mul3A_1716, %get3A_5 : vector<16xf32>
        %add3A_1718 = arith.addf %mul3A_1703, %mul3A_1717 : vector<16xf32>
        %get3A_1719 = arith.constant 0 : i32
        %get3A_1720 = arith.constant 14 : i32
        %get3A_1721 = arith.index_cast %get3A_1719 : i32 to index
        %get3A_1722 = arith.index_cast %get3A_1720 : i32 to index
        %get3A_1723 = arith.constant 32 : index
        %get3A_1724 = tpu.vector_load %arg10[%get3A_1721, %get3A_1722, %get3A_1723] {strides = array<i32>} : memref<2x16x64xf32, #tpu.memory_space<vmem>>, vector<16xf32>,
        %get3A_1725 = arith.constant 0 : i32
        %get3A_1726 = arith.constant 14 : i32
        %get3A_1727 = arith.index_cast %get3A_1725 : i32 to index
        %get3A_1728 = arith.index_cast %get3A_1726 : i32 to index
        %get3A_1729 = arith.constant 32 : index
        %get3A_1730 = tpu.vector_load %arg11[%get3A_1727, %get3A_1728, %get3A_1729] {strides = array<i32>} : memref<2x16x64xf32, #tpu.memory_space<vmem>>, vector<16xf32>,
        %mul3A_1731 = arith.mulf %get3A_1724, %get3A_1730 : vector<16xf32>
        %mul3A_1732 = arith.mulf %mul3A_1731, %get3A_7 : vector<16xf32>
        %add3A_1733 = arith.addf %add3A_1718, %mul3A_1732 : vector<16xf32>
        %get3A_1734 = arith.constant 0 : i32
        %get3A_1735 = arith.constant 14 : i32
        %get3A_1736 = arith.index_cast %get3A_1734 : i32 to index
        %get3A_1737 = arith.index_cast %get3A_1735 : i32 to index
        %get3A_1738 = arith.constant 48 : index
        %get3A_1739 = tpu.vector_load %arg10[%get3A_1736, %get3A_1737, %get3A_1738] {strides = array<i32>} : memref<2x16x64xf32, #tpu.memory_space<vmem>>, vector<16xf32>,
        %get3A_1740 = arith.constant 0 : i32
        %get3A_1741 = arith.constant 14 : i32
        %get3A_1742 = arith.index_cast %get3A_1740 : i32 to index
        %get3A_1743 = arith.index_cast %get3A_1741 : i32 to index
        %get3A_1744 = arith.constant 48 : index
        %get3A_1745 = tpu.vector_load %arg11[%get3A_1742, %get3A_1743, %get3A_1744] {strides = array<i32>} : memref<2x16x64xf32, #tpu.memory_space<vmem>>, vector<16xf32>,
        %mul3A_1746 = arith.mulf %get3A_1739, %get3A_1745 : vector<16xf32>
        %mul3A_1747 = arith.mulf %mul3A_1746, %get3A_9 : vector<16xf32>
        %add3A_1748 = arith.addf %add3A_1733, %mul3A_1747 : vector<16xf32>
        %reduce_sum3A_1749 = arith.constant true
        %reduce_sum3A_1750 = vector.broadcast %reduce_sum3A_1749 : i1 to vector<16xi1>
        %reduce_sum3A_1751 = tpu.scan <sum>, %add3A_1748 masked %reduce_sum3A_1750 : vector<16xf32>, vector<16xi1> -> vector<16xf32>
        %reduce_sum3A_1752 = vector.extract %reduce_sum3A_1751[15] : f32 from vector<16xf32>
        %broadcast_in_dim3A_1753 = vector.broadcast %reduce_sum3A_1752 : f32 to vector<16xf32>
        %select_n3A_1754 = arith.select %eq3A_55, %broadcast_in_dim3A_1753, %select_n3A_1689 : vector<16xi1>, vector<16xf32>
        %get3A_1755 = arith.constant 0 : i32
        %get3A_1756 = arith.constant 15 : i32
        %get3A_1757 = arith.index_cast %get3A_1755 : i32 to index
        %get3A_1758 = arith.index_cast %get3A_1756 : i32 to index
        %get3A_1759 = arith.constant 0 : index
        %get3A_1760 = tpu.vector_load %arg10[%get3A_1757, %get3A_1758, %get3A_1759] {strides = array<i32>} : memref<2x16x64xf32, #tpu.memory_space<vmem>>, vector<16xf32>,
        %get3A_1761 = arith.constant 0 : i32
        %get3A_1762 = arith.constant 15 : i32
        %get3A_1763 = arith.index_cast %get3A_1761 : i32 to index
        %get3A_1764 = arith.index_cast %get3A_1762 : i32 to index
        %get3A_1765 = arith.constant 0 : index
        %get3A_1766 = tpu.vector_load %arg11[%get3A_1763, %get3A_1764, %get3A_1765] {strides = array<i32>} : memref<2x16x64xf32, #tpu.memory_space<vmem>>, vector<16xf32>,
        %mul3A_1767 = arith.mulf %get3A_1760, %get3A_1766 : vector<16xf32>
        %mul3A_1768 = arith.mulf %mul3A_1767, %get3A_3 : vector<16xf32>
        %get3A_1769 = arith.constant 0 : i32
        %get3A_1770 = arith.constant 15 : i32
        %get3A_1771 = arith.index_cast %get3A_1769 : i32 to index
        %get3A_1772 = arith.index_cast %get3A_1770 : i32 to index
        %get3A_1773 = arith.constant 16 : index
        %get3A_1774 = tpu.vector_load %arg10[%get3A_1771, %get3A_1772, %get3A_1773] {strides = array<i32>} : memref<2x16x64xf32, #tpu.memory_space<vmem>>, vector<16xf32>,
        %get3A_1775 = arith.constant 0 : i32
        %get3A_1776 = arith.constant 15 : i32
        %get3A_1777 = arith.index_cast %get3A_1775 : i32 to index
        %get3A_1778 = arith.index_cast %get3A_1776 : i32 to index
        %get3A_1779 = arith.constant 16 : index
        %get3A_1780 = tpu.vector_load %arg11[%get3A_1777, %get3A_1778, %get3A_1779] {strides = array<i32>} : memref<2x16x64xf32, #tpu.memory_space<vmem>>, vector<16xf32>,
        %mul3A_1781 = arith.mulf %get3A_1774, %get3A_1780 : vector<16xf32>
        %mul3A_1782 = arith.mulf %mul3A_1781, %get3A_5 : vector<16xf32>
        %add3A_1783 = arith.addf %mul3A_1768, %mul3A_1782 : vector<16xf32>
        %get3A_1784 = arith.constant 0 : i32
        %get3A_1785 = arith.constant 15 : i32
        %get3A_1786 = arith.index_cast %get3A_1784 : i32 to index
        %get3A_1787 = arith.index_cast %get3A_1785 : i32 to index
        %get3A_1788 = arith.constant 32 : index
        %get3A_1789 = tpu.vector_load %arg10[%get3A_1786, %get3A_1787, %get3A_1788] {strides = array<i32>} : memref<2x16x64xf32, #tpu.memory_space<vmem>>, vector<16xf32>,
        %get3A_1790 = arith.constant 0 : i32
        %get3A_1791 = arith.constant 15 : i32
        %get3A_1792 = arith.index_cast %get3A_1790 : i32 to index
        %get3A_1793 = arith.index_cast %get3A_1791 : i32 to index
        %get3A_1794 = arith.constant 32 : index
        %get3A_1795 = tpu.vector_load %arg11[%get3A_1792, %get3A_1793, %get3A_1794] {strides = array<i32>} : memref<2x16x64xf32, #tpu.memory_space<vmem>>, vector<16xf32>,
        %mul3A_1796 = arith.mulf %get3A_1789, %get3A_1795 : vector<16xf32>
        %mul3A_1797 = arith.mulf %mul3A_1796, %get3A_7 : vector<16xf32>
        %add3A_1798 = arith.addf %add3A_1783, %mul3A_1797 : vector<16xf32>
        %get3A_1799 = arith.constant 0 : i32
        %get3A_1800 = arith.constant 15 : i32
        %get3A_1801 = arith.index_cast %get3A_1799 : i32 to index
        %get3A_1802 = arith.index_cast %get3A_1800 : i32 to index
        %get3A_1803 = arith.constant 48 : index
        %get3A_1804 = tpu.vector_load %arg10[%get3A_1801, %get3A_1802, %get3A_1803] {strides = array<i32>} : memref<2x16x64xf32, #tpu.memory_space<vmem>>, vector<16xf32>,
        %get3A_1805 = arith.constant 0 : i32
        %get3A_1806 = arith.constant 15 : i32
        %get3A_1807 = arith.index_cast %get3A_1805 : i32 to index
        %get3A_1808 = arith.index_cast %get3A_1806 : i32 to index
        %get3A_1809 = arith.constant 48 : index
        %get3A_1810 = tpu.vector_load %arg11[%get3A_1807, %get3A_1808, %get3A_1809] {strides = array<i32>} : memref<2x16x64xf32, #tpu.memory_space<vmem>>, vector<16xf32>,
        %mul3A_1811 = arith.mulf %get3A_1804, %get3A_1810 : vector<16xf32>
        %mul3A_1812 = arith.mulf %mul3A_1811, %get3A_9 : vector<16xf32>
        %add3A_1813 = arith.addf %add3A_1798, %mul3A_1812 : vector<16xf32>
        %reduce_sum3A_1814 = arith.constant true
        %reduce_sum3A_1815 = vector.broadcast %reduce_sum3A_1814 : i1 to vector<16xi1>
        %reduce_sum3A_1816 = tpu.scan <sum>, %add3A_1813 masked %reduce_sum3A_1815 : vector<16xf32>, vector<16xi1> -> vector<16xf32>
        %reduce_sum3A_1817 = vector.extract %reduce_sum3A_1816[15] : f32 from vector<16xf32>
        %broadcast_in_dim3A_1818 = vector.broadcast %reduce_sum3A_1817 : f32 to vector<16xf32>
        %select_n3A_1819 = arith.select %eq3A_58, %broadcast_in_dim3A_1818, %select_n3A_1754 : vector<16xi1>, vector<16xf32>
        %add3A_1820 = arith.addf %select_n3A_1819, %get3A_11 : vector<16xf32>
        %mul3A_1821 = arith.constant 16 : i32
        %mul3A_1822 = arith.muli %scan3A_736, %mul3A_1821 : i32
        %swap3A = arith.index_cast %mul3A_1822 : i32 to index
        %swap3A_1823 = tpu.vector_load %arg12[%swap3A] {strides = array<i32>} : memref<512xf32, #tpu.memory_space<vmem>>, vector<16xf32>,
        tpu.vector_store %arg12[%swap3A], %add3A_1820 {strides = array<i32>} : memref<512xf32, #tpu.memory_space<vmem>>, vector<16xf32>,
      } else {
      }
      %eq3A_741 = arith.constant 1 : i32
      %eq3A_742 = arith.cmpi eq, %rem3A_737, %eq3A_741 : i32
      %convert_element_type3A_743 = arith.extui %eq3A_742 : i1 to i32
      %cond3A_744 = arith.constant 0 : i32
      %cond3A_745 = arith.cmpi ne, %convert_element_type3A_743, %cond3A_744 : i32
      scf.if %cond3A_745 {
        %add3A_746 = arith.constant 1 : i32
        %add3A_747 = arith.addi %scan3A_736, %add3A_746 : i32
        %lt3A = arith.constant 32 : i32
        %lt3A_748 = arith.cmpi slt, %add3A_747, %lt3A : i32
        %convert_element_type3A_749 = arith.extui %lt3A_748 : i1 to i32
        %cond3A_750 = arith.constant 0 : i32
        %cond3A_751 = arith.cmpi ne, %convert_element_type3A_749, %cond3A_750 : i32
        scf.if %cond3A_751 {
          %add3A_1824 = arith.constant 1 : i32
          %add3A_1825 = arith.addi %scan3A_736, %add3A_1824 : i32
          %mul3A_1826 = arith.constant 16 : i32
          %mul3A_1827 = arith.muli %add3A_1825, %mul3A_1826 : i32
          %get3A_1828 = arith.index_cast %mul3A_1827 : i32 to index
          %get3A_1829 = tpu.vector_load %arg8[%get3A_1828] {strides = array<i32>} : memref<512xi32, #tpu.memory_space<vmem>>, vector<16xi32>,
          %get3A_1830 = arith.index_cast %mul3A_1827 : i32 to index
          %get3A_1831 = tpu.vector_load %arg9[%get3A_1830] {strides = array<i32>} : memref<512xi32, #tpu.memory_space<vmem>>, vector<16xi32>,
          %slice3A_1832 = vector.extract_strided_slice %get3A_1829 {offsets = [0], sizes = [1], strides = [1]} : vector<16xi32> to vector<1xi32>
          %squeeze3A_1833 = vector.extract %slice3A_1832[0] : i32 from vector<1xi32>
          %dma_start3A_1834 = arith.constant 0 : i32
          %dma_start3A_1835 = arith.constant 0 : i32
          %dma_start3A_1836 = arith.constant 0 : i32
          %dma_start3A_1837 = tpu.memref_slice %arg10[%dma_start3A_1834, %dma_start3A_1835, %dma_start3A_1836] : memref<2x16x64xf32, #tpu.memory_space<vmem>> -> memref<1x16x64xf32, #tpu.memory_space<vmem>>
          %dma_start3A_1838 = tpu.memref_squeeze %dma_start3A_1837 : memref<1x16x64xf32, #tpu.memory_space<vmem>> -> memref<16x64xf32, #tpu.memory_space<vmem>>
          %dma_start3A_1839 = arith.constant 0 : i32
          %dma_start3A_1840 = arith.constant 0 : i32
          %dma_start3A_1841 = tpu.memref_slice %dma_start3A_1838[%dma_start3A_1839, %dma_start3A_1840] : memref<16x64xf32, #tpu.memory_space<vmem>> -> memref<1x64xf32, #tpu.memory_space<vmem>>
          %dma_start3A_1842 = arith.constant 0 : i32
          %dma_start3A_1843 = tpu.memref_slice %arg4[%squeeze3A_1833, %dma_start3A_1842] : memref<1000000x64xf32, #tpu.memory_space<hbm>> -> memref<1x64xf32, #tpu.memory_space<hbm>>
          %dma_start3A_1844 = arith.constant 0 : i32
          %dma_start3A_1845 = arith.constant 0 : i32
          %dma_start3A_1846 = tpu.memref_slice %arg10[%dma_start3A_1834, %dma_start3A_1844, %dma_start3A_1845] : memref<2x16x64xf32, #tpu.memory_space<vmem>> -> memref<1x16x64xf32, #tpu.memory_space<vmem>>
          %dma_start3A_1847 = tpu.memref_squeeze %dma_start3A_1846 : memref<1x16x64xf32, #tpu.memory_space<vmem>> -> memref<16x64xf32, #tpu.memory_space<vmem>>
          %dma_start3A_1848 = arith.constant 0 : i32
          %dma_start3A_1849 = arith.constant 0 : i32
          %dma_start3A_1850 = tpu.memref_slice %dma_start3A_1847[%dma_start3A_1848, %dma_start3A_1849] : memref<16x64xf32, #tpu.memory_space<vmem>> -> memref<1x64xf32, #tpu.memory_space<vmem>>
          %dma_start3A_1851 = arith.constant 0 : i32
          %dma_start3A_1852 = tpu.memref_slice %arg4[%squeeze3A_1833, %dma_start3A_1851] : memref<1000000x64xf32, #tpu.memory_space<hbm>> -> memref<1x64xf32, #tpu.memory_space<hbm>>
          tpu.enqueue_dma source(%dma_start3A_1852 : memref<1x64xf32, #tpu.memory_space<hbm>>) target(%dma_start3A_1850 : memref<1x64xf32, #tpu.memory_space<vmem>>) target_semaphore(%arg14 : memref<!tpu.dma_semaphore, #tpu.memory_space<semaphore_mem>>)
          %slice3A_1853 = vector.extract_strided_slice %get3A_1831 {offsets = [0], sizes = [1], strides = [1]} : vector<16xi32> to vector<1xi32>
          %squeeze3A_1854 = vector.extract %slice3A_1853[0] : i32 from vector<1xi32>
          %dma_start3A_1855 = arith.constant 0 : i32
          %dma_start3A_1856 = arith.constant 0 : i32
          %dma_start3A_1857 = arith.constant 0 : i32
          %dma_start3A_1858 = tpu.memref_slice %arg11[%dma_start3A_1855, %dma_start3A_1856, %dma_start3A_1857] : memref<2x16x64xf32, #tpu.memory_space<vmem>> -> memref<1x16x64xf32, #tpu.memory_space<vmem>>
          %dma_start3A_1859 = tpu.memref_squeeze %dma_start3A_1858 : memref<1x16x64xf32, #tpu.memory_space<vmem>> -> memref<16x64xf32, #tpu.memory_space<vmem>>
          %dma_start3A_1860 = arith.constant 0 : i32
          %dma_start3A_1861 = arith.constant 0 : i32
          %dma_start3A_1862 = tpu.memref_slice %dma_start3A_1859[%dma_start3A_1860, %dma_start3A_1861] : memref<16x64xf32, #tpu.memory_space<vmem>> -> memref<1x64xf32, #tpu.memory_space<vmem>>
          %dma_start3A_1863 = arith.constant 0 : i32
          %dma_start3A_1864 = tpu.memref_slice %arg5[%squeeze3A_1854, %dma_start3A_1863] : memref<1000000x64xf32, #tpu.memory_space<hbm>> -> memref<1x64xf32, #tpu.memory_space<hbm>>
          %dma_start3A_1865 = arith.constant 0 : i32
          %dma_start3A_1866 = arith.constant 0 : i32
          %dma_start3A_1867 = tpu.memref_slice %arg11[%dma_start3A_1855, %dma_start3A_1865, %dma_start3A_1866] : memref<2x16x64xf32, #tpu.memory_space<vmem>> -> memref<1x16x64xf32, #tpu.memory_space<vmem>>
          %dma_start3A_1868 = tpu.memref_squeeze %dma_start3A_1867 : memref<1x16x64xf32, #tpu.memory_space<vmem>> -> memref<16x64xf32, #tpu.memory_space<vmem>>
          %dma_start3A_1869 = arith.constant 0 : i32
          %dma_start3A_1870 = arith.constant 0 : i32
          %dma_start3A_1871 = tpu.memref_slice %dma_start3A_1868[%dma_start3A_1869, %dma_start3A_1870] : memref<16x64xf32, #tpu.memory_space<vmem>> -> memref<1x64xf32, #tpu.memory_space<vmem>>
          %dma_start3A_1872 = arith.constant 0 : i32
          %dma_start3A_1873 = tpu.memref_slice %arg5[%squeeze3A_1854, %dma_start3A_1872] : memref<1000000x64xf32, #tpu.memory_space<hbm>> -> memref<1x64xf32, #tpu.memory_space<hbm>>
          tpu.enqueue_dma source(%dma_start3A_1873 : memref<1x64xf32, #tpu.memory_space<hbm>>) target(%dma_start3A_1871 : memref<1x64xf32, #tpu.memory_space<vmem>>) target_semaphore(%arg14 : memref<!tpu.dma_semaphore, #tpu.memory_space<semaphore_mem>>)
          %slice3A_1874 = vector.extract_strided_slice %get3A_1829 {offsets = [1], sizes = [1], strides = [1]} : vector<16xi32> to vector<1xi32>
          %squeeze3A_1875 = vector.extract %slice3A_1874[0] : i32 from vector<1xi32>
          %dma_start3A_1876 = arith.constant 0 : i32
          %dma_start3A_1877 = arith.constant 0 : i32
          %dma_start3A_1878 = arith.constant 0 : i32
          %dma_start3A_1879 = tpu.memref_slice %arg10[%dma_start3A_1876, %dma_start3A_1877, %dma_start3A_1878] : memref<2x16x64xf32, #tpu.memory_space<vmem>> -> memref<1x16x64xf32, #tpu.memory_space<vmem>>
          %dma_start3A_1880 = tpu.memref_squeeze %dma_start3A_1879 : memref<1x16x64xf32, #tpu.memory_space<vmem>> -> memref<16x64xf32, #tpu.memory_space<vmem>>
          %dma_start3A_1881 = arith.constant 1 : i32
          %dma_start3A_1882 = arith.constant 0 : i32
          %dma_start3A_1883 = tpu.memref_slice %dma_start3A_1880[%dma_start3A_1881, %dma_start3A_1882] : memref<16x64xf32, #tpu.memory_space<vmem>> -> memref<1x64xf32, #tpu.memory_space<vmem>>
          %dma_start3A_1884 = arith.constant 0 : i32
          %dma_start3A_1885 = tpu.memref_slice %arg4[%squeeze3A_1875, %dma_start3A_1884] : memref<1000000x64xf32, #tpu.memory_space<hbm>> -> memref<1x64xf32, #tpu.memory_space<hbm>>
          %dma_start3A_1886 = arith.constant 0 : i32
          %dma_start3A_1887 = arith.constant 0 : i32
          %dma_start3A_1888 = tpu.memref_slice %arg10[%dma_start3A_1876, %dma_start3A_1886, %dma_start3A_1887] : memref<2x16x64xf32, #tpu.memory_space<vmem>> -> memref<1x16x64xf32, #tpu.memory_space<vmem>>
          %dma_start3A_1889 = tpu.memref_squeeze %dma_start3A_1888 : memref<1x16x64xf32, #tpu.memory_space<vmem>> -> memref<16x64xf32, #tpu.memory_space<vmem>>
          %dma_start3A_1890 = arith.constant 1 : i32
          %dma_start3A_1891 = arith.constant 0 : i32
          %dma_start3A_1892 = tpu.memref_slice %dma_start3A_1889[%dma_start3A_1890, %dma_start3A_1891] : memref<16x64xf32, #tpu.memory_space<vmem>> -> memref<1x64xf32, #tpu.memory_space<vmem>>
          %dma_start3A_1893 = arith.constant 0 : i32
          %dma_start3A_1894 = tpu.memref_slice %arg4[%squeeze3A_1875, %dma_start3A_1893] : memref<1000000x64xf32, #tpu.memory_space<hbm>> -> memref<1x64xf32, #tpu.memory_space<hbm>>
          tpu.enqueue_dma source(%dma_start3A_1894 : memref<1x64xf32, #tpu.memory_space<hbm>>) target(%dma_start3A_1892 : memref<1x64xf32, #tpu.memory_space<vmem>>) target_semaphore(%arg14 : memref<!tpu.dma_semaphore, #tpu.memory_space<semaphore_mem>>)
          %slice3A_1895 = vector.extract_strided_slice %get3A_1831 {offsets = [1], sizes = [1], strides = [1]} : vector<16xi32> to vector<1xi32>
          %squeeze3A_1896 = vector.extract %slice3A_1895[0] : i32 from vector<1xi32>
          %dma_start3A_1897 = arith.constant 0 : i32
          %dma_start3A_1898 = arith.constant 0 : i32
          %dma_start3A_1899 = arith.constant 0 : i32
          %dma_start3A_1900 = tpu.memref_slice %arg11[%dma_start3A_1897, %dma_start3A_1898, %dma_start3A_1899] : memref<2x16x64xf32, #tpu.memory_space<vmem>> -> memref<1x16x64xf32, #tpu.memory_space<vmem>>
          %dma_start3A_1901 = tpu.memref_squeeze %dma_start3A_1900 : memref<1x16x64xf32, #tpu.memory_space<vmem>> -> memref<16x64xf32, #tpu.memory_space<vmem>>
          %dma_start3A_1902 = arith.constant 1 : i32
          %dma_start3A_1903 = arith.constant 0 : i32
          %dma_start3A_1904 = tpu.memref_slice %dma_start3A_1901[%dma_start3A_1902, %dma_start3A_1903] : memref<16x64xf32, #tpu.memory_space<vmem>> -> memref<1x64xf32, #tpu.memory_space<vmem>>
          %dma_start3A_1905 = arith.constant 0 : i32
          %dma_start3A_1906 = tpu.memref_slice %arg5[%squeeze3A_1896, %dma_start3A_1905] : memref<1000000x64xf32, #tpu.memory_space<hbm>> -> memref<1x64xf32, #tpu.memory_space<hbm>>
          %dma_start3A_1907 = arith.constant 0 : i32
          %dma_start3A_1908 = arith.constant 0 : i32
          %dma_start3A_1909 = tpu.memref_slice %arg11[%dma_start3A_1897, %dma_start3A_1907, %dma_start3A_1908] : memref<2x16x64xf32, #tpu.memory_space<vmem>> -> memref<1x16x64xf32, #tpu.memory_space<vmem>>
          %dma_start3A_1910 = tpu.memref_squeeze %dma_start3A_1909 : memref<1x16x64xf32, #tpu.memory_space<vmem>> -> memref<16x64xf32, #tpu.memory_space<vmem>>
          %dma_start3A_1911 = arith.constant 1 : i32
          %dma_start3A_1912 = arith.constant 0 : i32
          %dma_start3A_1913 = tpu.memref_slice %dma_start3A_1910[%dma_start3A_1911, %dma_start3A_1912] : memref<16x64xf32, #tpu.memory_space<vmem>> -> memref<1x64xf32, #tpu.memory_space<vmem>>
          %dma_start3A_1914 = arith.constant 0 : i32
          %dma_start3A_1915 = tpu.memref_slice %arg5[%squeeze3A_1896, %dma_start3A_1914] : memref<1000000x64xf32, #tpu.memory_space<hbm>> -> memref<1x64xf32, #tpu.memory_space<hbm>>
          tpu.enqueue_dma source(%dma_start3A_1915 : memref<1x64xf32, #tpu.memory_space<hbm>>) target(%dma_start3A_1913 : memref<1x64xf32, #tpu.memory_space<vmem>>) target_semaphore(%arg14 : memref<!tpu.dma_semaphore, #tpu.memory_space<semaphore_mem>>)
          %slice3A_1916 = vector.extract_strided_slice %get3A_1829 {offsets = [2], sizes = [1], strides = [1]} : vector<16xi32> to vector<1xi32>
          %squeeze3A_1917 = vector.extract %slice3A_1916[0] : i32 from vector<1xi32>
          %dma_start3A_1918 = arith.constant 0 : i32
          %dma_start3A_1919 = arith.constant 0 : i32
          %dma_start3A_1920 = arith.constant 0 : i32
          %dma_start3A_1921 = tpu.memref_slice %arg10[%dma_start3A_1918, %dma_start3A_1919, %dma_start3A_1920] : memref<2x16x64xf32, #tpu.memory_space<vmem>> -> memref<1x16x64xf32, #tpu.memory_space<vmem>>
          %dma_start3A_1922 = tpu.memref_squeeze %dma_start3A_1921 : memref<1x16x64xf32, #tpu.memory_space<vmem>> -> memref<16x64xf32, #tpu.memory_space<vmem>>
          %dma_start3A_1923 = arith.constant 2 : i32
          %dma_start3A_1924 = arith.constant 0 : i32
          %dma_start3A_1925 = tpu.memref_slice %dma_start3A_1922[%dma_start3A_1923, %dma_start3A_1924] : memref<16x64xf32, #tpu.memory_space<vmem>> -> memref<1x64xf32, #tpu.memory_space<vmem>>
          %dma_start3A_1926 = arith.constant 0 : i32
          %dma_start3A_1927 = tpu.memref_slice %arg4[%squeeze3A_1917, %dma_start3A_1926] : memref<1000000x64xf32, #tpu.memory_space<hbm>> -> memref<1x64xf32, #tpu.memory_space<hbm>>
          %dma_start3A_1928 = arith.constant 0 : i32
          %dma_start3A_1929 = arith.constant 0 : i32
          %dma_start3A_1930 = tpu.memref_slice %arg10[%dma_start3A_1918, %dma_start3A_1928, %dma_start3A_1929] : memref<2x16x64xf32, #tpu.memory_space<vmem>> -> memref<1x16x64xf32, #tpu.memory_space<vmem>>
          %dma_start3A_1931 = tpu.memref_squeeze %dma_start3A_1930 : memref<1x16x64xf32, #tpu.memory_space<vmem>> -> memref<16x64xf32, #tpu.memory_space<vmem>>
          %dma_start3A_1932 = arith.constant 2 : i32
          %dma_start3A_1933 = arith.constant 0 : i32
          %dma_start3A_1934 = tpu.memref_slice %dma_start3A_1931[%dma_start3A_1932, %dma_start3A_1933] : memref<16x64xf32, #tpu.memory_space<vmem>> -> memref<1x64xf32, #tpu.memory_space<vmem>>
          %dma_start3A_1935 = arith.constant 0 : i32
          %dma_start3A_1936 = tpu.memref_slice %arg4[%squeeze3A_1917, %dma_start3A_1935] : memref<1000000x64xf32, #tpu.memory_space<hbm>> -> memref<1x64xf32, #tpu.memory_space<hbm>>
          tpu.enqueue_dma source(%dma_start3A_1936 : memref<1x64xf32, #tpu.memory_space<hbm>>) target(%dma_start3A_1934 : memref<1x64xf32, #tpu.memory_space<vmem>>) target_semaphore(%arg14 : memref<!tpu.dma_semaphore, #tpu.memory_space<semaphore_mem>>)
          %slice3A_1937 = vector.extract_strided_slice %get3A_1831 {offsets = [2], sizes = [1], strides = [1]} : vector<16xi32> to vector<1xi32>
          %squeeze3A_1938 = vector.extract %slice3A_1937[0] : i32 from vector<1xi32>
          %dma_start3A_1939 = arith.constant 0 : i32
          %dma_start3A_1940 = arith.constant 0 : i32
          %dma_start3A_1941 = arith.constant 0 : i32
          %dma_start3A_1942 = tpu.memref_slice %arg11[%dma_start3A_1939, %dma_start3A_1940, %dma_start3A_1941] : memref<2x16x64xf32, #tpu.memory_space<vmem>> -> memref<1x16x64xf32, #tpu.memory_space<vmem>>
          %dma_start3A_1943 = tpu.memref_squeeze %dma_start3A_1942 : memref<1x16x64xf32, #tpu.memory_space<vmem>> -> memref<16x64xf32, #tpu.memory_space<vmem>>
          %dma_start3A_1944 = arith.constant 2 : i32
          %dma_start3A_1945 = arith.constant 0 : i32
          %dma_start3A_1946 = tpu.memref_slice %dma_start3A_1943[%dma_start3A_1944, %dma_start3A_1945] : memref<16x64xf32, #tpu.memory_space<vmem>> -> memref<1x64xf32, #tpu.memory_space<vmem>>
          %dma_start3A_1947 = arith.constant 0 : i32
          %dma_start3A_1948 = tpu.memref_slice %arg5[%squeeze3A_1938, %dma_start3A_1947] : memref<1000000x64xf32, #tpu.memory_space<hbm>> -> memref<1x64xf32, #tpu.memory_space<hbm>>
          %dma_start3A_1949 = arith.constant 0 : i32
          %dma_start3A_1950 = arith.constant 0 : i32
          %dma_start3A_1951 = tpu.memref_slice %arg11[%dma_start3A_1939, %dma_start3A_1949, %dma_start3A_1950] : memref<2x16x64xf32, #tpu.memory_space<vmem>> -> memref<1x16x64xf32, #tpu.memory_space<vmem>>
          %dma_start3A_1952 = tpu.memref_squeeze %dma_start3A_1951 : memref<1x16x64xf32, #tpu.memory_space<vmem>> -> memref<16x64xf32, #tpu.memory_space<vmem>>
          %dma_start3A_1953 = arith.constant 2 : i32
          %dma_start3A_1954 = arith.constant 0 : i32
          %dma_start3A_1955 = tpu.memref_slice %dma_start3A_1952[%dma_start3A_1953, %dma_start3A_1954] : memref<16x64xf32, #tpu.memory_space<vmem>> -> memref<1x64xf32, #tpu.memory_space<vmem>>
          %dma_start3A_1956 = arith.constant 0 : i32
          %dma_start3A_1957 = tpu.memref_slice %arg5[%squeeze3A_1938, %dma_start3A_1956] : memref<1000000x64xf32, #tpu.memory_space<hbm>> -> memref<1x64xf32, #tpu.memory_space<hbm>>
          tpu.enqueue_dma source(%dma_start3A_1957 : memref<1x64xf32, #tpu.memory_space<hbm>>) target(%dma_start3A_1955 : memref<1x64xf32, #tpu.memory_space<vmem>>) target_semaphore(%arg14 : memref<!tpu.dma_semaphore, #tpu.memory_space<semaphore_mem>>)
          %slice3A_1958 = vector.extract_strided_slice %get3A_1829 {offsets = [3], sizes = [1], strides = [1]} : vector<16xi32> to vector<1xi32>
          %squeeze3A_1959 = vector.extract %slice3A_1958[0] : i32 from vector<1xi32>
          %dma_start3A_1960 = arith.constant 0 : i32
          %dma_start3A_1961 = arith.constant 0 : i32
          %dma_start3A_1962 = arith.constant 0 : i32
          %dma_start3A_1963 = tpu.memref_slice %arg10[%dma_start3A_1960, %dma_start3A_1961, %dma_start3A_1962] : memref<2x16x64xf32, #tpu.memory_space<vmem>> -> memref<1x16x64xf32, #tpu.memory_space<vmem>>
          %dma_start3A_1964 = tpu.memref_squeeze %dma_start3A_1963 : memref<1x16x64xf32, #tpu.memory_space<vmem>> -> memref<16x64xf32, #tpu.memory_space<vmem>>
          %dma_start3A_1965 = arith.constant 3 : i32
          %dma_start3A_1966 = arith.constant 0 : i32
          %dma_start3A_1967 = tpu.memref_slice %dma_start3A_1964[%dma_start3A_1965, %dma_start3A_1966] : memref<16x64xf32, #tpu.memory_space<vmem>> -> memref<1x64xf32, #tpu.memory_space<vmem>>
          %dma_start3A_1968 = arith.constant 0 : i32
          %dma_start3A_1969 = tpu.memref_slice %arg4[%squeeze3A_1959, %dma_start3A_1968] : memref<1000000x64xf32, #tpu.memory_space<hbm>> -> memref<1x64xf32, #tpu.memory_space<hbm>>
          %dma_start3A_1970 = arith.constant 0 : i32
          %dma_start3A_1971 = arith.constant 0 : i32
          %dma_start3A_1972 = tpu.memref_slice %arg10[%dma_start3A_1960, %dma_start3A_1970, %dma_start3A_1971] : memref<2x16x64xf32, #tpu.memory_space<vmem>> -> memref<1x16x64xf32, #tpu.memory_space<vmem>>
          %dma_start3A_1973 = tpu.memref_squeeze %dma_start3A_1972 : memref<1x16x64xf32, #tpu.memory_space<vmem>> -> memref<16x64xf32, #tpu.memory_space<vmem>>
          %dma_start3A_1974 = arith.constant 3 : i32
          %dma_start3A_1975 = arith.constant 0 : i32
          %dma_start3A_1976 = tpu.memref_slice %dma_start3A_1973[%dma_start3A_1974, %dma_start3A_1975] : memref<16x64xf32, #tpu.memory_space<vmem>> -> memref<1x64xf32, #tpu.memory_space<vmem>>
          %dma_start3A_1977 = arith.constant 0 : i32
          %dma_start3A_1978 = tpu.memref_slice %arg4[%squeeze3A_1959, %dma_start3A_1977] : memref<1000000x64xf32, #tpu.memory_space<hbm>> -> memref<1x64xf32, #tpu.memory_space<hbm>>
          tpu.enqueue_dma source(%dma_start3A_1978 : memref<1x64xf32, #tpu.memory_space<hbm>>) target(%dma_start3A_1976 : memref<1x64xf32, #tpu.memory_space<vmem>>) target_semaphore(%arg14 : memref<!tpu.dma_semaphore, #tpu.memory_space<semaphore_mem>>)
          %slice3A_1979 = vector.extract_strided_slice %get3A_1831 {offsets = [3], sizes = [1], strides = [1]} : vector<16xi32> to vector<1xi32>
          %squeeze3A_1980 = vector.extract %slice3A_1979[0] : i32 from vector<1xi32>
          %dma_start3A_1981 = arith.constant 0 : i32
          %dma_start3A_1982 = arith.constant 0 : i32
          %dma_start3A_1983 = arith.constant 0 : i32
          %dma_start3A_1984 = tpu.memref_slice %arg11[%dma_start3A_1981, %dma_start3A_1982, %dma_start3A_1983] : memref<2x16x64xf32, #tpu.memory_space<vmem>> -> memref<1x16x64xf32, #tpu.memory_space<vmem>>
          %dma_start3A_1985 = tpu.memref_squeeze %dma_start3A_1984 : memref<1x16x64xf32, #tpu.memory_space<vmem>> -> memref<16x64xf32, #tpu.memory_space<vmem>>
          %dma_start3A_1986 = arith.constant 3 : i32
          %dma_start3A_1987 = arith.constant 0 : i32
          %dma_start3A_1988 = tpu.memref_slice %dma_start3A_1985[%dma_start3A_1986, %dma_start3A_1987] : memref<16x64xf32, #tpu.memory_space<vmem>> -> memref<1x64xf32, #tpu.memory_space<vmem>>
          %dma_start3A_1989 = arith.constant 0 : i32
          %dma_start3A_1990 = tpu.memref_slice %arg5[%squeeze3A_1980, %dma_start3A_1989] : memref<1000000x64xf32, #tpu.memory_space<hbm>> -> memref<1x64xf32, #tpu.memory_space<hbm>>
          %dma_start3A_1991 = arith.constant 0 : i32
          %dma_start3A_1992 = arith.constant 0 : i32
          %dma_start3A_1993 = tpu.memref_slice %arg11[%dma_start3A_1981, %dma_start3A_1991, %dma_start3A_1992] : memref<2x16x64xf32, #tpu.memory_space<vmem>> -> memref<1x16x64xf32, #tpu.memory_space<vmem>>
          %dma_start3A_1994 = tpu.memref_squeeze %dma_start3A_1993 : memref<1x16x64xf32, #tpu.memory_space<vmem>> -> memref<16x64xf32, #tpu.memory_space<vmem>>
          %dma_start3A_1995 = arith.constant 3 : i32
          %dma_start3A_1996 = arith.constant 0 : i32
          %dma_start3A_1997 = tpu.memref_slice %dma_start3A_1994[%dma_start3A_1995, %dma_start3A_1996] : memref<16x64xf32, #tpu.memory_space<vmem>> -> memref<1x64xf32, #tpu.memory_space<vmem>>
          %dma_start3A_1998 = arith.constant 0 : i32
          %dma_start3A_1999 = tpu.memref_slice %arg5[%squeeze3A_1980, %dma_start3A_1998] : memref<1000000x64xf32, #tpu.memory_space<hbm>> -> memref<1x64xf32, #tpu.memory_space<hbm>>
          tpu.enqueue_dma source(%dma_start3A_1999 : memref<1x64xf32, #tpu.memory_space<hbm>>) target(%dma_start3A_1997 : memref<1x64xf32, #tpu.memory_space<vmem>>) target_semaphore(%arg14 : memref<!tpu.dma_semaphore, #tpu.memory_space<semaphore_mem>>)
          %slice3A_2000 = vector.extract_strided_slice %get3A_1829 {offsets = [4], sizes = [1], strides = [1]} : vector<16xi32> to vector<1xi32>
          %squeeze3A_2001 = vector.extract %slice3A_2000[0] : i32 from vector<1xi32>
          %dma_start3A_2002 = arith.constant 0 : i32
          %dma_start3A_2003 = arith.constant 0 : i32
          %dma_start3A_2004 = arith.constant 0 : i32
          %dma_start3A_2005 = tpu.memref_slice %arg10[%dma_start3A_2002, %dma_start3A_2003, %dma_start3A_2004] : memref<2x16x64xf32, #tpu.memory_space<vmem>> -> memref<1x16x64xf32, #tpu.memory_space<vmem>>
          %dma_start3A_2006 = tpu.memref_squeeze %dma_start3A_2005 : memref<1x16x64xf32, #tpu.memory_space<vmem>> -> memref<16x64xf32, #tpu.memory_space<vmem>>
          %dma_start3A_2007 = arith.constant 4 : i32
          %dma_start3A_2008 = arith.constant 0 : i32
          %dma_start3A_2009 = tpu.memref_slice %dma_start3A_2006[%dma_start3A_2007, %dma_start3A_2008] : memref<16x64xf32, #tpu.memory_space<vmem>> -> memref<1x64xf32, #tpu.memory_space<vmem>>
          %dma_start3A_2010 = arith.constant 0 : i32
          %dma_start3A_2011 = tpu.memref_slice %arg4[%squeeze3A_2001, %dma_start3A_2010] : memref<1000000x64xf32, #tpu.memory_space<hbm>> -> memref<1x64xf32, #tpu.memory_space<hbm>>
          %dma_start3A_2012 = arith.constant 0 : i32
          %dma_start3A_2013 = arith.constant 0 : i32
          %dma_start3A_2014 = tpu.memref_slice %arg10[%dma_start3A_2002, %dma_start3A_2012, %dma_start3A_2013] : memref<2x16x64xf32, #tpu.memory_space<vmem>> -> memref<1x16x64xf32, #tpu.memory_space<vmem>>
          %dma_start3A_2015 = tpu.memref_squeeze %dma_start3A_2014 : memref<1x16x64xf32, #tpu.memory_space<vmem>> -> memref<16x64xf32, #tpu.memory_space<vmem>>
          %dma_start3A_2016 = arith.constant 4 : i32
          %dma_start3A_2017 = arith.constant 0 : i32
          %dma_start3A_2018 = tpu.memref_slice %dma_start3A_2015[%dma_start3A_2016, %dma_start3A_2017] : memref<16x64xf32, #tpu.memory_space<vmem>> -> memref<1x64xf32, #tpu.memory_space<vmem>>
          %dma_start3A_2019 = arith.constant 0 : i32
          %dma_start3A_2020 = tpu.memref_slice %arg4[%squeeze3A_2001, %dma_start3A_2019] : memref<1000000x64xf32, #tpu.memory_space<hbm>> -> memref<1x64xf32, #tpu.memory_space<hbm>>
          tpu.enqueue_dma source(%dma_start3A_2020 : memref<1x64xf32, #tpu.memory_space<hbm>>) target(%dma_start3A_2018 : memref<1x64xf32, #tpu.memory_space<vmem>>) target_semaphore(%arg14 : memref<!tpu.dma_semaphore, #tpu.memory_space<semaphore_mem>>)
          %slice3A_2021 = vector.extract_strided_slice %get3A_1831 {offsets = [4], sizes = [1], strides = [1]} : vector<16xi32> to vector<1xi32>
          %squeeze3A_2022 = vector.extract %slice3A_2021[0] : i32 from vector<1xi32>
          %dma_start3A_2023 = arith.constant 0 : i32
          %dma_start3A_2024 = arith.constant 0 : i32
          %dma_start3A_2025 = arith.constant 0 : i32
          %dma_start3A_2026 = tpu.memref_slice %arg11[%dma_start3A_2023, %dma_start3A_2024, %dma_start3A_2025] : memref<2x16x64xf32, #tpu.memory_space<vmem>> -> memref<1x16x64xf32, #tpu.memory_space<vmem>>
          %dma_start3A_2027 = tpu.memref_squeeze %dma_start3A_2026 : memref<1x16x64xf32, #tpu.memory_space<vmem>> -> memref<16x64xf32, #tpu.memory_space<vmem>>
          %dma_start3A_2028 = arith.constant 4 : i32
          %dma_start3A_2029 = arith.constant 0 : i32
          %dma_start3A_2030 = tpu.memref_slice %dma_start3A_2027[%dma_start3A_2028, %dma_start3A_2029] : memref<16x64xf32, #tpu.memory_space<vmem>> -> memref<1x64xf32, #tpu.memory_space<vmem>>
          %dma_start3A_2031 = arith.constant 0 : i32
          %dma_start3A_2032 = tpu.memref_slice %arg5[%squeeze3A_2022, %dma_start3A_2031] : memref<1000000x64xf32, #tpu.memory_space<hbm>> -> memref<1x64xf32, #tpu.memory_space<hbm>>
          %dma_start3A_2033 = arith.constant 0 : i32
          %dma_start3A_2034 = arith.constant 0 : i32
          %dma_start3A_2035 = tpu.memref_slice %arg11[%dma_start3A_2023, %dma_start3A_2033, %dma_start3A_2034] : memref<2x16x64xf32, #tpu.memory_space<vmem>> -> memref<1x16x64xf32, #tpu.memory_space<vmem>>
          %dma_start3A_2036 = tpu.memref_squeeze %dma_start3A_2035 : memref<1x16x64xf32, #tpu.memory_space<vmem>> -> memref<16x64xf32, #tpu.memory_space<vmem>>
          %dma_start3A_2037 = arith.constant 4 : i32
          %dma_start3A_2038 = arith.constant 0 : i32
          %dma_start3A_2039 = tpu.memref_slice %dma_start3A_2036[%dma_start3A_2037, %dma_start3A_2038] : memref<16x64xf32, #tpu.memory_space<vmem>> -> memref<1x64xf32, #tpu.memory_space<vmem>>
          %dma_start3A_2040 = arith.constant 0 : i32
          %dma_start3A_2041 = tpu.memref_slice %arg5[%squeeze3A_2022, %dma_start3A_2040] : memref<1000000x64xf32, #tpu.memory_space<hbm>> -> memref<1x64xf32, #tpu.memory_space<hbm>>
          tpu.enqueue_dma source(%dma_start3A_2041 : memref<1x64xf32, #tpu.memory_space<hbm>>) target(%dma_start3A_2039 : memref<1x64xf32, #tpu.memory_space<vmem>>) target_semaphore(%arg14 : memref<!tpu.dma_semaphore, #tpu.memory_space<semaphore_mem>>)
          %slice3A_2042 = vector.extract_strided_slice %get3A_1829 {offsets = [5], sizes = [1], strides = [1]} : vector<16xi32> to vector<1xi32>
          %squeeze3A_2043 = vector.extract %slice3A_2042[0] : i32 from vector<1xi32>
          %dma_start3A_2044 = arith.constant 0 : i32
          %dma_start3A_2045 = arith.constant 0 : i32
          %dma_start3A_2046 = arith.constant 0 : i32
          %dma_start3A_2047 = tpu.memref_slice %arg10[%dma_start3A_2044, %dma_start3A_2045, %dma_start3A_2046] : memref<2x16x64xf32, #tpu.memory_space<vmem>> -> memref<1x16x64xf32, #tpu.memory_space<vmem>>
          %dma_start3A_2048 = tpu.memref_squeeze %dma_start3A_2047 : memref<1x16x64xf32, #tpu.memory_space<vmem>> -> memref<16x64xf32, #tpu.memory_space<vmem>>
          %dma_start3A_2049 = arith.constant 5 : i32
          %dma_start3A_2050 = arith.constant 0 : i32
          %dma_start3A_2051 = tpu.memref_slice %dma_start3A_2048[%dma_start3A_2049, %dma_start3A_2050] : memref<16x64xf32, #tpu.memory_space<vmem>> -> memref<1x64xf32, #tpu.memory_space<vmem>>
          %dma_start3A_2052 = arith.constant 0 : i32
          %dma_start3A_2053 = tpu.memref_slice %arg4[%squeeze3A_2043, %dma_start3A_2052] : memref<1000000x64xf32, #tpu.memory_space<hbm>> -> memref<1x64xf32, #tpu.memory_space<hbm>>
          %dma_start3A_2054 = arith.constant 0 : i32
          %dma_start3A_2055 = arith.constant 0 : i32
          %dma_start3A_2056 = tpu.memref_slice %arg10[%dma_start3A_2044, %dma_start3A_2054, %dma_start3A_2055] : memref<2x16x64xf32, #tpu.memory_space<vmem>> -> memref<1x16x64xf32, #tpu.memory_space<vmem>>
          %dma_start3A_2057 = tpu.memref_squeeze %dma_start3A_2056 : memref<1x16x64xf32, #tpu.memory_space<vmem>> -> memref<16x64xf32, #tpu.memory_space<vmem>>
          %dma_start3A_2058 = arith.constant 5 : i32
          %dma_start3A_2059 = arith.constant 0 : i32
          %dma_start3A_2060 = tpu.memref_slice %dma_start3A_2057[%dma_start3A_2058, %dma_start3A_2059] : memref<16x64xf32, #tpu.memory_space<vmem>> -> memref<1x64xf32, #tpu.memory_space<vmem>>
          %dma_start3A_2061 = arith.constant 0 : i32
          %dma_start3A_2062 = tpu.memref_slice %arg4[%squeeze3A_2043, %dma_start3A_2061] : memref<1000000x64xf32, #tpu.memory_space<hbm>> -> memref<1x64xf32, #tpu.memory_space<hbm>>
          tpu.enqueue_dma source(%dma_start3A_2062 : memref<1x64xf32, #tpu.memory_space<hbm>>) target(%dma_start3A_2060 : memref<1x64xf32, #tpu.memory_space<vmem>>) target_semaphore(%arg14 : memref<!tpu.dma_semaphore, #tpu.memory_space<semaphore_mem>>)
          %slice3A_2063 = vector.extract_strided_slice %get3A_1831 {offsets = [5], sizes = [1], strides = [1]} : vector<16xi32> to vector<1xi32>
          %squeeze3A_2064 = vector.extract %slice3A_2063[0] : i32 from vector<1xi32>
          %dma_start3A_2065 = arith.constant 0 : i32
          %dma_start3A_2066 = arith.constant 0 : i32
          %dma_start3A_2067 = arith.constant 0 : i32
          %dma_start3A_2068 = tpu.memref_slice %arg11[%dma_start3A_2065, %dma_start3A_2066, %dma_start3A_2067] : memref<2x16x64xf32, #tpu.memory_space<vmem>> -> memref<1x16x64xf32, #tpu.memory_space<vmem>>
          %dma_start3A_2069 = tpu.memref_squeeze %dma_start3A_2068 : memref<1x16x64xf32, #tpu.memory_space<vmem>> -> memref<16x64xf32, #tpu.memory_space<vmem>>
          %dma_start3A_2070 = arith.constant 5 : i32
          %dma_start3A_2071 = arith.constant 0 : i32
          %dma_start3A_2072 = tpu.memref_slice %dma_start3A_2069[%dma_start3A_2070, %dma_start3A_2071] : memref<16x64xf32, #tpu.memory_space<vmem>> -> memref<1x64xf32, #tpu.memory_space<vmem>>
          %dma_start3A_2073 = arith.constant 0 : i32
          %dma_start3A_2074 = tpu.memref_slice %arg5[%squeeze3A_2064, %dma_start3A_2073] : memref<1000000x64xf32, #tpu.memory_space<hbm>> -> memref<1x64xf32, #tpu.memory_space<hbm>>
          %dma_start3A_2075 = arith.constant 0 : i32
          %dma_start3A_2076 = arith.constant 0 : i32
          %dma_start3A_2077 = tpu.memref_slice %arg11[%dma_start3A_2065, %dma_start3A_2075, %dma_start3A_2076] : memref<2x16x64xf32, #tpu.memory_space<vmem>> -> memref<1x16x64xf32, #tpu.memory_space<vmem>>
          %dma_start3A_2078 = tpu.memref_squeeze %dma_start3A_2077 : memref<1x16x64xf32, #tpu.memory_space<vmem>> -> memref<16x64xf32, #tpu.memory_space<vmem>>
          %dma_start3A_2079 = arith.constant 5 : i32
          %dma_start3A_2080 = arith.constant 0 : i32
          %dma_start3A_2081 = tpu.memref_slice %dma_start3A_2078[%dma_start3A_2079, %dma_start3A_2080] : memref<16x64xf32, #tpu.memory_space<vmem>> -> memref<1x64xf32, #tpu.memory_space<vmem>>
          %dma_start3A_2082 = arith.constant 0 : i32
          %dma_start3A_2083 = tpu.memref_slice %arg5[%squeeze3A_2064, %dma_start3A_2082] : memref<1000000x64xf32, #tpu.memory_space<hbm>> -> memref<1x64xf32, #tpu.memory_space<hbm>>
          tpu.enqueue_dma source(%dma_start3A_2083 : memref<1x64xf32, #tpu.memory_space<hbm>>) target(%dma_start3A_2081 : memref<1x64xf32, #tpu.memory_space<vmem>>) target_semaphore(%arg14 : memref<!tpu.dma_semaphore, #tpu.memory_space<semaphore_mem>>)
          %slice3A_2084 = vector.extract_strided_slice %get3A_1829 {offsets = [6], sizes = [1], strides = [1]} : vector<16xi32> to vector<1xi32>
          %squeeze3A_2085 = vector.extract %slice3A_2084[0] : i32 from vector<1xi32>
          %dma_start3A_2086 = arith.constant 0 : i32
          %dma_start3A_2087 = arith.constant 0 : i32
          %dma_start3A_2088 = arith.constant 0 : i32
          %dma_start3A_2089 = tpu.memref_slice %arg10[%dma_start3A_2086, %dma_start3A_2087, %dma_start3A_2088] : memref<2x16x64xf32, #tpu.memory_space<vmem>> -> memref<1x16x64xf32, #tpu.memory_space<vmem>>
          %dma_start3A_2090 = tpu.memref_squeeze %dma_start3A_2089 : memref<1x16x64xf32, #tpu.memory_space<vmem>> -> memref<16x64xf32, #tpu.memory_space<vmem>>
          %dma_start3A_2091 = arith.constant 6 : i32
          %dma_start3A_2092 = arith.constant 0 : i32
          %dma_start3A_2093 = tpu.memref_slice %dma_start3A_2090[%dma_start3A_2091, %dma_start3A_2092] : memref<16x64xf32, #tpu.memory_space<vmem>> -> memref<1x64xf32, #tpu.memory_space<vmem>>
          %dma_start3A_2094 = arith.constant 0 : i32
          %dma_start3A_2095 = tpu.memref_slice %arg4[%squeeze3A_2085, %dma_start3A_2094] : memref<1000000x64xf32, #tpu.memory_space<hbm>> -> memref<1x64xf32, #tpu.memory_space<hbm>>
          %dma_start3A_2096 = arith.constant 0 : i32
          %dma_start3A_2097 = arith.constant 0 : i32
          %dma_start3A_2098 = tpu.memref_slice %arg10[%dma_start3A_2086, %dma_start3A_2096, %dma_start3A_2097] : memref<2x16x64xf32, #tpu.memory_space<vmem>> -> memref<1x16x64xf32, #tpu.memory_space<vmem>>
          %dma_start3A_2099 = tpu.memref_squeeze %dma_start3A_2098 : memref<1x16x64xf32, #tpu.memory_space<vmem>> -> memref<16x64xf32, #tpu.memory_space<vmem>>
          %dma_start3A_2100 = arith.constant 6 : i32
          %dma_start3A_2101 = arith.constant 0 : i32
          %dma_start3A_2102 = tpu.memref_slice %dma_start3A_2099[%dma_start3A_2100, %dma_start3A_2101] : memref<16x64xf32, #tpu.memory_space<vmem>> -> memref<1x64xf32, #tpu.memory_space<vmem>>
          %dma_start3A_2103 = arith.constant 0 : i32
          %dma_start3A_2104 = tpu.memref_slice %arg4[%squeeze3A_2085, %dma_start3A_2103] : memref<1000000x64xf32, #tpu.memory_space<hbm>> -> memref<1x64xf32, #tpu.memory_space<hbm>>
          tpu.enqueue_dma source(%dma_start3A_2104 : memref<1x64xf32, #tpu.memory_space<hbm>>) target(%dma_start3A_2102 : memref<1x64xf32, #tpu.memory_space<vmem>>) target_semaphore(%arg14 : memref<!tpu.dma_semaphore, #tpu.memory_space<semaphore_mem>>)
          %slice3A_2105 = vector.extract_strided_slice %get3A_1831 {offsets = [6], sizes = [1], strides = [1]} : vector<16xi32> to vector<1xi32>
          %squeeze3A_2106 = vector.extract %slice3A_2105[0] : i32 from vector<1xi32>
          %dma_start3A_2107 = arith.constant 0 : i32
          %dma_start3A_2108 = arith.constant 0 : i32
          %dma_start3A_2109 = arith.constant 0 : i32
          %dma_start3A_2110 = tpu.memref_slice %arg11[%dma_start3A_2107, %dma_start3A_2108, %dma_start3A_2109] : memref<2x16x64xf32, #tpu.memory_space<vmem>> -> memref<1x16x64xf32, #tpu.memory_space<vmem>>
          %dma_start3A_2111 = tpu.memref_squeeze %dma_start3A_2110 : memref<1x16x64xf32, #tpu.memory_space<vmem>> -> memref<16x64xf32, #tpu.memory_space<vmem>>
          %dma_start3A_2112 = arith.constant 6 : i32
          %dma_start3A_2113 = arith.constant 0 : i32
          %dma_start3A_2114 = tpu.memref_slice %dma_start3A_2111[%dma_start3A_2112, %dma_start3A_2113] : memref<16x64xf32, #tpu.memory_space<vmem>> -> memref<1x64xf32, #tpu.memory_space<vmem>>
          %dma_start3A_2115 = arith.constant 0 : i32
          %dma_start3A_2116 = tpu.memref_slice %arg5[%squeeze3A_2106, %dma_start3A_2115] : memref<1000000x64xf32, #tpu.memory_space<hbm>> -> memref<1x64xf32, #tpu.memory_space<hbm>>
          %dma_start3A_2117 = arith.constant 0 : i32
          %dma_start3A_2118 = arith.constant 0 : i32
          %dma_start3A_2119 = tpu.memref_slice %arg11[%dma_start3A_2107, %dma_start3A_2117, %dma_start3A_2118] : memref<2x16x64xf32, #tpu.memory_space<vmem>> -> memref<1x16x64xf32, #tpu.memory_space<vmem>>
          %dma_start3A_2120 = tpu.memref_squeeze %dma_start3A_2119 : memref<1x16x64xf32, #tpu.memory_space<vmem>> -> memref<16x64xf32, #tpu.memory_space<vmem>>
          %dma_start3A_2121 = arith.constant 6 : i32
          %dma_start3A_2122 = arith.constant 0 : i32
          %dma_start3A_2123 = tpu.memref_slice %dma_start3A_2120[%dma_start3A_2121, %dma_start3A_2122] : memref<16x64xf32, #tpu.memory_space<vmem>> -> memref<1x64xf32, #tpu.memory_space<vmem>>
          %dma_start3A_2124 = arith.constant 0 : i32
          %dma_start3A_2125 = tpu.memref_slice %arg5[%squeeze3A_2106, %dma_start3A_2124] : memref<1000000x64xf32, #tpu.memory_space<hbm>> -> memref<1x64xf32, #tpu.memory_space<hbm>>
          tpu.enqueue_dma source(%dma_start3A_2125 : memref<1x64xf32, #tpu.memory_space<hbm>>) target(%dma_start3A_2123 : memref<1x64xf32, #tpu.memory_space<vmem>>) target_semaphore(%arg14 : memref<!tpu.dma_semaphore, #tpu.memory_space<semaphore_mem>>)
          %slice3A_2126 = vector.extract_strided_slice %get3A_1829 {offsets = [7], sizes = [1], strides = [1]} : vector<16xi32> to vector<1xi32>
          %squeeze3A_2127 = vector.extract %slice3A_2126[0] : i32 from vector<1xi32>
          %dma_start3A_2128 = arith.constant 0 : i32
          %dma_start3A_2129 = arith.constant 0 : i32
          %dma_start3A_2130 = arith.constant 0 : i32
          %dma_start3A_2131 = tpu.memref_slice %arg10[%dma_start3A_2128, %dma_start3A_2129, %dma_start3A_2130] : memref<2x16x64xf32, #tpu.memory_space<vmem>> -> memref<1x16x64xf32, #tpu.memory_space<vmem>>
          %dma_start3A_2132 = tpu.memref_squeeze %dma_start3A_2131 : memref<1x16x64xf32, #tpu.memory_space<vmem>> -> memref<16x64xf32, #tpu.memory_space<vmem>>
          %dma_start3A_2133 = arith.constant 7 : i32
          %dma_start3A_2134 = arith.constant 0 : i32
          %dma_start3A_2135 = tpu.memref_slice %dma_start3A_2132[%dma_start3A_2133, %dma_start3A_2134] : memref<16x64xf32, #tpu.memory_space<vmem>> -> memref<1x64xf32, #tpu.memory_space<vmem>>
          %dma_start3A_2136 = arith.constant 0 : i32
          %dma_start3A_2137 = tpu.memref_slice %arg4[%squeeze3A_2127, %dma_start3A_2136] : memref<1000000x64xf32, #tpu.memory_space<hbm>> -> memref<1x64xf32, #tpu.memory_space<hbm>>
          %dma_start3A_2138 = arith.constant 0 : i32
          %dma_start3A_2139 = arith.constant 0 : i32
          %dma_start3A_2140 = tpu.memref_slice %arg10[%dma_start3A_2128, %dma_start3A_2138, %dma_start3A_2139] : memref<2x16x64xf32, #tpu.memory_space<vmem>> -> memref<1x16x64xf32, #tpu.memory_space<vmem>>
          %dma_start3A_2141 = tpu.memref_squeeze %dma_start3A_2140 : memref<1x16x64xf32, #tpu.memory_space<vmem>> -> memref<16x64xf32, #tpu.memory_space<vmem>>
          %dma_start3A_2142 = arith.constant 7 : i32
          %dma_start3A_2143 = arith.constant 0 : i32
          %dma_start3A_2144 = tpu.memref_slice %dma_start3A_2141[%dma_start3A_2142, %dma_start3A_2143] : memref<16x64xf32, #tpu.memory_space<vmem>> -> memref<1x64xf32, #tpu.memory_space<vmem>>
          %dma_start3A_2145 = arith.constant 0 : i32
          %dma_start3A_2146 = tpu.memref_slice %arg4[%squeeze3A_2127, %dma_start3A_2145] : memref<1000000x64xf32, #tpu.memory_space<hbm>> -> memref<1x64xf32, #tpu.memory_space<hbm>>
          tpu.enqueue_dma source(%dma_start3A_2146 : memref<1x64xf32, #tpu.memory_space<hbm>>) target(%dma_start3A_2144 : memref<1x64xf32, #tpu.memory_space<vmem>>) target_semaphore(%arg14 : memref<!tpu.dma_semaphore, #tpu.memory_space<semaphore_mem>>)
          %slice3A_2147 = vector.extract_strided_slice %get3A_1831 {offsets = [7], sizes = [1], strides = [1]} : vector<16xi32> to vector<1xi32>
          %squeeze3A_2148 = vector.extract %slice3A_2147[0] : i32 from vector<1xi32>
          %dma_start3A_2149 = arith.constant 0 : i32
          %dma_start3A_2150 = arith.constant 0 : i32
          %dma_start3A_2151 = arith.constant 0 : i32
          %dma_start3A_2152 = tpu.memref_slice %arg11[%dma_start3A_2149, %dma_start3A_2150, %dma_start3A_2151] : memref<2x16x64xf32, #tpu.memory_space<vmem>> -> memref<1x16x64xf32, #tpu.memory_space<vmem>>
          %dma_start3A_2153 = tpu.memref_squeeze %dma_start3A_2152 : memref<1x16x64xf32, #tpu.memory_space<vmem>> -> memref<16x64xf32, #tpu.memory_space<vmem>>
          %dma_start3A_2154 = arith.constant 7 : i32
          %dma_start3A_2155 = arith.constant 0 : i32
          %dma_start3A_2156 = tpu.memref_slice %dma_start3A_2153[%dma_start3A_2154, %dma_start3A_2155] : memref<16x64xf32, #tpu.memory_space<vmem>> -> memref<1x64xf32, #tpu.memory_space<vmem>>
          %dma_start3A_2157 = arith.constant 0 : i32
          %dma_start3A_2158 = tpu.memref_slice %arg5[%squeeze3A_2148, %dma_start3A_2157] : memref<1000000x64xf32, #tpu.memory_space<hbm>> -> memref<1x64xf32, #tpu.memory_space<hbm>>
          %dma_start3A_2159 = arith.constant 0 : i32
          %dma_start3A_2160 = arith.constant 0 : i32
          %dma_start3A_2161 = tpu.memref_slice %arg11[%dma_start3A_2149, %dma_start3A_2159, %dma_start3A_2160] : memref<2x16x64xf32, #tpu.memory_space<vmem>> -> memref<1x16x64xf32, #tpu.memory_space<vmem>>
          %dma_start3A_2162 = tpu.memref_squeeze %dma_start3A_2161 : memref<1x16x64xf32, #tpu.memory_space<vmem>> -> memref<16x64xf32, #tpu.memory_space<vmem>>
          %dma_start3A_2163 = arith.constant 7 : i32
          %dma_start3A_2164 = arith.constant 0 : i32
          %dma_start3A_2165 = tpu.memref_slice %dma_start3A_2162[%dma_start3A_2163, %dma_start3A_2164] : memref<16x64xf32, #tpu.memory_space<vmem>> -> memref<1x64xf32, #tpu.memory_space<vmem>>
          %dma_start3A_2166 = arith.constant 0 : i32
          %dma_start3A_2167 = tpu.memref_slice %arg5[%squeeze3A_2148, %dma_start3A_2166] : memref<1000000x64xf32, #tpu.memory_space<hbm>> -> memref<1x64xf32, #tpu.memory_space<hbm>>
          tpu.enqueue_dma source(%dma_start3A_2167 : memref<1x64xf32, #tpu.memory_space<hbm>>) target(%dma_start3A_2165 : memref<1x64xf32, #tpu.memory_space<vmem>>) target_semaphore(%arg14 : memref<!tpu.dma_semaphore, #tpu.memory_space<semaphore_mem>>)
          %slice3A_2168 = vector.extract_strided_slice %get3A_1829 {offsets = [8], sizes = [1], strides = [1]} : vector<16xi32> to vector<1xi32>
          %squeeze3A_2169 = vector.extract %slice3A_2168[0] : i32 from vector<1xi32>
          %dma_start3A_2170 = arith.constant 0 : i32
          %dma_start3A_2171 = arith.constant 0 : i32
          %dma_start3A_2172 = arith.constant 0 : i32
          %dma_start3A_2173 = tpu.memref_slice %arg10[%dma_start3A_2170, %dma_start3A_2171, %dma_start3A_2172] : memref<2x16x64xf32, #tpu.memory_space<vmem>> -> memref<1x16x64xf32, #tpu.memory_space<vmem>>
          %dma_start3A_2174 = tpu.memref_squeeze %dma_start3A_2173 : memref<1x16x64xf32, #tpu.memory_space<vmem>> -> memref<16x64xf32, #tpu.memory_space<vmem>>
          %dma_start3A_2175 = arith.constant 8 : i32
          %dma_start3A_2176 = arith.constant 0 : i32
          %dma_start3A_2177 = tpu.memref_slice %dma_start3A_2174[%dma_start3A_2175, %dma_start3A_2176] : memref<16x64xf32, #tpu.memory_space<vmem>> -> memref<1x64xf32, #tpu.memory_space<vmem>>
          %dma_start3A_2178 = arith.constant 0 : i32
          %dma_start3A_2179 = tpu.memref_slice %arg4[%squeeze3A_2169, %dma_start3A_2178] : memref<1000000x64xf32, #tpu.memory_space<hbm>> -> memref<1x64xf32, #tpu.memory_space<hbm>>
          %dma_start3A_2180 = arith.constant 0 : i32
          %dma_start3A_2181 = arith.constant 0 : i32
          %dma_start3A_2182 = tpu.memref_slice %arg10[%dma_start3A_2170, %dma_start3A_2180, %dma_start3A_2181] : memref<2x16x64xf32, #tpu.memory_space<vmem>> -> memref<1x16x64xf32, #tpu.memory_space<vmem>>
          %dma_start3A_2183 = tpu.memref_squeeze %dma_start3A_2182 : memref<1x16x64xf32, #tpu.memory_space<vmem>> -> memref<16x64xf32, #tpu.memory_space<vmem>>
          %dma_start3A_2184 = arith.constant 8 : i32
          %dma_start3A_2185 = arith.constant 0 : i32
          %dma_start3A_2186 = tpu.memref_slice %dma_start3A_2183[%dma_start3A_2184, %dma_start3A_2185] : memref<16x64xf32, #tpu.memory_space<vmem>> -> memref<1x64xf32, #tpu.memory_space<vmem>>
          %dma_start3A_2187 = arith.constant 0 : i32
          %dma_start3A_2188 = tpu.memref_slice %arg4[%squeeze3A_2169, %dma_start3A_2187] : memref<1000000x64xf32, #tpu.memory_space<hbm>> -> memref<1x64xf32, #tpu.memory_space<hbm>>
          tpu.enqueue_dma source(%dma_start3A_2188 : memref<1x64xf32, #tpu.memory_space<hbm>>) target(%dma_start3A_2186 : memref<1x64xf32, #tpu.memory_space<vmem>>) target_semaphore(%arg14 : memref<!tpu.dma_semaphore, #tpu.memory_space<semaphore_mem>>)
          %slice3A_2189 = vector.extract_strided_slice %get3A_1831 {offsets = [8], sizes = [1], strides = [1]} : vector<16xi32> to vector<1xi32>
          %squeeze3A_2190 = vector.extract %slice3A_2189[0] : i32 from vector<1xi32>
          %dma_start3A_2191 = arith.constant 0 : i32
          %dma_start3A_2192 = arith.constant 0 : i32
          %dma_start3A_2193 = arith.constant 0 : i32
          %dma_start3A_2194 = tpu.memref_slice %arg11[%dma_start3A_2191, %dma_start3A_2192, %dma_start3A_2193] : memref<2x16x64xf32, #tpu.memory_space<vmem>> -> memref<1x16x64xf32, #tpu.memory_space<vmem>>
          %dma_start3A_2195 = tpu.memref_squeeze %dma_start3A_2194 : memref<1x16x64xf32, #tpu.memory_space<vmem>> -> memref<16x64xf32, #tpu.memory_space<vmem>>
          %dma_start3A_2196 = arith.constant 8 : i32
          %dma_start3A_2197 = arith.constant 0 : i32
          %dma_start3A_2198 = tpu.memref_slice %dma_start3A_2195[%dma_start3A_2196, %dma_start3A_2197] : memref<16x64xf32, #tpu.memory_space<vmem>> -> memref<1x64xf32, #tpu.memory_space<vmem>>
          %dma_start3A_2199 = arith.constant 0 : i32
          %dma_start3A_2200 = tpu.memref_slice %arg5[%squeeze3A_2190, %dma_start3A_2199] : memref<1000000x64xf32, #tpu.memory_space<hbm>> -> memref<1x64xf32, #tpu.memory_space<hbm>>
          %dma_start3A_2201 = arith.constant 0 : i32
          %dma_start3A_2202 = arith.constant 0 : i32
          %dma_start3A_2203 = tpu.memref_slice %arg11[%dma_start3A_2191, %dma_start3A_2201, %dma_start3A_2202] : memref<2x16x64xf32, #tpu.memory_space<vmem>> -> memref<1x16x64xf32, #tpu.memory_space<vmem>>
          %dma_start3A_2204 = tpu.memref_squeeze %dma_start3A_2203 : memref<1x16x64xf32, #tpu.memory_space<vmem>> -> memref<16x64xf32, #tpu.memory_space<vmem>>
          %dma_start3A_2205 = arith.constant 8 : i32
          %dma_start3A_2206 = arith.constant 0 : i32
          %dma_start3A_2207 = tpu.memref_slice %dma_start3A_2204[%dma_start3A_2205, %dma_start3A_2206] : memref<16x64xf32, #tpu.memory_space<vmem>> -> memref<1x64xf32, #tpu.memory_space<vmem>>
          %dma_start3A_2208 = arith.constant 0 : i32
          %dma_start3A_2209 = tpu.memref_slice %arg5[%squeeze3A_2190, %dma_start3A_2208] : memref<1000000x64xf32, #tpu.memory_space<hbm>> -> memref<1x64xf32, #tpu.memory_space<hbm>>
          tpu.enqueue_dma source(%dma_start3A_2209 : memref<1x64xf32, #tpu.memory_space<hbm>>) target(%dma_start3A_2207 : memref<1x64xf32, #tpu.memory_space<vmem>>) target_semaphore(%arg14 : memref<!tpu.dma_semaphore, #tpu.memory_space<semaphore_mem>>)
          %slice3A_2210 = vector.extract_strided_slice %get3A_1829 {offsets = [9], sizes = [1], strides = [1]} : vector<16xi32> to vector<1xi32>
          %squeeze3A_2211 = vector.extract %slice3A_2210[0] : i32 from vector<1xi32>
          %dma_start3A_2212 = arith.constant 0 : i32
          %dma_start3A_2213 = arith.constant 0 : i32
          %dma_start3A_2214 = arith.constant 0 : i32
          %dma_start3A_2215 = tpu.memref_slice %arg10[%dma_start3A_2212, %dma_start3A_2213, %dma_start3A_2214] : memref<2x16x64xf32, #tpu.memory_space<vmem>> -> memref<1x16x64xf32, #tpu.memory_space<vmem>>
          %dma_start3A_2216 = tpu.memref_squeeze %dma_start3A_2215 : memref<1x16x64xf32, #tpu.memory_space<vmem>> -> memref<16x64xf32, #tpu.memory_space<vmem>>
          %dma_start3A_2217 = arith.constant 9 : i32
          %dma_start3A_2218 = arith.constant 0 : i32
          %dma_start3A_2219 = tpu.memref_slice %dma_start3A_2216[%dma_start3A_2217, %dma_start3A_2218] : memref<16x64xf32, #tpu.memory_space<vmem>> -> memref<1x64xf32, #tpu.memory_space<vmem>>
          %dma_start3A_2220 = arith.constant 0 : i32
          %dma_start3A_2221 = tpu.memref_slice %arg4[%squeeze3A_2211, %dma_start3A_2220] : memref<1000000x64xf32, #tpu.memory_space<hbm>> -> memref<1x64xf32, #tpu.memory_space<hbm>>
          %dma_start3A_2222 = arith.constant 0 : i32
          %dma_start3A_2223 = arith.constant 0 : i32
          %dma_start3A_2224 = tpu.memref_slice %arg10[%dma_start3A_2212, %dma_start3A_2222, %dma_start3A_2223] : memref<2x16x64xf32, #tpu.memory_space<vmem>> -> memref<1x16x64xf32, #tpu.memory_space<vmem>>
          %dma_start3A_2225 = tpu.memref_squeeze %dma_start3A_2224 : memref<1x16x64xf32, #tpu.memory_space<vmem>> -> memref<16x64xf32, #tpu.memory_space<vmem>>
          %dma_start3A_2226 = arith.constant 9 : i32
          %dma_start3A_2227 = arith.constant 0 : i32
          %dma_start3A_2228 = tpu.memref_slice %dma_start3A_2225[%dma_start3A_2226, %dma_start3A_2227] : memref<16x64xf32, #tpu.memory_space<vmem>> -> memref<1x64xf32, #tpu.memory_space<vmem>>
          %dma_start3A_2229 = arith.constant 0 : i32
          %dma_start3A_2230 = tpu.memref_slice %arg4[%squeeze3A_2211, %dma_start3A_2229] : memref<1000000x64xf32, #tpu.memory_space<hbm>> -> memref<1x64xf32, #tpu.memory_space<hbm>>
          tpu.enqueue_dma source(%dma_start3A_2230 : memref<1x64xf32, #tpu.memory_space<hbm>>) target(%dma_start3A_2228 : memref<1x64xf32, #tpu.memory_space<vmem>>) target_semaphore(%arg14 : memref<!tpu.dma_semaphore, #tpu.memory_space<semaphore_mem>>)
          %slice3A_2231 = vector.extract_strided_slice %get3A_1831 {offsets = [9], sizes = [1], strides = [1]} : vector<16xi32> to vector<1xi32>
          %squeeze3A_2232 = vector.extract %slice3A_2231[0] : i32 from vector<1xi32>
          %dma_start3A_2233 = arith.constant 0 : i32
          %dma_start3A_2234 = arith.constant 0 : i32
          %dma_start3A_2235 = arith.constant 0 : i32
          %dma_start3A_2236 = tpu.memref_slice %arg11[%dma_start3A_2233, %dma_start3A_2234, %dma_start3A_2235] : memref<2x16x64xf32, #tpu.memory_space<vmem>> -> memref<1x16x64xf32, #tpu.memory_space<vmem>>
          %dma_start3A_2237 = tpu.memref_squeeze %dma_start3A_2236 : memref<1x16x64xf32, #tpu.memory_space<vmem>> -> memref<16x64xf32, #tpu.memory_space<vmem>>
          %dma_start3A_2238 = arith.constant 9 : i32
          %dma_start3A_2239 = arith.constant 0 : i32
          %dma_start3A_2240 = tpu.memref_slice %dma_start3A_2237[%dma_start3A_2238, %dma_start3A_2239] : memref<16x64xf32, #tpu.memory_space<vmem>> -> memref<1x64xf32, #tpu.memory_space<vmem>>
          %dma_start3A_2241 = arith.constant 0 : i32
          %dma_start3A_2242 = tpu.memref_slice %arg5[%squeeze3A_2232, %dma_start3A_2241] : memref<1000000x64xf32, #tpu.memory_space<hbm>> -> memref<1x64xf32, #tpu.memory_space<hbm>>
          %dma_start3A_2243 = arith.constant 0 : i32
          %dma_start3A_2244 = arith.constant 0 : i32
          %dma_start3A_2245 = tpu.memref_slice %arg11[%dma_start3A_2233, %dma_start3A_2243, %dma_start3A_2244] : memref<2x16x64xf32, #tpu.memory_space<vmem>> -> memref<1x16x64xf32, #tpu.memory_space<vmem>>
          %dma_start3A_2246 = tpu.memref_squeeze %dma_start3A_2245 : memref<1x16x64xf32, #tpu.memory_space<vmem>> -> memref<16x64xf32, #tpu.memory_space<vmem>>
          %dma_start3A_2247 = arith.constant 9 : i32
          %dma_start3A_2248 = arith.constant 0 : i32
          %dma_start3A_2249 = tpu.memref_slice %dma_start3A_2246[%dma_start3A_2247, %dma_start3A_2248] : memref<16x64xf32, #tpu.memory_space<vmem>> -> memref<1x64xf32, #tpu.memory_space<vmem>>
          %dma_start3A_2250 = arith.constant 0 : i32
          %dma_start3A_2251 = tpu.memref_slice %arg5[%squeeze3A_2232, %dma_start3A_2250] : memref<1000000x64xf32, #tpu.memory_space<hbm>> -> memref<1x64xf32, #tpu.memory_space<hbm>>
          tpu.enqueue_dma source(%dma_start3A_2251 : memref<1x64xf32, #tpu.memory_space<hbm>>) target(%dma_start3A_2249 : memref<1x64xf32, #tpu.memory_space<vmem>>) target_semaphore(%arg14 : memref<!tpu.dma_semaphore, #tpu.memory_space<semaphore_mem>>)
          %slice3A_2252 = vector.extract_strided_slice %get3A_1829 {offsets = [10], sizes = [1], strides = [1]} : vector<16xi32> to vector<1xi32>
          %squeeze3A_2253 = vector.extract %slice3A_2252[0] : i32 from vector<1xi32>
          %dma_start3A_2254 = arith.constant 0 : i32
          %dma_start3A_2255 = arith.constant 0 : i32
          %dma_start3A_2256 = arith.constant 0 : i32
          %dma_start3A_2257 = tpu.memref_slice %arg10[%dma_start3A_2254, %dma_start3A_2255, %dma_start3A_2256] : memref<2x16x64xf32, #tpu.memory_space<vmem>> -> memref<1x16x64xf32, #tpu.memory_space<vmem>>
          %dma_start3A_2258 = tpu.memref_squeeze %dma_start3A_2257 : memref<1x16x64xf32, #tpu.memory_space<vmem>> -> memref<16x64xf32, #tpu.memory_space<vmem>>
          %dma_start3A_2259 = arith.constant 10 : i32
          %dma_start3A_2260 = arith.constant 0 : i32
          %dma_start3A_2261 = tpu.memref_slice %dma_start3A_2258[%dma_start3A_2259, %dma_start3A_2260] : memref<16x64xf32, #tpu.memory_space<vmem>> -> memref<1x64xf32, #tpu.memory_space<vmem>>
          %dma_start3A_2262 = arith.constant 0 : i32
          %dma_start3A_2263 = tpu.memref_slice %arg4[%squeeze3A_2253, %dma_start3A_2262] : memref<1000000x64xf32, #tpu.memory_space<hbm>> -> memref<1x64xf32, #tpu.memory_space<hbm>>
          %dma_start3A_2264 = arith.constant 0 : i32
          %dma_start3A_2265 = arith.constant 0 : i32
          %dma_start3A_2266 = tpu.memref_slice %arg10[%dma_start3A_2254, %dma_start3A_2264, %dma_start3A_2265] : memref<2x16x64xf32, #tpu.memory_space<vmem>> -> memref<1x16x64xf32, #tpu.memory_space<vmem>>
          %dma_start3A_2267 = tpu.memref_squeeze %dma_start3A_2266 : memref<1x16x64xf32, #tpu.memory_space<vmem>> -> memref<16x64xf32, #tpu.memory_space<vmem>>
          %dma_start3A_2268 = arith.constant 10 : i32
          %dma_start3A_2269 = arith.constant 0 : i32
          %dma_start3A_2270 = tpu.memref_slice %dma_start3A_2267[%dma_start3A_2268, %dma_start3A_2269] : memref<16x64xf32, #tpu.memory_space<vmem>> -> memref<1x64xf32, #tpu.memory_space<vmem>>
          %dma_start3A_2271 = arith.constant 0 : i32
          %dma_start3A_2272 = tpu.memref_slice %arg4[%squeeze3A_2253, %dma_start3A_2271] : memref<1000000x64xf32, #tpu.memory_space<hbm>> -> memref<1x64xf32, #tpu.memory_space<hbm>>
          tpu.enqueue_dma source(%dma_start3A_2272 : memref<1x64xf32, #tpu.memory_space<hbm>>) target(%dma_start3A_2270 : memref<1x64xf32, #tpu.memory_space<vmem>>) target_semaphore(%arg14 : memref<!tpu.dma_semaphore, #tpu.memory_space<semaphore_mem>>)
          %slice3A_2273 = vector.extract_strided_slice %get3A_1831 {offsets = [10], sizes = [1], strides = [1]} : vector<16xi32> to vector<1xi32>
          %squeeze3A_2274 = vector.extract %slice3A_2273[0] : i32 from vector<1xi32>
          %dma_start3A_2275 = arith.constant 0 : i32
          %dma_start3A_2276 = arith.constant 0 : i32
          %dma_start3A_2277 = arith.constant 0 : i32
          %dma_start3A_2278 = tpu.memref_slice %arg11[%dma_start3A_2275, %dma_start3A_2276, %dma_start3A_2277] : memref<2x16x64xf32, #tpu.memory_space<vmem>> -> memref<1x16x64xf32, #tpu.memory_space<vmem>>
          %dma_start3A_2279 = tpu.memref_squeeze %dma_start3A_2278 : memref<1x16x64xf32, #tpu.memory_space<vmem>> -> memref<16x64xf32, #tpu.memory_space<vmem>>
          %dma_start3A_2280 = arith.constant 10 : i32
          %dma_start3A_2281 = arith.constant 0 : i32
          %dma_start3A_2282 = tpu.memref_slice %dma_start3A_2279[%dma_start3A_2280, %dma_start3A_2281] : memref<16x64xf32, #tpu.memory_space<vmem>> -> memref<1x64xf32, #tpu.memory_space<vmem>>
          %dma_start3A_2283 = arith.constant 0 : i32
          %dma_start3A_2284 = tpu.memref_slice %arg5[%squeeze3A_2274, %dma_start3A_2283] : memref<1000000x64xf32, #tpu.memory_space<hbm>> -> memref<1x64xf32, #tpu.memory_space<hbm>>
          %dma_start3A_2285 = arith.constant 0 : i32
          %dma_start3A_2286 = arith.constant 0 : i32
          %dma_start3A_2287 = tpu.memref_slice %arg11[%dma_start3A_2275, %dma_start3A_2285, %dma_start3A_2286] : memref<2x16x64xf32, #tpu.memory_space<vmem>> -> memref<1x16x64xf32, #tpu.memory_space<vmem>>
          %dma_start3A_2288 = tpu.memref_squeeze %dma_start3A_2287 : memref<1x16x64xf32, #tpu.memory_space<vmem>> -> memref<16x64xf32, #tpu.memory_space<vmem>>
          %dma_start3A_2289 = arith.constant 10 : i32
          %dma_start3A_2290 = arith.constant 0 : i32
          %dma_start3A_2291 = tpu.memref_slice %dma_start3A_2288[%dma_start3A_2289, %dma_start3A_2290] : memref<16x64xf32, #tpu.memory_space<vmem>> -> memref<1x64xf32, #tpu.memory_space<vmem>>
          %dma_start3A_2292 = arith.constant 0 : i32
          %dma_start3A_2293 = tpu.memref_slice %arg5[%squeeze3A_2274, %dma_start3A_2292] : memref<1000000x64xf32, #tpu.memory_space<hbm>> -> memref<1x64xf32, #tpu.memory_space<hbm>>
          tpu.enqueue_dma source(%dma_start3A_2293 : memref<1x64xf32, #tpu.memory_space<hbm>>) target(%dma_start3A_2291 : memref<1x64xf32, #tpu.memory_space<vmem>>) target_semaphore(%arg14 : memref<!tpu.dma_semaphore, #tpu.memory_space<semaphore_mem>>)
          %slice3A_2294 = vector.extract_strided_slice %get3A_1829 {offsets = [11], sizes = [1], strides = [1]} : vector<16xi32> to vector<1xi32>
          %squeeze3A_2295 = vector.extract %slice3A_2294[0] : i32 from vector<1xi32>
          %dma_start3A_2296 = arith.constant 0 : i32
          %dma_start3A_2297 = arith.constant 0 : i32
          %dma_start3A_2298 = arith.constant 0 : i32
          %dma_start3A_2299 = tpu.memref_slice %arg10[%dma_start3A_2296, %dma_start3A_2297, %dma_start3A_2298] : memref<2x16x64xf32, #tpu.memory_space<vmem>> -> memref<1x16x64xf32, #tpu.memory_space<vmem>>
          %dma_start3A_2300 = tpu.memref_squeeze %dma_start3A_2299 : memref<1x16x64xf32, #tpu.memory_space<vmem>> -> memref<16x64xf32, #tpu.memory_space<vmem>>
          %dma_start3A_2301 = arith.constant 11 : i32
          %dma_start3A_2302 = arith.constant 0 : i32
          %dma_start3A_2303 = tpu.memref_slice %dma_start3A_2300[%dma_start3A_2301, %dma_start3A_2302] : memref<16x64xf32, #tpu.memory_space<vmem>> -> memref<1x64xf32, #tpu.memory_space<vmem>>
          %dma_start3A_2304 = arith.constant 0 : i32
          %dma_start3A_2305 = tpu.memref_slice %arg4[%squeeze3A_2295, %dma_start3A_2304] : memref<1000000x64xf32, #tpu.memory_space<hbm>> -> memref<1x64xf32, #tpu.memory_space<hbm>>
          %dma_start3A_2306 = arith.constant 0 : i32
          %dma_start3A_2307 = arith.constant 0 : i32
          %dma_start3A_2308 = tpu.memref_slice %arg10[%dma_start3A_2296, %dma_start3A_2306, %dma_start3A_2307] : memref<2x16x64xf32, #tpu.memory_space<vmem>> -> memref<1x16x64xf32, #tpu.memory_space<vmem>>
          %dma_start3A_2309 = tpu.memref_squeeze %dma_start3A_2308 : memref<1x16x64xf32, #tpu.memory_space<vmem>> -> memref<16x64xf32, #tpu.memory_space<vmem>>
          %dma_start3A_2310 = arith.constant 11 : i32
          %dma_start3A_2311 = arith.constant 0 : i32
          %dma_start3A_2312 = tpu.memref_slice %dma_start3A_2309[%dma_start3A_2310, %dma_start3A_2311] : memref<16x64xf32, #tpu.memory_space<vmem>> -> memref<1x64xf32, #tpu.memory_space<vmem>>
          %dma_start3A_2313 = arith.constant 0 : i32
          %dma_start3A_2314 = tpu.memref_slice %arg4[%squeeze3A_2295, %dma_start3A_2313] : memref<1000000x64xf32, #tpu.memory_space<hbm>> -> memref<1x64xf32, #tpu.memory_space<hbm>>
          tpu.enqueue_dma source(%dma_start3A_2314 : memref<1x64xf32, #tpu.memory_space<hbm>>) target(%dma_start3A_2312 : memref<1x64xf32, #tpu.memory_space<vmem>>) target_semaphore(%arg14 : memref<!tpu.dma_semaphore, #tpu.memory_space<semaphore_mem>>)
          %slice3A_2315 = vector.extract_strided_slice %get3A_1831 {offsets = [11], sizes = [1], strides = [1]} : vector<16xi32> to vector<1xi32>
          %squeeze3A_2316 = vector.extract %slice3A_2315[0] : i32 from vector<1xi32>
          %dma_start3A_2317 = arith.constant 0 : i32
          %dma_start3A_2318 = arith.constant 0 : i32
          %dma_start3A_2319 = arith.constant 0 : i32
          %dma_start3A_2320 = tpu.memref_slice %arg11[%dma_start3A_2317, %dma_start3A_2318, %dma_start3A_2319] : memref<2x16x64xf32, #tpu.memory_space<vmem>> -> memref<1x16x64xf32, #tpu.memory_space<vmem>>
          %dma_start3A_2321 = tpu.memref_squeeze %dma_start3A_2320 : memref<1x16x64xf32, #tpu.memory_space<vmem>> -> memref<16x64xf32, #tpu.memory_space<vmem>>
          %dma_start3A_2322 = arith.constant 11 : i32
          %dma_start3A_2323 = arith.constant 0 : i32
          %dma_start3A_2324 = tpu.memref_slice %dma_start3A_2321[%dma_start3A_2322, %dma_start3A_2323] : memref<16x64xf32, #tpu.memory_space<vmem>> -> memref<1x64xf32, #tpu.memory_space<vmem>>
          %dma_start3A_2325 = arith.constant 0 : i32
          %dma_start3A_2326 = tpu.memref_slice %arg5[%squeeze3A_2316, %dma_start3A_2325] : memref<1000000x64xf32, #tpu.memory_space<hbm>> -> memref<1x64xf32, #tpu.memory_space<hbm>>
          %dma_start3A_2327 = arith.constant 0 : i32
          %dma_start3A_2328 = arith.constant 0 : i32
          %dma_start3A_2329 = tpu.memref_slice %arg11[%dma_start3A_2317, %dma_start3A_2327, %dma_start3A_2328] : memref<2x16x64xf32, #tpu.memory_space<vmem>> -> memref<1x16x64xf32, #tpu.memory_space<vmem>>
          %dma_start3A_2330 = tpu.memref_squeeze %dma_start3A_2329 : memref<1x16x64xf32, #tpu.memory_space<vmem>> -> memref<16x64xf32, #tpu.memory_space<vmem>>
          %dma_start3A_2331 = arith.constant 11 : i32
          %dma_start3A_2332 = arith.constant 0 : i32
          %dma_start3A_2333 = tpu.memref_slice %dma_start3A_2330[%dma_start3A_2331, %dma_start3A_2332] : memref<16x64xf32, #tpu.memory_space<vmem>> -> memref<1x64xf32, #tpu.memory_space<vmem>>
          %dma_start3A_2334 = arith.constant 0 : i32
          %dma_start3A_2335 = tpu.memref_slice %arg5[%squeeze3A_2316, %dma_start3A_2334] : memref<1000000x64xf32, #tpu.memory_space<hbm>> -> memref<1x64xf32, #tpu.memory_space<hbm>>
          tpu.enqueue_dma source(%dma_start3A_2335 : memref<1x64xf32, #tpu.memory_space<hbm>>) target(%dma_start3A_2333 : memref<1x64xf32, #tpu.memory_space<vmem>>) target_semaphore(%arg14 : memref<!tpu.dma_semaphore, #tpu.memory_space<semaphore_mem>>)
          %slice3A_2336 = vector.extract_strided_slice %get3A_1829 {offsets = [12], sizes = [1], strides = [1]} : vector<16xi32> to vector<1xi32>
          %squeeze3A_2337 = vector.extract %slice3A_2336[0] : i32 from vector<1xi32>
          %dma_start3A_2338 = arith.constant 0 : i32
          %dma_start3A_2339 = arith.constant 0 : i32
          %dma_start3A_2340 = arith.constant 0 : i32
          %dma_start3A_2341 = tpu.memref_slice %arg10[%dma_start3A_2338, %dma_start3A_2339, %dma_start3A_2340] : memref<2x16x64xf32, #tpu.memory_space<vmem>> -> memref<1x16x64xf32, #tpu.memory_space<vmem>>
          %dma_start3A_2342 = tpu.memref_squeeze %dma_start3A_2341 : memref<1x16x64xf32, #tpu.memory_space<vmem>> -> memref<16x64xf32, #tpu.memory_space<vmem>>
          %dma_start3A_2343 = arith.constant 12 : i32
          %dma_start3A_2344 = arith.constant 0 : i32
          %dma_start3A_2345 = tpu.memref_slice %dma_start3A_2342[%dma_start3A_2343, %dma_start3A_2344] : memref<16x64xf32, #tpu.memory_space<vmem>> -> memref<1x64xf32, #tpu.memory_space<vmem>>
          %dma_start3A_2346 = arith.constant 0 : i32
          %dma_start3A_2347 = tpu.memref_slice %arg4[%squeeze3A_2337, %dma_start3A_2346] : memref<1000000x64xf32, #tpu.memory_space<hbm>> -> memref<1x64xf32, #tpu.memory_space<hbm>>
          %dma_start3A_2348 = arith.constant 0 : i32
          %dma_start3A_2349 = arith.constant 0 : i32
          %dma_start3A_2350 = tpu.memref_slice %arg10[%dma_start3A_2338, %dma_start3A_2348, %dma_start3A_2349] : memref<2x16x64xf32, #tpu.memory_space<vmem>> -> memref<1x16x64xf32, #tpu.memory_space<vmem>>
          %dma_start3A_2351 = tpu.memref_squeeze %dma_start3A_2350 : memref<1x16x64xf32, #tpu.memory_space<vmem>> -> memref<16x64xf32, #tpu.memory_space<vmem>>
          %dma_start3A_2352 = arith.constant 12 : i32
          %dma_start3A_2353 = arith.constant 0 : i32
          %dma_start3A_2354 = tpu.memref_slice %dma_start3A_2351[%dma_start3A_2352, %dma_start3A_2353] : memref<16x64xf32, #tpu.memory_space<vmem>> -> memref<1x64xf32, #tpu.memory_space<vmem>>
          %dma_start3A_2355 = arith.constant 0 : i32
          %dma_start3A_2356 = tpu.memref_slice %arg4[%squeeze3A_2337, %dma_start3A_2355] : memref<1000000x64xf32, #tpu.memory_space<hbm>> -> memref<1x64xf32, #tpu.memory_space<hbm>>
          tpu.enqueue_dma source(%dma_start3A_2356 : memref<1x64xf32, #tpu.memory_space<hbm>>) target(%dma_start3A_2354 : memref<1x64xf32, #tpu.memory_space<vmem>>) target_semaphore(%arg14 : memref<!tpu.dma_semaphore, #tpu.memory_space<semaphore_mem>>)
          %slice3A_2357 = vector.extract_strided_slice %get3A_1831 {offsets = [12], sizes = [1], strides = [1]} : vector<16xi32> to vector<1xi32>
          %squeeze3A_2358 = vector.extract %slice3A_2357[0] : i32 from vector<1xi32>
          %dma_start3A_2359 = arith.constant 0 : i32
          %dma_start3A_2360 = arith.constant 0 : i32
          %dma_start3A_2361 = arith.constant 0 : i32
          %dma_start3A_2362 = tpu.memref_slice %arg11[%dma_start3A_2359, %dma_start3A_2360, %dma_start3A_2361] : memref<2x16x64xf32, #tpu.memory_space<vmem>> -> memref<1x16x64xf32, #tpu.memory_space<vmem>>
          %dma_start3A_2363 = tpu.memref_squeeze %dma_start3A_2362 : memref<1x16x64xf32, #tpu.memory_space<vmem>> -> memref<16x64xf32, #tpu.memory_space<vmem>>
          %dma_start3A_2364 = arith.constant 12 : i32
          %dma_start3A_2365 = arith.constant 0 : i32
          %dma_start3A_2366 = tpu.memref_slice %dma_start3A_2363[%dma_start3A_2364, %dma_start3A_2365] : memref<16x64xf32, #tpu.memory_space<vmem>> -> memref<1x64xf32, #tpu.memory_space<vmem>>
          %dma_start3A_2367 = arith.constant 0 : i32
          %dma_start3A_2368 = tpu.memref_slice %arg5[%squeeze3A_2358, %dma_start3A_2367] : memref<1000000x64xf32, #tpu.memory_space<hbm>> -> memref<1x64xf32, #tpu.memory_space<hbm>>
          %dma_start3A_2369 = arith.constant 0 : i32
          %dma_start3A_2370 = arith.constant 0 : i32
          %dma_start3A_2371 = tpu.memref_slice %arg11[%dma_start3A_2359, %dma_start3A_2369, %dma_start3A_2370] : memref<2x16x64xf32, #tpu.memory_space<vmem>> -> memref<1x16x64xf32, #tpu.memory_space<vmem>>
          %dma_start3A_2372 = tpu.memref_squeeze %dma_start3A_2371 : memref<1x16x64xf32, #tpu.memory_space<vmem>> -> memref<16x64xf32, #tpu.memory_space<vmem>>
          %dma_start3A_2373 = arith.constant 12 : i32
          %dma_start3A_2374 = arith.constant 0 : i32
          %dma_start3A_2375 = tpu.memref_slice %dma_start3A_2372[%dma_start3A_2373, %dma_start3A_2374] : memref<16x64xf32, #tpu.memory_space<vmem>> -> memref<1x64xf32, #tpu.memory_space<vmem>>
          %dma_start3A_2376 = arith.constant 0 : i32
          %dma_start3A_2377 = tpu.memref_slice %arg5[%squeeze3A_2358, %dma_start3A_2376] : memref<1000000x64xf32, #tpu.memory_space<hbm>> -> memref<1x64xf32, #tpu.memory_space<hbm>>
          tpu.enqueue_dma source(%dma_start3A_2377 : memref<1x64xf32, #tpu.memory_space<hbm>>) target(%dma_start3A_2375 : memref<1x64xf32, #tpu.memory_space<vmem>>) target_semaphore(%arg14 : memref<!tpu.dma_semaphore, #tpu.memory_space<semaphore_mem>>)
          %slice3A_2378 = vector.extract_strided_slice %get3A_1829 {offsets = [13], sizes = [1], strides = [1]} : vector<16xi32> to vector<1xi32>
          %squeeze3A_2379 = vector.extract %slice3A_2378[0] : i32 from vector<1xi32>
          %dma_start3A_2380 = arith.constant 0 : i32
          %dma_start3A_2381 = arith.constant 0 : i32
          %dma_start3A_2382 = arith.constant 0 : i32
          %dma_start3A_2383 = tpu.memref_slice %arg10[%dma_start3A_2380, %dma_start3A_2381, %dma_start3A_2382] : memref<2x16x64xf32, #tpu.memory_space<vmem>> -> memref<1x16x64xf32, #tpu.memory_space<vmem>>
          %dma_start3A_2384 = tpu.memref_squeeze %dma_start3A_2383 : memref<1x16x64xf32, #tpu.memory_space<vmem>> -> memref<16x64xf32, #tpu.memory_space<vmem>>
          %dma_start3A_2385 = arith.constant 13 : i32
          %dma_start3A_2386 = arith.constant 0 : i32
          %dma_start3A_2387 = tpu.memref_slice %dma_start3A_2384[%dma_start3A_2385, %dma_start3A_2386] : memref<16x64xf32, #tpu.memory_space<vmem>> -> memref<1x64xf32, #tpu.memory_space<vmem>>
          %dma_start3A_2388 = arith.constant 0 : i32
          %dma_start3A_2389 = tpu.memref_slice %arg4[%squeeze3A_2379, %dma_start3A_2388] : memref<1000000x64xf32, #tpu.memory_space<hbm>> -> memref<1x64xf32, #tpu.memory_space<hbm>>
          %dma_start3A_2390 = arith.constant 0 : i32
          %dma_start3A_2391 = arith.constant 0 : i32
          %dma_start3A_2392 = tpu.memref_slice %arg10[%dma_start3A_2380, %dma_start3A_2390, %dma_start3A_2391] : memref<2x16x64xf32, #tpu.memory_space<vmem>> -> memref<1x16x64xf32, #tpu.memory_space<vmem>>
          %dma_start3A_2393 = tpu.memref_squeeze %dma_start3A_2392 : memref<1x16x64xf32, #tpu.memory_space<vmem>> -> memref<16x64xf32, #tpu.memory_space<vmem>>
          %dma_start3A_2394 = arith.constant 13 : i32
          %dma_start3A_2395 = arith.constant 0 : i32
          %dma_start3A_2396 = tpu.memref_slice %dma_start3A_2393[%dma_start3A_2394, %dma_start3A_2395] : memref<16x64xf32, #tpu.memory_space<vmem>> -> memref<1x64xf32, #tpu.memory_space<vmem>>
          %dma_start3A_2397 = arith.constant 0 : i32
          %dma_start3A_2398 = tpu.memref_slice %arg4[%squeeze3A_2379, %dma_start3A_2397] : memref<1000000x64xf32, #tpu.memory_space<hbm>> -> memref<1x64xf32, #tpu.memory_space<hbm>>
          tpu.enqueue_dma source(%dma_start3A_2398 : memref<1x64xf32, #tpu.memory_space<hbm>>) target(%dma_start3A_2396 : memref<1x64xf32, #tpu.memory_space<vmem>>) target_semaphore(%arg14 : memref<!tpu.dma_semaphore, #tpu.memory_space<semaphore_mem>>)
          %slice3A_2399 = vector.extract_strided_slice %get3A_1831 {offsets = [13], sizes = [1], strides = [1]} : vector<16xi32> to vector<1xi32>
          %squeeze3A_2400 = vector.extract %slice3A_2399[0] : i32 from vector<1xi32>
          %dma_start3A_2401 = arith.constant 0 : i32
          %dma_start3A_2402 = arith.constant 0 : i32
          %dma_start3A_2403 = arith.constant 0 : i32
          %dma_start3A_2404 = tpu.memref_slice %arg11[%dma_start3A_2401, %dma_start3A_2402, %dma_start3A_2403] : memref<2x16x64xf32, #tpu.memory_space<vmem>> -> memref<1x16x64xf32, #tpu.memory_space<vmem>>
          %dma_start3A_2405 = tpu.memref_squeeze %dma_start3A_2404 : memref<1x16x64xf32, #tpu.memory_space<vmem>> -> memref<16x64xf32, #tpu.memory_space<vmem>>
          %dma_start3A_2406 = arith.constant 13 : i32
          %dma_start3A_2407 = arith.constant 0 : i32
          %dma_start3A_2408 = tpu.memref_slice %dma_start3A_2405[%dma_start3A_2406, %dma_start3A_2407] : memref<16x64xf32, #tpu.memory_space<vmem>> -> memref<1x64xf32, #tpu.memory_space<vmem>>
          %dma_start3A_2409 = arith.constant 0 : i32
          %dma_start3A_2410 = tpu.memref_slice %arg5[%squeeze3A_2400, %dma_start3A_2409] : memref<1000000x64xf32, #tpu.memory_space<hbm>> -> memref<1x64xf32, #tpu.memory_space<hbm>>
          %dma_start3A_2411 = arith.constant 0 : i32
          %dma_start3A_2412 = arith.constant 0 : i32
          %dma_start3A_2413 = tpu.memref_slice %arg11[%dma_start3A_2401, %dma_start3A_2411, %dma_start3A_2412] : memref<2x16x64xf32, #tpu.memory_space<vmem>> -> memref<1x16x64xf32, #tpu.memory_space<vmem>>
          %dma_start3A_2414 = tpu.memref_squeeze %dma_start3A_2413 : memref<1x16x64xf32, #tpu.memory_space<vmem>> -> memref<16x64xf32, #tpu.memory_space<vmem>>
          %dma_start3A_2415 = arith.constant 13 : i32
          %dma_start3A_2416 = arith.constant 0 : i32
          %dma_start3A_2417 = tpu.memref_slice %dma_start3A_2414[%dma_start3A_2415, %dma_start3A_2416] : memref<16x64xf32, #tpu.memory_space<vmem>> -> memref<1x64xf32, #tpu.memory_space<vmem>>
          %dma_start3A_2418 = arith.constant 0 : i32
          %dma_start3A_2419 = tpu.memref_slice %arg5[%squeeze3A_2400, %dma_start3A_2418] : memref<1000000x64xf32, #tpu.memory_space<hbm>> -> memref<1x64xf32, #tpu.memory_space<hbm>>
          tpu.enqueue_dma source(%dma_start3A_2419 : memref<1x64xf32, #tpu.memory_space<hbm>>) target(%dma_start3A_2417 : memref<1x64xf32, #tpu.memory_space<vmem>>) target_semaphore(%arg14 : memref<!tpu.dma_semaphore, #tpu.memory_space<semaphore_mem>>)
          %slice3A_2420 = vector.extract_strided_slice %get3A_1829 {offsets = [14], sizes = [1], strides = [1]} : vector<16xi32> to vector<1xi32>
          %squeeze3A_2421 = vector.extract %slice3A_2420[0] : i32 from vector<1xi32>
          %dma_start3A_2422 = arith.constant 0 : i32
          %dma_start3A_2423 = arith.constant 0 : i32
          %dma_start3A_2424 = arith.constant 0 : i32
          %dma_start3A_2425 = tpu.memref_slice %arg10[%dma_start3A_2422, %dma_start3A_2423, %dma_start3A_2424] : memref<2x16x64xf32, #tpu.memory_space<vmem>> -> memref<1x16x64xf32, #tpu.memory_space<vmem>>
          %dma_start3A_2426 = tpu.memref_squeeze %dma_start3A_2425 : memref<1x16x64xf32, #tpu.memory_space<vmem>> -> memref<16x64xf32, #tpu.memory_space<vmem>>
          %dma_start3A_2427 = arith.constant 14 : i32
          %dma_start3A_2428 = arith.constant 0 : i32
          %dma_start3A_2429 = tpu.memref_slice %dma_start3A_2426[%dma_start3A_2427, %dma_start3A_2428] : memref<16x64xf32, #tpu.memory_space<vmem>> -> memref<1x64xf32, #tpu.memory_space<vmem>>
          %dma_start3A_2430 = arith.constant 0 : i32
          %dma_start3A_2431 = tpu.memref_slice %arg4[%squeeze3A_2421, %dma_start3A_2430] : memref<1000000x64xf32, #tpu.memory_space<hbm>> -> memref<1x64xf32, #tpu.memory_space<hbm>>
          %dma_start3A_2432 = arith.constant 0 : i32
          %dma_start3A_2433 = arith.constant 0 : i32
          %dma_start3A_2434 = tpu.memref_slice %arg10[%dma_start3A_2422, %dma_start3A_2432, %dma_start3A_2433] : memref<2x16x64xf32, #tpu.memory_space<vmem>> -> memref<1x16x64xf32, #tpu.memory_space<vmem>>
          %dma_start3A_2435 = tpu.memref_squeeze %dma_start3A_2434 : memref<1x16x64xf32, #tpu.memory_space<vmem>> -> memref<16x64xf32, #tpu.memory_space<vmem>>
          %dma_start3A_2436 = arith.constant 14 : i32
          %dma_start3A_2437 = arith.constant 0 : i32
          %dma_start3A_2438 = tpu.memref_slice %dma_start3A_2435[%dma_start3A_2436, %dma_start3A_2437] : memref<16x64xf32, #tpu.memory_space<vmem>> -> memref<1x64xf32, #tpu.memory_space<vmem>>
          %dma_start3A_2439 = arith.constant 0 : i32
          %dma_start3A_2440 = tpu.memref_slice %arg4[%squeeze3A_2421, %dma_start3A_2439] : memref<1000000x64xf32, #tpu.memory_space<hbm>> -> memref<1x64xf32, #tpu.memory_space<hbm>>
          tpu.enqueue_dma source(%dma_start3A_2440 : memref<1x64xf32, #tpu.memory_space<hbm>>) target(%dma_start3A_2438 : memref<1x64xf32, #tpu.memory_space<vmem>>) target_semaphore(%arg14 : memref<!tpu.dma_semaphore, #tpu.memory_space<semaphore_mem>>)
          %slice3A_2441 = vector.extract_strided_slice %get3A_1831 {offsets = [14], sizes = [1], strides = [1]} : vector<16xi32> to vector<1xi32>
          %squeeze3A_2442 = vector.extract %slice3A_2441[0] : i32 from vector<1xi32>
          %dma_start3A_2443 = arith.constant 0 : i32
          %dma_start3A_2444 = arith.constant 0 : i32
          %dma_start3A_2445 = arith.constant 0 : i32
          %dma_start3A_2446 = tpu.memref_slice %arg11[%dma_start3A_2443, %dma_start3A_2444, %dma_start3A_2445] : memref<2x16x64xf32, #tpu.memory_space<vmem>> -> memref<1x16x64xf32, #tpu.memory_space<vmem>>
          %dma_start3A_2447 = tpu.memref_squeeze %dma_start3A_2446 : memref<1x16x64xf32, #tpu.memory_space<vmem>> -> memref<16x64xf32, #tpu.memory_space<vmem>>
          %dma_start3A_2448 = arith.constant 14 : i32
          %dma_start3A_2449 = arith.constant 0 : i32
          %dma_start3A_2450 = tpu.memref_slice %dma_start3A_2447[%dma_start3A_2448, %dma_start3A_2449] : memref<16x64xf32, #tpu.memory_space<vmem>> -> memref<1x64xf32, #tpu.memory_space<vmem>>
          %dma_start3A_2451 = arith.constant 0 : i32
          %dma_start3A_2452 = tpu.memref_slice %arg5[%squeeze3A_2442, %dma_start3A_2451] : memref<1000000x64xf32, #tpu.memory_space<hbm>> -> memref<1x64xf32, #tpu.memory_space<hbm>>
          %dma_start3A_2453 = arith.constant 0 : i32
          %dma_start3A_2454 = arith.constant 0 : i32
          %dma_start3A_2455 = tpu.memref_slice %arg11[%dma_start3A_2443, %dma_start3A_2453, %dma_start3A_2454] : memref<2x16x64xf32, #tpu.memory_space<vmem>> -> memref<1x16x64xf32, #tpu.memory_space<vmem>>
          %dma_start3A_2456 = tpu.memref_squeeze %dma_start3A_2455 : memref<1x16x64xf32, #tpu.memory_space<vmem>> -> memref<16x64xf32, #tpu.memory_space<vmem>>
          %dma_start3A_2457 = arith.constant 14 : i32
          %dma_start3A_2458 = arith.constant 0 : i32
          %dma_start3A_2459 = tpu.memref_slice %dma_start3A_2456[%dma_start3A_2457, %dma_start3A_2458] : memref<16x64xf32, #tpu.memory_space<vmem>> -> memref<1x64xf32, #tpu.memory_space<vmem>>
          %dma_start3A_2460 = arith.constant 0 : i32
          %dma_start3A_2461 = tpu.memref_slice %arg5[%squeeze3A_2442, %dma_start3A_2460] : memref<1000000x64xf32, #tpu.memory_space<hbm>> -> memref<1x64xf32, #tpu.memory_space<hbm>>
          tpu.enqueue_dma source(%dma_start3A_2461 : memref<1x64xf32, #tpu.memory_space<hbm>>) target(%dma_start3A_2459 : memref<1x64xf32, #tpu.memory_space<vmem>>) target_semaphore(%arg14 : memref<!tpu.dma_semaphore, #tpu.memory_space<semaphore_mem>>)
          %slice3A_2462 = vector.extract_strided_slice %get3A_1829 {offsets = [15], sizes = [1], strides = [1]} : vector<16xi32> to vector<1xi32>
          %squeeze3A_2463 = vector.extract %slice3A_2462[0] : i32 from vector<1xi32>
          %dma_start3A_2464 = arith.constant 0 : i32
          %dma_start3A_2465 = arith.constant 0 : i32
          %dma_start3A_2466 = arith.constant 0 : i32
          %dma_start3A_2467 = tpu.memref_slice %arg10[%dma_start3A_2464, %dma_start3A_2465, %dma_start3A_2466] : memref<2x16x64xf32, #tpu.memory_space<vmem>> -> memref<1x16x64xf32, #tpu.memory_space<vmem>>
          %dma_start3A_2468 = tpu.memref_squeeze %dma_start3A_2467 : memref<1x16x64xf32, #tpu.memory_space<vmem>> -> memref<16x64xf32, #tpu.memory_space<vmem>>
          %dma_start3A_2469 = arith.constant 15 : i32
          %dma_start3A_2470 = arith.constant 0 : i32
          %dma_start3A_2471 = tpu.memref_slice %dma_start3A_2468[%dma_start3A_2469, %dma_start3A_2470] : memref<16x64xf32, #tpu.memory_space<vmem>> -> memref<1x64xf32, #tpu.memory_space<vmem>>
          %dma_start3A_2472 = arith.constant 0 : i32
          %dma_start3A_2473 = tpu.memref_slice %arg4[%squeeze3A_2463, %dma_start3A_2472] : memref<1000000x64xf32, #tpu.memory_space<hbm>> -> memref<1x64xf32, #tpu.memory_space<hbm>>
          %dma_start3A_2474 = arith.constant 0 : i32
          %dma_start3A_2475 = arith.constant 0 : i32
          %dma_start3A_2476 = tpu.memref_slice %arg10[%dma_start3A_2464, %dma_start3A_2474, %dma_start3A_2475] : memref<2x16x64xf32, #tpu.memory_space<vmem>> -> memref<1x16x64xf32, #tpu.memory_space<vmem>>
          %dma_start3A_2477 = tpu.memref_squeeze %dma_start3A_2476 : memref<1x16x64xf32, #tpu.memory_space<vmem>> -> memref<16x64xf32, #tpu.memory_space<vmem>>
          %dma_start3A_2478 = arith.constant 15 : i32
          %dma_start3A_2479 = arith.constant 0 : i32
          %dma_start3A_2480 = tpu.memref_slice %dma_start3A_2477[%dma_start3A_2478, %dma_start3A_2479] : memref<16x64xf32, #tpu.memory_space<vmem>> -> memref<1x64xf32, #tpu.memory_space<vmem>>
          %dma_start3A_2481 = arith.constant 0 : i32
          %dma_start3A_2482 = tpu.memref_slice %arg4[%squeeze3A_2463, %dma_start3A_2481] : memref<1000000x64xf32, #tpu.memory_space<hbm>> -> memref<1x64xf32, #tpu.memory_space<hbm>>
          tpu.enqueue_dma source(%dma_start3A_2482 : memref<1x64xf32, #tpu.memory_space<hbm>>) target(%dma_start3A_2480 : memref<1x64xf32, #tpu.memory_space<vmem>>) target_semaphore(%arg14 : memref<!tpu.dma_semaphore, #tpu.memory_space<semaphore_mem>>)
          %slice3A_2483 = vector.extract_strided_slice %get3A_1831 {offsets = [15], sizes = [1], strides = [1]} : vector<16xi32> to vector<1xi32>
          %squeeze3A_2484 = vector.extract %slice3A_2483[0] : i32 from vector<1xi32>
          %dma_start3A_2485 = arith.constant 0 : i32
          %dma_start3A_2486 = arith.constant 0 : i32
          %dma_start3A_2487 = arith.constant 0 : i32
          %dma_start3A_2488 = tpu.memref_slice %arg11[%dma_start3A_2485, %dma_start3A_2486, %dma_start3A_2487] : memref<2x16x64xf32, #tpu.memory_space<vmem>> -> memref<1x16x64xf32, #tpu.memory_space<vmem>>
          %dma_start3A_2489 = tpu.memref_squeeze %dma_start3A_2488 : memref<1x16x64xf32, #tpu.memory_space<vmem>> -> memref<16x64xf32, #tpu.memory_space<vmem>>
          %dma_start3A_2490 = arith.constant 15 : i32
          %dma_start3A_2491 = arith.constant 0 : i32
          %dma_start3A_2492 = tpu.memref_slice %dma_start3A_2489[%dma_start3A_2490, %dma_start3A_2491] : memref<16x64xf32, #tpu.memory_space<vmem>> -> memref<1x64xf32, #tpu.memory_space<vmem>>
          %dma_start3A_2493 = arith.constant 0 : i32
          %dma_start3A_2494 = tpu.memref_slice %arg5[%squeeze3A_2484, %dma_start3A_2493] : memref<1000000x64xf32, #tpu.memory_space<hbm>> -> memref<1x64xf32, #tpu.memory_space<hbm>>
          %dma_start3A_2495 = arith.constant 0 : i32
          %dma_start3A_2496 = arith.constant 0 : i32
          %dma_start3A_2497 = tpu.memref_slice %arg11[%dma_start3A_2485, %dma_start3A_2495, %dma_start3A_2496] : memref<2x16x64xf32, #tpu.memory_space<vmem>> -> memref<1x16x64xf32, #tpu.memory_space<vmem>>
          %dma_start3A_2498 = tpu.memref_squeeze %dma_start3A_2497 : memref<1x16x64xf32, #tpu.memory_space<vmem>> -> memref<16x64xf32, #tpu.memory_space<vmem>>
          %dma_start3A_2499 = arith.constant 15 : i32
          %dma_start3A_2500 = arith.constant 0 : i32
          %dma_start3A_2501 = tpu.memref_slice %dma_start3A_2498[%dma_start3A_2499, %dma_start3A_2500] : memref<16x64xf32, #tpu.memory_space<vmem>> -> memref<1x64xf32, #tpu.memory_space<vmem>>
          %dma_start3A_2502 = arith.constant 0 : i32
          %dma_start3A_2503 = tpu.memref_slice %arg5[%squeeze3A_2484, %dma_start3A_2502] : memref<1000000x64xf32, #tpu.memory_space<hbm>> -> memref<1x64xf32, #tpu.memory_space<hbm>>
          tpu.enqueue_dma source(%dma_start3A_2503 : memref<1x64xf32, #tpu.memory_space<hbm>>) target(%dma_start3A_2501 : memref<1x64xf32, #tpu.memory_space<vmem>>) target_semaphore(%arg14 : memref<!tpu.dma_semaphore, #tpu.memory_space<semaphore_mem>>)
        } else {
        }
        %dma_wait3A = arith.constant 1 : i32
        %dma_wait3A_752 = arith.constant 0 : i32
        %dma_wait3A_753 = arith.constant 0 : i32
        %dma_wait3A_754 = tpu.memref_slice %arg10[%dma_wait3A, %dma_wait3A_752, %dma_wait3A_753] : memref<2x16x64xf32, #tpu.memory_space<vmem>> -> memref<1x16x64xf32, #tpu.memory_space<vmem>>
        %dma_wait3A_755 = tpu.memref_squeeze %dma_wait3A_754 : memref<1x16x64xf32, #tpu.memory_space<vmem>> -> memref<16x64xf32, #tpu.memory_space<vmem>>
        %dma_wait3A_756 = arith.constant 0 : i32
        %dma_wait3A_757 = arith.constant 0 : i32
        %dma_wait3A_758 = tpu.memref_slice %arg4[%dma_wait3A_756, %dma_wait3A_757] : memref<1000000x64xf32, #tpu.memory_space<hbm>> -> memref<16x64xf32, #tpu.memory_space<hbm>>
        %dma_wait3A_759 = arith.constant 0 : i32
        %dma_wait3A_760 = arith.constant 0 : i32
        %dma_wait3A_761 = tpu.memref_slice %arg10[%dma_wait3A, %dma_wait3A_759, %dma_wait3A_760] : memref<2x16x64xf32, #tpu.memory_space<vmem>> -> memref<1x16x64xf32, #tpu.memory_space<vmem>>
        %dma_wait3A_762 = tpu.memref_squeeze %dma_wait3A_761 : memref<1x16x64xf32, #tpu.memory_space<vmem>> -> memref<16x64xf32, #tpu.memory_space<vmem>>
        %dma_wait3A_763 = arith.constant 0 : i32
        %dma_wait3A_764 = arith.constant 0 : i32
        %dma_wait3A_765 = tpu.memref_slice %arg4[%dma_wait3A_763, %dma_wait3A_764] : memref<1000000x64xf32, #tpu.memory_space<hbm>> -> memref<16x64xf32, #tpu.memory_space<hbm>>
        tpu.wait_dma2 semaphore(%arg15 : memref<!tpu.dma_semaphore, #tpu.memory_space<semaphore_mem>>) src(%dma_wait3A_765 : memref<16x64xf32, #tpu.memory_space<hbm>>) dst(%dma_wait3A_762 : memref<16x64xf32, #tpu.memory_space<vmem>>)
        %dma_wait3A_766 = arith.constant 1 : i32
        %dma_wait3A_767 = arith.constant 0 : i32
        %dma_wait3A_768 = arith.constant 0 : i32
        %dma_wait3A_769 = tpu.memref_slice %arg11[%dma_wait3A_766, %dma_wait3A_767, %dma_wait3A_768] : memref<2x16x64xf32, #tpu.memory_space<vmem>> -> memref<1x16x64xf32, #tpu.memory_space<vmem>>
        %dma_wait3A_770 = tpu.memref_squeeze %dma_wait3A_769 : memref<1x16x64xf32, #tpu.memory_space<vmem>> -> memref<16x64xf32, #tpu.memory_space<vmem>>
        %dma_wait3A_771 = arith.constant 0 : i32
        %dma_wait3A_772 = arith.constant 0 : i32
        %dma_wait3A_773 = tpu.memref_slice %arg5[%dma_wait3A_771, %dma_wait3A_772] : memref<1000000x64xf32, #tpu.memory_space<hbm>> -> memref<16x64xf32, #tpu.memory_space<hbm>>
        %dma_wait3A_774 = arith.constant 0 : i32
        %dma_wait3A_775 = arith.constant 0 : i32
        %dma_wait3A_776 = tpu.memref_slice %arg11[%dma_wait3A_766, %dma_wait3A_774, %dma_wait3A_775] : memref<2x16x64xf32, #tpu.memory_space<vmem>> -> memref<1x16x64xf32, #tpu.memory_space<vmem>>
        %dma_wait3A_777 = tpu.memref_squeeze %dma_wait3A_776 : memref<1x16x64xf32, #tpu.memory_space<vmem>> -> memref<16x64xf32, #tpu.memory_space<vmem>>
        %dma_wait3A_778 = arith.constant 0 : i32
        %dma_wait3A_779 = arith.constant 0 : i32
        %dma_wait3A_780 = tpu.memref_slice %arg5[%dma_wait3A_778, %dma_wait3A_779] : memref<1000000x64xf32, #tpu.memory_space<hbm>> -> memref<16x64xf32, #tpu.memory_space<hbm>>
        tpu.wait_dma2 semaphore(%arg15 : memref<!tpu.dma_semaphore, #tpu.memory_space<semaphore_mem>>) src(%dma_wait3A_780 : memref<16x64xf32, #tpu.memory_space<hbm>>) dst(%dma_wait3A_777 : memref<16x64xf32, #tpu.memory_space<vmem>>)
        %broadcast_in_dim3A = arith.constant 0.000000e+00 : f32
        %broadcast_in_dim3A_781 = vector.broadcast %broadcast_in_dim3A : f32 to vector<16xf32>
        %get3A_782 = arith.constant 1 : i32
        %get3A_783 = arith.constant 0 : i32
        %get3A_784 = arith.index_cast %get3A_782 : i32 to index
        %get3A_785 = arith.index_cast %get3A_783 : i32 to index
        %get3A_786 = arith.constant 0 : index
        %get3A_787 = tpu.vector_load %arg10[%get3A_784, %get3A_785, %get3A_786] {strides = array<i32>} : memref<2x16x64xf32, #tpu.memory_space<vmem>>, vector<16xf32>,
        %get3A_788 = arith.constant 1 : i32
        %get3A_789 = arith.constant 0 : i32
        %get3A_790 = arith.index_cast %get3A_788 : i32 to index
        %get3A_791 = arith.index_cast %get3A_789 : i32 to index
        %get3A_792 = arith.constant 0 : index
        %get3A_793 = tpu.vector_load %arg11[%get3A_790, %get3A_791, %get3A_792] {strides = array<i32>} : memref<2x16x64xf32, #tpu.memory_space<vmem>>, vector<16xf32>,
        %mul3A_794 = arith.mulf %get3A_787, %get3A_793 : vector<16xf32>
        %mul3A_795 = arith.mulf %mul3A_794, %get3A_3 : vector<16xf32>
        %get3A_796 = arith.constant 1 : i32
        %get3A_797 = arith.constant 0 : i32
        %get3A_798 = arith.index_cast %get3A_796 : i32 to index
        %get3A_799 = arith.index_cast %get3A_797 : i32 to index
        %get3A_800 = arith.constant 16 : index
        %get3A_801 = tpu.vector_load %arg10[%get3A_798, %get3A_799, %get3A_800] {strides = array<i32>} : memref<2x16x64xf32, #tpu.memory_space<vmem>>, vector<16xf32>,
        %get3A_802 = arith.constant 1 : i32
        %get3A_803 = arith.constant 0 : i32
        %get3A_804 = arith.index_cast %get3A_802 : i32 to index
        %get3A_805 = arith.index_cast %get3A_803 : i32 to index
        %get3A_806 = arith.constant 16 : index
        %get3A_807 = tpu.vector_load %arg11[%get3A_804, %get3A_805, %get3A_806] {strides = array<i32>} : memref<2x16x64xf32, #tpu.memory_space<vmem>>, vector<16xf32>,
        %mul3A_808 = arith.mulf %get3A_801, %get3A_807 : vector<16xf32>
        %mul3A_809 = arith.mulf %mul3A_808, %get3A_5 : vector<16xf32>
        %add3A_810 = arith.addf %mul3A_795, %mul3A_809 : vector<16xf32>
        %get3A_811 = arith.constant 1 : i32
        %get3A_812 = arith.constant 0 : i32
        %get3A_813 = arith.index_cast %get3A_811 : i32 to index
        %get3A_814 = arith.index_cast %get3A_812 : i32 to index
        %get3A_815 = arith.constant 32 : index
        %get3A_816 = tpu.vector_load %arg10[%get3A_813, %get3A_814, %get3A_815] {strides = array<i32>} : memref<2x16x64xf32, #tpu.memory_space<vmem>>, vector<16xf32>,
        %get3A_817 = arith.constant 1 : i32
        %get3A_818 = arith.constant 0 : i32
        %get3A_819 = arith.index_cast %get3A_817 : i32 to index
        %get3A_820 = arith.index_cast %get3A_818 : i32 to index
        %get3A_821 = arith.constant 32 : index
        %get3A_822 = tpu.vector_load %arg11[%get3A_819, %get3A_820, %get3A_821] {strides = array<i32>} : memref<2x16x64xf32, #tpu.memory_space<vmem>>, vector<16xf32>,
        %mul3A_823 = arith.mulf %get3A_816, %get3A_822 : vector<16xf32>
        %mul3A_824 = arith.mulf %mul3A_823, %get3A_7 : vector<16xf32>
        %add3A_825 = arith.addf %add3A_810, %mul3A_824 : vector<16xf32>
        %get3A_826 = arith.constant 1 : i32
        %get3A_827 = arith.constant 0 : i32
        %get3A_828 = arith.index_cast %get3A_826 : i32 to index
        %get3A_829 = arith.index_cast %get3A_827 : i32 to index
        %get3A_830 = arith.constant 48 : index
        %get3A_831 = tpu.vector_load %arg10[%get3A_828, %get3A_829, %get3A_830] {strides = array<i32>} : memref<2x16x64xf32, #tpu.memory_space<vmem>>, vector<16xf32>,
        %get3A_832 = arith.constant 1 : i32
        %get3A_833 = arith.constant 0 : i32
        %get3A_834 = arith.index_cast %get3A_832 : i32 to index
        %get3A_835 = arith.index_cast %get3A_833 : i32 to index
        %get3A_836 = arith.constant 48 : index
        %get3A_837 = tpu.vector_load %arg11[%get3A_834, %get3A_835, %get3A_836] {strides = array<i32>} : memref<2x16x64xf32, #tpu.memory_space<vmem>>, vector<16xf32>,
        %mul3A_838 = arith.mulf %get3A_831, %get3A_837 : vector<16xf32>
        %mul3A_839 = arith.mulf %mul3A_838, %get3A_9 : vector<16xf32>
        %add3A_840 = arith.addf %add3A_825, %mul3A_839 : vector<16xf32>
        %reduce_sum3A = arith.constant true
        %reduce_sum3A_841 = vector.broadcast %reduce_sum3A : i1 to vector<16xi1>
        %reduce_sum3A_842 = tpu.scan <sum>, %add3A_840 masked %reduce_sum3A_841 : vector<16xf32>, vector<16xi1> -> vector<16xf32>
        %reduce_sum3A_843 = vector.extract %reduce_sum3A_842[15] : f32 from vector<16xf32>
        %broadcast_in_dim3A_844 = vector.broadcast %reduce_sum3A_843 : f32 to vector<16xf32>
        %select_n3A = arith.select %eq3A_13, %broadcast_in_dim3A_844, %broadcast_in_dim3A_781 : vector<16xi1>, vector<16xf32>
        %get3A_845 = arith.constant 1 : i32
        %get3A_846 = arith.constant 1 : i32
        %get3A_847 = arith.index_cast %get3A_845 : i32 to index
        %get3A_848 = arith.index_cast %get3A_846 : i32 to index
        %get3A_849 = arith.constant 0 : index
        %get3A_850 = tpu.vector_load %arg10[%get3A_847, %get3A_848, %get3A_849] {strides = array<i32>} : memref<2x16x64xf32, #tpu.memory_space<vmem>>, vector<16xf32>,
        %get3A_851 = arith.constant 1 : i32
        %get3A_852 = arith.constant 1 : i32
        %get3A_853 = arith.index_cast %get3A_851 : i32 to index
        %get3A_854 = arith.index_cast %get3A_852 : i32 to index
        %get3A_855 = arith.constant 0 : index
        %get3A_856 = tpu.vector_load %arg11[%get3A_853, %get3A_854, %get3A_855] {strides = array<i32>} : memref<2x16x64xf32, #tpu.memory_space<vmem>>, vector<16xf32>,
        %mul3A_857 = arith.mulf %get3A_850, %get3A_856 : vector<16xf32>
        %mul3A_858 = arith.mulf %mul3A_857, %get3A_3 : vector<16xf32>
        %get3A_859 = arith.constant 1 : i32
        %get3A_860 = arith.constant 1 : i32
        %get3A_861 = arith.index_cast %get3A_859 : i32 to index
        %get3A_862 = arith.index_cast %get3A_860 : i32 to index
        %get3A_863 = arith.constant 16 : index
        %get3A_864 = tpu.vector_load %arg10[%get3A_861, %get3A_862, %get3A_863] {strides = array<i32>} : memref<2x16x64xf32, #tpu.memory_space<vmem>>, vector<16xf32>,
        %get3A_865 = arith.constant 1 : i32
        %get3A_866 = arith.constant 1 : i32
        %get3A_867 = arith.index_cast %get3A_865 : i32 to index
        %get3A_868 = arith.index_cast %get3A_866 : i32 to index
        %get3A_869 = arith.constant 16 : index
        %get3A_870 = tpu.vector_load %arg11[%get3A_867, %get3A_868, %get3A_869] {strides = array<i32>} : memref<2x16x64xf32, #tpu.memory_space<vmem>>, vector<16xf32>,
        %mul3A_871 = arith.mulf %get3A_864, %get3A_870 : vector<16xf32>
        %mul3A_872 = arith.mulf %mul3A_871, %get3A_5 : vector<16xf32>
        %add3A_873 = arith.addf %mul3A_858, %mul3A_872 : vector<16xf32>
        %get3A_874 = arith.constant 1 : i32
        %get3A_875 = arith.constant 1 : i32
        %get3A_876 = arith.index_cast %get3A_874 : i32 to index
        %get3A_877 = arith.index_cast %get3A_875 : i32 to index
        %get3A_878 = arith.constant 32 : index
        %get3A_879 = tpu.vector_load %arg10[%get3A_876, %get3A_877, %get3A_878] {strides = array<i32>} : memref<2x16x64xf32, #tpu.memory_space<vmem>>, vector<16xf32>,
        %get3A_880 = arith.constant 1 : i32
        %get3A_881 = arith.constant 1 : i32
        %get3A_882 = arith.index_cast %get3A_880 : i32 to index
        %get3A_883 = arith.index_cast %get3A_881 : i32 to index
        %get3A_884 = arith.constant 32 : index
        %get3A_885 = tpu.vector_load %arg11[%get3A_882, %get3A_883, %get3A_884] {strides = array<i32>} : memref<2x16x64xf32, #tpu.memory_space<vmem>>, vector<16xf32>,
        %mul3A_886 = arith.mulf %get3A_879, %get3A_885 : vector<16xf32>
        %mul3A_887 = arith.mulf %mul3A_886, %get3A_7 : vector<16xf32>
        %add3A_888 = arith.addf %add3A_873, %mul3A_887 : vector<16xf32>
        %get3A_889 = arith.constant 1 : i32
        %get3A_890 = arith.constant 1 : i32
        %get3A_891 = arith.index_cast %get3A_889 : i32 to index
        %get3A_892 = arith.index_cast %get3A_890 : i32 to index
        %get3A_893 = arith.constant 48 : index
        %get3A_894 = tpu.vector_load %arg10[%get3A_891, %get3A_892, %get3A_893] {strides = array<i32>} : memref<2x16x64xf32, #tpu.memory_space<vmem>>, vector<16xf32>,
        %get3A_895 = arith.constant 1 : i32
        %get3A_896 = arith.constant 1 : i32
        %get3A_897 = arith.index_cast %get3A_895 : i32 to index
        %get3A_898 = arith.index_cast %get3A_896 : i32 to index
        %get3A_899 = arith.constant 48 : index
        %get3A_900 = tpu.vector_load %arg11[%get3A_897, %get3A_898, %get3A_899] {strides = array<i32>} : memref<2x16x64xf32, #tpu.memory_space<vmem>>, vector<16xf32>,
        %mul3A_901 = arith.mulf %get3A_894, %get3A_900 : vector<16xf32>
        %mul3A_902 = arith.mulf %mul3A_901, %get3A_9 : vector<16xf32>
        %add3A_903 = arith.addf %add3A_888, %mul3A_902 : vector<16xf32>
        %reduce_sum3A_904 = arith.constant true
        %reduce_sum3A_905 = vector.broadcast %reduce_sum3A_904 : i1 to vector<16xi1>
        %reduce_sum3A_906 = tpu.scan <sum>, %add3A_903 masked %reduce_sum3A_905 : vector<16xf32>, vector<16xi1> -> vector<16xf32>
        %reduce_sum3A_907 = vector.extract %reduce_sum3A_906[15] : f32 from vector<16xf32>
        %broadcast_in_dim3A_908 = vector.broadcast %reduce_sum3A_907 : f32 to vector<16xf32>
        %select_n3A_909 = arith.select %eq3A_16, %broadcast_in_dim3A_908, %select_n3A : vector<16xi1>, vector<16xf32>
        %get3A_910 = arith.constant 1 : i32
        %get3A_911 = arith.constant 2 : i32
        %get3A_912 = arith.index_cast %get3A_910 : i32 to index
        %get3A_913 = arith.index_cast %get3A_911 : i32 to index
        %get3A_914 = arith.constant 0 : index
        %get3A_915 = tpu.vector_load %arg10[%get3A_912, %get3A_913, %get3A_914] {strides = array<i32>} : memref<2x16x64xf32, #tpu.memory_space<vmem>>, vector<16xf32>,
        %get3A_916 = arith.constant 1 : i32
        %get3A_917 = arith.constant 2 : i32
        %get3A_918 = arith.index_cast %get3A_916 : i32 to index
        %get3A_919 = arith.index_cast %get3A_917 : i32 to index
        %get3A_920 = arith.constant 0 : index
        %get3A_921 = tpu.vector_load %arg11[%get3A_918, %get3A_919, %get3A_920] {strides = array<i32>} : memref<2x16x64xf32, #tpu.memory_space<vmem>>, vector<16xf32>,
        %mul3A_922 = arith.mulf %get3A_915, %get3A_921 : vector<16xf32>
        %mul3A_923 = arith.mulf %mul3A_922, %get3A_3 : vector<16xf32>
        %get3A_924 = arith.constant 1 : i32
        %get3A_925 = arith.constant 2 : i32
        %get3A_926 = arith.index_cast %get3A_924 : i32 to index
        %get3A_927 = arith.index_cast %get3A_925 : i32 to index
        %get3A_928 = arith.constant 16 : index
        %get3A_929 = tpu.vector_load %arg10[%get3A_926, %get3A_927, %get3A_928] {strides = array<i32>} : memref<2x16x64xf32, #tpu.memory_space<vmem>>, vector<16xf32>,
        %get3A_930 = arith.constant 1 : i32
        %get3A_931 = arith.constant 2 : i32
        %get3A_932 = arith.index_cast %get3A_930 : i32 to index
        %get3A_933 = arith.index_cast %get3A_931 : i32 to index
        %get3A_934 = arith.constant 16 : index
        %get3A_935 = tpu.vector_load %arg11[%get3A_932, %get3A_933, %get3A_934] {strides = array<i32>} : memref<2x16x64xf32, #tpu.memory_space<vmem>>, vector<16xf32>,
        %mul3A_936 = arith.mulf %get3A_929, %get3A_935 : vector<16xf32>
        %mul3A_937 = arith.mulf %mul3A_936, %get3A_5 : vector<16xf32>
        %add3A_938 = arith.addf %mul3A_923, %mul3A_937 : vector<16xf32>
        %get3A_939 = arith.constant 1 : i32
        %get3A_940 = arith.constant 2 : i32
        %get3A_941 = arith.index_cast %get3A_939 : i32 to index
        %get3A_942 = arith.index_cast %get3A_940 : i32 to index
        %get3A_943 = arith.constant 32 : index
        %get3A_944 = tpu.vector_load %arg10[%get3A_941, %get3A_942, %get3A_943] {strides = array<i32>} : memref<2x16x64xf32, #tpu.memory_space<vmem>>, vector<16xf32>,
        %get3A_945 = arith.constant 1 : i32
        %get3A_946 = arith.constant 2 : i32
        %get3A_947 = arith.index_cast %get3A_945 : i32 to index
        %get3A_948 = arith.index_cast %get3A_946 : i32 to index
        %get3A_949 = arith.constant 32 : index
        %get3A_950 = tpu.vector_load %arg11[%get3A_947, %get3A_948, %get3A_949] {strides = array<i32>} : memref<2x16x64xf32, #tpu.memory_space<vmem>>, vector<16xf32>,
        %mul3A_951 = arith.mulf %get3A_944, %get3A_950 : vector<16xf32>
        %mul3A_952 = arith.mulf %mul3A_951, %get3A_7 : vector<16xf32>
        %add3A_953 = arith.addf %add3A_938, %mul3A_952 : vector<16xf32>
        %get3A_954 = arith.constant 1 : i32
        %get3A_955 = arith.constant 2 : i32
        %get3A_956 = arith.index_cast %get3A_954 : i32 to index
        %get3A_957 = arith.index_cast %get3A_955 : i32 to index
        %get3A_958 = arith.constant 48 : index
        %get3A_959 = tpu.vector_load %arg10[%get3A_956, %get3A_957, %get3A_958] {strides = array<i32>} : memref<2x16x64xf32, #tpu.memory_space<vmem>>, vector<16xf32>,
        %get3A_960 = arith.constant 1 : i32
        %get3A_961 = arith.constant 2 : i32
        %get3A_962 = arith.index_cast %get3A_960 : i32 to index
        %get3A_963 = arith.index_cast %get3A_961 : i32 to index
        %get3A_964 = arith.constant 48 : index
        %get3A_965 = tpu.vector_load %arg11[%get3A_962, %get3A_963, %get3A_964] {strides = array<i32>} : memref<2x16x64xf32, #tpu.memory_space<vmem>>, vector<16xf32>,
        %mul3A_966 = arith.mulf %get3A_959, %get3A_965 : vector<16xf32>
        %mul3A_967 = arith.mulf %mul3A_966, %get3A_9 : vector<16xf32>
        %add3A_968 = arith.addf %add3A_953, %mul3A_967 : vector<16xf32>
        %reduce_sum3A_969 = arith.constant true
        %reduce_sum3A_970 = vector.broadcast %reduce_sum3A_969 : i1 to vector<16xi1>
        %reduce_sum3A_971 = tpu.scan <sum>, %add3A_968 masked %reduce_sum3A_970 : vector<16xf32>, vector<16xi1> -> vector<16xf32>
        %reduce_sum3A_972 = vector.extract %reduce_sum3A_971[15] : f32 from vector<16xf32>
        %broadcast_in_dim3A_973 = vector.broadcast %reduce_sum3A_972 : f32 to vector<16xf32>
        %select_n3A_974 = arith.select %eq3A_19, %broadcast_in_dim3A_973, %select_n3A_909 : vector<16xi1>, vector<16xf32>
        %get3A_975 = arith.constant 1 : i32
        %get3A_976 = arith.constant 3 : i32
        %get3A_977 = arith.index_cast %get3A_975 : i32 to index
        %get3A_978 = arith.index_cast %get3A_976 : i32 to index
        %get3A_979 = arith.constant 0 : index
        %get3A_980 = tpu.vector_load %arg10[%get3A_977, %get3A_978, %get3A_979] {strides = array<i32>} : memref<2x16x64xf32, #tpu.memory_space<vmem>>, vector<16xf32>,
        %get3A_981 = arith.constant 1 : i32
        %get3A_982 = arith.constant 3 : i32
        %get3A_983 = arith.index_cast %get3A_981 : i32 to index
        %get3A_984 = arith.index_cast %get3A_982 : i32 to index
        %get3A_985 = arith.constant 0 : index
        %get3A_986 = tpu.vector_load %arg11[%get3A_983, %get3A_984, %get3A_985] {strides = array<i32>} : memref<2x16x64xf32, #tpu.memory_space<vmem>>, vector<16xf32>,
        %mul3A_987 = arith.mulf %get3A_980, %get3A_986 : vector<16xf32>
        %mul3A_988 = arith.mulf %mul3A_987, %get3A_3 : vector<16xf32>
        %get3A_989 = arith.constant 1 : i32
        %get3A_990 = arith.constant 3 : i32
        %get3A_991 = arith.index_cast %get3A_989 : i32 to index
        %get3A_992 = arith.index_cast %get3A_990 : i32 to index
        %get3A_993 = arith.constant 16 : index
        %get3A_994 = tpu.vector_load %arg10[%get3A_991, %get3A_992, %get3A_993] {strides = array<i32>} : memref<2x16x64xf32, #tpu.memory_space<vmem>>, vector<16xf32>,
        %get3A_995 = arith.constant 1 : i32
        %get3A_996 = arith.constant 3 : i32
        %get3A_997 = arith.index_cast %get3A_995 : i32 to index
        %get3A_998 = arith.index_cast %get3A_996 : i32 to index
        %get3A_999 = arith.constant 16 : index
        %get3A_1000 = tpu.vector_load %arg11[%get3A_997, %get3A_998, %get3A_999] {strides = array<i32>} : memref<2x16x64xf32, #tpu.memory_space<vmem>>, vector<16xf32>,
        %mul3A_1001 = arith.mulf %get3A_994, %get3A_1000 : vector<16xf32>
        %mul3A_1002 = arith.mulf %mul3A_1001, %get3A_5 : vector<16xf32>
        %add3A_1003 = arith.addf %mul3A_988, %mul3A_1002 : vector<16xf32>
        %get3A_1004 = arith.constant 1 : i32
        %get3A_1005 = arith.constant 3 : i32
        %get3A_1006 = arith.index_cast %get3A_1004 : i32 to index
        %get3A_1007 = arith.index_cast %get3A_1005 : i32 to index
        %get3A_1008 = arith.constant 32 : index
        %get3A_1009 = tpu.vector_load %arg10[%get3A_1006, %get3A_1007, %get3A_1008] {strides = array<i32>} : memref<2x16x64xf32, #tpu.memory_space<vmem>>, vector<16xf32>,
        %get3A_1010 = arith.constant 1 : i32
        %get3A_1011 = arith.constant 3 : i32
        %get3A_1012 = arith.index_cast %get3A_1010 : i32 to index
        %get3A_1013 = arith.index_cast %get3A_1011 : i32 to index
        %get3A_1014 = arith.constant 32 : index
        %get3A_1015 = tpu.vector_load %arg11[%get3A_1012, %get3A_1013, %get3A_1014] {strides = array<i32>} : memref<2x16x64xf32, #tpu.memory_space<vmem>>, vector<16xf32>,
        %mul3A_1016 = arith.mulf %get3A_1009, %get3A_1015 : vector<16xf32>
        %mul3A_1017 = arith.mulf %mul3A_1016, %get3A_7 : vector<16xf32>
        %add3A_1018 = arith.addf %add3A_1003, %mul3A_1017 : vector<16xf32>
        %get3A_1019 = arith.constant 1 : i32
        %get3A_1020 = arith.constant 3 : i32
        %get3A_1021 = arith.index_cast %get3A_1019 : i32 to index
        %get3A_1022 = arith.index_cast %get3A_1020 : i32 to index
        %get3A_1023 = arith.constant 48 : index
        %get3A_1024 = tpu.vector_load %arg10[%get3A_1021, %get3A_1022, %get3A_1023] {strides = array<i32>} : memref<2x16x64xf32, #tpu.memory_space<vmem>>, vector<16xf32>,
        %get3A_1025 = arith.constant 1 : i32
        %get3A_1026 = arith.constant 3 : i32
        %get3A_1027 = arith.index_cast %get3A_1025 : i32 to index
        %get3A_1028 = arith.index_cast %get3A_1026 : i32 to index
        %get3A_1029 = arith.constant 48 : index
        %get3A_1030 = tpu.vector_load %arg11[%get3A_1027, %get3A_1028, %get3A_1029] {strides = array<i32>} : memref<2x16x64xf32, #tpu.memory_space<vmem>>, vector<16xf32>,
        %mul3A_1031 = arith.mulf %get3A_1024, %get3A_1030 : vector<16xf32>
        %mul3A_1032 = arith.mulf %mul3A_1031, %get3A_9 : vector<16xf32>
        %add3A_1033 = arith.addf %add3A_1018, %mul3A_1032 : vector<16xf32>
        %reduce_sum3A_1034 = arith.constant true
        %reduce_sum3A_1035 = vector.broadcast %reduce_sum3A_1034 : i1 to vector<16xi1>
        %reduce_sum3A_1036 = tpu.scan <sum>, %add3A_1033 masked %reduce_sum3A_1035 : vector<16xf32>, vector<16xi1> -> vector<16xf32>
        %reduce_sum3A_1037 = vector.extract %reduce_sum3A_1036[15] : f32 from vector<16xf32>
        %broadcast_in_dim3A_1038 = vector.broadcast %reduce_sum3A_1037 : f32 to vector<16xf32>
        %select_n3A_1039 = arith.select %eq3A_22, %broadcast_in_dim3A_1038, %select_n3A_974 : vector<16xi1>, vector<16xf32>
        %get3A_1040 = arith.constant 1 : i32
        %get3A_1041 = arith.constant 4 : i32
        %get3A_1042 = arith.index_cast %get3A_1040 : i32 to index
        %get3A_1043 = arith.index_cast %get3A_1041 : i32 to index
        %get3A_1044 = arith.constant 0 : index
        %get3A_1045 = tpu.vector_load %arg10[%get3A_1042, %get3A_1043, %get3A_1044] {strides = array<i32>} : memref<2x16x64xf32, #tpu.memory_space<vmem>>, vector<16xf32>,
        %get3A_1046 = arith.constant 1 : i32
        %get3A_1047 = arith.constant 4 : i32
        %get3A_1048 = arith.index_cast %get3A_1046 : i32 to index
        %get3A_1049 = arith.index_cast %get3A_1047 : i32 to index
        %get3A_1050 = arith.constant 0 : index
        %get3A_1051 = tpu.vector_load %arg11[%get3A_1048, %get3A_1049, %get3A_1050] {strides = array<i32>} : memref<2x16x64xf32, #tpu.memory_space<vmem>>, vector<16xf32>,
        %mul3A_1052 = arith.mulf %get3A_1045, %get3A_1051 : vector<16xf32>
        %mul3A_1053 = arith.mulf %mul3A_1052, %get3A_3 : vector<16xf32>
        %get3A_1054 = arith.constant 1 : i32
        %get3A_1055 = arith.constant 4 : i32
        %get3A_1056 = arith.index_cast %get3A_1054 : i32 to index
        %get3A_1057 = arith.index_cast %get3A_1055 : i32 to index
        %get3A_1058 = arith.constant 16 : index
        %get3A_1059 = tpu.vector_load %arg10[%get3A_1056, %get3A_1057, %get3A_1058] {strides = array<i32>} : memref<2x16x64xf32, #tpu.memory_space<vmem>>, vector<16xf32>,
        %get3A_1060 = arith.constant 1 : i32
        %get3A_1061 = arith.constant 4 : i32
        %get3A_1062 = arith.index_cast %get3A_1060 : i32 to index
        %get3A_1063 = arith.index_cast %get3A_1061 : i32 to index
        %get3A_1064 = arith.constant 16 : index
        %get3A_1065 = tpu.vector_load %arg11[%get3A_1062, %get3A_1063, %get3A_1064] {strides = array<i32>} : memref<2x16x64xf32, #tpu.memory_space<vmem>>, vector<16xf32>,
        %mul3A_1066 = arith.mulf %get3A_1059, %get3A_1065 : vector<16xf32>
        %mul3A_1067 = arith.mulf %mul3A_1066, %get3A_5 : vector<16xf32>
        %add3A_1068 = arith.addf %mul3A_1053, %mul3A_1067 : vector<16xf32>
        %get3A_1069 = arith.constant 1 : i32
        %get3A_1070 = arith.constant 4 : i32
        %get3A_1071 = arith.index_cast %get3A_1069 : i32 to index
        %get3A_1072 = arith.index_cast %get3A_1070 : i32 to index
        %get3A_1073 = arith.constant 32 : index
        %get3A_1074 = tpu.vector_load %arg10[%get3A_1071, %get3A_1072, %get3A_1073] {strides = array<i32>} : memref<2x16x64xf32, #tpu.memory_space<vmem>>, vector<16xf32>,
        %get3A_1075 = arith.constant 1 : i32
        %get3A_1076 = arith.constant 4 : i32
        %get3A_1077 = arith.index_cast %get3A_1075 : i32 to index
        %get3A_1078 = arith.index_cast %get3A_1076 : i32 to index
        %get3A_1079 = arith.constant 32 : index
        %get3A_1080 = tpu.vector_load %arg11[%get3A_1077, %get3A_1078, %get3A_1079] {strides = array<i32>} : memref<2x16x64xf32, #tpu.memory_space<vmem>>, vector<16xf32>,
        %mul3A_1081 = arith.mulf %get3A_1074, %get3A_1080 : vector<16xf32>
        %mul3A_1082 = arith.mulf %mul3A_1081, %get3A_7 : vector<16xf32>
        %add3A_1083 = arith.addf %add3A_1068, %mul3A_1082 : vector<16xf32>
        %get3A_1084 = arith.constant 1 : i32
        %get3A_1085 = arith.constant 4 : i32
        %get3A_1086 = arith.index_cast %get3A_1084 : i32 to index
        %get3A_1087 = arith.index_cast %get3A_1085 : i32 to index
        %get3A_1088 = arith.constant 48 : index
        %get3A_1089 = tpu.vector_load %arg10[%get3A_1086, %get3A_1087, %get3A_1088] {strides = array<i32>} : memref<2x16x64xf32, #tpu.memory_space<vmem>>, vector<16xf32>,
        %get3A_1090 = arith.constant 1 : i32
        %get3A_1091 = arith.constant 4 : i32
        %get3A_1092 = arith.index_cast %get3A_1090 : i32 to index
        %get3A_1093 = arith.index_cast %get3A_1091 : i32 to index
        %get3A_1094 = arith.constant 48 : index
        %get3A_1095 = tpu.vector_load %arg11[%get3A_1092, %get3A_1093, %get3A_1094] {strides = array<i32>} : memref<2x16x64xf32, #tpu.memory_space<vmem>>, vector<16xf32>,
        %mul3A_1096 = arith.mulf %get3A_1089, %get3A_1095 : vector<16xf32>
        %mul3A_1097 = arith.mulf %mul3A_1096, %get3A_9 : vector<16xf32>
        %add3A_1098 = arith.addf %add3A_1083, %mul3A_1097 : vector<16xf32>
        %reduce_sum3A_1099 = arith.constant true
        %reduce_sum3A_1100 = vector.broadcast %reduce_sum3A_1099 : i1 to vector<16xi1>
        %reduce_sum3A_1101 = tpu.scan <sum>, %add3A_1098 masked %reduce_sum3A_1100 : vector<16xf32>, vector<16xi1> -> vector<16xf32>
        %reduce_sum3A_1102 = vector.extract %reduce_sum3A_1101[15] : f32 from vector<16xf32>
        %broadcast_in_dim3A_1103 = vector.broadcast %reduce_sum3A_1102 : f32 to vector<16xf32>
        %select_n3A_1104 = arith.select %eq3A_25, %broadcast_in_dim3A_1103, %select_n3A_1039 : vector<16xi1>, vector<16xf32>
        %get3A_1105 = arith.constant 1 : i32
        %get3A_1106 = arith.constant 5 : i32
        %get3A_1107 = arith.index_cast %get3A_1105 : i32 to index
        %get3A_1108 = arith.index_cast %get3A_1106 : i32 to index
        %get3A_1109 = arith.constant 0 : index
        %get3A_1110 = tpu.vector_load %arg10[%get3A_1107, %get3A_1108, %get3A_1109] {strides = array<i32>} : memref<2x16x64xf32, #tpu.memory_space<vmem>>, vector<16xf32>,
        %get3A_1111 = arith.constant 1 : i32
        %get3A_1112 = arith.constant 5 : i32
        %get3A_1113 = arith.index_cast %get3A_1111 : i32 to index
        %get3A_1114 = arith.index_cast %get3A_1112 : i32 to index
        %get3A_1115 = arith.constant 0 : index
        %get3A_1116 = tpu.vector_load %arg11[%get3A_1113, %get3A_1114, %get3A_1115] {strides = array<i32>} : memref<2x16x64xf32, #tpu.memory_space<vmem>>, vector<16xf32>,
        %mul3A_1117 = arith.mulf %get3A_1110, %get3A_1116 : vector<16xf32>
        %mul3A_1118 = arith.mulf %mul3A_1117, %get3A_3 : vector<16xf32>
        %get3A_1119 = arith.constant 1 : i32
        %get3A_1120 = arith.constant 5 : i32
        %get3A_1121 = arith.index_cast %get3A_1119 : i32 to index
        %get3A_1122 = arith.index_cast %get3A_1120 : i32 to index
        %get3A_1123 = arith.constant 16 : index
        %get3A_1124 = tpu.vector_load %arg10[%get3A_1121, %get3A_1122, %get3A_1123] {strides = array<i32>} : memref<2x16x64xf32, #tpu.memory_space<vmem>>, vector<16xf32>,
        %get3A_1125 = arith.constant 1 : i32
        %get3A_1126 = arith.constant 5 : i32
        %get3A_1127 = arith.index_cast %get3A_1125 : i32 to index
        %get3A_1128 = arith.index_cast %get3A_1126 : i32 to index
        %get3A_1129 = arith.constant 16 : index
        %get3A_1130 = tpu.vector_load %arg11[%get3A_1127, %get3A_1128, %get3A_1129] {strides = array<i32>} : memref<2x16x64xf32, #tpu.memory_space<vmem>>, vector<16xf32>,
        %mul3A_1131 = arith.mulf %get3A_1124, %get3A_1130 : vector<16xf32>
        %mul3A_1132 = arith.mulf %mul3A_1131, %get3A_5 : vector<16xf32>
        %add3A_1133 = arith.addf %mul3A_1118, %mul3A_1132 : vector<16xf32>
        %get3A_1134 = arith.constant 1 : i32
        %get3A_1135 = arith.constant 5 : i32
        %get3A_1136 = arith.index_cast %get3A_1134 : i32 to index
        %get3A_1137 = arith.index_cast %get3A_1135 : i32 to index
        %get3A_1138 = arith.constant 32 : index
        %get3A_1139 = tpu.vector_load %arg10[%get3A_1136, %get3A_1137, %get3A_1138] {strides = array<i32>} : memref<2x16x64xf32, #tpu.memory_space<vmem>>, vector<16xf32>,
        %get3A_1140 = arith.constant 1 : i32
        %get3A_1141 = arith.constant 5 : i32
        %get3A_1142 = arith.index_cast %get3A_1140 : i32 to index
        %get3A_1143 = arith.index_cast %get3A_1141 : i32 to index
        %get3A_1144 = arith.constant 32 : index
        %get3A_1145 = tpu.vector_load %arg11[%get3A_1142, %get3A_1143, %get3A_1144] {strides = array<i32>} : memref<2x16x64xf32, #tpu.memory_space<vmem>>, vector<16xf32>,
        %mul3A_1146 = arith.mulf %get3A_1139, %get3A_1145 : vector<16xf32>
        %mul3A_1147 = arith.mulf %mul3A_1146, %get3A_7 : vector<16xf32>
        %add3A_1148 = arith.addf %add3A_1133, %mul3A_1147 : vector<16xf32>
        %get3A_1149 = arith.constant 1 : i32
        %get3A_1150 = arith.constant 5 : i32
        %get3A_1151 = arith.index_cast %get3A_1149 : i32 to index
        %get3A_1152 = arith.index_cast %get3A_1150 : i32 to index
        %get3A_1153 = arith.constant 48 : index
        %get3A_1154 = tpu.vector_load %arg10[%get3A_1151, %get3A_1152, %get3A_1153] {strides = array<i32>} : memref<2x16x64xf32, #tpu.memory_space<vmem>>, vector<16xf32>,
        %get3A_1155 = arith.constant 1 : i32
        %get3A_1156 = arith.constant 5 : i32
        %get3A_1157 = arith.index_cast %get3A_1155 : i32 to index
        %get3A_1158 = arith.index_cast %get3A_1156 : i32 to index
        %get3A_1159 = arith.constant 48 : index
        %get3A_1160 = tpu.vector_load %arg11[%get3A_1157, %get3A_1158, %get3A_1159] {strides = array<i32>} : memref<2x16x64xf32, #tpu.memory_space<vmem>>, vector<16xf32>,
        %mul3A_1161 = arith.mulf %get3A_1154, %get3A_1160 : vector<16xf32>
        %mul3A_1162 = arith.mulf %mul3A_1161, %get3A_9 : vector<16xf32>
        %add3A_1163 = arith.addf %add3A_1148, %mul3A_1162 : vector<16xf32>
        %reduce_sum3A_1164 = arith.constant true
        %reduce_sum3A_1165 = vector.broadcast %reduce_sum3A_1164 : i1 to vector<16xi1>
        %reduce_sum3A_1166 = tpu.scan <sum>, %add3A_1163 masked %reduce_sum3A_1165 : vector<16xf32>, vector<16xi1> -> vector<16xf32>
        %reduce_sum3A_1167 = vector.extract %reduce_sum3A_1166[15] : f32 from vector<16xf32>
        %broadcast_in_dim3A_1168 = vector.broadcast %reduce_sum3A_1167 : f32 to vector<16xf32>
        %select_n3A_1169 = arith.select %eq3A_28, %broadcast_in_dim3A_1168, %select_n3A_1104 : vector<16xi1>, vector<16xf32>
        %get3A_1170 = arith.constant 1 : i32
        %get3A_1171 = arith.constant 6 : i32
        %get3A_1172 = arith.index_cast %get3A_1170 : i32 to index
        %get3A_1173 = arith.index_cast %get3A_1171 : i32 to index
        %get3A_1174 = arith.constant 0 : index
        %get3A_1175 = tpu.vector_load %arg10[%get3A_1172, %get3A_1173, %get3A_1174] {strides = array<i32>} : memref<2x16x64xf32, #tpu.memory_space<vmem>>, vector<16xf32>,
        %get3A_1176 = arith.constant 1 : i32
        %get3A_1177 = arith.constant 6 : i32
        %get3A_1178 = arith.index_cast %get3A_1176 : i32 to index
        %get3A_1179 = arith.index_cast %get3A_1177 : i32 to index
        %get3A_1180 = arith.constant 0 : index
        %get3A_1181 = tpu.vector_load %arg11[%get3A_1178, %get3A_1179, %get3A_1180] {strides = array<i32>} : memref<2x16x64xf32, #tpu.memory_space<vmem>>, vector<16xf32>,
        %mul3A_1182 = arith.mulf %get3A_1175, %get3A_1181 : vector<16xf32>
        %mul3A_1183 = arith.mulf %mul3A_1182, %get3A_3 : vector<16xf32>
        %get3A_1184 = arith.constant 1 : i32
        %get3A_1185 = arith.constant 6 : i32
        %get3A_1186 = arith.index_cast %get3A_1184 : i32 to index
        %get3A_1187 = arith.index_cast %get3A_1185 : i32 to index
        %get3A_1188 = arith.constant 16 : index
        %get3A_1189 = tpu.vector_load %arg10[%get3A_1186, %get3A_1187, %get3A_1188] {strides = array<i32>} : memref<2x16x64xf32, #tpu.memory_space<vmem>>, vector<16xf32>,
        %get3A_1190 = arith.constant 1 : i32
        %get3A_1191 = arith.constant 6 : i32
        %get3A_1192 = arith.index_cast %get3A_1190 : i32 to index
        %get3A_1193 = arith.index_cast %get3A_1191 : i32 to index
        %get3A_1194 = arith.constant 16 : index
        %get3A_1195 = tpu.vector_load %arg11[%get3A_1192, %get3A_1193, %get3A_1194] {strides = array<i32>} : memref<2x16x64xf32, #tpu.memory_space<vmem>>, vector<16xf32>,
        %mul3A_1196 = arith.mulf %get3A_1189, %get3A_1195 : vector<16xf32>
        %mul3A_1197 = arith.mulf %mul3A_1196, %get3A_5 : vector<16xf32>
        %add3A_1198 = arith.addf %mul3A_1183, %mul3A_1197 : vector<16xf32>
        %get3A_1199 = arith.constant 1 : i32
        %get3A_1200 = arith.constant 6 : i32
        %get3A_1201 = arith.index_cast %get3A_1199 : i32 to index
        %get3A_1202 = arith.index_cast %get3A_1200 : i32 to index
        %get3A_1203 = arith.constant 32 : index
        %get3A_1204 = tpu.vector_load %arg10[%get3A_1201, %get3A_1202, %get3A_1203] {strides = array<i32>} : memref<2x16x64xf32, #tpu.memory_space<vmem>>, vector<16xf32>,
        %get3A_1205 = arith.constant 1 : i32
        %get3A_1206 = arith.constant 6 : i32
        %get3A_1207 = arith.index_cast %get3A_1205 : i32 to index
        %get3A_1208 = arith.index_cast %get3A_1206 : i32 to index
        %get3A_1209 = arith.constant 32 : index
        %get3A_1210 = tpu.vector_load %arg11[%get3A_1207, %get3A_1208, %get3A_1209] {strides = array<i32>} : memref<2x16x64xf32, #tpu.memory_space<vmem>>, vector<16xf32>,
        %mul3A_1211 = arith.mulf %get3A_1204, %get3A_1210 : vector<16xf32>
        %mul3A_1212 = arith.mulf %mul3A_1211, %get3A_7 : vector<16xf32>
        %add3A_1213 = arith.addf %add3A_1198, %mul3A_1212 : vector<16xf32>
        %get3A_1214 = arith.constant 1 : i32
        %get3A_1215 = arith.constant 6 : i32
        %get3A_1216 = arith.index_cast %get3A_1214 : i32 to index
        %get3A_1217 = arith.index_cast %get3A_1215 : i32 to index
        %get3A_1218 = arith.constant 48 : index
        %get3A_1219 = tpu.vector_load %arg10[%get3A_1216, %get3A_1217, %get3A_1218] {strides = array<i32>} : memref<2x16x64xf32, #tpu.memory_space<vmem>>, vector<16xf32>,
        %get3A_1220 = arith.constant 1 : i32
        %get3A_1221 = arith.constant 6 : i32
        %get3A_1222 = arith.index_cast %get3A_1220 : i32 to index
        %get3A_1223 = arith.index_cast %get3A_1221 : i32 to index
        %get3A_1224 = arith.constant 48 : index
        %get3A_1225 = tpu.vector_load %arg11[%get3A_1222, %get3A_1223, %get3A_1224] {strides = array<i32>} : memref<2x16x64xf32, #tpu.memory_space<vmem>>, vector<16xf32>,
        %mul3A_1226 = arith.mulf %get3A_1219, %get3A_1225 : vector<16xf32>
        %mul3A_1227 = arith.mulf %mul3A_1226, %get3A_9 : vector<16xf32>
        %add3A_1228 = arith.addf %add3A_1213, %mul3A_1227 : vector<16xf32>
        %reduce_sum3A_1229 = arith.constant true
        %reduce_sum3A_1230 = vector.broadcast %reduce_sum3A_1229 : i1 to vector<16xi1>
        %reduce_sum3A_1231 = tpu.scan <sum>, %add3A_1228 masked %reduce_sum3A_1230 : vector<16xf32>, vector<16xi1> -> vector<16xf32>
        %reduce_sum3A_1232 = vector.extract %reduce_sum3A_1231[15] : f32 from vector<16xf32>
        %broadcast_in_dim3A_1233 = vector.broadcast %reduce_sum3A_1232 : f32 to vector<16xf32>
        %select_n3A_1234 = arith.select %eq3A_31, %broadcast_in_dim3A_1233, %select_n3A_1169 : vector<16xi1>, vector<16xf32>
        %get3A_1235 = arith.constant 1 : i32
        %get3A_1236 = arith.constant 7 : i32
        %get3A_1237 = arith.index_cast %get3A_1235 : i32 to index
        %get3A_1238 = arith.index_cast %get3A_1236 : i32 to index
        %get3A_1239 = arith.constant 0 : index
        %get3A_1240 = tpu.vector_load %arg10[%get3A_1237, %get3A_1238, %get3A_1239] {strides = array<i32>} : memref<2x16x64xf32, #tpu.memory_space<vmem>>, vector<16xf32>,
        %get3A_1241 = arith.constant 1 : i32
        %get3A_1242 = arith.constant 7 : i32
        %get3A_1243 = arith.index_cast %get3A_1241 : i32 to index
        %get3A_1244 = arith.index_cast %get3A_1242 : i32 to index
        %get3A_1245 = arith.constant 0 : index
        %get3A_1246 = tpu.vector_load %arg11[%get3A_1243, %get3A_1244, %get3A_1245] {strides = array<i32>} : memref<2x16x64xf32, #tpu.memory_space<vmem>>, vector<16xf32>,
        %mul3A_1247 = arith.mulf %get3A_1240, %get3A_1246 : vector<16xf32>
        %mul3A_1248 = arith.mulf %mul3A_1247, %get3A_3 : vector<16xf32>
        %get3A_1249 = arith.constant 1 : i32
        %get3A_1250 = arith.constant 7 : i32
        %get3A_1251 = arith.index_cast %get3A_1249 : i32 to index
        %get3A_1252 = arith.index_cast %get3A_1250 : i32 to index
        %get3A_1253 = arith.constant 16 : index
        %get3A_1254 = tpu.vector_load %arg10[%get3A_1251, %get3A_1252, %get3A_1253] {strides = array<i32>} : memref<2x16x64xf32, #tpu.memory_space<vmem>>, vector<16xf32>,
        %get3A_1255 = arith.constant 1 : i32
        %get3A_1256 = arith.constant 7 : i32
        %get3A_1257 = arith.index_cast %get3A_1255 : i32 to index
        %get3A_1258 = arith.index_cast %get3A_1256 : i32 to index
        %get3A_1259 = arith.constant 16 : index
        %get3A_1260 = tpu.vector_load %arg11[%get3A_1257, %get3A_1258, %get3A_1259] {strides = array<i32>} : memref<2x16x64xf32, #tpu.memory_space<vmem>>, vector<16xf32>,
        %mul3A_1261 = arith.mulf %get3A_1254, %get3A_1260 : vector<16xf32>
        %mul3A_1262 = arith.mulf %mul3A_1261, %get3A_5 : vector<16xf32>
        %add3A_1263 = arith.addf %mul3A_1248, %mul3A_1262 : vector<16xf32>
        %get3A_1264 = arith.constant 1 : i32
        %get3A_1265 = arith.constant 7 : i32
        %get3A_1266 = arith.index_cast %get3A_1264 : i32 to index
        %get3A_1267 = arith.index_cast %get3A_1265 : i32 to index
        %get3A_1268 = arith.constant 32 : index
        %get3A_1269 = tpu.vector_load %arg10[%get3A_1266, %get3A_1267, %get3A_1268] {strides = array<i32>} : memref<2x16x64xf32, #tpu.memory_space<vmem>>, vector<16xf32>,
        %get3A_1270 = arith.constant 1 : i32
        %get3A_1271 = arith.constant 7 : i32
        %get3A_1272 = arith.index_cast %get3A_1270 : i32 to index
        %get3A_1273 = arith.index_cast %get3A_1271 : i32 to index
        %get3A_1274 = arith.constant 32 : index
        %get3A_1275 = tpu.vector_load %arg11[%get3A_1272, %get3A_1273, %get3A_1274] {strides = array<i32>} : memref<2x16x64xf32, #tpu.memory_space<vmem>>, vector<16xf32>,
        %mul3A_1276 = arith.mulf %get3A_1269, %get3A_1275 : vector<16xf32>
        %mul3A_1277 = arith.mulf %mul3A_1276, %get3A_7 : vector<16xf32>
        %add3A_1278 = arith.addf %add3A_1263, %mul3A_1277 : vector<16xf32>
        %get3A_1279 = arith.constant 1 : i32
        %get3A_1280 = arith.constant 7 : i32
        %get3A_1281 = arith.index_cast %get3A_1279 : i32 to index
        %get3A_1282 = arith.index_cast %get3A_1280 : i32 to index
        %get3A_1283 = arith.constant 48 : index
        %get3A_1284 = tpu.vector_load %arg10[%get3A_1281, %get3A_1282, %get3A_1283] {strides = array<i32>} : memref<2x16x64xf32, #tpu.memory_space<vmem>>, vector<16xf32>,
        %get3A_1285 = arith.constant 1 : i32
        %get3A_1286 = arith.constant 7 : i32
        %get3A_1287 = arith.index_cast %get3A_1285 : i32 to index
        %get3A_1288 = arith.index_cast %get3A_1286 : i32 to index
        %get3A_1289 = arith.constant 48 : index
        %get3A_1290 = tpu.vector_load %arg11[%get3A_1287, %get3A_1288, %get3A_1289] {strides = array<i32>} : memref<2x16x64xf32, #tpu.memory_space<vmem>>, vector<16xf32>,
        %mul3A_1291 = arith.mulf %get3A_1284, %get3A_1290 : vector<16xf32>
        %mul3A_1292 = arith.mulf %mul3A_1291, %get3A_9 : vector<16xf32>
        %add3A_1293 = arith.addf %add3A_1278, %mul3A_1292 : vector<16xf32>
        %reduce_sum3A_1294 = arith.constant true
        %reduce_sum3A_1295 = vector.broadcast %reduce_sum3A_1294 : i1 to vector<16xi1>
        %reduce_sum3A_1296 = tpu.scan <sum>, %add3A_1293 masked %reduce_sum3A_1295 : vector<16xf32>, vector<16xi1> -> vector<16xf32>
        %reduce_sum3A_1297 = vector.extract %reduce_sum3A_1296[15] : f32 from vector<16xf32>
        %broadcast_in_dim3A_1298 = vector.broadcast %reduce_sum3A_1297 : f32 to vector<16xf32>
        %select_n3A_1299 = arith.select %eq3A_34, %broadcast_in_dim3A_1298, %select_n3A_1234 : vector<16xi1>, vector<16xf32>
        %get3A_1300 = arith.constant 1 : i32
        %get3A_1301 = arith.constant 8 : i32
        %get3A_1302 = arith.index_cast %get3A_1300 : i32 to index
        %get3A_1303 = arith.index_cast %get3A_1301 : i32 to index
        %get3A_1304 = arith.constant 0 : index
        %get3A_1305 = tpu.vector_load %arg10[%get3A_1302, %get3A_1303, %get3A_1304] {strides = array<i32>} : memref<2x16x64xf32, #tpu.memory_space<vmem>>, vector<16xf32>,
        %get3A_1306 = arith.constant 1 : i32
        %get3A_1307 = arith.constant 8 : i32
        %get3A_1308 = arith.index_cast %get3A_1306 : i32 to index
        %get3A_1309 = arith.index_cast %get3A_1307 : i32 to index
        %get3A_1310 = arith.constant 0 : index
        %get3A_1311 = tpu.vector_load %arg11[%get3A_1308, %get3A_1309, %get3A_1310] {strides = array<i32>} : memref<2x16x64xf32, #tpu.memory_space<vmem>>, vector<16xf32>,
        %mul3A_1312 = arith.mulf %get3A_1305, %get3A_1311 : vector<16xf32>
        %mul3A_1313 = arith.mulf %mul3A_1312, %get3A_3 : vector<16xf32>
        %get3A_1314 = arith.constant 1 : i32
        %get3A_1315 = arith.constant 8 : i32
        %get3A_1316 = arith.index_cast %get3A_1314 : i32 to index
        %get3A_1317 = arith.index_cast %get3A_1315 : i32 to index
        %get3A_1318 = arith.constant 16 : index
        %get3A_1319 = tpu.vector_load %arg10[%get3A_1316, %get3A_1317, %get3A_1318] {strides = array<i32>} : memref<2x16x64xf32, #tpu.memory_space<vmem>>, vector<16xf32>,
        %get3A_1320 = arith.constant 1 : i32
        %get3A_1321 = arith.constant 8 : i32
        %get3A_1322 = arith.index_cast %get3A_1320 : i32 to index
        %get3A_1323 = arith.index_cast %get3A_1321 : i32 to index
        %get3A_1324 = arith.constant 16 : index
        %get3A_1325 = tpu.vector_load %arg11[%get3A_1322, %get3A_1323, %get3A_1324] {strides = array<i32>} : memref<2x16x64xf32, #tpu.memory_space<vmem>>, vector<16xf32>,
        %mul3A_1326 = arith.mulf %get3A_1319, %get3A_1325 : vector<16xf32>
        %mul3A_1327 = arith.mulf %mul3A_1326, %get3A_5 : vector<16xf32>
        %add3A_1328 = arith.addf %mul3A_1313, %mul3A_1327 : vector<16xf32>
        %get3A_1329 = arith.constant 1 : i32
        %get3A_1330 = arith.constant 8 : i32
        %get3A_1331 = arith.index_cast %get3A_1329 : i32 to index
        %get3A_1332 = arith.index_cast %get3A_1330 : i32 to index
        %get3A_1333 = arith.constant 32 : index
        %get3A_1334 = tpu.vector_load %arg10[%get3A_1331, %get3A_1332, %get3A_1333] {strides = array<i32>} : memref<2x16x64xf32, #tpu.memory_space<vmem>>, vector<16xf32>,
        %get3A_1335 = arith.constant 1 : i32
        %get3A_1336 = arith.constant 8 : i32
        %get3A_1337 = arith.index_cast %get3A_1335 : i32 to index
        %get3A_1338 = arith.index_cast %get3A_1336 : i32 to index
        %get3A_1339 = arith.constant 32 : index
        %get3A_1340 = tpu.vector_load %arg11[%get3A_1337, %get3A_1338, %get3A_1339] {strides = array<i32>} : memref<2x16x64xf32, #tpu.memory_space<vmem>>, vector<16xf32>,
        %mul3A_1341 = arith.mulf %get3A_1334, %get3A_1340 : vector<16xf32>
        %mul3A_1342 = arith.mulf %mul3A_1341, %get3A_7 : vector<16xf32>
        %add3A_1343 = arith.addf %add3A_1328, %mul3A_1342 : vector<16xf32>
        %get3A_1344 = arith.constant 1 : i32
        %get3A_1345 = arith.constant 8 : i32
        %get3A_1346 = arith.index_cast %get3A_1344 : i32 to index
        %get3A_1347 = arith.index_cast %get3A_1345 : i32 to index
        %get3A_1348 = arith.constant 48 : index
        %get3A_1349 = tpu.vector_load %arg10[%get3A_1346, %get3A_1347, %get3A_1348] {strides = array<i32>} : memref<2x16x64xf32, #tpu.memory_space<vmem>>, vector<16xf32>,
        %get3A_1350 = arith.constant 1 : i32
        %get3A_1351 = arith.constant 8 : i32
        %get3A_1352 = arith.index_cast %get3A_1350 : i32 to index
        %get3A_1353 = arith.index_cast %get3A_1351 : i32 to index
        %get3A_1354 = arith.constant 48 : index
        %get3A_1355 = tpu.vector_load %arg11[%get3A_1352, %get3A_1353, %get3A_1354] {strides = array<i32>} : memref<2x16x64xf32, #tpu.memory_space<vmem>>, vector<16xf32>,
        %mul3A_1356 = arith.mulf %get3A_1349, %get3A_1355 : vector<16xf32>
        %mul3A_1357 = arith.mulf %mul3A_1356, %get3A_9 : vector<16xf32>
        %add3A_1358 = arith.addf %add3A_1343, %mul3A_1357 : vector<16xf32>
        %reduce_sum3A_1359 = arith.constant true
        %reduce_sum3A_1360 = vector.broadcast %reduce_sum3A_1359 : i1 to vector<16xi1>
        %reduce_sum3A_1361 = tpu.scan <sum>, %add3A_1358 masked %reduce_sum3A_1360 : vector<16xf32>, vector<16xi1> -> vector<16xf32>
        %reduce_sum3A_1362 = vector.extract %reduce_sum3A_1361[15] : f32 from vector<16xf32>
        %broadcast_in_dim3A_1363 = vector.broadcast %reduce_sum3A_1362 : f32 to vector<16xf32>
        %select_n3A_1364 = arith.select %eq3A_37, %broadcast_in_dim3A_1363, %select_n3A_1299 : vector<16xi1>, vector<16xf32>
        %get3A_1365 = arith.constant 1 : i32
        %get3A_1366 = arith.constant 9 : i32
        %get3A_1367 = arith.index_cast %get3A_1365 : i32 to index
        %get3A_1368 = arith.index_cast %get3A_1366 : i32 to index
        %get3A_1369 = arith.constant 0 : index
        %get3A_1370 = tpu.vector_load %arg10[%get3A_1367, %get3A_1368, %get3A_1369] {strides = array<i32>} : memref<2x16x64xf32, #tpu.memory_space<vmem>>, vector<16xf32>,
        %get3A_1371 = arith.constant 1 : i32
        %get3A_1372 = arith.constant 9 : i32
        %get3A_1373 = arith.index_cast %get3A_1371 : i32 to index
        %get3A_1374 = arith.index_cast %get3A_1372 : i32 to index
        %get3A_1375 = arith.constant 0 : index
        %get3A_1376 = tpu.vector_load %arg11[%get3A_1373, %get3A_1374, %get3A_1375] {strides = array<i32>} : memref<2x16x64xf32, #tpu.memory_space<vmem>>, vector<16xf32>,
        %mul3A_1377 = arith.mulf %get3A_1370, %get3A_1376 : vector<16xf32>
        %mul3A_1378 = arith.mulf %mul3A_1377, %get3A_3 : vector<16xf32>
        %get3A_1379 = arith.constant 1 : i32
        %get3A_1380 = arith.constant 9 : i32
        %get3A_1381 = arith.index_cast %get3A_1379 : i32 to index
        %get3A_1382 = arith.index_cast %get3A_1380 : i32 to index
        %get3A_1383 = arith.constant 16 : index
        %get3A_1384 = tpu.vector_load %arg10[%get3A_1381, %get3A_1382, %get3A_1383] {strides = array<i32>} : memref<2x16x64xf32, #tpu.memory_space<vmem>>, vector<16xf32>,
        %get3A_1385 = arith.constant 1 : i32
        %get3A_1386 = arith.constant 9 : i32
        %get3A_1387 = arith.index_cast %get3A_1385 : i32 to index
        %get3A_1388 = arith.index_cast %get3A_1386 : i32 to index
        %get3A_1389 = arith.constant 16 : index
        %get3A_1390 = tpu.vector_load %arg11[%get3A_1387, %get3A_1388, %get3A_1389] {strides = array<i32>} : memref<2x16x64xf32, #tpu.memory_space<vmem>>, vector<16xf32>,
        %mul3A_1391 = arith.mulf %get3A_1384, %get3A_1390 : vector<16xf32>
        %mul3A_1392 = arith.mulf %mul3A_1391, %get3A_5 : vector<16xf32>
        %add3A_1393 = arith.addf %mul3A_1378, %mul3A_1392 : vector<16xf32>
        %get3A_1394 = arith.constant 1 : i32
        %get3A_1395 = arith.constant 9 : i32
        %get3A_1396 = arith.index_cast %get3A_1394 : i32 to index
        %get3A_1397 = arith.index_cast %get3A_1395 : i32 to index
        %get3A_1398 = arith.constant 32 : index
        %get3A_1399 = tpu.vector_load %arg10[%get3A_1396, %get3A_1397, %get3A_1398] {strides = array<i32>} : memref<2x16x64xf32, #tpu.memory_space<vmem>>, vector<16xf32>,
        %get3A_1400 = arith.constant 1 : i32
        %get3A_1401 = arith.constant 9 : i32
        %get3A_1402 = arith.index_cast %get3A_1400 : i32 to index
        %get3A_1403 = arith.index_cast %get3A_1401 : i32 to index
        %get3A_1404 = arith.constant 32 : index
        %get3A_1405 = tpu.vector_load %arg11[%get3A_1402, %get3A_1403, %get3A_1404] {strides = array<i32>} : memref<2x16x64xf32, #tpu.memory_space<vmem>>, vector<16xf32>,
        %mul3A_1406 = arith.mulf %get3A_1399, %get3A_1405 : vector<16xf32>
        %mul3A_1407 = arith.mulf %mul3A_1406, %get3A_7 : vector<16xf32>
        %add3A_1408 = arith.addf %add3A_1393, %mul3A_1407 : vector<16xf32>
        %get3A_1409 = arith.constant 1 : i32
        %get3A_1410 = arith.constant 9 : i32
        %get3A_1411 = arith.index_cast %get3A_1409 : i32 to index
        %get3A_1412 = arith.index_cast %get3A_1410 : i32 to index
        %get3A_1413 = arith.constant 48 : index
        %get3A_1414 = tpu.vector_load %arg10[%get3A_1411, %get3A_1412, %get3A_1413] {strides = array<i32>} : memref<2x16x64xf32, #tpu.memory_space<vmem>>, vector<16xf32>,
        %get3A_1415 = arith.constant 1 : i32
        %get3A_1416 = arith.constant 9 : i32
        %get3A_1417 = arith.index_cast %get3A_1415 : i32 to index
        %get3A_1418 = arith.index_cast %get3A_1416 : i32 to index
        %get3A_1419 = arith.constant 48 : index
        %get3A_1420 = tpu.vector_load %arg11[%get3A_1417, %get3A_1418, %get3A_1419] {strides = array<i32>} : memref<2x16x64xf32, #tpu.memory_space<vmem>>, vector<16xf32>,
        %mul3A_1421 = arith.mulf %get3A_1414, %get3A_1420 : vector<16xf32>
        %mul3A_1422 = arith.mulf %mul3A_1421, %get3A_9 : vector<16xf32>
        %add3A_1423 = arith.addf %add3A_1408, %mul3A_1422 : vector<16xf32>
        %reduce_sum3A_1424 = arith.constant true
        %reduce_sum3A_1425 = vector.broadcast %reduce_sum3A_1424 : i1 to vector<16xi1>
        %reduce_sum3A_1426 = tpu.scan <sum>, %add3A_1423 masked %reduce_sum3A_1425 : vector<16xf32>, vector<16xi1> -> vector<16xf32>
        %reduce_sum3A_1427 = vector.extract %reduce_sum3A_1426[15] : f32 from vector<16xf32>
        %broadcast_in_dim3A_1428 = vector.broadcast %reduce_sum3A_1427 : f32 to vector<16xf32>
        %select_n3A_1429 = arith.select %eq3A_40, %broadcast_in_dim3A_1428, %select_n3A_1364 : vector<16xi1>, vector<16xf32>
        %get3A_1430 = arith.constant 1 : i32
        %get3A_1431 = arith.constant 10 : i32
        %get3A_1432 = arith.index_cast %get3A_1430 : i32 to index
        %get3A_1433 = arith.index_cast %get3A_1431 : i32 to index
        %get3A_1434 = arith.constant 0 : index
        %get3A_1435 = tpu.vector_load %arg10[%get3A_1432, %get3A_1433, %get3A_1434] {strides = array<i32>} : memref<2x16x64xf32, #tpu.memory_space<vmem>>, vector<16xf32>,
        %get3A_1436 = arith.constant 1 : i32
        %get3A_1437 = arith.constant 10 : i32
        %get3A_1438 = arith.index_cast %get3A_1436 : i32 to index
        %get3A_1439 = arith.index_cast %get3A_1437 : i32 to index
        %get3A_1440 = arith.constant 0 : index
        %get3A_1441 = tpu.vector_load %arg11[%get3A_1438, %get3A_1439, %get3A_1440] {strides = array<i32>} : memref<2x16x64xf32, #tpu.memory_space<vmem>>, vector<16xf32>,
        %mul3A_1442 = arith.mulf %get3A_1435, %get3A_1441 : vector<16xf32>
        %mul3A_1443 = arith.mulf %mul3A_1442, %get3A_3 : vector<16xf32>
        %get3A_1444 = arith.constant 1 : i32
        %get3A_1445 = arith.constant 10 : i32
        %get3A_1446 = arith.index_cast %get3A_1444 : i32 to index
        %get3A_1447 = arith.index_cast %get3A_1445 : i32 to index
        %get3A_1448 = arith.constant 16 : index
        %get3A_1449 = tpu.vector_load %arg10[%get3A_1446, %get3A_1447, %get3A_1448] {strides = array<i32>} : memref<2x16x64xf32, #tpu.memory_space<vmem>>, vector<16xf32>,
        %get3A_1450 = arith.constant 1 : i32
        %get3A_1451 = arith.constant 10 : i32
        %get3A_1452 = arith.index_cast %get3A_1450 : i32 to index
        %get3A_1453 = arith.index_cast %get3A_1451 : i32 to index
        %get3A_1454 = arith.constant 16 : index
        %get3A_1455 = tpu.vector_load %arg11[%get3A_1452, %get3A_1453, %get3A_1454] {strides = array<i32>} : memref<2x16x64xf32, #tpu.memory_space<vmem>>, vector<16xf32>,
        %mul3A_1456 = arith.mulf %get3A_1449, %get3A_1455 : vector<16xf32>
        %mul3A_1457 = arith.mulf %mul3A_1456, %get3A_5 : vector<16xf32>
        %add3A_1458 = arith.addf %mul3A_1443, %mul3A_1457 : vector<16xf32>
        %get3A_1459 = arith.constant 1 : i32
        %get3A_1460 = arith.constant 10 : i32
        %get3A_1461 = arith.index_cast %get3A_1459 : i32 to index
        %get3A_1462 = arith.index_cast %get3A_1460 : i32 to index
        %get3A_1463 = arith.constant 32 : index
        %get3A_1464 = tpu.vector_load %arg10[%get3A_1461, %get3A_1462, %get3A_1463] {strides = array<i32>} : memref<2x16x64xf32, #tpu.memory_space<vmem>>, vector<16xf32>,
        %get3A_1465 = arith.constant 1 : i32
        %get3A_1466 = arith.constant 10 : i32
        %get3A_1467 = arith.index_cast %get3A_1465 : i32 to index
        %get3A_1468 = arith.index_cast %get3A_1466 : i32 to index
        %get3A_1469 = arith.constant 32 : index
        %get3A_1470 = tpu.vector_load %arg11[%get3A_1467, %get3A_1468, %get3A_1469] {strides = array<i32>} : memref<2x16x64xf32, #tpu.memory_space<vmem>>, vector<16xf32>,
        %mul3A_1471 = arith.mulf %get3A_1464, %get3A_1470 : vector<16xf32>
        %mul3A_1472 = arith.mulf %mul3A_1471, %get3A_7 : vector<16xf32>
        %add3A_1473 = arith.addf %add3A_1458, %mul3A_1472 : vector<16xf32>
        %get3A_1474 = arith.constant 1 : i32
        %get3A_1475 = arith.constant 10 : i32
        %get3A_1476 = arith.index_cast %get3A_1474 : i32 to index
        %get3A_1477 = arith.index_cast %get3A_1475 : i32 to index
        %get3A_1478 = arith.constant 48 : index
        %get3A_1479 = tpu.vector_load %arg10[%get3A_1476, %get3A_1477, %get3A_1478] {strides = array<i32>} : memref<2x16x64xf32, #tpu.memory_space<vmem>>, vector<16xf32>,
        %get3A_1480 = arith.constant 1 : i32
        %get3A_1481 = arith.constant 10 : i32
        %get3A_1482 = arith.index_cast %get3A_1480 : i32 to index
        %get3A_1483 = arith.index_cast %get3A_1481 : i32 to index
        %get3A_1484 = arith.constant 48 : index
        %get3A_1485 = tpu.vector_load %arg11[%get3A_1482, %get3A_1483, %get3A_1484] {strides = array<i32>} : memref<2x16x64xf32, #tpu.memory_space<vmem>>, vector<16xf32>,
        %mul3A_1486 = arith.mulf %get3A_1479, %get3A_1485 : vector<16xf32>
        %mul3A_1487 = arith.mulf %mul3A_1486, %get3A_9 : vector<16xf32>
        %add3A_1488 = arith.addf %add3A_1473, %mul3A_1487 : vector<16xf32>
        %reduce_sum3A_1489 = arith.constant true
        %reduce_sum3A_1490 = vector.broadcast %reduce_sum3A_1489 : i1 to vector<16xi1>
        %reduce_sum3A_1491 = tpu.scan <sum>, %add3A_1488 masked %reduce_sum3A_1490 : vector<16xf32>, vector<16xi1> -> vector<16xf32>
        %reduce_sum3A_1492 = vector.extract %reduce_sum3A_1491[15] : f32 from vector<16xf32>
        %broadcast_in_dim3A_1493 = vector.broadcast %reduce_sum3A_1492 : f32 to vector<16xf32>
        %select_n3A_1494 = arith.select %eq3A_43, %broadcast_in_dim3A_1493, %select_n3A_1429 : vector<16xi1>, vector<16xf32>
        %get3A_1495 = arith.constant 1 : i32
        %get3A_1496 = arith.constant 11 : i32
        %get3A_1497 = arith.index_cast %get3A_1495 : i32 to index
        %get3A_1498 = arith.index_cast %get3A_1496 : i32 to index
        %get3A_1499 = arith.constant 0 : index
        %get3A_1500 = tpu.vector_load %arg10[%get3A_1497, %get3A_1498, %get3A_1499] {strides = array<i32>} : memref<2x16x64xf32, #tpu.memory_space<vmem>>, vector<16xf32>,
        %get3A_1501 = arith.constant 1 : i32
        %get3A_1502 = arith.constant 11 : i32
        %get3A_1503 = arith.index_cast %get3A_1501 : i32 to index
        %get3A_1504 = arith.index_cast %get3A_1502 : i32 to index
        %get3A_1505 = arith.constant 0 : index
        %get3A_1506 = tpu.vector_load %arg11[%get3A_1503, %get3A_1504, %get3A_1505] {strides = array<i32>} : memref<2x16x64xf32, #tpu.memory_space<vmem>>, vector<16xf32>,
        %mul3A_1507 = arith.mulf %get3A_1500, %get3A_1506 : vector<16xf32>
        %mul3A_1508 = arith.mulf %mul3A_1507, %get3A_3 : vector<16xf32>
        %get3A_1509 = arith.constant 1 : i32
        %get3A_1510 = arith.constant 11 : i32
        %get3A_1511 = arith.index_cast %get3A_1509 : i32 to index
        %get3A_1512 = arith.index_cast %get3A_1510 : i32 to index
        %get3A_1513 = arith.constant 16 : index
        %get3A_1514 = tpu.vector_load %arg10[%get3A_1511, %get3A_1512, %get3A_1513] {strides = array<i32>} : memref<2x16x64xf32, #tpu.memory_space<vmem>>, vector<16xf32>,
        %get3A_1515 = arith.constant 1 : i32
        %get3A_1516 = arith.constant 11 : i32
        %get3A_1517 = arith.index_cast %get3A_1515 : i32 to index
        %get3A_1518 = arith.index_cast %get3A_1516 : i32 to index
        %get3A_1519 = arith.constant 16 : index
        %get3A_1520 = tpu.vector_load %arg11[%get3A_1517, %get3A_1518, %get3A_1519] {strides = array<i32>} : memref<2x16x64xf32, #tpu.memory_space<vmem>>, vector<16xf32>,
        %mul3A_1521 = arith.mulf %get3A_1514, %get3A_1520 : vector<16xf32>
        %mul3A_1522 = arith.mulf %mul3A_1521, %get3A_5 : vector<16xf32>
        %add3A_1523 = arith.addf %mul3A_1508, %mul3A_1522 : vector<16xf32>
        %get3A_1524 = arith.constant 1 : i32
        %get3A_1525 = arith.constant 11 : i32
        %get3A_1526 = arith.index_cast %get3A_1524 : i32 to index
        %get3A_1527 = arith.index_cast %get3A_1525 : i32 to index
        %get3A_1528 = arith.constant 32 : index
        %get3A_1529 = tpu.vector_load %arg10[%get3A_1526, %get3A_1527, %get3A_1528] {strides = array<i32>} : memref<2x16x64xf32, #tpu.memory_space<vmem>>, vector<16xf32>,
        %get3A_1530 = arith.constant 1 : i32
        %get3A_1531 = arith.constant 11 : i32
        %get3A_1532 = arith.index_cast %get3A_1530 : i32 to index
        %get3A_1533 = arith.index_cast %get3A_1531 : i32 to index
        %get3A_1534 = arith.constant 32 : index
        %get3A_1535 = tpu.vector_load %arg11[%get3A_1532, %get3A_1533, %get3A_1534] {strides = array<i32>} : memref<2x16x64xf32, #tpu.memory_space<vmem>>, vector<16xf32>,
        %mul3A_1536 = arith.mulf %get3A_1529, %get3A_1535 : vector<16xf32>
        %mul3A_1537 = arith.mulf %mul3A_1536, %get3A_7 : vector<16xf32>
        %add3A_1538 = arith.addf %add3A_1523, %mul3A_1537 : vector<16xf32>
        %get3A_1539 = arith.constant 1 : i32
        %get3A_1540 = arith.constant 11 : i32
        %get3A_1541 = arith.index_cast %get3A_1539 : i32 to index
        %get3A_1542 = arith.index_cast %get3A_1540 : i32 to index
        %get3A_1543 = arith.constant 48 : index
        %get3A_1544 = tpu.vector_load %arg10[%get3A_1541, %get3A_1542, %get3A_1543] {strides = array<i32>} : memref<2x16x64xf32, #tpu.memory_space<vmem>>, vector<16xf32>,
        %get3A_1545 = arith.constant 1 : i32
        %get3A_1546 = arith.constant 11 : i32
        %get3A_1547 = arith.index_cast %get3A_1545 : i32 to index
        %get3A_1548 = arith.index_cast %get3A_1546 : i32 to index
        %get3A_1549 = arith.constant 48 : index
        %get3A_1550 = tpu.vector_load %arg11[%get3A_1547, %get3A_1548, %get3A_1549] {strides = array<i32>} : memref<2x16x64xf32, #tpu.memory_space<vmem>>, vector<16xf32>,
        %mul3A_1551 = arith.mulf %get3A_1544, %get3A_1550 : vector<16xf32>
        %mul3A_1552 = arith.mulf %mul3A_1551, %get3A_9 : vector<16xf32>
        %add3A_1553 = arith.addf %add3A_1538, %mul3A_1552 : vector<16xf32>
        %reduce_sum3A_1554 = arith.constant true
        %reduce_sum3A_1555 = vector.broadcast %reduce_sum3A_1554 : i1 to vector<16xi1>
        %reduce_sum3A_1556 = tpu.scan <sum>, %add3A_1553 masked %reduce_sum3A_1555 : vector<16xf32>, vector<16xi1> -> vector<16xf32>
        %reduce_sum3A_1557 = vector.extract %reduce_sum3A_1556[15] : f32 from vector<16xf32>
        %broadcast_in_dim3A_1558 = vector.broadcast %reduce_sum3A_1557 : f32 to vector<16xf32>
        %select_n3A_1559 = arith.select %eq3A_46, %broadcast_in_dim3A_1558, %select_n3A_1494 : vector<16xi1>, vector<16xf32>
        %get3A_1560 = arith.constant 1 : i32
        %get3A_1561 = arith.constant 12 : i32
        %get3A_1562 = arith.index_cast %get3A_1560 : i32 to index
        %get3A_1563 = arith.index_cast %get3A_1561 : i32 to index
        %get3A_1564 = arith.constant 0 : index
        %get3A_1565 = tpu.vector_load %arg10[%get3A_1562, %get3A_1563, %get3A_1564] {strides = array<i32>} : memref<2x16x64xf32, #tpu.memory_space<vmem>>, vector<16xf32>,
        %get3A_1566 = arith.constant 1 : i32
        %get3A_1567 = arith.constant 12 : i32
        %get3A_1568 = arith.index_cast %get3A_1566 : i32 to index
        %get3A_1569 = arith.index_cast %get3A_1567 : i32 to index
        %get3A_1570 = arith.constant 0 : index
        %get3A_1571 = tpu.vector_load %arg11[%get3A_1568, %get3A_1569, %get3A_1570] {strides = array<i32>} : memref<2x16x64xf32, #tpu.memory_space<vmem>>, vector<16xf32>,
        %mul3A_1572 = arith.mulf %get3A_1565, %get3A_1571 : vector<16xf32>
        %mul3A_1573 = arith.mulf %mul3A_1572, %get3A_3 : vector<16xf32>
        %get3A_1574 = arith.constant 1 : i32
        %get3A_1575 = arith.constant 12 : i32
        %get3A_1576 = arith.index_cast %get3A_1574 : i32 to index
        %get3A_1577 = arith.index_cast %get3A_1575 : i32 to index
        %get3A_1578 = arith.constant 16 : index
        %get3A_1579 = tpu.vector_load %arg10[%get3A_1576, %get3A_1577, %get3A_1578] {strides = array<i32>} : memref<2x16x64xf32, #tpu.memory_space<vmem>>, vector<16xf32>,
        %get3A_1580 = arith.constant 1 : i32
        %get3A_1581 = arith.constant 12 : i32
        %get3A_1582 = arith.index_cast %get3A_1580 : i32 to index
        %get3A_1583 = arith.index_cast %get3A_1581 : i32 to index
        %get3A_1584 = arith.constant 16 : index
        %get3A_1585 = tpu.vector_load %arg11[%get3A_1582, %get3A_1583, %get3A_1584] {strides = array<i32>} : memref<2x16x64xf32, #tpu.memory_space<vmem>>, vector<16xf32>,
        %mul3A_1586 = arith.mulf %get3A_1579, %get3A_1585 : vector<16xf32>
        %mul3A_1587 = arith.mulf %mul3A_1586, %get3A_5 : vector<16xf32>
        %add3A_1588 = arith.addf %mul3A_1573, %mul3A_1587 : vector<16xf32>
        %get3A_1589 = arith.constant 1 : i32
        %get3A_1590 = arith.constant 12 : i32
        %get3A_1591 = arith.index_cast %get3A_1589 : i32 to index
        %get3A_1592 = arith.index_cast %get3A_1590 : i32 to index
        %get3A_1593 = arith.constant 32 : index
        %get3A_1594 = tpu.vector_load %arg10[%get3A_1591, %get3A_1592, %get3A_1593] {strides = array<i32>} : memref<2x16x64xf32, #tpu.memory_space<vmem>>, vector<16xf32>,
        %get3A_1595 = arith.constant 1 : i32
        %get3A_1596 = arith.constant 12 : i32
        %get3A_1597 = arith.index_cast %get3A_1595 : i32 to index
        %get3A_1598 = arith.index_cast %get3A_1596 : i32 to index
        %get3A_1599 = arith.constant 32 : index
        %get3A_1600 = tpu.vector_load %arg11[%get3A_1597, %get3A_1598, %get3A_1599] {strides = array<i32>} : memref<2x16x64xf32, #tpu.memory_space<vmem>>, vector<16xf32>,
        %mul3A_1601 = arith.mulf %get3A_1594, %get3A_1600 : vector<16xf32>
        %mul3A_1602 = arith.mulf %mul3A_1601, %get3A_7 : vector<16xf32>
        %add3A_1603 = arith.addf %add3A_1588, %mul3A_1602 : vector<16xf32>
        %get3A_1604 = arith.constant 1 : i32
        %get3A_1605 = arith.constant 12 : i32
        %get3A_1606 = arith.index_cast %get3A_1604 : i32 to index
        %get3A_1607 = arith.index_cast %get3A_1605 : i32 to index
        %get3A_1608 = arith.constant 48 : index
        %get3A_1609 = tpu.vector_load %arg10[%get3A_1606, %get3A_1607, %get3A_1608] {strides = array<i32>} : memref<2x16x64xf32, #tpu.memory_space<vmem>>, vector<16xf32>,
        %get3A_1610 = arith.constant 1 : i32
        %get3A_1611 = arith.constant 12 : i32
        %get3A_1612 = arith.index_cast %get3A_1610 : i32 to index
        %get3A_1613 = arith.index_cast %get3A_1611 : i32 to index
        %get3A_1614 = arith.constant 48 : index
        %get3A_1615 = tpu.vector_load %arg11[%get3A_1612, %get3A_1613, %get3A_1614] {strides = array<i32>} : memref<2x16x64xf32, #tpu.memory_space<vmem>>, vector<16xf32>,
        %mul3A_1616 = arith.mulf %get3A_1609, %get3A_1615 : vector<16xf32>
        %mul3A_1617 = arith.mulf %mul3A_1616, %get3A_9 : vector<16xf32>
        %add3A_1618 = arith.addf %add3A_1603, %mul3A_1617 : vector<16xf32>
        %reduce_sum3A_1619 = arith.constant true
        %reduce_sum3A_1620 = vector.broadcast %reduce_sum3A_1619 : i1 to vector<16xi1>
        %reduce_sum3A_1621 = tpu.scan <sum>, %add3A_1618 masked %reduce_sum3A_1620 : vector<16xf32>, vector<16xi1> -> vector<16xf32>
        %reduce_sum3A_1622 = vector.extract %reduce_sum3A_1621[15] : f32 from vector<16xf32>
        %broadcast_in_dim3A_1623 = vector.broadcast %reduce_sum3A_1622 : f32 to vector<16xf32>
        %select_n3A_1624 = arith.select %eq3A_49, %broadcast_in_dim3A_1623, %select_n3A_1559 : vector<16xi1>, vector<16xf32>
        %get3A_1625 = arith.constant 1 : i32
        %get3A_1626 = arith.constant 13 : i32
        %get3A_1627 = arith.index_cast %get3A_1625 : i32 to index
        %get3A_1628 = arith.index_cast %get3A_1626 : i32 to index
        %get3A_1629 = arith.constant 0 : index
        %get3A_1630 = tpu.vector_load %arg10[%get3A_1627, %get3A_1628, %get3A_1629] {strides = array<i32>} : memref<2x16x64xf32, #tpu.memory_space<vmem>>, vector<16xf32>,
        %get3A_1631 = arith.constant 1 : i32
        %get3A_1632 = arith.constant 13 : i32
        %get3A_1633 = arith.index_cast %get3A_1631 : i32 to index
        %get3A_1634 = arith.index_cast %get3A_1632 : i32 to index
        %get3A_1635 = arith.constant 0 : index
        %get3A_1636 = tpu.vector_load %arg11[%get3A_1633, %get3A_1634, %get3A_1635] {strides = array<i32>} : memref<2x16x64xf32, #tpu.memory_space<vmem>>, vector<16xf32>,
        %mul3A_1637 = arith.mulf %get3A_1630, %get3A_1636 : vector<16xf32>
        %mul3A_1638 = arith.mulf %mul3A_1637, %get3A_3 : vector<16xf32>
        %get3A_1639 = arith.constant 1 : i32
        %get3A_1640 = arith.constant 13 : i32
        %get3A_1641 = arith.index_cast %get3A_1639 : i32 to index
        %get3A_1642 = arith.index_cast %get3A_1640 : i32 to index
        %get3A_1643 = arith.constant 16 : index
        %get3A_1644 = tpu.vector_load %arg10[%get3A_1641, %get3A_1642, %get3A_1643] {strides = array<i32>} : memref<2x16x64xf32, #tpu.memory_space<vmem>>, vector<16xf32>,
        %get3A_1645 = arith.constant 1 : i32
        %get3A_1646 = arith.constant 13 : i32
        %get3A_1647 = arith.index_cast %get3A_1645 : i32 to index
        %get3A_1648 = arith.index_cast %get3A_1646 : i32 to index
        %get3A_1649 = arith.constant 16 : index
        %get3A_1650 = tpu.vector_load %arg11[%get3A_1647, %get3A_1648, %get3A_1649] {strides = array<i32>} : memref<2x16x64xf32, #tpu.memory_space<vmem>>, vector<16xf32>,
        %mul3A_1651 = arith.mulf %get3A_1644, %get3A_1650 : vector<16xf32>
        %mul3A_1652 = arith.mulf %mul3A_1651, %get3A_5 : vector<16xf32>
        %add3A_1653 = arith.addf %mul3A_1638, %mul3A_1652 : vector<16xf32>
        %get3A_1654 = arith.constant 1 : i32
        %get3A_1655 = arith.constant 13 : i32
        %get3A_1656 = arith.index_cast %get3A_1654 : i32 to index
        %get3A_1657 = arith.index_cast %get3A_1655 : i32 to index
        %get3A_1658 = arith.constant 32 : index
        %get3A_1659 = tpu.vector_load %arg10[%get3A_1656, %get3A_1657, %get3A_1658] {strides = array<i32>} : memref<2x16x64xf32, #tpu.memory_space<vmem>>, vector<16xf32>,
        %get3A_1660 = arith.constant 1 : i32
        %get3A_1661 = arith.constant 13 : i32
        %get3A_1662 = arith.index_cast %get3A_1660 : i32 to index
        %get3A_1663 = arith.index_cast %get3A_1661 : i32 to index
        %get3A_1664 = arith.constant 32 : index
        %get3A_1665 = tpu.vector_load %arg11[%get3A_1662, %get3A_1663, %get3A_1664] {strides = array<i32>} : memref<2x16x64xf32, #tpu.memory_space<vmem>>, vector<16xf32>,
        %mul3A_1666 = arith.mulf %get3A_1659, %get3A_1665 : vector<16xf32>
        %mul3A_1667 = arith.mulf %mul3A_1666, %get3A_7 : vector<16xf32>
        %add3A_1668 = arith.addf %add3A_1653, %mul3A_1667 : vector<16xf32>
        %get3A_1669 = arith.constant 1 : i32
        %get3A_1670 = arith.constant 13 : i32
        %get3A_1671 = arith.index_cast %get3A_1669 : i32 to index
        %get3A_1672 = arith.index_cast %get3A_1670 : i32 to index
        %get3A_1673 = arith.constant 48 : index
        %get3A_1674 = tpu.vector_load %arg10[%get3A_1671, %get3A_1672, %get3A_1673] {strides = array<i32>} : memref<2x16x64xf32, #tpu.memory_space<vmem>>, vector<16xf32>,
        %get3A_1675 = arith.constant 1 : i32
        %get3A_1676 = arith.constant 13 : i32
        %get3A_1677 = arith.index_cast %get3A_1675 : i32 to index
        %get3A_1678 = arith.index_cast %get3A_1676 : i32 to index
        %get3A_1679 = arith.constant 48 : index
        %get3A_1680 = tpu.vector_load %arg11[%get3A_1677, %get3A_1678, %get3A_1679] {strides = array<i32>} : memref<2x16x64xf32, #tpu.memory_space<vmem>>, vector<16xf32>,
        %mul3A_1681 = arith.mulf %get3A_1674, %get3A_1680 : vector<16xf32>
        %mul3A_1682 = arith.mulf %mul3A_1681, %get3A_9 : vector<16xf32>
        %add3A_1683 = arith.addf %add3A_1668, %mul3A_1682 : vector<16xf32>
        %reduce_sum3A_1684 = arith.constant true
        %reduce_sum3A_1685 = vector.broadcast %reduce_sum3A_1684 : i1 to vector<16xi1>
        %reduce_sum3A_1686 = tpu.scan <sum>, %add3A_1683 masked %reduce_sum3A_1685 : vector<16xf32>, vector<16xi1> -> vector<16xf32>
        %reduce_sum3A_1687 = vector.extract %reduce_sum3A_1686[15] : f32 from vector<16xf32>
        %broadcast_in_dim3A_1688 = vector.broadcast %reduce_sum3A_1687 : f32 to vector<16xf32>
        %select_n3A_1689 = arith.select %eq3A_52, %broadcast_in_dim3A_1688, %select_n3A_1624 : vector<16xi1>, vector<16xf32>
        %get3A_1690 = arith.constant 1 : i32
        %get3A_1691 = arith.constant 14 : i32
        %get3A_1692 = arith.index_cast %get3A_1690 : i32 to index
        %get3A_1693 = arith.index_cast %get3A_1691 : i32 to index
        %get3A_1694 = arith.constant 0 : index
        %get3A_1695 = tpu.vector_load %arg10[%get3A_1692, %get3A_1693, %get3A_1694] {strides = array<i32>} : memref<2x16x64xf32, #tpu.memory_space<vmem>>, vector<16xf32>,
        %get3A_1696 = arith.constant 1 : i32
        %get3A_1697 = arith.constant 14 : i32
        %get3A_1698 = arith.index_cast %get3A_1696 : i32 to index
        %get3A_1699 = arith.index_cast %get3A_1697 : i32 to index
        %get3A_1700 = arith.constant 0 : index
        %get3A_1701 = tpu.vector_load %arg11[%get3A_1698, %get3A_1699, %get3A_1700] {strides = array<i32>} : memref<2x16x64xf32, #tpu.memory_space<vmem>>, vector<16xf32>,
        %mul3A_1702 = arith.mulf %get3A_1695, %get3A_1701 : vector<16xf32>
        %mul3A_1703 = arith.mulf %mul3A_1702, %get3A_3 : vector<16xf32>
        %get3A_1704 = arith.constant 1 : i32
        %get3A_1705 = arith.constant 14 : i32
        %get3A_1706 = arith.index_cast %get3A_1704 : i32 to index
        %get3A_1707 = arith.index_cast %get3A_1705 : i32 to index
        %get3A_1708 = arith.constant 16 : index
        %get3A_1709 = tpu.vector_load %arg10[%get3A_1706, %get3A_1707, %get3A_1708] {strides = array<i32>} : memref<2x16x64xf32, #tpu.memory_space<vmem>>, vector<16xf32>,
        %get3A_1710 = arith.constant 1 : i32
        %get3A_1711 = arith.constant 14 : i32
        %get3A_1712 = arith.index_cast %get3A_1710 : i32 to index
        %get3A_1713 = arith.index_cast %get3A_1711 : i32 to index
        %get3A_1714 = arith.constant 16 : index
        %get3A_1715 = tpu.vector_load %arg11[%get3A_1712, %get3A_1713, %get3A_1714] {strides = array<i32>} : memref<2x16x64xf32, #tpu.memory_space<vmem>>, vector<16xf32>,
        %mul3A_1716 = arith.mulf %get3A_1709, %get3A_1715 : vector<16xf32>
        %mul3A_1717 = arith.mulf %mul3A_1716, %get3A_5 : vector<16xf32>
        %add3A_1718 = arith.addf %mul3A_1703, %mul3A_1717 : vector<16xf32>
        %get3A_1719 = arith.constant 1 : i32
        %get3A_1720 = arith.constant 14 : i32
        %get3A_1721 = arith.index_cast %get3A_1719 : i32 to index
        %get3A_1722 = arith.index_cast %get3A_1720 : i32 to index
        %get3A_1723 = arith.constant 32 : index
        %get3A_1724 = tpu.vector_load %arg10[%get3A_1721, %get3A_1722, %get3A_1723] {strides = array<i32>} : memref<2x16x64xf32, #tpu.memory_space<vmem>>, vector<16xf32>,
        %get3A_1725 = arith.constant 1 : i32
        %get3A_1726 = arith.constant 14 : i32
        %get3A_1727 = arith.index_cast %get3A_1725 : i32 to index
        %get3A_1728 = arith.index_cast %get3A_1726 : i32 to index
        %get3A_1729 = arith.constant 32 : index
        %get3A_1730 = tpu.vector_load %arg11[%get3A_1727, %get3A_1728, %get3A_1729] {strides = array<i32>} : memref<2x16x64xf32, #tpu.memory_space<vmem>>, vector<16xf32>,
        %mul3A_1731 = arith.mulf %get3A_1724, %get3A_1730 : vector<16xf32>
        %mul3A_1732 = arith.mulf %mul3A_1731, %get3A_7 : vector<16xf32>
        %add3A_1733 = arith.addf %add3A_1718, %mul3A_1732 : vector<16xf32>
        %get3A_1734 = arith.constant 1 : i32
        %get3A_1735 = arith.constant 14 : i32
        %get3A_1736 = arith.index_cast %get3A_1734 : i32 to index
        %get3A_1737 = arith.index_cast %get3A_1735 : i32 to index
        %get3A_1738 = arith.constant 48 : index
        %get3A_1739 = tpu.vector_load %arg10[%get3A_1736, %get3A_1737, %get3A_1738] {strides = array<i32>} : memref<2x16x64xf32, #tpu.memory_space<vmem>>, vector<16xf32>,
        %get3A_1740 = arith.constant 1 : i32
        %get3A_1741 = arith.constant 14 : i32
        %get3A_1742 = arith.index_cast %get3A_1740 : i32 to index
        %get3A_1743 = arith.index_cast %get3A_1741 : i32 to index
        %get3A_1744 = arith.constant 48 : index
        %get3A_1745 = tpu.vector_load %arg11[%get3A_1742, %get3A_1743, %get3A_1744] {strides = array<i32>} : memref<2x16x64xf32, #tpu.memory_space<vmem>>, vector<16xf32>,
        %mul3A_1746 = arith.mulf %get3A_1739, %get3A_1745 : vector<16xf32>
        %mul3A_1747 = arith.mulf %mul3A_1746, %get3A_9 : vector<16xf32>
        %add3A_1748 = arith.addf %add3A_1733, %mul3A_1747 : vector<16xf32>
        %reduce_sum3A_1749 = arith.constant true
        %reduce_sum3A_1750 = vector.broadcast %reduce_sum3A_1749 : i1 to vector<16xi1>
        %reduce_sum3A_1751 = tpu.scan <sum>, %add3A_1748 masked %reduce_sum3A_1750 : vector<16xf32>, vector<16xi1> -> vector<16xf32>
        %reduce_sum3A_1752 = vector.extract %reduce_sum3A_1751[15] : f32 from vector<16xf32>
        %broadcast_in_dim3A_1753 = vector.broadcast %reduce_sum3A_1752 : f32 to vector<16xf32>
        %select_n3A_1754 = arith.select %eq3A_55, %broadcast_in_dim3A_1753, %select_n3A_1689 : vector<16xi1>, vector<16xf32>
        %get3A_1755 = arith.constant 1 : i32
        %get3A_1756 = arith.constant 15 : i32
        %get3A_1757 = arith.index_cast %get3A_1755 : i32 to index
        %get3A_1758 = arith.index_cast %get3A_1756 : i32 to index
        %get3A_1759 = arith.constant 0 : index
        %get3A_1760 = tpu.vector_load %arg10[%get3A_1757, %get3A_1758, %get3A_1759] {strides = array<i32>} : memref<2x16x64xf32, #tpu.memory_space<vmem>>, vector<16xf32>,
        %get3A_1761 = arith.constant 1 : i32
        %get3A_1762 = arith.constant 15 : i32
        %get3A_1763 = arith.index_cast %get3A_1761 : i32 to index
        %get3A_1764 = arith.index_cast %get3A_1762 : i32 to index
        %get3A_1765 = arith.constant 0 : index
        %get3A_1766 = tpu.vector_load %arg11[%get3A_1763, %get3A_1764, %get3A_1765] {strides = array<i32>} : memref<2x16x64xf32, #tpu.memory_space<vmem>>, vector<16xf32>,
        %mul3A_1767 = arith.mulf %get3A_1760, %get3A_1766 : vector<16xf32>
        %mul3A_1768 = arith.mulf %mul3A_1767, %get3A_3 : vector<16xf32>
        %get3A_1769 = arith.constant 1 : i32
        %get3A_1770 = arith.constant 15 : i32
        %get3A_1771 = arith.index_cast %get3A_1769 : i32 to index
        %get3A_1772 = arith.index_cast %get3A_1770 : i32 to index
        %get3A_1773 = arith.constant 16 : index
        %get3A_1774 = tpu.vector_load %arg10[%get3A_1771, %get3A_1772, %get3A_1773] {strides = array<i32>} : memref<2x16x64xf32, #tpu.memory_space<vmem>>, vector<16xf32>,
        %get3A_1775 = arith.constant 1 : i32
        %get3A_1776 = arith.constant 15 : i32
        %get3A_1777 = arith.index_cast %get3A_1775 : i32 to index
        %get3A_1778 = arith.index_cast %get3A_1776 : i32 to index
        %get3A_1779 = arith.constant 16 : index
        %get3A_1780 = tpu.vector_load %arg11[%get3A_1777, %get3A_1778, %get3A_1779] {strides = array<i32>} : memref<2x16x64xf32, #tpu.memory_space<vmem>>, vector<16xf32>,
        %mul3A_1781 = arith.mulf %get3A_1774, %get3A_1780 : vector<16xf32>
        %mul3A_1782 = arith.mulf %mul3A_1781, %get3A_5 : vector<16xf32>
        %add3A_1783 = arith.addf %mul3A_1768, %mul3A_1782 : vector<16xf32>
        %get3A_1784 = arith.constant 1 : i32
        %get3A_1785 = arith.constant 15 : i32
        %get3A_1786 = arith.index_cast %get3A_1784 : i32 to index
        %get3A_1787 = arith.index_cast %get3A_1785 : i32 to index
        %get3A_1788 = arith.constant 32 : index
        %get3A_1789 = tpu.vector_load %arg10[%get3A_1786, %get3A_1787, %get3A_1788] {strides = array<i32>} : memref<2x16x64xf32, #tpu.memory_space<vmem>>, vector<16xf32>,
        %get3A_1790 = arith.constant 1 : i32
        %get3A_1791 = arith.constant 15 : i32
        %get3A_1792 = arith.index_cast %get3A_1790 : i32 to index
        %get3A_1793 = arith.index_cast %get3A_1791 : i32 to index
        %get3A_1794 = arith.constant 32 : index
        %get3A_1795 = tpu.vector_load %arg11[%get3A_1792, %get3A_1793, %get3A_1794] {strides = array<i32>} : memref<2x16x64xf32, #tpu.memory_space<vmem>>, vector<16xf32>,
        %mul3A_1796 = arith.mulf %get3A_1789, %get3A_1795 : vector<16xf32>
        %mul3A_1797 = arith.mulf %mul3A_1796, %get3A_7 : vector<16xf32>
        %add3A_1798 = arith.addf %add3A_1783, %mul3A_1797 : vector<16xf32>
        %get3A_1799 = arith.constant 1 : i32
        %get3A_1800 = arith.constant 15 : i32
        %get3A_1801 = arith.index_cast %get3A_1799 : i32 to index
        %get3A_1802 = arith.index_cast %get3A_1800 : i32 to index
        %get3A_1803 = arith.constant 48 : index
        %get3A_1804 = tpu.vector_load %arg10[%get3A_1801, %get3A_1802, %get3A_1803] {strides = array<i32>} : memref<2x16x64xf32, #tpu.memory_space<vmem>>, vector<16xf32>,
        %get3A_1805 = arith.constant 1 : i32
        %get3A_1806 = arith.constant 15 : i32
        %get3A_1807 = arith.index_cast %get3A_1805 : i32 to index
        %get3A_1808 = arith.index_cast %get3A_1806 : i32 to index
        %get3A_1809 = arith.constant 48 : index
        %get3A_1810 = tpu.vector_load %arg11[%get3A_1807, %get3A_1808, %get3A_1809] {strides = array<i32>} : memref<2x16x64xf32, #tpu.memory_space<vmem>>, vector<16xf32>,
        %mul3A_1811 = arith.mulf %get3A_1804, %get3A_1810 : vector<16xf32>
        %mul3A_1812 = arith.mulf %mul3A_1811, %get3A_9 : vector<16xf32>
        %add3A_1813 = arith.addf %add3A_1798, %mul3A_1812 : vector<16xf32>
        %reduce_sum3A_1814 = arith.constant true
        %reduce_sum3A_1815 = vector.broadcast %reduce_sum3A_1814 : i1 to vector<16xi1>
        %reduce_sum3A_1816 = tpu.scan <sum>, %add3A_1813 masked %reduce_sum3A_1815 : vector<16xf32>, vector<16xi1> -> vector<16xf32>
        %reduce_sum3A_1817 = vector.extract %reduce_sum3A_1816[15] : f32 from vector<16xf32>
        %broadcast_in_dim3A_1818 = vector.broadcast %reduce_sum3A_1817 : f32 to vector<16xf32>
        %select_n3A_1819 = arith.select %eq3A_58, %broadcast_in_dim3A_1818, %select_n3A_1754 : vector<16xi1>, vector<16xf32>
        %add3A_1820 = arith.addf %select_n3A_1819, %get3A_11 : vector<16xf32>
        %mul3A_1821 = arith.constant 16 : i32
        %mul3A_1822 = arith.muli %scan3A_736, %mul3A_1821 : i32
        %swap3A = arith.index_cast %mul3A_1822 : i32 to index
        %swap3A_1823 = tpu.vector_load %arg12[%swap3A] {strides = array<i32>} : memref<512xf32, #tpu.memory_space<vmem>>, vector<16xf32>,
        tpu.vector_store %arg12[%swap3A], %add3A_1820 {strides = array<i32>} : memref<512xf32, #tpu.memory_space<vmem>>, vector<16xf32>,
      } else {
      }
    }
    %scan3A_735 = arith.constant 32 : i32
    "tpu.region"() ({
      %run_scoped3A = tpu.sem_alloc : memref<!tpu.dma_semaphore, #tpu.memory_space<semaphore_mem>>
      %dma_start3A_736 = tpu.memref_slice %arg7[%mul3A_2] : memref<16384xf32, #tpu.memory_space<hbm>> -> memref<512xf32, #tpu.memory_space<hbm>>
      %dma_start3A_737 = tpu.memref_slice %arg7[%mul3A_2] : memref<16384xf32, #tpu.memory_space<hbm>> -> memref<512xf32, #tpu.memory_space<hbm>>
      tpu.enqueue_dma source(%arg12 : memref<512xf32, #tpu.memory_space<vmem>>) target(%dma_start3A_737 : memref<512xf32, #tpu.memory_space<hbm>>) target_semaphore(%run_scoped3A : memref<!tpu.dma_semaphore, #tpu.memory_space<semaphore_mem>>)
      %dma_wait3A = tpu.memref_slice %arg7[%mul3A_2] : memref<16384xf32, #tpu.memory_space<hbm>> -> memref<512xf32, #tpu.memory_space<hbm>>
      %dma_wait3A_738 = tpu.memref_slice %arg7[%mul3A_2] : memref<16384xf32, #tpu.memory_space<hbm>> -> memref<512xf32, #tpu.memory_space<hbm>>
      tpu.wait_dma2 semaphore(%run_scoped3A : memref<!tpu.dma_semaphore, #tpu.memory_space<semaphore_mem>>) src(%arg12 : memref<512xf32, #tpu.memory_space<vmem>>) dst(%dma_wait3A_738 : memref<512xf32, #tpu.memory_space<hbm>>)
      tpu.yield
    }) : () -> ()
    return
  }
}

</mosaic_0001>

<sc_bundles>
// kernel: kernel.3.cloned.1.call-start
scs
__scs_entry_jumppad:
0x0: {  	(pc) =	sbr.rel $0x88, $3  }
0x1: {  	(tag) =	ssettag $0x0;
	lr =	simm.s32 $0x1  }
0x2: {  	[smem:$0x3F9B] =	sst lr;
	_ =	strace $0xD0000000  }
0x3: {  	_ = 	snop  }
0x4: {  	_ = 	snop  }
0x5: {  	_ = 	snop  }
0x6: {  	_ = 	snop  }
0x7: {  	_ = 	snop  }
__scs_overlays_trampoline_lowered:
0x8: {  	[smem:$0x3FAA] =	sst s0  }
0x9: {  	[smem:$0x3FAB] =	sst s1  }
0xa: {  	[smem:$0x3FAC] =	sst s2  }
0xb: {  	[smem:$0x3FAD] =	sst s3  }
0xc: {  	[smem:$0x3FAE] =	sst s4  }
0xd: {  	[smem:$0x3FAF] =	sst s5  }
0xe: {  	[smem:$0x3FB0] =	sst s6  }
0xf: {  	[smem:$0x3FB1] =	sst s7  }
0x10: {  	[smem:$0x3FB2] =	sst s8  }
0x11: {  	[smem:$0x3FB3] =	sst s9;
	s0 =	simm.s32 @!p0 $0x0  }
0x12: {  	s1 =	sld [smem:$0x3F99];
	s0 =	simm.s32 @p0 $0x1  }
0x13: {  	[smem:$0x3FB4] =	sst s0;
	s0 =	simm.s32 @!p1 $0x0  }
0x14: {  	s2 =	sld [smem:$0x3F98];
	s0 =	simm.s32 @p1 $0x1  }
0x15: {  	[smem:$0x3FB5] =	sst s0;
	s0 =	simm.s32 @!p2 $0x0  }
0x16: {  	s3 =	sld [smem:$0x3FDB];
	s0 =	simm.s32 @p2 $0x1  }
0x17: {  	s4 =	simm.s32 $0x1BF5;
	[smem:$0x3FB7] =	sst s0  }
0x18: {  	s0 =	sld [smem:$0x3F9A];
	_ =	swait.ge [sflag:s4], $0x0  }
0x19: {  	s7 =	sld [smem:$0x3F9B]  }
0x1a: {  	s8 =	sadd.s32 $0xFFFFE003, lr  }
0x1b: {  	s9 =	sadd.s32 $0xFFFFFEF7, lr;
	s5 =	simm.s32 $0xFFFFFFFF;
	p2 =	slt.u32 s8, $0xFFFFF086  }
0x1c: {  	p1 =	slt.u32 s9, $0xF7A;
	s5 =	simm.s32 @!p2 $0x0  }
0x1d: {  	s5 =	simm.s32 @p1 $0x1;
	p0 =	seq.s32 s7, s2  }
0x1e: {  	s7 =	smul.u32 @!p0 $0xF7A, s2;
	p2 =	seq.s32 @!p0 s5, $0x0  }
0x1f: {  	s9 =	smul.u32 $0xF7A, s1;
	s8 =	simm.s32 @!p0 $0x1BF5;
	p2 =	por !p2, p0  }
0x20: {  	[sflag:s8] =	ssyncset.s32 @!p0 $0xFFFFF086;
	s6 =	sadd.s32 @!p0 s3, s7;
	s7 =	simm.s32 @!p0 $0x108  }
0x21: {  	s3 =	sadd.s32 s3, s9;
	s6 =	sadd.s32 @!p0 $0x88, s6;
	s7 =	simm.s32 @p2 $0x1082  }
0x22: {  	[simem:s7], [sflag:s8] =	dma.local @!p0 [hbm:s6], $0xF7A  }
0x23: {  	s9 =	sor.u32 $0xD0000000, s2;
	s6 =	simm.s32 $0x108;
	_ =	swait.ge @!p0 [sflag:s8], $0x0  }
0x24: {  	s3 =	sadd.s32 $0x88, s3;
	s6 =	simm.s32 @!p1 $0x1082;
	[sflag:s4] =	ssyncset.s32 $0xFFFFF086  }
0x25: {  	[simem:s6], [sflag:s4] =	dma.local [hbm:s3], $0xF7A  }
0x26: {  	[smem:$0x3F9B] =	sst s1;
	(tag) =	ssettag s2;
	_ =	strace s9  }
0x27: {  	s1 =	sld [smem:$0x3FAB]  }
0x28: {  	s2 =	sld [smem:$0x3FAC]  }
0x29: {  	s4 =	sld [smem:$0x3FAE]  }
0x2a: {  	p0 =	seq.s32 s5, $0x0;
	s5 =	sld [smem:$0x3FAF]  }
0x2b: {  	s6 =	sld [smem:$0x3FB0]  }
0x2c: {  	s7 =	sld [smem:$0x3FB1]  }
0x2d: {  	s3 =	simm.s32 $0x108;
	s8 =	sld [smem:$0x3FB2]  }
0x2e: {  	s3 =	simm.s32 @!p0 $0x1082;
	s9 =	sld [smem:$0x3FB3]  }
0x2f: {  	lr =	sadd.s32 s0, s3;
	s0 =	sld [smem:$0x3FAA]  }
0x30: {  	s3 =	sld [smem:$0x3FAD]  }
0x31: {  	[smem:$0x3FB6] =	sst s10  }
0x32: {  	s10 =	sld [smem:$0x3FB4];
	_ =	sdelay $0x3  }
0x33: {  	p0 =	seq.s32 s10, $0x1;
	s10 =	sld [smem:$0x3FB6];
	_ =	sdelay $0x3  }
0x34: {  	[smem:$0x3FB6] =	sst s10  }
0x35: {  	s10 =	sld [smem:$0x3FB5];
	_ =	sdelay $0x3  }
0x36: {  	p1 =	seq.s32 s10, $0x1;
	s10 =	sld [smem:$0x3FB6];
	_ =	sdelay $0x3  }
0x37: {  	[smem:$0x3FB6] =	sst s10  }
0x38: {  	s10 =	sld [smem:$0x3FB7]  }
0x39: {  	_ = 	snop;
	(pc) =	sbr.ind lr, $3  }
0x3a: {  	_ = 	snop  }
0x3b: {  	_ = 	snop  }
0x3c: {  	p2 =	seq.s32 s10, $0x1;
	s10 =	sld [smem:$0x3FB6]  }
0x3d: {  	_ =	shalt  }
0x3e: {  	_ =	shalt  }
0x3f: {  	_ =	shalt  }
0x40: {  	_ =	shalt  }
0x41: {  	_ =	shalt  }
0x42: {  	_ =	shalt  }
0x43: {  	_ =	shalt  }
0x44: {  	_ =	shalt  }
0x45: {  	_ =	shalt  }
0x46: {  	_ =	shalt  }
0x47: {  	_ =	shalt  }
0x48: {  	_ =	shalt  }
0x49: {  	_ =	shalt  }
0x4a: {  	_ =	shalt  }
0x4b: {  	_ =	shalt  }
0x4c: {  	_ =	shalt  }
0x4d: {  	_ =	shalt  }
0x4e: {  	_ =	shalt  }
0x4f: {  	_ =	shalt  }
0x50: {  	_ =	shalt  }
0x51: {  	_ =	shalt  }
0x52: {  	_ =	shalt  }
0x53: {  	_ =	shalt  }
0x54: {  	_ =	shalt  }
0x55: {  	_ =	shalt  }
0x56: {  	_ =	shalt  }
0x57: {  	_ =	shalt  }
0x58: {  	_ =	shalt  }
0x59: {  	_ =	shalt  }
0x5a: {  	_ =	shalt  }
0x5b: {  	_ =	shalt  }
0x5c: {  	_ =	shalt  }
0x5d: {  	_ =	shalt  }
0x5e: {  	_ =	shalt  }
0x5f: {  	_ =	shalt  }
0x60: {  	_ =	shalt  }
0x61: {  	_ =	shalt  }
0x62: {  	_ =	shalt  }
0x63: {  	_ =	shalt  }
0x64: {  	_ =	shalt  }
0x65: {  	_ =	shalt  }
0x66: {  	_ =	shalt  }
0x67: {  	_ =	shalt  }
0x68: {  	_ =	shalt  }
0x69: {  	_ =	shalt  }
0x6a: {  	_ =	shalt  }
0x6b: {  	_ =	shalt  }
0x6c: {  	_ =	shalt  }
0x6d: {  	_ =	shalt  }
0x6e: {  	_ =	shalt  }
0x6f: {  	_ =	shalt  }
0x70: {  	_ =	shalt  }
0x71: {  	_ =	shalt  }
0x72: {  	_ =	shalt  }
0x73: {  	_ =	shalt  }
0x74: {  	_ =	shalt  }
0x75: {  	_ =	shalt  }
0x76: {  	_ =	shalt  }
0x77: {  	_ =	shalt  }
0x78: {  	_ =	shalt  }
0x79: {  	_ =	shalt  }
0x7a: {  	_ =	shalt  }
0x7b: {  	_ =	shalt  }
0x7c: {  	_ =	shalt  }
0x7d: {  	_ =	shalt  }
0x7e: {  	_ =	shalt  }
0x7f: {  	_ =	shalt  }
0x80: {  	_ =	shalt  }
0x81: {  	_ =	shalt  }
0x82: {  	_ =	shalt  }
0x83: {  	_ =	shalt  }
0x84: {  	_ =	shalt  }
0x85: {  	_ =	shalt  }
0x86: {  	_ =	shalt  }
0x87: {  	_ =	shalt  }
.Lfunc_end0:
.L_simem_size_0:
called_computation_lowered:
.L_overlay_start_0:
0x88: {  	s2 =	sld [smem:$0x3FD9]  }
0x89: {  	s3 =	sld [smem:$0x3FFE];
	_ =	sdelay $0x1  }
0x8a: {  	s1 =	srdreg.scid  }
0x8b: {  	s0 =	sand.u32 $0x1, s1  }
0x8c: {  	s17 =	sshll.u32 s0, $0xA;
	s2 =	sadd.s32 s3, s2  }
0x8d: {  	s2 =	sadd.s32 s2, s17  }
0x8e: {  	[smem:$0x3FC2] =	sst s2  }
0x8f: {  	_ = 	snop  }
0x90: {  	s2 =	sld [smem:$0x3FC9]  }
0x91: {  	s18 =	sld [smem:$0x3FC8]  }
0x92: {  	s4 =	sld [smem:$0x3FD0];
	(tm) =	ssettm $0x1  }
0x93: {  	s5 =	sld [smem:$0x3FFB];
	_ =	sdelay $0x3  }
0x94: {  	_ =	strace s5  }
0x95: {  	s5 =	sld [smem:$0x3FFC];
	_ =	sdelay $0x3  }
0x96: {  	_ =	strace s5  }
0x97: {  	s5 =	sld [smem:$0x3FFD];
	_ =	sdelay $0x3  }
0x98: {  	_ =	strace s5  }
0x99: {  	_ =	strace $0x8FFFFFFF  }
0x9a: {  	s19 =	sld [smem:$0x3FDB];
	_ =	sdelay $0x1  }
0x9b: {  	s6 =	simm.s32 $_scs_section_size  }
0x9c: {  	s7 =	simm.s32 $_size__tile_overlayer_lowered;
	s8 =	simm.s32 $_tile_overlayer_lowered  }
0x9d: {  	s22 =	simm.s32 $0x1BFF;
	s21 =	sshll.u32 s8, $0x1;
	s5 =	sadd.s32 s6, s19  }
0x9e: {  	s9 =	simm.s32 $0x0;
	s20 =	sshll.u32 s7, $0x1;
	s7 =	sadd.s32 s21, s5  }
0x9f: {  	[timem:s9], [sflag:s22] =	dma.local [hbm:s7], s20  }
0xa0: {  	_ =	swait.ge [sflag:s22], s20  }
0xa1: {  	s6 =	ssub.s32 $0x0, s20;
	[sflag:s22] =	ssyncset.done $0x0  }
0xa2: {  	[sflag:s22] =	ssyncadd.s32 s6;
	_ =	sdelay $0x1  }
0xa3: {  	s23 =	simm.s32 $0x1B8B  }
0xa4: {  	_ =	swait.ge [sflag:s23], $0x1  }
0xa5: {  	[sflag:s23] =	ssyncset.done $0x0  }
0xa6: {  	s25 =	simm.s32 $0x1B8E;
	s24 =	sld [smem:$0x3FFE];
	[sflag:s23] =	ssyncadd.s32 $0xFFFFFFFF  }
0xa7: {  	s26 =	simm.s32 $execute0_lowered;
	[smem:$0x3FD2] =	sst s25  }
0xa8: {  	s7 =	sshll.u32 s26, $0x1;
	_ =	strace $0x80000046;
	[dreg:$0x1] =	wrdreg $0xFFFFFFFF  }
0xa9: {  	s28 =	simm.s32 $_size_execute0_lowered;
	s5 =	sadd.s32 s5, s7;
	[dreg:$0x0] =	wrdreg $0x0  }
0xaa: {  	s7 =	sshll.u32 s28, $0x1;
	[dreg:$0x2] =	wrdreg s5  }
0xab: {  	[dreg:$0x3] =	wrdreg s7  }
0xac: {  	[dreg:$0x4] =	wrdreg $0xC0  }
0xad: {  	_ =	task [dreg:s9], $0x5FFFF  }
0xae: {  	[dreg:$0x1] =	wrdreg $0xFFFFFFFF  }
0xaf: {  	[dreg:$0x0] =	wrdreg $0x60  }
0xb0: {  	[dreg:$0x2] =	wrdreg s2  }
0xb1: {  	[dreg:$0x3] =	wrdreg s18  }
0xb2: {  	[dreg:$0x4] =	wrdreg s24  }
0xb3: {  	[dreg:$0x5] =	wrdreg s4  }
0xb4: {  	[dreg:$0x6] =	wrdreg $0x9  }
0xb5: {  	_ =	task.clear_ibuf [dreg:s9], $0x7FFFF;
	_ =	strace $0x90000046  }
0xb6: {  	s29 =	simm.s32 $0x9;
	_ =	strace $0x80000048  }
0xb7: {  	_ =	swait.ge [sflag:s29], $0x1  }
0xb8: {  	[sflag:s29] =	ssyncadd.s32 $0xFFFFFFFF  }
0xb9: {  	_ =	strace $0x90000048  }
0xba: {  	_ =	sfence  }
0xbb: {  	s30 =	sld [smem:$0x0];
	_ =	sdelay $0x2  }
0xbc: {  	s31 =	sshll.u32 s1, $0xD;
	s1 =	sshrl.u32 s1, $0x2  }
0xbd: {  	s3 =	sand.u32 $0x4000, s31;
	s1 =	sadd.s32 s1, s30  }
0xbe: {  	s0 =	sor.u32 s3, s0;
	s1 =	sshll.u32 s1, $0x11  }
0xbf: {  	s0 =	sor.u32 s1, s0  }
0xc0: {  	s0 =	sadd.s32 $0x8F2B, s0  }
0xc1: {  	[sflag:s0] =	ssyncadd.remote.s32 $0x1  }
0xc2: {  	_ =	sfence.sel $0xFFFF  }
0xc3: {  	[dreg:$0x0] =	wrdreg $0xFFFFFFFF;
	(pc) =	sbr.abs _section_cstart, $3  }
0xc4: {  	[dreg:$0x1] =	wrdreg $0xFFFFFFFF  }
0xc5: {  	_ =	task.clear_ibuf [dreg:s9], $0x2FFFF;
	_ =	strace $0x9FFFFFFF  }
0xc6: {  	(tm) =	ssettm $0x7FFFFFFF  }
0xc7: {  	_ =	shalt  }
tec
execute0_lowered:
.L_overlay_start_1:
0x0: {  	(tag) =	ssettag $0x1  }
0x1: {  	s0 =	rddreg [dreg:$0x0]  }
0x2: {  	s2 =	rddreg [dreg:$0x1]  }
0x3: {  	s5 =	rddreg [dreg:$0x2]  }
0x4: {  	s6 =	rddreg [dreg:$0x3];
	s1 =	simm.s32 $0x0  }
0x5: {  	s4 =	srdreg.scid;
	s10 =	stileid.u32;
	s18 =	simm.s32 $0x2  }
0x6: {  	s31 =	simm.s32 $0xC00;
	s11 =	simm.s32 $0xF80;
	s12 =	simm.s32 $0x1F80  }
0x7: {  	s13 =	simm.s32 $0x2100;
	s14 =	simm.s32 $0x1180;
	s15 =	simm.s32 $0x2180  }
0x8: {  	s16 =	simm.s32 $0x1200;
	s17 =	simm.s32 $0x2200;
	s19 =	simm.s32 $0x2280  }
0x9: {  	s20 =	simm.s32 $0x1300;
	s21 =	simm.s32 $0x2300;
	s22 =	simm.s32 $0x1380  }
0xa: {  	s23 =	simm.s32 $0x2380;
	s24 =	simm.s32 $0x1;
	[smem:$0x7FF] =	sst s1  }
0xb: {  	s3 =	sadd.s32 $0x600, s5;
	s7 =	sand.u32 $0x1, s4;
	s4 =	sadd.s32 $0xF42A00, s5  }
0xc: {  	s10 =	sshll.u32 s10, $0x7;
	s5 =	sadd.s32 $0x1E84E00, s5;
	_ =	strace $0x80000047  }
0xd: {  	s8 =	ssub.s32 $0x2, s7;
	s7 =	sshll.u32 s7, $0x6;
	[dreg:$0x5] =	wrdreg s5  }
0xe: {  	s5 =	simm.s32 $0x1000;
	s9 =	sshrl.u32 s8, $0x1;
	s7 =	sor.u32 s7, s10  }
0xf: {  	s10 =	simm.s32 $0x1280;
	s26 =	ssub.s32 s8, s9;
	s0 =	sadd.s32 s0, s7  }
.Ltmp0:
0x10: {  	vm0 =	vmmov $0x1;
	vm1 =	vmmov $0x3;
	vm2 =	vmmov $0x7;
	s28 =	sadd.s32 s2, s7;
	s29 =	sadd.s32 s6, s7;
	(pc) =	sbr.rel .LBB2_1-.Ltmp0, $4  }
0x11: {  	vm3 =	vmmov $0xf;
	vm4 =	vmmov $0x1f;
	vm5 =	vmmov $0x3f;
	s2 =	simm.s32 $0x1F00;
	s6 =	simm.s32 $0x2000;
	[dreg:$0x6] =	wrdreg s0  }
0x12: {  	vm6 =	vmmov $0x7f;
	vm7 =	vmmov $0xff;
	vm8 =	vmmov $0x1ff;
	s7 =	simm.s32 $0x1080;
	s8 =	simm.s32 $0x2080;
	[dreg:$0x7] =	wrdreg s28  }
0x13: {  	vm9 =	vmmov $0x3ff;
	vm10 =	vmmov $0x7ff;
	vm11 =	vmmov $0xfff;
	s9 =	simm.s32 $0x1100;
	[dreg:$0x8] =	wrdreg s29;
	s30 =	smax.u32 s26, $0x1  }
0x14: {  	vm12 =	vmmov $0x1fff;
	vm13 =	vmmov $0x3fff;
	vm14 =	vmmov $0x7fff;
	s26 =	simm.s32 $0x3;
	s0 =	simm.s32 $0x0;
	[dreg:$0x9] =	wrdreg s30  }
.LBB2_8:
0x15: {  	s25 =	rddreg [dreg:$0x8];
	s26 =	simm.s32 $0x2400  }
0x16: {  	[hbm4b:s25+s1] =	stream.linear.scatter [tilespmem:s26], [sflag:$0x3], $0x200, $0x38;
	[tilespmem:$0x2680] =	vst v63  }
0x17: {  	s26 =	simm.s32 $0x3  }
0x18: {  	_ =	swait.ge [sflag:s26], $0x200  }
0x19: {  	s0 =	rddreg [dreg:$0xa]  }
0x1a: {  	s30 =	rddreg [dreg:$0x9];
	s0 =	sadd.s32 $0x1, s0  }
0x1b: {  	p0 =	sne.s32 s0, s30  }
.Ltmp1:
0x1c: {  	_ = 	snop;
	(pc) =	sbr.rel @!p0 .LBB2_9-.Ltmp1, $3  }
0x1d: {  	_ =	sdelay $0x1  }
0x1e: {  	[sflag:s26] =	ssyncset.done $0x0  }
0x1f: {  	[sflag:s26] =	ssyncadd.s32 $0xFFFFFE00  }
.LBB2_1:
0x20: {  	[dreg:$0xa] =	wrdreg s0  }
0x21: {  	s25 =	rddreg [dreg:$0x6]  }
0x22: {  	[tilespmem:s1], [sflag:$0x3] =	stream.linear.gather [hbm4b:s25+s1], $0x200, $0x38;
	[tilespmem:$0x2680] =	vst v63  }
0x23: {  	_ =	swait.ge [sflag:s26], $0x200  }
0x24: {  	[sflag:s26] =	ssyncset.done $0x0  }
0x25: {  	s28 =	simm.s32 $0x200;
	s30 =	rddreg [dreg:$0x7];
	[sflag:s26] =	ssyncadd.s32 $0xFFFFFE00  }
0x26: {  	[tilespmem:s28], [sflag:$0x3] =	stream.linear.gather [hbm4b:s30+s1], $0x200, $0x38;
	[tilespmem:$0x2680] =	vst v63  }
0x27: {  	_ =	swait.ge [sflag:s26], $0x200  }
0x28: {  	[sflag:s26] =	ssyncset.done $0x0  }
0x29: {  	s28 =	simm.s32 $0x2600;
	s0 =	rddreg [dreg:$0x5];
	[sflag:s26] =	ssyncadd.s32 $0xFFFFFE00  }
0x2a: {  	[tilespmem:s28], [sflag:$0x3] =	stream.linear.gather [hbm4b:s0+s1], $0x80, $0x38;
	[tilespmem:$0x2680] =	vst v63  }
0x2b: {  	_ =	swait.ge [sflag:s26], $0x80  }
0x2c: {  	[sflag:s26] =	ssyncset.done $0x0  }
0x2d: {  	[sflag:s26] =	ssyncadd.s32 $0xFFFFFF80  }
0x2e: {  	v0 =	vld [tilespmem:$0x0]  }
0x2f: {  	v1 =	vld [tilespmem:$0x200];
	_ =	sdelay $0x3  }
0x30: {  	v6 =	vshll.u32 v0, $0x4  }
0x31: {  	v5 =	vshll.u32 v1, $0x4;
	(v2sf) =	vpush v6, $0x0  }
0x32: {  	(v2sf) =	vpush v5, $0x0;
	_ =	sdelay $0x5  }
0x33: {  	(v2sf) =	vpush v6, $0x1;
	_ =	sdelay $0x1  }
0x34: {  	(v2sf) =	vpush v5, $0x1;
	_ =	sdelay $0x5  }
0x35: {  	s30 =	spop (v2sf);
	(v2sf) =	vpush v6, $0x2  }
0x36: {  	v2 =	vld [tilespmem:$0x2620];
	s25 =	sand.u32 $0x1FFFFFF0, s30;
	s30 =	spop (v2sf);
	(v2sf) =	vpush v5, $0x2  }
0x37: {  	v3 =	vld [tilespmem:$0x2630]  }
0x38: {  	v4 =	vld [tilespmem:$0x2640]  }
0x39: {  	s0 =	simm.s32 $0x400;
	v0 =	vld [tilespmem:$0x2600];
	s25 =	sadd.s32 s3, s25  }
0x3a: {  	v1 =	vld [tilespmem:$0x2610];
	[tilespmem:s0], [sflag:$0x1] =	stream.linear.gather [hbm4b:s25+s1], $0x80, $0x38  }
0x3b: {  	s25 =	sand.u32 $0x1FFFFFF0, s30  }
0x3c: {  	(v2sf) =	vpush v6, $0x3;
	s0 =	simm.s32 $0x1400;
	s30 =	spop (v2sf);
	s25 =	sadd.s32 s4, s25  }
0x3d: {  	[tilespmem:s0], [sflag:$0x1] =	stream.linear.gather [hbm4b:s25+s1], $0x80, $0x38;
	[tilespmem:$0x2680] =	vst v63  }
0x3e: {  	s25 =	sand.u32 $0x1FFFFFF0, s30;
	s30 =	spop (v2sf);
	(v2sf) =	vpush v5, $0x3  }
0x3f: {  	s0 =	simm.s32 $0x480;
	s25 =	sadd.s32 s3, s25  }
0x40: {  	[tilespmem:s0], [sflag:$0x1] =	stream.linear.gather [hbm4b:s25+s1], $0x80, $0x38;
	[tilespmem:$0x2680] =	vst v63  }
0x41: {  	s25 =	sand.u32 $0x1FFFFFF0, s30  }
0x42: {  	s0 =	simm.s32 $0x1480;
	s25 =	sadd.s32 s4, s25  }
0x43: {  	[tilespmem:s0], [sflag:$0x1] =	stream.linear.gather [hbm4b:s25+s1], $0x80, $0x38;
	[tilespmem:$0x2680] =	vst v63  }
0x44: {  	s30 =	spop (v2sf);
	(v2sf) =	vpush v6, $0x4  }
0x45: {  	s25 =	sand.u32 $0x1FFFFFF0, s30;
	s30 =	spop (v2sf);
	(v2sf) =	vpush v5, $0x4;
	_ =	sdelay $0x2  }
0x46: {  	s0 =	simm.s32 $0x500;
	s25 =	sadd.s32 s3, s25  }
0x47: {  	[tilespmem:s0], [sflag:$0x1] =	stream.linear.gather [hbm4b:s25+s1], $0x80, $0x38;
	[tilespmem:$0x2680] =	vst v63  }
0x48: {  	s25 =	sand.u32 $0x1FFFFFF0, s30  }
0x49: {  	s0 =	simm.s32 $0x1500;
	s30 =	spop (v2sf);
	(v2sf) =	vpush v6, $0x5;
	s25 =	sadd.s32 s4, s25  }
0x4a: {  	[tilespmem:s0], [sflag:$0x1] =	stream.linear.gather [hbm4b:s25+s1], $0x80, $0x38;
	[tilespmem:$0x2680] =	vst v63  }
0x4b: {  	s25 =	sand.u32 $0x1FFFFFF0, s30;
	s30 =	spop (v2sf);
	(v2sf) =	vpush v5, $0x5  }
0x4c: {  	s0 =	simm.s32 $0x580;
	s25 =	sadd.s32 s3, s25  }
0x4d: {  	[tilespmem:s0], [sflag:$0x1] =	stream.linear.gather [hbm4b:s25+s1], $0x80, $0x38;
	[tilespmem:$0x2680] =	vst v63  }
0x4e: {  	s25 =	sand.u32 $0x1FFFFFF0, s30  }
0x4f: {  	s0 =	simm.s32 $0x1580;
	s25 =	sadd.s32 s4, s25  }
0x50: {  	[tilespmem:s0], [sflag:$0x1] =	stream.linear.gather [hbm4b:s25+s1], $0x80, $0x38;
	[tilespmem:$0x2680] =	vst v63  }
0x51: {  	s30 =	spop (v2sf);
	(v2sf) =	vpush v6, $0x6  }
0x52: {  	s25 =	sand.u32 $0x1FFFFFF0, s30;
	s30 =	spop (v2sf);
	(v2sf) =	vpush v5, $0x6;
	_ =	sdelay $0x2  }
0x53: {  	s0 =	simm.s32 $0x600;
	s25 =	sadd.s32 s3, s25  }
0x54: {  	[tilespmem:s0], [sflag:$0x1] =	stream.linear.gather [hbm4b:s25+s1], $0x80, $0x38;
	[tilespmem:$0x2680] =	vst v63  }
0x55: {  	s25 =	sand.u32 $0x1FFFFFF0, s30  }
0x56: {  	s0 =	simm.s32 $0x1600;
	s30 =	spop (v2sf);
	(v2sf) =	vpush v6, $0x7;
	s25 =	sadd.s32 s4, s25  }
0x57: {  	[tilespmem:s0], [sflag:$0x1] =	stream.linear.gather [hbm4b:s25+s1], $0x80, $0x38;
	[tilespmem:$0x2680] =	vst v63  }
0x58: {  	s25 =	sand.u32 $0x1FFFFFF0, s30;
	s30 =	spop (v2sf);
	(v2sf) =	vpush v5, $0x7  }
0x59: {  	s0 =	simm.s32 $0x680;
	s25 =	sadd.s32 s3, s25  }
0x5a: {  	[tilespmem:s0], [sflag:$0x1] =	stream.linear.gather [hbm4b:s25+s1], $0x80, $0x38;
	[tilespmem:$0x2680] =	vst v63  }
0x5b: {  	s25 =	sand.u32 $0x1FFFFFF0, s30  }
0x5c: {  	s0 =	simm.s32 $0x1680;
	s25 =	sadd.s32 s4, s25  }
0x5d: {  	[tilespmem:s0], [sflag:$0x1] =	stream.linear.gather [hbm4b:s25+s1], $0x80, $0x38;
	[tilespmem:$0x2680] =	vst v63  }
0x5e: {  	s30 =	spop (v2sf);
	(v2sf) =	vpush v6, $0x8  }
0x5f: {  	s25 =	sand.u32 $0x1FFFFFF0, s30;
	s30 =	spop (v2sf);
	(v2sf) =	vpush v5, $0x8;
	_ =	sdelay $0x2  }
0x60: {  	s0 =	simm.s32 $0x700;
	s25 =	sadd.s32 s3, s25  }
0x61: {  	[tilespmem:s0], [sflag:$0x1] =	stream.linear.gather [hbm4b:s25+s1], $0x80, $0x38;
	[tilespmem:$0x2680] =	vst v63  }
0x62: {  	s25 =	sand.u32 $0x1FFFFFF0, s30  }
0x63: {  	s0 =	simm.s32 $0x1700;
	s30 =	spop (v2sf);
	(v2sf) =	vpush v6, $0x9;
	s25 =	sadd.s32 s4, s25  }
0x64: {  	[tilespmem:s0], [sflag:$0x1] =	stream.linear.gather [hbm4b:s25+s1], $0x80, $0x38;
	[tilespmem:$0x2680] =	vst v63  }
0x65: {  	s25 =	sand.u32 $0x1FFFFFF0, s30;
	s30 =	spop (v2sf);
	(v2sf) =	vpush v5, $0x9  }
0x66: {  	s0 =	simm.s32 $0x780;
	s25 =	sadd.s32 s3, s25  }
0x67: {  	[tilespmem:s0], [sflag:$0x1] =	stream.linear.gather [hbm4b:s25+s1], $0x80, $0x38;
	[tilespmem:$0x2680] =	vst v63  }
0x68: {  	s25 =	sand.u32 $0x1FFFFFF0, s30  }
0x69: {  	s0 =	simm.s32 $0x1780;
	s25 =	sadd.s32 s4, s25  }
0x6a: {  	[tilespmem:s0], [sflag:$0x1] =	stream.linear.gather [hbm4b:s25+s1], $0x80, $0x38;
	[tilespmem:$0x2680] =	vst v63  }
0x6b: {  	s30 =	spop (v2sf);
	(v2sf) =	vpush v6, $0xA  }
0x6c: {  	s25 =	sand.u32 $0x1FFFFFF0, s30;
	s30 =	spop (v2sf);
	(v2sf) =	vpush v5, $0xA;
	_ =	sdelay $0x2  }
0x6d: {  	s0 =	simm.s32 $0x800;
	s25 =	sadd.s32 s3, s25  }
0x6e: {  	[tilespmem:s0], [sflag:$0x1] =	stream.linear.gather [hbm4b:s25+s1], $0x80, $0x38;
	[tilespmem:$0x2680] =	vst v63  }
0x6f: {  	s25 =	sand.u32 $0x1FFFFFF0, s30  }
0x70: {  	s0 =	simm.s32 $0x1800;
	s30 =	spop (v2sf);
	(v2sf) =	vpush v6, $0xB;
	s25 =	sadd.s32 s4, s25  }
0x71: {  	[tilespmem:s0], [sflag:$0x1] =	stream.linear.gather [hbm4b:s25+s1], $0x80, $0x38;
	[tilespmem:$0x2680] =	vst v63  }
0x72: {  	s25 =	sand.u32 $0x1FFFFFF0, s30;
	s30 =	spop (v2sf);
	(v2sf) =	vpush v5, $0xB  }
0x73: {  	s0 =	simm.s32 $0x880;
	s25 =	sadd.s32 s3, s25  }
0x74: {  	[tilespmem:s0], [sflag:$0x1] =	stream.linear.gather [hbm4b:s25+s1], $0x80, $0x38;
	[tilespmem:$0x2680] =	vst v63  }
0x75: {  	s25 =	sand.u32 $0x1FFFFFF0, s30  }
0x76: {  	s0 =	simm.s32 $0x1880;
	s25 =	sadd.s32 s4, s25  }
0x77: {  	[tilespmem:s0], [sflag:$0x1] =	stream.linear.gather [hbm4b:s25+s1], $0x80, $0x38;
	[tilespmem:$0x2680] =	vst v63  }
0x78: {  	s30 =	spop (v2sf);
	(v2sf) =	vpush v6, $0xC  }
0x79: {  	s25 =	sand.u32 $0x1FFFFFF0, s30;
	s30 =	spop (v2sf);
	(v2sf) =	vpush v5, $0xC;
	_ =	sdelay $0x2  }
0x7a: {  	s0 =	simm.s32 $0x900;
	s25 =	sadd.s32 s3, s25  }
0x7b: {  	[tilespmem:s0], [sflag:$0x1] =	stream.linear.gather [hbm4b:s25+s1], $0x80, $0x38;
	[tilespmem:$0x2680] =	vst v63  }
0x7c: {  	(v2sf) =	vpush v6, $0xD;
	s25 =	sand.u32 $0x1FFFFFF0, s30  }
0x7d: {  	s0 =	simm.s32 $0x1900;
	s30 =	spop (v2sf);
	s25 =	sadd.s32 s4, s25  }
0x7e: {  	(v2sf) =	vpush v5, $0xD;
	[tilespmem:s0], [sflag:$0x1] =	stream.linear.gather [hbm4b:s25+s1], $0x80, $0x38;
	[tilespmem:$0x2680] =	vst v63  }
0x7f: {  	s25 =	sand.u32 $0x1FFFFFF0, s30;
	s30 =	spop (v2sf);
	(v2sf) =	vpush v6, $0xE  }
0x80: {  	s0 =	simm.s32 $0x980;
	s25 =	sadd.s32 s3, s25  }
0x81: {  	[tilespmem:s0], [sflag:$0x1] =	stream.linear.gather [hbm4b:s25+s1], $0x80, $0x38;
	[tilespmem:$0x2680] =	vst v63  }
0x82: {  	s25 =	sand.u32 $0x1FFFFFF0, s30  }
0x83: {  	s0 =	simm.s32 $0x1980;
	s25 =	sadd.s32 s4, s25  }
0x84: {  	[tilespmem:s0], [sflag:$0x1] =	stream.linear.gather [hbm4b:s25+s1], $0x80, $0x38;
	[tilespmem:$0x2680] =	vst v63  }
0x85: {  	s30 =	spop (v2sf);
	(v2sf) =	vpush v5, $0xE  }
0x86: {  	s25 =	sand.u32 $0x1FFFFFF0, s30;
	s30 =	spop (v2sf);
	(v2sf) =	vpush v6, $0xF;
	_ =	sdelay $0x1  }
0x87: {  	s0 =	simm.s32 $0xA00;
	s25 =	sadd.s32 s3, s25  }
0x88: {  	[tilespmem:s0], [sflag:$0x1] =	stream.linear.gather [hbm4b:s25+s1], $0x80, $0x38;
	[tilespmem:$0x2680] =	vst v63  }
0x89: {  	s25 =	sand.u32 $0x1FFFFFF0, s30  }
0x8a: {  	s0 =	simm.s32 $0x1A00;
	s30 =	spop (v2sf);
	(v2sf) =	vpush v5, $0xF;
	s25 =	sadd.s32 s4, s25  }
0x8b: {  	[tilespmem:s0], [sflag:$0x1] =	stream.linear.gather [hbm4b:s25+s1], $0x80, $0x38;
	[tilespmem:$0x2680] =	vst v63  }
0x8c: {  	s28 =	simm.s32 $0xA80;
	s25 =	sand.u32 $0x1FFFFFF0, s30;
	s0 =	spop (v2sf)  }
0x8d: {  	s25 =	sadd.s32 s3, s25;
	s30 =	sand.u32 $0x1FFFFFF0, s0;
	s0 =	spop (v2sf)  }
0x8e: {  	[tilespmem:s28], [sflag:$0x1] =	stream.linear.gather [hbm4b:s25+s1], $0x80, $0x38;
	[tilespmem:$0x2680] =	vst v63  }
0x8f: {  	s25 =	sadd.s32 s4, s30;
	s28 =	simm.s32 $0x1A80;
	s30 =	sand.u32 $0x1FFFFFF0, s0  }
0x90: {  	[tilespmem:s28], [sflag:$0x1] =	stream.linear.gather [hbm4b:s25+s1], $0x80, $0x38;
	[tilespmem:$0x2680] =	vst v63  }
0x91: {  	s25 =	sadd.s32 s3, s30;
	s28 =	simm.s32 $0xB00  }
0x92: {  	[tilespmem:s28], [sflag:$0x1] =	stream.linear.gather [hbm4b:s25+s1], $0x80, $0x38;
	[tilespmem:$0x2680] =	vst v63  }
0x93: {  	s0 =	spop (v2sf)  }
0x94: {  	s30 =	sand.u32 $0x1FFFFFF0, s0;
	s0 =	spop (v2sf)  }
0x95: {  	s28 =	simm.s32 $0x1B00;
	s25 =	sadd.s32 s4, s30;
	s30 =	sand.u32 $0x1FFFFFF0, s0  }
0x96: {  	[tilespmem:s28], [sflag:$0x1] =	stream.linear.gather [hbm4b:s25+s1], $0x80, $0x38;
	[tilespmem:$0x2680] =	vst v63  }
0x97: {  	s0 =	simm.s32 $0xB80;
	s25 =	sadd.s32 s3, s30  }
0x98: {  	[tilespmem:s0], [sflag:$0x1] =	stream.linear.gather [hbm4b:s25+s1], $0x80, $0x38;
	[tilespmem:$0x2680] =	vst v63  }
.Ltmp2:
0x99: {  	s26 =	spop (v2sf);
	(pc) =	sbr.rel .LBB2_2-.Ltmp2, $4  }
0x9a: {  	s25 =	sand.u32 $0x1FFFFFF0, s26  }
0x9b: {  	s29 =	simm.s32 $0x0;
	s30 =	simm.s32 $0x1B80;
	s25 =	sadd.s32 s4, s25  }
0x9c: {  	[tilespmem:s30], [sflag:$0x1] =	stream.linear.gather [hbm4b:s25+s1], $0x80, $0x38;
	[tilespmem:$0x2680] =	vst v63  }
0x9d: {  	[tilespmem:$0x1FFF0] =	vst v4;
	s28 =	simm.s32 $0x2400;
	s26 =	simm.s32 $0x10;
	s25 =	simm.s32 $0x210  }
.LBB2_6:
0x9e: {  	_ =	swait.ge [sflag:s18], $0x800  }
0x9f: {  	[sflag:s18] =	ssyncset.done $0x0  }
0xa0: {  	[sflag:s18] =	ssyncadd.s32 $0xFFFFF800  }
0xa1: {  	_ =	swait.ge [sflag:s18], $0x800  }
0xa2: {  	[sflag:s18] =	ssyncset.done $0x0  }
0xa3: {  	[sflag:s18] =	ssyncadd.s32 $0xFFFFF800  }
0xa4: {  	v4 =	vld [tilespmem:$0xC00]  }
0xa5: {  	v5 =	vld [tilespmem:$0x1C00]  }
0xa6: {  	v6 =	vld [tilespmem:$0xC10]  }
0xa7: {  	v7 =	vld [tilespmem:$0x1C10]  }
0xa8: {  	v8 =	vld [tilespmem:$0xC20]  }
0xa9: {  	v9 =	vld [tilespmem:$0x1C20]  }
0xaa: {  	v10 =	vld [tilespmem:$0xC30]  }
0xab: {  	v11 =	vld [tilespmem:$0x1C30]  }
0xac: {  	v12 =	vld [tilespmem:$0xC80]  }
0xad: {  	v13 =	vld [tilespmem:$0x1C80]  }
0xae: {  	v14 =	vld [tilespmem:$0xC90]  }
0xaf: {  	v15 =	vld [tilespmem:$0x1C90]  }
0xb0: {  	v16 =	vld [tilespmem:$0xCA0]  }
0xb1: {  	v17 =	vld [tilespmem:$0x1CA0]  }
0xb2: {  	v18 =	vld [tilespmem:$0xCB0]  }
0xb3: {  	v19 =	vld [tilespmem:$0x1CB0]  }
0xb4: {  	v20 =	vld [tilespmem:$0xD00]  }
0xb5: {  	v21 =	vld [tilespmem:$0x1D00]  }
0xb6: {  	v22 =	vld [tilespmem:$0xD10]  }
0xb7: {  	v23 =	vld [tilespmem:$0x1D10]  }
0xb8: {  	v24 =	vld [tilespmem:$0xD20]  }
0xb9: {  	v25 =	vld [tilespmem:$0x1D20]  }
0xba: {  	v26 =	vld [tilespmem:$0xD30]  }
0xbb: {  	v27 =	vld [tilespmem:$0x1D30]  }
0xbc: {  	v28 =	vld [tilespmem:$0xD80]  }
0xbd: {  	v29 =	vld [tilespmem:$0x1D80]  }
0xbe: {  	v30 =	vld [tilespmem:$0xD90]  }
0xbf: {  	v31 =	vld [tilespmem:$0x1D90]  }
0xc0: {  	v32 =	vld [tilespmem:$0xDA0]  }
0xc1: {  	v33 =	vld [tilespmem:$0x1DA0]  }
0xc2: {  	v34 =	vld [tilespmem:$0xDB0]  }
0xc3: {  	v35 =	vld [tilespmem:$0x1DB0]  }
0xc4: {  	v36 =	vld [tilespmem:$0xE00]  }
0xc5: {  	v37 =	vld [tilespmem:$0x1E00]  }
0xc6: {  	v38 =	vld [tilespmem:$0xE10]  }
0xc7: {  	v39 =	vld [tilespmem:$0x1E10]  }
0xc8: {  	v40 =	vld [tilespmem:$0xE20]  }
0xc9: {  	v41 =	vld [tilespmem:$0x1E20]  }
0xca: {  	v42 =	vld [tilespmem:$0xE30]  }
0xcb: {  	v43 =	vld [tilespmem:$0x1E30]  }
0xcc: {  	v44 =	vld [tilespmem:$0xE80]  }
0xcd: {  	v45 =	vld [tilespmem:$0x1E80]  }
0xce: {  	v46 =	vld [tilespmem:$0xE90]  }
0xcf: {  	v47 =	vld [tilespmem:$0x1E90]  }
0xd0: {  	v48 =	vld [tilespmem:$0xEA0]  }
0xd1: {  	v49 =	vld [tilespmem:$0x1EA0]  }
0xd2: {  	v50 =	vld [tilespmem:$0xEB0]  }
0xd3: {  	v51 =	vld [tilespmem:$0x1EB0]  }
0xd4: {  	v52 =	vld [tilespmem:$0xF00]  }
0xd5: {  	v53 =	vld [tilespmem:$0x1F00]  }
0xd6: {  	v54 =	vld [tilespmem:$0xF10]  }
0xd7: {  	v55 =	vld [tilespmem:$0x1F10]  }
0xd8: {  	v56 =	vld [tilespmem:$0xF20]  }
0xd9: {  	v57 =	vld [tilespmem:$0x1F20]  }
0xda: {  	v58 =	vld [tilespmem:$0xF30]  }
0xdb: {  	v62 =	vld [tilespmem:$0xF90]  }
0xdc: {  	v59 =	vld [tilespmem:$0x1F30]  }
0xdd: {  	v60 =	vld [tilespmem:$0xF80]  }
0xde: {  	v61 =	vld [tilespmem:$0x1F80]  }
0xdf: {  	v63 =	vld [tilespmem:$0x1F90]  }
0xe0: {  	[tilespmem:$0x1FEF0] =	vst v62;
	v62 =	vld [tilespmem:$0xFA0]  }
0xe1: {  	v4 =	vmul.f32 v5, v4;
	v5 =	vmul.f32 v7, v6;
	v6 =	vld [tilespmem:$0x1020]  }
0xe2: {  	v7 =	vmul.f32 v9, v8;
	v9 =	vld [tilespmem:$0x2020]  }
0xe3: {  	v8 =	vmul.f32 v11, v10;
	v10 =	vmul.f32 v13, v12;
	v12 =	vld [tilespmem:$0x1030]  }
0xe4: {  	v11 =	vmul.f32 v15, v14;
	v15 =	vld [tilespmem:$0x2030]  }
0xe5: {  	v14 =	vmul.f32 v19, v18;
	v18 =	vld [tilespmem:$0x1080]  }
0xe6: {  	v13 =	vmul.f32 v17, v16;
	v16 =	vmul.f32 v21, v20;
	v20 =	vld [tilespmem:$0x2080]  }
0xe7: {  	v17 =	vmul.f32 v23, v22;
	v22 =	vld [tilespmem:$0x1090]  }
0xe8: {  	v19 =	vmul.f32 v25, v24;
	v24 =	vld [tilespmem:$0x2090]  }
0xe9: {  	v21 =	vmul.f32 v27, v26;
	v26 =	vld [tilespmem:$0x10A0]  }
0xea: {  	v23 =	vmul.f32 v29, v28;
	v28 =	vld [tilespmem:$0x20A0]  }
0xeb: {  	v25 =	vmul.f32 v31, v30;
	v30 =	vld [tilespmem:$0x10B0]  }
0xec: {  	v27 =	vmul.f32 v33, v32;
	v32 =	vld [tilespmem:$0x20B0]  }
0xed: {  	v29 =	vmul.f32 v35, v34;
	v34 =	vld [tilespmem:$0x1100]  }
0xee: {  	v31 =	vmul.f32 v37, v36;
	v36 =	vld [tilespmem:$0x2100]  }
0xef: {  	v33 =	vmul.f32 v39, v38;
	v38 =	vld [tilespmem:$0x1110]  }
0xf0: {  	v35 =	vmul.f32 v41, v40;
	v40 =	vld [tilespmem:$0x2110]  }
0xf1: {  	v37 =	vmul.f32 v43, v42;
	v42 =	vld [tilespmem:$0x1120]  }
0xf2: {  	v39 =	vmul.f32 v45, v44;
	v44 =	vld [tilespmem:$0x2120]  }
0xf3: {  	v45 =	vld [tilespmem:$0x1130]  }
0xf4: {  	[tilespmem:$0x1FF00] =	vst v62;
	v62 =	vld [tilespmem:$0x1FA0]  }
0xf5: {  	v43 =	vmul.f32 v49, v48;
	v48 =	vld [tilespmem:$0x1180]  }
0xf6: {  	v41 =	vmul.f32 v47, v46;
	v46 =	vmul.f32 v53, v52;
	v49 =	vld [tilespmem:$0x2180]  }
0xf7: {  	v52 =	vld [tilespmem:$0x11A0];
	v4 =	vmul.f32 v4, v0;
	v5 =	vmul.f32 v5, v1  }
0xf8: {  	v53 =	vld [tilespmem:$0x21A0];
	v7 =	vmul.f32 v7, v2;
	v8 =	vmul.f32 v8, v3  }
0xf9: {  	v10 =	vmul.f32 v10, v0;
	v11 =	vmul.f32 v11, v1;
	[tilespmem:$0x1FF10] =	vst v62;
	v62 =	vld [tilespmem:$0xFB0]  }
0xfa: {  	v13 =	vmul.f32 v13, v2;
	v6 =	vmul.f32 v9, v6;
	v9 =	vld [tilespmem:$0x2200]  }
0xfb: {  	v14 =	vmul.f32 v14, v3;
	v12 =	vmul.f32 v15, v12;
	v15 =	vld [tilespmem:$0x1210]  }
0xfc: {  	v16 =	vmul.f32 v16, v0;
	v18 =	vmul.f32 v20, v18;
	v20 =	vld [tilespmem:$0x2210]  }
0xfd: {  	v17 =	vmul.f32 v17, v1;
	v22 =	vmul.f32 v24, v22;
	v24 =	vld [tilespmem:$0x1220]  }
0xfe: {  	v19 =	vmul.f32 v19, v2;
	v21 =	vmul.f32 v21, v3;
	[tilespmem:$0x1FF20] =	vst v62;
	v62 =	vld [tilespmem:$0x1FB0]  }
0xff: {  	v23 =	vmul.f32 v23, v0;
	v4 =	vadd.f32 v5, v4;
	v26 =	vmul.f32 v28, v26;
	v28 =	vld [tilespmem:$0x2220]  }
0x100: {  	v10 =	vadd.f32 v11, v10;
	v11 =	vmul.f32 v31, v0;
	v31 =	vmul.f32 v57, v56;
	v56 =	vld [tilespmem:$0x1FF00]  }
0x101: {  	v27 =	vmul.f32 v27, v2;
	v5 =	vmul.f32 v25, v1;
	v57 =	vld [tilespmem:$0x1FF10]  }
0x102: {  	v4 =	vadd.f32 v7, v4;
	v7 =	vmul.f32 v29, v3;
	v29 =	vmul.f32 v55, v54;
	v55 =	vld [tilespmem:$0x1FEF0]  }
0x103: {  	v25 =	vmul.f32 v51, v50;
	v16 =	vadd.f32 v17, v16;
	v10 =	vadd.f32 v13, v10;
	[tilespmem:$0x1FF30] =	vst v62;
	v62 =	vld [tilespmem:$0x1000]  }
0x104: {  	v17 =	vmul.f32 v37, v3;
	v54 =	vld [tilespmem:$0x11B0];
	v5 =	vadd.f32 v5, v23;
	v4 =	vadd.f32 v8, v4  }
0x105: {  	v8 =	vmul.f32 v33, v1;
	v33 =	vmul.f32 v59, v58;
	v10 =	vadd.f32 v14, v10;
	v58 =	vld [tilespmem:$0x1FF20]  }
0x106: {  	v14 =	vmul.f32 v39, v0;
	v5 =	vadd.f32 v27, v5;
	v39 =	vmul.f32 v57, v56;
	v56 =	vld [tilespmem:$0x1200]  }
0x107: {  	v13 =	vmul.f32 v35, v2;
	v16 =	vadd.f32 v19, v16;
	v19 =	vmul.f32 v41, v1;
	v59 =	vld [tilespmem:$0x1FF30]  }
0x108: {  	v35 =	vmul.f32 v61, v60;
	v23 =	vmul.f32 v43, v2;
	v5 =	vadd.f32 v7, v5;
	[tilespmem:$0x1FF40] =	vst v62;
	v62 =	vld [tilespmem:$0x2000]  }
0x109: {  	v7 =	vmul.f32 v31, v2;
	v14 =	vadd.f32 v19, v14;
	v31 =	vmul.f32 v36, v34;
	v34 =	vld [tilespmem:$0x1280]  }
0x10a: {  	v6 =	vmul.f32 v6, v2;
	v12 =	vmul.f32 v12, v3;
	v36 =	vld [tilespmem:$0x2280]  }
0x10b: {  	v18 =	vmul.f32 v18, v0;
	v14 =	vadd.f32 v23, v14;
	v23 =	vmul.f32 v53, v52;
	v53 =	vld [tilespmem:$0x1310]  }
0x10c: {  	v26 =	vmul.f32 v26, v2;
	v9 =	vmul.f32 v9, v56;
	v56 =	vld [tilespmem:$0x2310]  }
0x10d: {  	v15 =	vmul.f32 v20, v15;
	v41 =	vmul.f32 v59, v58;
	[tilespmem:$0x1FF50] =	vst v62;
	v62 =	vld [tilespmem:$0x1010]  }
0x10e: {  	v8 =	vadd.f32 v8, v11;
	v59 =	vmul.f32 v29, v1;
	v29 =	vmul.f32 v32, v30;
	v30 =	vld [tilespmem:$0x1230]  }
0x10f: {  	v24 =	vmul.f32 v28, v24;
	v37 =	vmul.f32 v63, v55;
	v32 =	vld [tilespmem:$0x2230]  }
0x110: {  	v63 =	vmul.f32 v25, v3;
	v8 =	vadd.f32 v13, v8;
	v13 =	vmul.f32 v33, v3;
	v60 =	vld [tilespmem:$0x1FF40]  }
0x111: {  	v33 =	vmul.f32 v40, v38;
	v58 =	vmul.f32 v46, v0;
	v61 =	vld [tilespmem:$0x1FF50]  }
0x112: {  	v23 =	vmul.f32 v23, v2;
	v9 =	vmul.f32 v9, v0;
	[tilespmem:$0x1FF60] =	vst v62;
	v62 =	vld [tilespmem:$0x2010]  }
0x113: {  	v11 =	vadd.f32 v59, v58;
	v27 =	vmul.f32 v41, v3;
	v58 =	vmul.f32 v49, v48;
	v57 =	vld [tilespmem:$0x1FF60]  }
0x114: {  	v55 =	vld [tilespmem:$0x21B0];
	v52 =	vmul.f32 v32, v30;
	v30 =	vmul.f32 v56, v53  }
0x115: {  	v50 =	vld [tilespmem:$0x1190];
	v49 =	vmul.f32 v31, v0;
	v19 =	vmul.f32 v58, v0  }
0x116: {  	v51 =	vld [tilespmem:$0x2190];
	v16 =	vadd.f32 v21, v16;
	v38 =	vmul.f32 v30, v1;
	v43 =	vmul.f32 v61, v60  }
0x117: {  	v8 =	vadd.f32 v17, v8;
	v59 =	vld [tilespmem:$0x2290];
	v60 =	vmul.f32 v35, v0;
	v61 =	vmul.f32 v37, v1  }
0x118: {  	v7 =	vadd.f32 v7, v11;
	v35 =	vmul.f32 v44, v42;
	v25 =	vmul.f32 v62, v57;
	v57 =	vld [tilespmem:$0x1290]  }
0x119: {  	v47 =	vld [tilespmem:$0x2130];
	v14 =	vadd.f32 v63, v14;
	v44 =	vmul.f32 v55, v54;
	v55 =	vmul.f32 v36, v34  }
0x11a: {  	v7 =	vadd.f32 v13, v7;
	v63 =	vmul.f32 v43, v0;
	v46 =	vmul.f32 v25, v1  }
0x11b: {  	v48 =	vld [tilespmem:$0x1300];
	v17 =	vadd.f32 v61, v60;
	v60 =	vmul.f32 v51, v50;
	v62 =	vmul.f32 v39, v2  }
0x11c: {  	v61 =	vld [tilespmem:$0x12A0];
	v51 =	vmul.f32 v33, v1;
	v54 =	vmul.f32 v35, v2;
	v11 =	vadd.f32 v46, v63  }
0x11d: {  	(xrf2) =	vadd.scan.msk.f32 $0xffff, v4;
	v17 =	vadd.f32 v62, v17;
	v62 =	vld [tilespmem:$0x22A0];
	v57 =	vmul.f32 v59, v57;
	v59 =	vmul.f32 v60, v1  }
0x11e: {  	(xrf2) =	vadd.scan.msk.f32 $0xffff, v10;
	v50 =	vld [tilespmem:$0x2300];
	v28 =	vmul.f32 v44, v3;
	v25 =	vmul.f32 v47, v45;
	v6 =	vadd.f32 v6, v11  }
0x11f: {  	(xrf2) =	vadd.scan.msk.f32 $0xffff, v16;
	v45 =	vld [tilespmem:$0x12B0];
	v63 =	vmul.f32 v22, v1;
	v17 =	vadd.f32 v27, v17;
	v11 =	vadd.f32 v59, v19  }
0x120: {  	(xrf2) =	vadd.scan.msk.f32 $0xffff, v5;
	v35 =	vmul.f32 v24, v2;
	v46 =	vld [tilespmem:$0x22B0];
	v6 =	vadd.f32 v12, v6;
	v12 =	vadd.f32 v51, v49  }
0x121: {  	(xrf2) =	vadd.scan.msk.f32 $0xffff, v8;
	v58 =	vld [tilespmem:$0x1320];
	v47 =	vmul.f32 v29, v3;
	v18 =	vadd.f32 v63, v18;
	v8 =	vadd.f32 v23, v11  }
0x122: {  	(xrf2) =	vadd.scan.msk.f32 $0xffff, v14;
	v25 =	vmul.f32 v25, v3;
	v60 =	vmul.f32 v62, v61;
	v61 =	vld [tilespmem:$0x2320];
	v62 =	vadd.f32 v54, v12  }
0x123: {  	v32 =	vld [tilespmem:$0x2330];
	(xrf2) =	vadd.scan.msk.f32 $0xffff, v7;
	v36 =	vmul.f32 v57, v1;
	v18 =	vadd.f32 v26, v18;
	v7 =	vadd.f32 v28, v8  }
0x124: {  	v27 =	vld [tilespmem:$0x1330];
	v8 =	vmul.f32 v55, v0;
	v5 =	vadd.f32 v25, v62;
	v25 =	vmul.f32 v15, v1  }
0x125: {  	(xrf2) =	vadd.scan.msk.f32 $0xffff, v17;
	v26 =	vmul.f32 v50, v48;
	v63 =	vmul.f32 v46, v45;
	v4 =	vadd.f32 v47, v18  }
0x126: {  	v39 =	vmul.f32 v60, v2;
	(xrf2) =	vadd.scan.msk.f32 $0xffff, v6;
	v6 =	vadd.f32 v36, v8;
	v9 =	vadd.f32 v25, v9  }
0x127: {  	v37 =	vmul.f32 v26, v0;
	v34 =	vmul.f32 v61, v58  }
0x128: {  	(xrf2) =	vadd.scan.msk.f32 $0xffff, v4;
	v8 =	vmul.f32 v52, v3;
	v6 =	vadd.f32 v39, v6;
	v9 =	vadd.f32 v35, v9  }
0x129: {  	v41, _, _ =	vpop (xrf2);
	v40 =	vmul.f32 v32, v27;
	v4 =	vadd.f32 v38, v37;
	v10 =	vmul.f32 v34, v2;
	(xrf2) =	vadd.scan.msk.f32 $0xffff, v5  }
0x12a: {  	v42, _, _ =	vpop (xrf2);
	v43 =	vbroadcast v41, $0xF;
	(xrf2) =	vadd.scan.msk.f32 $0xffff, v7;
	v5 =	vadd.f32 v8, v9;
	v8 =	vmul.f32 v63, v3  }
0x12b: {  	v44, _, _ =	vpop (xrf2);
	v7 =	vmul.f32 v40, v3;
	v4 =	vadd.f32 v10, v4;
	v9 =	vbroadcast v42, $0xF  }
0x12c: {  	(xrf2) =	vadd.scan.msk.f32 $0xffff, v5;
	v5 =	vadd.f32 v8, v6;
	v6, _, _ =	vpop (xrf2);
	v8 =	vbroadcast v44, $0xF  }
0x12d: {  	v49 =	vld [tilespmem:$0x2390];
	v4 =	vadd.f32 v7, v4;
	v9 =	vsel vm0, v43, v9;
	v6 =	vbroadcast v6, $0xF;
	v45, _, _ =	vpop (xrf2)  }
0x12e: {  	v54 =	vld [tilespmem:$0x23A0];
	(xrf2) =	vadd.scan.msk.f32 $0xffff, v5;
	v8 =	vsel vm1, v9, v8;
	v46 =	vbroadcast v45, $0xF;
	v47, _, _ =	vpop (xrf2)  }
0x12f: {  	v7 =	vld [tilespmem:$0x1380];
	(xrf2) =	vadd.scan.msk.f32 $0xffff, v4;
	v48, _, _ =	vpop (xrf2);
	v6 =	vsel vm2, v8, v6;
	v8 =	vbroadcast v47, $0xF  }
0x130: {  	v5 =	vld [tilespmem:$0x2380];
	v50, _, _ =	vpop (xrf2);
	v6 =	vsel vm3, v6, v46;
	v51 =	vbroadcast v48, $0xF  }
0x131: {  	v4 =	vld [tilespmem:$0x1390];
	v53, _, _ =	vpop (xrf2);
	v6 =	vsel vm4, v6, v8;
	v8 =	vbroadcast v50, $0xF  }
0x132: {  	v52 =	vld [tilespmem:$0x13A0];
	v55, _, _ =	vpop (xrf2);
	v6 =	vsel vm5, v6, v51;
	v56 =	vbroadcast v53, $0xF  }
0x133: {  	v57, _, _ =	vpop (xrf2);
	v6 =	vsel vm6, v6, v8;
	v8 =	vbroadcast v55, $0xF  }
0x134: {  	v58, _, _ =	vpop (xrf2);
	v6 =	vsel vm7, v6, v56  }
0x135: {  	v59 =	vbroadcast v57, $0xF;
	v6 =	vsel vm8, v6, v8;
	v8 =	vbroadcast v58, $0xF  }
0x136: {  	v60 =	vld [tilespmem:$0x13B0];
	v5 =	vmul.f32 v5, v7;
	v4 =	vmul.f32 v49, v4;
	v7, _, _ =	vpop (xrf2)  }
0x137: {  	v62 =	vld [tilespmem:$0x23B0];
	v61 =	vmul.f32 v54, v52;
	v6 =	vsel vm9, v6, v59;
	v7 =	vbroadcast v7, $0xF  }
0x138: {  	v5 =	vmul.f32 v5, v0;
	v4 =	vmul.f32 v4, v1;
	v6 =	vsel vm10, v6, v8;
	v63, _, _ =	vpop (xrf2)  }
0x139: {  	v6 =	vsel vm11, v6, v7;
	v7 =	vbroadcast v63, $0xF;
	v8, _, _ =	vpop (xrf2)  }
0x13a: {  	v4 =	vadd.f32 v4, v5;
	v5 =	vbroadcast v8, $0xF;
	v8 =	vmul.f32 v61, v2  }
0x13b: {  	v6 =	vsel vm12, v6, v7  }
0x13c: {  	v7 =	vmul.f32 v62, v60;
	v5 =	vsel vm13, v6, v5;
	v6 =	vadd.f32 v8, v4  }
.LBB2_7:
0x13d: {  	_ = 	snop  }
0x13e: {  	v4 =	vmul.f32 v7, v3;
	_ =	sdelay $0x1  }
0x13f: {  	v4 =	vadd.f32 v4, v6;
	_ =	sdelay $0x1  }
0x140: {  	(xrf2) =	vadd.scan.msk.f32 $0xffff, v4;
	_ =	sdelay $0x9  }
0x141: {  	v4, _, _ =	vpop (xrf2)  }
0x142: {  	v4 =	vsel vm14, v5, v4;
	v5 =	vld [tilespmem:$0x1FFF0]  }
0x143: {  	s29 =	sadd.s32 $0x1, s29  }
0x144: {  	p0 =	sne.s32 s29, $0x20  }
.Ltmp3:
0x145: {  	_ = 	snop;
	(pc) =	sbr.rel @!p0 .LBB2_8-.Ltmp3, $3  }
0x146: {  	_ = 	snop  }
0x147: {  	v4 =	vadd.f32 v4, v5;
	_ =	sdelay $0x1  }
0x148: {  	s25 =	sadd.s32 $0x10, s25;
	s26 =	sadd.s32 $0x10, s26;
	[tilespmem:s28+$0x0] =	vst v4;
	s28 =	sadd.s32 $0x10, s28  }
.LBB2_2:
0x149: {  	s30 =	sand.u32 $0x1, s29  }
0x14a: {  	p0 =	seq.s32 s30, $0x1  }
.Ltmp4:
0x14b: {  	_ = 	snop;
	(pc) =	sbr.rel @!p0 .LBB2_3-.Ltmp4, $1  }
0x14c: {  	_ =	sdelay $0x3  }
0x14d: {  	p0 =	seq.s32 s29, $0x1F  }
.Ltmp5:
0x14e: {  	_ = 	snop;
	(pc) =	sbr.rel @p0 .LBB2_6-.Ltmp5, $1  }
0x14f: {  	_ =	sdelay $0x3  }
0x150: {  	v4 =	vld [tilespmem:s26+$0x0];
	_ =	sdelay $0x1  }
0x151: {  	v5 =	vld [tilespmem:s25+$0x0];
	_ =	sdelay $0x2  }
0x152: {  	v6 =	vshll.u32 v4, $0x4  }
0x153: {  	(v2sf) =	vpush v6, $0x0  }
0x154: {  	v5 =	vshll.u32 v5, $0x4  }
0x155: {  	(v2sf) =	vpush v5, $0x0;
	_ =	sdelay $0x2  }
0x156: {  	(v2sf) =	vpush v6, $0x1;
	_ =	sdelay $0x4  }
0x157: {  	(v2sf) =	vpush v5, $0x1;
	_ =	sdelay $0x4  }
0x158: {  	s30 =	spop (v2sf);
	(v2sf) =	vpush v6, $0x2;
	_ =	sdelay $0x1  }
0x159: {  	s30 =	sand.u32 $0x1FFFFFF0, s30;
	s0 =	spop (v2sf);
	(v2sf) =	vpush v5, $0x2  }
0x15a: {  	s31 =	simm.s32 $0x400;
	s30 =	sadd.s32 s3, s30  }
0x15b: {  	[tilespmem:s31], [sflag:$0x1] =	stream.linear.gather [hbm4b:s30+s1], $0x80, $0x38;
	[tilespmem:$0x2680] =	vst v63  }
0x15c: {  	s30 =	sand.u32 $0x1FFFFFF0, s0;
	s0 =	spop (v2sf);
	(v2sf) =	vpush v6, $0x3;
	_ =	sdelay $0x2  }
0x15d: {  	s31 =	simm.s32 $0x1400;
	s30 =	sadd.s32 s4, s30  }
0x15e: {  	[tilespmem:s31], [sflag:$0x1] =	stream.linear.gather [hbm4b:s30+s1], $0x80, $0x38;
	[tilespmem:$0x2680] =	vst v63  }
0x15f: {  	s30 =	sand.u32 $0x1FFFFFF0, s0;
	s0 =	spop (v2sf);
	(v2sf) =	vpush v5, $0x3;
	_ =	sdelay $0x1  }
0x160: {  	s31 =	simm.s32 $0x480;
	s30 =	sadd.s32 s3, s30  }
0x161: {  	[tilespmem:s31], [sflag:$0x1] =	stream.linear.gather [hbm4b:s30+s1], $0x80, $0x38;
	[tilespmem:$0x2680] =	vst v63  }
0x162: {  	s30 =	sand.u32 $0x1FFFFFF0, s0  }
0x163: {  	s31 =	simm.s32 $0x1480;
	s30 =	sadd.s32 s4, s30;
	s0 =	spop (v2sf);
	(v2sf) =	vpush v6, $0x4  }
0x164: {  	[tilespmem:s31], [sflag:$0x1] =	stream.linear.gather [hbm4b:s30+s1], $0x80, $0x38;
	[tilespmem:$0x2680] =	vst v63  }
0x165: {  	s30 =	sand.u32 $0x1FFFFFF0, s0;
	s0 =	spop (v2sf);
	(v2sf) =	vpush v5, $0x4  }
0x166: {  	s31 =	simm.s32 $0x500;
	s30 =	sadd.s32 s3, s30  }
0x167: {  	[tilespmem:s31], [sflag:$0x1] =	stream.linear.gather [hbm4b:s30+s1], $0x80, $0x38;
	[tilespmem:$0x2680] =	vst v63  }
0x168: {  	s30 =	sand.u32 $0x1FFFFFF0, s0;
	s0 =	spop (v2sf);
	(v2sf) =	vpush v6, $0x5;
	_ =	sdelay $0x2  }
0x169: {  	s31 =	simm.s32 $0x1500;
	s30 =	sadd.s32 s4, s30  }
0x16a: {  	[tilespmem:s31], [sflag:$0x1] =	stream.linear.gather [hbm4b:s30+s1], $0x80, $0x38;
	[tilespmem:$0x2680] =	vst v63  }
0x16b: {  	s30 =	sand.u32 $0x1FFFFFF0, s0;
	s0 =	spop (v2sf);
	(v2sf) =	vpush v5, $0x5;
	_ =	sdelay $0x1  }
0x16c: {  	s31 =	simm.s32 $0x580;
	s30 =	sadd.s32 s3, s30  }
0x16d: {  	[tilespmem:s31], [sflag:$0x1] =	stream.linear.gather [hbm4b:s30+s1], $0x80, $0x38;
	[tilespmem:$0x2680] =	vst v63  }
0x16e: {  	s30 =	sand.u32 $0x1FFFFFF0, s0  }
0x16f: {  	s31 =	simm.s32 $0x1580;
	s30 =	sadd.s32 s4, s30;
	s0 =	spop (v2sf);
	(v2sf) =	vpush v6, $0x6  }
0x170: {  	[tilespmem:s31], [sflag:$0x1] =	stream.linear.gather [hbm4b:s30+s1], $0x80, $0x38;
	[tilespmem:$0x2680] =	vst v63  }
0x171: {  	s30 =	sand.u32 $0x1FFFFFF0, s0;
	s0 =	spop (v2sf);
	(v2sf) =	vpush v5, $0x6  }
0x172: {  	s31 =	simm.s32 $0x600;
	s30 =	sadd.s32 s3, s30  }
0x173: {  	[tilespmem:s31], [sflag:$0x1] =	stream.linear.gather [hbm4b:s30+s1], $0x80, $0x38;
	[tilespmem:$0x2680] =	vst v63  }
0x174: {  	s30 =	sand.u32 $0x1FFFFFF0, s0;
	s0 =	spop (v2sf);
	(v2sf) =	vpush v6, $0x7;
	_ =	sdelay $0x2  }
0x175: {  	s31 =	simm.s32 $0x1600;
	s30 =	sadd.s32 s4, s30  }
0x176: {  	[tilespmem:s31], [sflag:$0x1] =	stream.linear.gather [hbm4b:s30+s1], $0x80, $0x38;
	[tilespmem:$0x2680] =	vst v63  }
0x177: {  	s30 =	sand.u32 $0x1FFFFFF0, s0;
	s0 =	spop (v2sf);
	(v2sf) =	vpush v5, $0x7;
	_ =	sdelay $0x1  }
0x178: {  	s31 =	simm.s32 $0x680;
	s30 =	sadd.s32 s3, s30  }
0x179: {  	[tilespmem:s31], [sflag:$0x1] =	stream.linear.gather [hbm4b:s30+s1], $0x80, $0x38;
	[tilespmem:$0x2680] =	vst v63  }
0x17a: {  	s30 =	sand.u32 $0x1FFFFFF0, s0  }
0x17b: {  	s31 =	simm.s32 $0x1680;
	s30 =	sadd.s32 s4, s30;
	s0 =	spop (v2sf);
	(v2sf) =	vpush v6, $0x8  }
0x17c: {  	[tilespmem:s31], [sflag:$0x1] =	stream.linear.gather [hbm4b:s30+s1], $0x80, $0x38;
	[tilespmem:$0x2680] =	vst v63  }
0x17d: {  	s30 =	sand.u32 $0x1FFFFFF0, s0;
	s0 =	spop (v2sf);
	(v2sf) =	vpush v5, $0x8  }
0x17e: {  	s31 =	simm.s32 $0x700;
	s30 =	sadd.s32 s3, s30  }
0x17f: {  	[tilespmem:s31], [sflag:$0x1] =	stream.linear.gather [hbm4b:s30+s1], $0x80, $0x38;
	[tilespmem:$0x2680] =	vst v63  }
0x180: {  	s30 =	sand.u32 $0x1FFFFFF0, s0;
	s0 =	spop (v2sf);
	(v2sf) =	vpush v6, $0x9;
	_ =	sdelay $0x2  }
0x181: {  	s31 =	simm.s32 $0x1700;
	s30 =	sadd.s32 s4, s30  }
0x182: {  	[tilespmem:s31], [sflag:$0x1] =	stream.linear.gather [hbm4b:s30+s1], $0x80, $0x38;
	[tilespmem:$0x2680] =	vst v63  }
0x183: {  	s30 =	sand.u32 $0x1FFFFFF0, s0;
	s0 =	spop (v2sf);
	(v2sf) =	vpush v5, $0x9;
	_ =	sdelay $0x1  }
0x184: {  	s31 =	simm.s32 $0x780;
	s30 =	sadd.s32 s3, s30  }
0x185: {  	[tilespmem:s31], [sflag:$0x1] =	stream.linear.gather [hbm4b:s30+s1], $0x80, $0x38;
	[tilespmem:$0x2680] =	vst v63  }
0x186: {  	s30 =	sand.u32 $0x1FFFFFF0, s0  }
0x187: {  	s31 =	simm.s32 $0x1780;
	s30 =	sadd.s32 s4, s30;
	s0 =	spop (v2sf);
	(v2sf) =	vpush v6, $0xA  }
0x188: {  	[tilespmem:s31], [sflag:$0x1] =	stream.linear.gather [hbm4b:s30+s1], $0x80, $0x38;
	[tilespmem:$0x2680] =	vst v63  }
0x189: {  	s30 =	sand.u32 $0x1FFFFFF0, s0;
	s0 =	spop (v2sf);
	(v2sf) =	vpush v5, $0xA  }
0x18a: {  	s31 =	simm.s32 $0x800;
	s30 =	sadd.s32 s3, s30  }
0x18b: {  	[tilespmem:s31], [sflag:$0x1] =	stream.linear.gather [hbm4b:s30+s1], $0x80, $0x38;
	[tilespmem:$0x2680] =	vst v63  }
0x18c: {  	s30 =	sand.u32 $0x1FFFFFF0, s0;
	s0 =	spop (v2sf);
	(v2sf) =	vpush v6, $0xB;
	_ =	sdelay $0x2  }
0x18d: {  	s31 =	simm.s32 $0x1800;
	s30 =	sadd.s32 s4, s30  }
0x18e: {  	[tilespmem:s31], [sflag:$0x1] =	stream.linear.gather [hbm4b:s30+s1], $0x80, $0x38;
	[tilespmem:$0x2680] =	vst v63  }
0x18f: {  	s30 =	sand.u32 $0x1FFFFFF0, s0;
	s0 =	spop (v2sf);
	(v2sf) =	vpush v5, $0xB;
	_ =	sdelay $0x1  }
0x190: {  	s31 =	simm.s32 $0x880;
	s30 =	sadd.s32 s3, s30  }
0x191: {  	[tilespmem:s31], [sflag:$0x1] =	stream.linear.gather [hbm4b:s30+s1], $0x80, $0x38;
	[tilespmem:$0x2680] =	vst v63  }
0x192: {  	s30 =	sand.u32 $0x1FFFFFF0, s0  }
0x193: {  	s31 =	simm.s32 $0x1880;
	s30 =	sadd.s32 s4, s30;
	s0 =	spop (v2sf);
	(v2sf) =	vpush v6, $0xC  }
0x194: {  	[tilespmem:s31], [sflag:$0x1] =	stream.linear.gather [hbm4b:s30+s1], $0x80, $0x38;
	[tilespmem:$0x2680] =	vst v63  }
0x195: {  	s30 =	sand.u32 $0x1FFFFFF0, s0;
	s0 =	spop (v2sf);
	(v2sf) =	vpush v5, $0xC  }
0x196: {  	s31 =	simm.s32 $0x900;
	s30 =	sadd.s32 s3, s30  }
0x197: {  	[tilespmem:s31], [sflag:$0x1] =	stream.linear.gather [hbm4b:s30+s1], $0x80, $0x38;
	[tilespmem:$0x2680] =	vst v63  }
0x198: {  	s30 =	sand.u32 $0x1FFFFFF0, s0;
	s0 =	spop (v2sf);
	(v2sf) =	vpush v6, $0xD;
	_ =	sdelay $0x2  }
0x199: {  	s31 =	simm.s32 $0x1900;
	s30 =	sadd.s32 s4, s30  }
0x19a: {  	[tilespmem:s31], [sflag:$0x1] =	stream.linear.gather [hbm4b:s30+s1], $0x80, $0x38;
	[tilespmem:$0x2680] =	vst v63  }
0x19b: {  	s30 =	sand.u32 $0x1FFFFFF0, s0;
	s0 =	spop (v2sf);
	(v2sf) =	vpush v5, $0xD;
	_ =	sdelay $0x1  }
0x19c: {  	s31 =	simm.s32 $0x980;
	s30 =	sadd.s32 s3, s30  }
0x19d: {  	[tilespmem:s31], [sflag:$0x1] =	stream.linear.gather [hbm4b:s30+s1], $0x80, $0x38;
	[tilespmem:$0x2680] =	vst v63  }
0x19e: {  	s30 =	sand.u32 $0x1FFFFFF0, s0  }
0x19f: {  	s31 =	simm.s32 $0x1980;
	s30 =	sadd.s32 s4, s30;
	s0 =	spop (v2sf);
	(v2sf) =	vpush v6, $0xE  }
0x1a0: {  	[tilespmem:s31], [sflag:$0x1] =	stream.linear.gather [hbm4b:s30+s1], $0x80, $0x38;
	[tilespmem:$0x2680] =	vst v63  }
0x1a1: {  	s30 =	sand.u32 $0x1FFFFFF0, s0;
	s0 =	spop (v2sf);
	(v2sf) =	vpush v5, $0xE  }
0x1a2: {  	s31 =	simm.s32 $0xA00;
	s30 =	sadd.s32 s3, s30  }
0x1a3: {  	[tilespmem:s31], [sflag:$0x1] =	stream.linear.gather [hbm4b:s30+s1], $0x80, $0x38;
	[tilespmem:$0x2680] =	vst v63  }
0x1a4: {  	s30 =	sand.u32 $0x1FFFFFF0, s0;
	s0 =	spop (v2sf);
	(v2sf) =	vpush v6, $0xF;
	_ =	sdelay $0x1  }
0x1a5: {  	s31 =	simm.s32 $0x1A00;
	s30 =	sadd.s32 s4, s30  }
0x1a6: {  	[tilespmem:s31], [sflag:$0x1] =	stream.linear.gather [hbm4b:s30+s1], $0x80, $0x38;
	[tilespmem:$0x2680] =	vst v63  }
0x1a7: {  	s30 =	sand.u32 $0x1FFFFFF0, s0  }
0x1a8: {  	s31 =	simm.s32 $0xA80;
	s0 =	spop (v2sf);
	(v2sf) =	vpush v5, $0xF;
	s30 =	sadd.s32 s3, s30  }
0x1a9: {  	[tilespmem:s31], [sflag:$0x1] =	stream.linear.gather [hbm4b:s30+s1], $0x80, $0x38;
	[tilespmem:$0x2680] =	vst v63  }
0x1aa: {  	s30 =	sand.u32 $0x1FFFFFF0, s0  }
0x1ab: {  	s31 =	simm.s32 $0x1A80;
	s30 =	sadd.s32 s4, s30  }
0x1ac: {  	[tilespmem:s31], [sflag:$0x1] =	stream.linear.gather [hbm4b:s30+s1], $0x80, $0x38;
	[tilespmem:$0x2680] =	vst v63  }
0x1ad: {  	s0 =	spop (v2sf)  }
0x1ae: {  	s30 =	sand.u32 $0x1FFFFFF0, s0  }
0x1af: {  	s31 =	simm.s32 $0xB00;
	s0 =	spop (v2sf);
	s30 =	sadd.s32 s3, s30  }
0x1b0: {  	[tilespmem:s31], [sflag:$0x1] =	stream.linear.gather [hbm4b:s30+s1], $0x80, $0x38;
	[tilespmem:$0x2680] =	vst v63  }
0x1b1: {  	s30 =	sand.u32 $0x1FFFFFF0, s0  }
0x1b2: {  	s31 =	simm.s32 $0x1B00;
	s0 =	spop (v2sf);
	s30 =	sadd.s32 s4, s30  }
0x1b3: {  	[tilespmem:s31], [sflag:$0x1] =	stream.linear.gather [hbm4b:s30+s1], $0x80, $0x38;
	[tilespmem:$0x2680] =	vst v63  }
0x1b4: {  	s30 =	sand.u32 $0x1FFFFFF0, s0  }
0x1b5: {  	s31 =	simm.s32 $0xB80;
	s30 =	sadd.s32 s3, s30  }
0x1b6: {  	[tilespmem:s31], [sflag:$0x1] =	stream.linear.gather [hbm4b:s30+s1], $0x80, $0x38;
	[tilespmem:$0x2680] =	vst v63  }
.Ltmp6:
0x1b7: {  	s0 =	spop (v2sf);
	(pc) =	sbr.rel .LBB2_6-.Ltmp6, $4  }
0x1b8: {  	s30 =	sand.u32 $0x1FFFFFF0, s0  }
0x1b9: {  	s31 =	simm.s32 $0x1B80;
	s30 =	sadd.s32 s4, s30  }
0x1ba: {  	[tilespmem:s31], [sflag:$0x1] =	stream.linear.gather [hbm4b:s30+s1], $0x80, $0x38;
	[tilespmem:$0x2680] =	vst v63  }
0x1bb: {  	s31 =	simm.s32 $0xC00  }
.LBB2_3:
0x1bc: {  	v5 =	vld [tilespmem:s26+$0x0];
	_ =	sdelay $0x1  }
0x1bd: {  	v7 =	vld [tilespmem:s25+$0x0];
	_ =	sdelay $0x2  }
0x1be: {  	v6 =	vshll.u32 v5, $0x4  }
0x1bf: {  	(v2sf) =	vpush v6, $0x0  }
0x1c0: {  	v5 =	vshll.u32 v7, $0x4  }
0x1c1: {  	(v2sf) =	vpush v5, $0x0;
	_ =	sdelay $0x4  }
0x1c2: {  	(v2sf) =	vpush v6, $0x1;
	_ =	sdelay $0x3  }
0x1c3: {  	(v2sf) =	vpush v5, $0x1;
	_ =	sdelay $0x3  }
0x1c4: {  	s30 =	spop (v2sf);
	(v2sf) =	vpush v6, $0x2  }
0x1c5: {  	s30 =	sand.u32 $0x1FFFFFF0, s30  }
0x1c6: {  	s0 =	spop (v2sf);
	s30 =	sadd.s32 s3, s30  }
0x1c7: {  	[tilespmem:s31], [sflag:$0x2] =	stream.linear.gather [hbm4b:s30+s1], $0x80, $0x38;
	[tilespmem:$0x2680] =	vst v63  }
0x1c8: {  	(v2sf) =	vpush v5, $0x2;
	s30 =	sand.u32 $0x1FFFFFF0, s0  }
0x1c9: {  	s0 =	simm.s32 $0x1C00;
	s30 =	sadd.s32 s4, s30  }
0x1ca: {  	[tilespmem:s0], [sflag:$0x2] =	stream.linear.gather [hbm4b:s30+s1], $0x80, $0x38;
	[tilespmem:$0x2680] =	vst v63  }
0x1cb: {  	s0 =	spop (v2sf)  }
0x1cc: {  	(v2sf) =	vpush v6, $0x3;
	s30 =	sand.u32 $0x1FFFFFF0, s0  }
0x1cd: {  	s0 =	simm.s32 $0xC80;
	s30 =	sadd.s32 s3, s30  }
0x1ce: {  	[tilespmem:s0], [sflag:$0x2] =	stream.linear.gather [hbm4b:s30+s1], $0x80, $0x38;
	[tilespmem:$0x2680] =	vst v63  }
0x1cf: {  	s0 =	spop (v2sf)  }
0x1d0: {  	(v2sf) =	vpush v5, $0x3;
	s30 =	sand.u32 $0x1FFFFFF0, s0  }
0x1d1: {  	s0 =	simm.s32 $0x1C80;
	s30 =	sadd.s32 s4, s30  }
0x1d2: {  	[tilespmem:s0], [sflag:$0x2] =	stream.linear.gather [hbm4b:s30+s1], $0x80, $0x38;
	[tilespmem:$0x2680] =	vst v63  }
0x1d3: {  	s0 =	spop (v2sf)  }
0x1d4: {  	(v2sf) =	vpush v6, $0x4;
	s30 =	sand.u32 $0x1FFFFFF0, s0  }
0x1d5: {  	s0 =	simm.s32 $0xD00;
	s30 =	sadd.s32 s3, s30  }
0x1d6: {  	[tilespmem:s0], [sflag:$0x2] =	stream.linear.gather [hbm4b:s30+s1], $0x80, $0x38;
	[tilespmem:$0x2680] =	vst v63  }
0x1d7: {  	s0 =	spop (v2sf)  }
0x1d8: {  	(v2sf) =	vpush v5, $0x4;
	s30 =	sand.u32 $0x1FFFFFF0, s0  }
0x1d9: {  	s0 =	simm.s32 $0x1D00;
	s30 =	sadd.s32 s4, s30  }
0x1da: {  	[tilespmem:s0], [sflag:$0x2] =	stream.linear.gather [hbm4b:s30+s1], $0x80, $0x38;
	[tilespmem:$0x2680] =	vst v63  }
0x1db: {  	s0 =	spop (v2sf)  }
0x1dc: {  	(v2sf) =	vpush v6, $0x5;
	s30 =	sand.u32 $0x1FFFFFF0, s0  }
0x1dd: {  	s0 =	simm.s32 $0xD80;
	s30 =	sadd.s32 s3, s30  }
0x1de: {  	[tilespmem:s0], [sflag:$0x2] =	stream.linear.gather [hbm4b:s30+s1], $0x80, $0x38;
	[tilespmem:$0x2680] =	vst v63  }
0x1df: {  	s0 =	spop (v2sf)  }
0x1e0: {  	(v2sf) =	vpush v5, $0x5;
	s30 =	sand.u32 $0x1FFFFFF0, s0  }
0x1e1: {  	s0 =	simm.s32 $0x1D80;
	s30 =	sadd.s32 s4, s30  }
0x1e2: {  	[tilespmem:s0], [sflag:$0x2] =	stream.linear.gather [hbm4b:s30+s1], $0x80, $0x38;
	[tilespmem:$0x2680] =	vst v63  }
0x1e3: {  	s0 =	spop (v2sf)  }
0x1e4: {  	(v2sf) =	vpush v6, $0x6;
	s30 =	sand.u32 $0x1FFFFFF0, s0  }
0x1e5: {  	s0 =	simm.s32 $0xE00;
	s30 =	sadd.s32 s3, s30  }
0x1e6: {  	[tilespmem:s0], [sflag:$0x2] =	stream.linear.gather [hbm4b:s30+s1], $0x80, $0x38;
	[tilespmem:$0x2680] =	vst v63  }
0x1e7: {  	s0 =	spop (v2sf)  }
0x1e8: {  	(v2sf) =	vpush v5, $0x6;
	s30 =	sand.u32 $0x1FFFFFF0, s0  }
0x1e9: {  	s0 =	simm.s32 $0x1E00;
	s30 =	sadd.s32 s4, s30  }
0x1ea: {  	[tilespmem:s0], [sflag:$0x2] =	stream.linear.gather [hbm4b:s30+s1], $0x80, $0x38;
	[tilespmem:$0x2680] =	vst v63  }
0x1eb: {  	s0 =	spop (v2sf)  }
0x1ec: {  	(v2sf) =	vpush v6, $0x7;
	s30 =	sand.u32 $0x1FFFFFF0, s0  }
0x1ed: {  	s0 =	simm.s32 $0xE80;
	s30 =	sadd.s32 s3, s30  }
0x1ee: {  	[tilespmem:s0], [sflag:$0x2] =	stream.linear.gather [hbm4b:s30+s1], $0x80, $0x38;
	[tilespmem:$0x2680] =	vst v63  }
0x1ef: {  	s0 =	spop (v2sf)  }
0x1f0: {  	(v2sf) =	vpush v5, $0x7;
	s30 =	sand.u32 $0x1FFFFFF0, s0  }
0x1f1: {  	s0 =	simm.s32 $0x1E80;
	s30 =	sadd.s32 s4, s30  }
0x1f2: {  	[tilespmem:s0], [sflag:$0x2] =	stream.linear.gather [hbm4b:s30+s1], $0x80, $0x38;
	[tilespmem:$0x2680] =	vst v63  }
0x1f3: {  	s0 =	spop (v2sf)  }
0x1f4: {  	(v2sf) =	vpush v6, $0x8;
	s30 =	sand.u32 $0x1FFFFFF0, s0  }
0x1f5: {  	s0 =	simm.s32 $0xF00;
	s30 =	sadd.s32 s3, s30  }
0x1f6: {  	[tilespmem:s0], [sflag:$0x2] =	stream.linear.gather [hbm4b:s30+s1], $0x80, $0x38;
	[tilespmem:$0x2680] =	vst v63  }
0x1f7: {  	s0 =	spop (v2sf)  }
0x1f8: {  	(v2sf) =	vpush v5, $0x8;
	s30 =	sand.u32 $0x1FFFFFF0, s0  }
0x1f9: {  	s30 =	sadd.s32 s4, s30  }
0x1fa: {  	[tilespmem:s2], [sflag:$0x2] =	stream.linear.gather [hbm4b:s30+s1], $0x80, $0x38;
	[tilespmem:$0x2680] =	vst v63  }
0x1fb: {  	s0 =	spop (v2sf)  }
0x1fc: {  	(v2sf) =	vpush v6, $0x9;
	s30 =	sand.u32 $0x1FFFFFF0, s0  }
0x1fd: {  	s30 =	sadd.s32 s3, s30  }
0x1fe: {  	[tilespmem:s11], [sflag:$0x2] =	stream.linear.gather [hbm4b:s30+s1], $0x80, $0x38;
	[tilespmem:$0x2680] =	vst v63  }
0x1ff: {  	s0 =	spop (v2sf)  }
0x200: {  	(v2sf) =	vpush v5, $0x9;
	s30 =	sand.u32 $0x1FFFFFF0, s0  }
0x201: {  	s30 =	sadd.s32 s4, s30  }
0x202: {  	[tilespmem:s12], [sflag:$0x2] =	stream.linear.gather [hbm4b:s30+s1], $0x80, $0x38;
	[tilespmem:$0x2680] =	vst v63  }
0x203: {  	s0 =	spop (v2sf)  }
0x204: {  	(v2sf) =	vpush v6, $0xA;
	s30 =	sand.u32 $0x1FFFFFF0, s0  }
0x205: {  	s30 =	sadd.s32 s3, s30  }
0x206: {  	[tilespmem:s5], [sflag:$0x2] =	stream.linear.gather [hbm4b:s30+s1], $0x80, $0x38;
	[tilespmem:$0x2680] =	vst v63  }
0x207: {  	s0 =	spop (v2sf)  }
0x208: {  	(v2sf) =	vpush v5, $0xA;
	s30 =	sand.u32 $0x1FFFFFF0, s0  }
0x209: {  	s30 =	sadd.s32 s4, s30  }
0x20a: {  	[tilespmem:s6], [sflag:$0x2] =	stream.linear.gather [hbm4b:s30+s1], $0x80, $0x38;
	[tilespmem:$0x2680] =	vst v63  }
0x20b: {  	s0 =	spop (v2sf)  }
0x20c: {  	(v2sf) =	vpush v6, $0xB;
	s30 =	sand.u32 $0x1FFFFFF0, s0  }
0x20d: {  	s30 =	sadd.s32 s3, s30  }
0x20e: {  	[tilespmem:s7], [sflag:$0x2] =	stream.linear.gather [hbm4b:s30+s1], $0x80, $0x38;
	[tilespmem:$0x2680] =	vst v63  }
0x20f: {  	s0 =	spop (v2sf)  }
0x210: {  	(v2sf) =	vpush v5, $0xB;
	s30 =	sand.u32 $0x1FFFFFF0, s0  }
0x211: {  	s30 =	sadd.s32 s4, s30  }
0x212: {  	[tilespmem:s8], [sflag:$0x2] =	stream.linear.gather [hbm4b:s30+s1], $0x80, $0x38;
	[tilespmem:$0x2680] =	vst v63  }
0x213: {  	s0 =	spop (v2sf)  }
0x214: {  	(v2sf) =	vpush v6, $0xC;
	s30 =	sand.u32 $0x1FFFFFF0, s0  }
0x215: {  	s30 =	sadd.s32 s3, s30  }
0x216: {  	[tilespmem:s9], [sflag:$0x2] =	stream.linear.gather [hbm4b:s30+s1], $0x80, $0x38;
	[tilespmem:$0x2680] =	vst v63  }
0x217: {  	s0 =	spop (v2sf)  }
0x218: {  	(v2sf) =	vpush v5, $0xC;
	s30 =	sand.u32 $0x1FFFFFF0, s0  }
0x219: {  	s30 =	sadd.s32 s4, s30  }
0x21a: {  	[tilespmem:s13], [sflag:$0x2] =	stream.linear.gather [hbm4b:s30+s1], $0x80, $0x38;
	[tilespmem:$0x2680] =	vst v63  }
0x21b: {  	s0 =	spop (v2sf)  }
0x21c: {  	(v2sf) =	vpush v6, $0xD;
	s30 =	sand.u32 $0x1FFFFFF0, s0  }
0x21d: {  	s30 =	sadd.s32 s3, s30  }
0x21e: {  	[tilespmem:s14], [sflag:$0x2] =	stream.linear.gather [hbm4b:s30+s1], $0x80, $0x38;
	[tilespmem:$0x2680] =	vst v63  }
0x21f: {  	s0 =	spop (v2sf)  }
0x220: {  	(v2sf) =	vpush v5, $0xD;
	s30 =	sand.u32 $0x1FFFFFF0, s0  }
0x221: {  	s30 =	sadd.s32 s4, s30  }
0x222: {  	[tilespmem:s15], [sflag:$0x2] =	stream.linear.gather [hbm4b:s30+s1], $0x80, $0x38;
	[tilespmem:$0x2680] =	vst v63  }
0x223: {  	s0 =	spop (v2sf)  }
0x224: {  	(v2sf) =	vpush v6, $0xE;
	s30 =	sand.u32 $0x1FFFFFF0, s0  }
0x225: {  	s30 =	sadd.s32 s3, s30  }
0x226: {  	[tilespmem:s16], [sflag:$0x2] =	stream.linear.gather [hbm4b:s30+s1], $0x80, $0x38;
	[tilespmem:$0x2680] =	vst v63  }
0x227: {  	s0 =	spop (v2sf)  }
0x228: {  	(v2sf) =	vpush v5, $0xE;
	s30 =	sand.u32 $0x1FFFFFF0, s0  }
0x229: {  	s30 =	sadd.s32 s4, s30  }
0x22a: {  	[tilespmem:s17], [sflag:$0x2] =	stream.linear.gather [hbm4b:s30+s1], $0x80, $0x38;
	[tilespmem:$0x2680] =	vst v63  }
0x22b: {  	s0 =	spop (v2sf)  }
0x22c: {  	(v2sf) =	vpush v6, $0xF;
	s30 =	sand.u32 $0x1FFFFFF0, s0  }
0x22d: {  	s30 =	sadd.s32 s3, s30  }
0x22e: {  	[tilespmem:s10], [sflag:$0x2] =	stream.linear.gather [hbm4b:s30+s1], $0x80, $0x38;
	[tilespmem:$0x2680] =	vst v63  }
0x22f: {  	s0 =	spop (v2sf)  }
0x230: {  	(v2sf) =	vpush v5, $0xF;
	s30 =	sand.u32 $0x1FFFFFF0, s0  }
0x231: {  	s30 =	sadd.s32 s4, s30  }
0x232: {  	[tilespmem:s19], [sflag:$0x2] =	stream.linear.gather [hbm4b:s30+s1], $0x80, $0x38;
	[tilespmem:$0x2680] =	vst v63  }
0x233: {  	s0 =	spop (v2sf)  }
0x234: {  	s30 =	sand.u32 $0x1FFFFFF0, s0  }
0x235: {  	s30 =	sadd.s32 s3, s30  }
0x236: {  	[tilespmem:s20], [sflag:$0x2] =	stream.linear.gather [hbm4b:s30+s1], $0x80, $0x38;
	[tilespmem:$0x2680] =	vst v63  }
0x237: {  	s0 =	spop (v2sf)  }
0x238: {  	s30 =	sand.u32 $0x1FFFFFF0, s0  }
0x239: {  	s30 =	sadd.s32 s4, s30  }
0x23a: {  	[tilespmem:s21], [sflag:$0x2] =	stream.linear.gather [hbm4b:s30+s1], $0x80, $0x38;
	[tilespmem:$0x2680] =	vst v63  }
0x23b: {  	s0 =	spop (v2sf)  }
0x23c: {  	s30 =	sand.u32 $0x1FFFFFF0, s0  }
0x23d: {  	s30 =	sadd.s32 s3, s30  }
0x23e: {  	[tilespmem:s22], [sflag:$0x2] =	stream.linear.gather [hbm4b:s30+s1], $0x80, $0x38;
	[tilespmem:$0x2680] =	vst v63  }
0x23f: {  	s0 =	spop (v2sf)  }
0x240: {  	s30 =	sand.u32 $0x1FFFFFF0, s0  }
0x241: {  	s30 =	sadd.s32 s4, s30  }
0x242: {  	[tilespmem:s23], [sflag:$0x2] =	stream.linear.gather [hbm4b:s30+s1], $0x80, $0x38;
	[tilespmem:$0x2680] =	vst v63  }
0x243: {  	_ =	swait.ge [sflag:s24], $0x800  }
0x244: {  	[sflag:s24] =	ssyncset.done $0x0  }
0x245: {  	[sflag:s24] =	ssyncadd.s32 $0xFFFFF800  }
0x246: {  	_ =	swait.ge [sflag:s24], $0x800  }
0x247: {  	[sflag:s24] =	ssyncset.done $0x0  }
0x248: {  	[sflag:s24] =	ssyncadd.s32 $0xFFFFF800  }
0x249: {  	v5 =	vld [tilespmem:$0x400]  }
0x24a: {  	v6 =	vld [tilespmem:$0x1400]  }
0x24b: {  	v7 =	vld [tilespmem:$0x410]  }
0x24c: {  	v8 =	vld [tilespmem:$0x1410]  }
0x24d: {  	v9 =	vld [tilespmem:$0x420]  }
0x24e: {  	v10 =	vld [tilespmem:$0x1420]  }
0x24f: {  	v11 =	vld [tilespmem:$0x430]  }
0x250: {  	v12 =	vld [tilespmem:$0x1430]  }
0x251: {  	v13 =	vld [tilespmem:$0x480]  }
0x252: {  	v14 =	vld [tilespmem:$0x1480]  }
0x253: {  	v15 =	vld [tilespmem:$0x490]  }
0x254: {  	v16 =	vld [tilespmem:$0x1490]  }
0x255: {  	v17 =	vld [tilespmem:$0x4A0]  }
0x256: {  	v18 =	vld [tilespmem:$0x14A0]  }
0x257: {  	v19 =	vld [tilespmem:$0x4B0]  }
0x258: {  	v20 =	vld [tilespmem:$0x14B0]  }
0x259: {  	v21 =	vld [tilespmem:$0x500]  }
0x25a: {  	v22 =	vld [tilespmem:$0x1500]  }
0x25b: {  	v23 =	vld [tilespmem:$0x510]  }
0x25c: {  	v24 =	vld [tilespmem:$0x1510]  }
0x25d: {  	v25 =	vld [tilespmem:$0x520]  }
0x25e: {  	v26 =	vld [tilespmem:$0x1520]  }
0x25f: {  	v27 =	vld [tilespmem:$0x530]  }
0x260: {  	v28 =	vld [tilespmem:$0x1530]  }
0x261: {  	v29 =	vld [tilespmem:$0x580]  }
0x262: {  	v30 =	vld [tilespmem:$0x1580]  }
0x263: {  	v31 =	vld [tilespmem:$0x590]  }
0x264: {  	v32 =	vld [tilespmem:$0x1590]  }
0x265: {  	v33 =	vld [tilespmem:$0x5A0]  }
0x266: {  	v34 =	vld [tilespmem:$0x15A0]  }
0x267: {  	v35 =	vld [tilespmem:$0x5B0]  }
0x268: {  	v36 =	vld [tilespmem:$0x15B0]  }
0x269: {  	v37 =	vld [tilespmem:$0x600]  }
0x26a: {  	v38 =	vld [tilespmem:$0x1600]  }
0x26b: {  	v39 =	vld [tilespmem:$0x610]  }
0x26c: {  	v40 =	vld [tilespmem:$0x1610]  }
0x26d: {  	v41 =	vld [tilespmem:$0x620]  }
0x26e: {  	v42 =	vld [tilespmem:$0x1620]  }
0x26f: {  	v43 =	vld [tilespmem:$0x630]  }
0x270: {  	v44 =	vld [tilespmem:$0x1630]  }
0x271: {  	v45 =	vld [tilespmem:$0x680]  }
0x272: {  	v46 =	vld [tilespmem:$0x1680]  }
0x273: {  	v47 =	vld [tilespmem:$0x690]  }
0x274: {  	v48 =	vld [tilespmem:$0x1690]  }
0x275: {  	v49 =	vld [tilespmem:$0x6A0]  }
0x276: {  	v50 =	vld [tilespmem:$0x16A0]  }
0x277: {  	v51 =	vld [tilespmem:$0x6B0]  }
0x278: {  	v52 =	vld [tilespmem:$0x16B0]  }
0x279: {  	v53 =	vld [tilespmem:$0x700]  }
0x27a: {  	v54 =	vld [tilespmem:$0x1700]  }
0x27b: {  	v55 =	vld [tilespmem:$0x710]  }
0x27c: {  	v56 =	vld [tilespmem:$0x1710]  }
0x27d: {  	v57 =	vld [tilespmem:$0x720]  }
0x27e: {  	v58 =	vld [tilespmem:$0x1720]  }
0x27f: {  	v59 =	vld [tilespmem:$0x730]  }
0x280: {  	v4 =	vld [tilespmem:$0x790]  }
0x281: {  	v63 =	vld [tilespmem:$0x7A0]  }
0x282: {  	v60 =	vld [tilespmem:$0x1730]  }
0x283: {  	v61 =	vld [tilespmem:$0x780]  }
0x284: {  	v62 =	vld [tilespmem:$0x1780]  }
0x285: {  	[tilespmem:$0x1FF70] =	vst v4;
	v4 =	vld [tilespmem:$0x1790]  }
0x286: {  	[tilespmem:$0x1FF80] =	vst v63;
	v63 =	vld [tilespmem:$0x17A0]  }
0x287: {  	v5 =	vmul.f32 v6, v5;
	v6 =	vmul.f32 v8, v7;
	v7 =	vld [tilespmem:$0x820]  }
0x288: {  	v8 =	vmul.f32 v10, v9;
	v10 =	vld [tilespmem:$0x1820]  }
0x289: {  	v9 =	vmul.f32 v12, v11;
	v11 =	vmul.f32 v14, v13;
	v13 =	vld [tilespmem:$0x830]  }
0x28a: {  	v12 =	vmul.f32 v16, v15;
	v16 =	vld [tilespmem:$0x1830]  }
0x28b: {  	v15 =	vmul.f32 v20, v19;
	v19 =	vld [tilespmem:$0x880]  }
0x28c: {  	v14 =	vmul.f32 v18, v17;
	v17 =	vmul.f32 v22, v21;
	v21 =	vld [tilespmem:$0x1880]  }
0x28d: {  	v18 =	vmul.f32 v24, v23;
	v23 =	vld [tilespmem:$0x890]  }
0x28e: {  	v20 =	vmul.f32 v26, v25;
	v25 =	vld [tilespmem:$0x1890]  }
0x28f: {  	v22 =	vmul.f32 v28, v27;
	v27 =	vld [tilespmem:$0x8A0]  }
0x290: {  	v24 =	vmul.f32 v30, v29;
	v29 =	vld [tilespmem:$0x18A0]  }
0x291: {  	v26 =	vmul.f32 v32, v31;
	v31 =	vld [tilespmem:$0x8B0]  }
0x292: {  	v28 =	vmul.f32 v34, v33;
	v33 =	vld [tilespmem:$0x18B0]  }
0x293: {  	v30 =	vmul.f32 v36, v35;
	v35 =	vld [tilespmem:$0x900]  }
0x294: {  	v32 =	vmul.f32 v38, v37;
	v37 =	vld [tilespmem:$0x1900]  }
0x295: {  	v34 =	vmul.f32 v40, v39;
	v39 =	vld [tilespmem:$0x910]  }
0x296: {  	v36 =	vmul.f32 v42, v41;
	v41 =	vld [tilespmem:$0x1910]  }
0x297: {  	v38 =	vmul.f32 v44, v43;
	v43 =	vld [tilespmem:$0x920]  }
0x298: {  	v40 =	vmul.f32 v46, v45;
	v45 =	vld [tilespmem:$0x1920]  }
0x299: {  	v46 =	vld [tilespmem:$0x930]  }
0x29a: {  	v42 =	vmul.f32 v48, v47;
	v48 =	vld [tilespmem:$0x1930]  }
0x29b: {  	v44 =	vmul.f32 v50, v49;
	v47 =	vmul.f32 v54, v53;
	v49 =	vld [tilespmem:$0x980]  }
0x29c: {  	v50 =	vld [tilespmem:$0x1980];
	v5 =	vmul.f32 v5, v0;
	v6 =	vmul.f32 v6, v1  }
0x29d: {  	v53 =	vld [tilespmem:$0x19A0];
	v8 =	vmul.f32 v8, v2;
	v9 =	vmul.f32 v9, v3  }
0x29e: {  	v54 =	vld [tilespmem:$0x9B0];
	v11 =	vmul.f32 v11, v0;
	v12 =	vmul.f32 v12, v1  }
0x29f: {  	v14 =	vmul.f32 v14, v2;
	v15 =	vmul.f32 v15, v3;
	[tilespmem:$0x1FF90] =	vst v63;
	v63 =	vld [tilespmem:$0x7B0]  }
0x2a0: {  	v5 =	vadd.f32 v6, v5;
	v6 =	vmul.f32 v26, v1;
	v26 =	vmul.f32 v52, v51;
	v51 =	vld [tilespmem:$0x990]  }
0x2a1: {  	v17 =	vmul.f32 v17, v0;
	v18 =	vmul.f32 v18, v1;
	v52 =	vld [tilespmem:$0x1990]  }
0x2a2: {  	v11 =	vadd.f32 v12, v11;
	v12 =	vmul.f32 v32, v0;
	v32 =	vmul.f32 v58, v57;
	v57 =	vld [tilespmem:$0x1FF70]  }
0x2a3: {  	v20 =	vmul.f32 v20, v2;
	v17 =	vadd.f32 v18, v17;
	v18 =	vmul.f32 v38, v3;
	v38 =	vld [tilespmem:$0x9A0]  }
0x2a4: {  	v22 =	vmul.f32 v22, v3;
	v24 =	vmul.f32 v24, v0;
	[tilespmem:$0x1FFA0] =	vst v63;
	v63 =	vld [tilespmem:$0x17B0]  }
0x2a5: {  	v28 =	vmul.f32 v28, v2;
	v58 =	vld [tilespmem:$0x1FF80];
	v7 =	vmul.f32 v10, v7  }
0x2a6: {  	v10 =	vld [tilespmem:$0x1A00];
	v13 =	vmul.f32 v16, v13;
	v19 =	vmul.f32 v21, v19  }
0x2a7: {  	v16 =	vld [tilespmem:$0xA10];
	v23 =	vmul.f32 v25, v23;
	v27 =	vmul.f32 v29, v27;
	v5 =	vadd.f32 v8, v5  }
0x2a8: {  	v21 =	vld [tilespmem:$0x1A10];
	v8 =	vmul.f32 v30, v3;
	v30 =	vmul.f32 v56, v55;
	v11 =	vadd.f32 v14, v11  }
0x2a9: {  	v14 =	vmul.f32 v36, v2;
	v36 =	vmul.f32 v62, v61;
	v17 =	vadd.f32 v20, v17;
	[tilespmem:$0x1FFB0] =	vst v63;
	v63 =	vld [tilespmem:$0x800]  }
0x2aa: {  	v25 =	vld [tilespmem:$0xA20];
	v20 =	vmul.f32 v42, v1;
	v6 =	vadd.f32 v6, v24;
	v24 =	vmul.f32 v44, v2  }
0x2ab: {  	v56 =	vld [tilespmem:$0xA00];
	v7 =	vmul.f32 v7, v2;
	v13 =	vmul.f32 v13, v3  }
0x2ac: {  	v5 =	vadd.f32 v9, v5;
	v9 =	vmul.f32 v34, v1;
	v34 =	vmul.f32 v60, v59;
	v59 =	vld [tilespmem:$0x1FF90]  }
0x2ad: {  	v19 =	vmul.f32 v19, v0;
	v27 =	vmul.f32 v27, v2;
	v6 =	vadd.f32 v28, v6;
	v60 =	vld [tilespmem:$0x1FFA0]  }
0x2ae: {  	v11 =	vadd.f32 v15, v11;
	v15 =	vmul.f32 v40, v0;
	v17 =	vadd.f32 v22, v17;
	[tilespmem:$0x1FFC0] =	vst v63;
	v63 =	vld [tilespmem:$0x1800]  }
0x2af: {  	v22 =	vmul.f32 v26, v3;
	v4 =	vmul.f32 v4, v57;
	v6 =	vadd.f32 v8, v6;
	v61 =	vld [tilespmem:$0x1FFB0]  }
0x2b0: {  	v29 =	vld [tilespmem:$0x1A20];
	v8 =	vmul.f32 v32, v2;
	v15 =	vadd.f32 v20, v15;
	v16 =	vmul.f32 v21, v16  }
0x2b1: {  	v55 =	vld [tilespmem:$0x19B0];
	v9 =	vadd.f32 v9, v12;
	v4 =	vmul.f32 v4, v1;
	v10 =	vmul.f32 v10, v56  }
0x2b2: {  	v32 =	vld [tilespmem:$0x1A30];
	v15 =	vadd.f32 v24, v15;
	v24 =	vmul.f32 v53, v38;
	v40 =	vmul.f32 v59, v58  }
0x2b3: {  	v9 =	vadd.f32 v14, v9;
	v59 =	vmul.f32 v47, v0;
	v10 =	vmul.f32 v10, v0;
	[tilespmem:$0x1FFD0] =	vst v63;
	v63 =	vld [tilespmem:$0x810]  }
0x2b4: {  	v42 =	vmul.f32 v61, v60;
	v62 =	vld [tilespmem:$0x1FFC0];
	v60 =	vmul.f32 v30, v1  }
0x2b5: {  	v9 =	vadd.f32 v18, v9;
	v18 =	vmul.f32 v33, v31;
	v31 =	vmul.f32 v37, v35;
	v57 =	vld [tilespmem:$0x1FFD0]  }
0x2b6: {  	v33 =	vmul.f32 v41, v39;
	v35 =	vmul.f32 v45, v43;
	v30 =	vld [tilespmem:$0xA30];
	v12 =	vadd.f32 v60, v59  }
0x2b7: {  	v43 =	vmul.f32 v18, v3;
	v45 =	vmul.f32 v31, v0;
	v60 =	vld [tilespmem:$0xAA0]  }
0x2b8: {  	v61 =	vmul.f32 v34, v3;
	v59 =	vmul.f32 v52, v51;
	v8 =	vadd.f32 v8, v12;
	[tilespmem:$0x1FFE0] =	vst v63;
	v63 =	vld [tilespmem:$0x1810]  }
0x2b9: {  	v28 =	vmul.f32 v42, v3;
	v51 =	vmul.f32 v35, v2;
	v58 =	vld [tilespmem:$0x1FFE0]  }
0x2ba: {  	v56 =	vmul.f32 v59, v1;
	v8 =	vadd.f32 v61, v8;
	v61 =	vld [tilespmem:$0x1AA0];
	v44 =	vmul.f32 v57, v62  }
0x2bb: {  	v53 =	vld [tilespmem:$0x1B10];
	v62 =	vmul.f32 v36, v0;
	v57 =	vmul.f32 v50, v49  }
0x2bc: {  	v34 =	vld [tilespmem:$0xA80];
	v49 =	vmul.f32 v32, v30;
	v44 =	vmul.f32 v44, v0  }
0x2bd: {  	v36 =	vld [tilespmem:$0x1A80];
	v4 =	vadd.f32 v4, v62;
	v62 =	vmul.f32 v23, v1;
	v23 =	vmul.f32 v55, v54  }
0x2be: {  	v50 =	vld [tilespmem:$0xB10];
	v20 =	vmul.f32 v57, v0;
	v26 =	vmul.f32 v63, v58  }
0x2bf: {  	v37 =	vld [tilespmem:$0xA90];
	v57 =	vmul.f32 v61, v60;
	v61 =	vmul.f32 v24, v2;
	v19 =	vadd.f32 v62, v19  }
0x2c0: {  	v15 =	vadd.f32 v22, v15;
	v42 =	vld [tilespmem:$0x1AB0];
	v63 =	vmul.f32 v40, v2;
	v47 =	vmul.f32 v26, v1  }
0x2c1: {  	v62 =	vmul.f32 v16, v1;
	v38 =	vmul.f32 v57, v2;
	v58 =	vld [tilespmem:$0x1A90];
	v19 =	vadd.f32 v27, v19  }
0x2c2: {  	(xrf2) =	vadd.scan.msk.f32 $0xffff, v5;
	v52 =	vmul.f32 v36, v34;
	v4 =	vadd.f32 v63, v4;
	v63 =	vld [tilespmem:$0xAB0];
	v12 =	vadd.f32 v47, v44  }
0x2c3: {  	(xrf2) =	vadd.scan.msk.f32 $0xffff, v11;
	v27 =	vmul.f32 v53, v50;
	v10 =	vadd.f32 v62, v10;
	v26 =	vmul.f32 v48, v46;
	v44 =	vld [tilespmem:$0xB00]  }
0x2c4: {  	(xrf2) =	vadd.scan.msk.f32 $0xffff, v17;
	v46 =	vmul.f32 v29, v25;
	v48 =	vmul.f32 v33, v1;
	v47 =	vld [tilespmem:$0x1B00];
	v7 =	vadd.f32 v7, v12  }
0x2c5: {  	(xrf2) =	vadd.scan.msk.f32 $0xffff, v6;
	v55 =	vld [tilespmem:$0xB20];
	v33 =	vmul.f32 v52, v0;
	v5 =	vadd.f32 v43, v19;
	v36 =	vmul.f32 v27, v1  }
0x2c6: {  	(xrf2) =	vadd.scan.msk.f32 $0xffff, v9;
	v54 =	vmul.f32 v58, v37;
	v58 =	vld [tilespmem:$0x1B20];
	v7 =	vadd.f32 v13, v7;
	v13 =	vadd.f32 v48, v45  }
0x2c7: {  	(xrf2) =	vadd.scan.msk.f32 $0xffff, v15;
	v24 =	vld [tilespmem:$0xB30];
	v4 =	vadd.f32 v28, v4;
	v26 =	vmul.f32 v26, v3;
	v12 =	vadd.f32 v56, v20  }
0x2c8: {  	(xrf2) =	vadd.scan.msk.f32 $0xffff, v8;
	v28 =	vld [tilespmem:$0x1B30];
	v32 =	vmul.f32 v46, v2;
	v34 =	vmul.f32 v54, v1;
	v59 =	vadd.f32 v51, v13  }
0x2c9: {  	(xrf2) =	vadd.scan.msk.f32 $0xffff, v4;
	v60 =	vmul.f32 v42, v63;
	v25 =	vadd.f32 v61, v12;
	v63 =	vmul.f32 v47, v44  }
0x2ca: {  	(xrf2) =	vadd.scan.msk.f32 $0xffff, v7;
	v7 =	vadd.f32 v34, v33;
	v6 =	vadd.f32 v26, v59;
	v26 =	vmul.f32 v23, v3  }
0x2cb: {  	v37 =	vmul.f32 v49, v3;
	v4 =	vadd.f32 v32, v10;
	v30 =	vmul.f32 v58, v55;
	(xrf2) =	vadd.scan.msk.f32 $0xffff, v5  }
0x2cc: {  	v41, _, _ =	vpop (xrf2);
	v35 =	vmul.f32 v63, v0;
	v8 =	vadd.f32 v26, v25;
	(xrf2) =	vadd.scan.msk.f32 $0xffff, v6;
	v6 =	vadd.f32 v38, v7  }
0x2cd: {  	v4 =	vadd.f32 v37, v4;
	v40 =	vmul.f32 v28, v24  }
0x2ce: {  	v42, _, _ =	vpop (xrf2);
	v39 =	vmul.f32 v30, v2;
	v5 =	vadd.f32 v36, v35;
	v7 =	vmul.f32 v60, v3;
	(xrf2) =	vadd.scan.msk.f32 $0xffff, v8  }
0x2cf: {  	v44, _, _ =	vpop (xrf2);
	(xrf2) =	vadd.scan.msk.f32 $0xffff, v4  }
0x2d0: {  	v5 =	vadd.f32 v39, v5;
	v8 =	vmul.f32 v40, v3;
	v4 =	vadd.f32 v7, v6;
	v6, _, _ =	vpop (xrf2)  }
0x2d1: {  	v43 =	vbroadcast v41, $0xF;
	v9 =	vbroadcast v42, $0xF;
	v45, _, _ =	vpop (xrf2)  }
0x2d2: {  	v52 =	vld [tilespmem:$0xBA0];
	v7 =	vbroadcast v44, $0xF;
	v5 =	vadd.f32 v8, v5;
	v47, _, _ =	vpop (xrf2)  }
0x2d3: {  	v9 =	vsel vm0, v43, v9;
	v8 =	vld [tilespmem:$0xB80];
	v6 =	vbroadcast v6, $0xF;
	(xrf2) =	vadd.scan.msk.f32 $0xffff, v4;
	v48, _, _ =	vpop (xrf2)  }
0x2d4: {  	v4 =	vld [tilespmem:$0x1B80];
	v7 =	vsel vm1, v9, v7;
	v46 =	vbroadcast v45, $0xF;
	(xrf2) =	vadd.scan.msk.f32 $0xffff, v5;
	v50, _, _ =	vpop (xrf2)  }
0x2d5: {  	v49 =	vld [tilespmem:$0x1B90];
	v6 =	vsel vm2, v7, v6;
	v7 =	vbroadcast v47, $0xF;
	v53, _, _ =	vpop (xrf2)  }
0x2d6: {  	v5 =	vld [tilespmem:$0xB90];
	v6 =	vsel vm3, v6, v46;
	v51 =	vbroadcast v48, $0xF;
	v55, _, _ =	vpop (xrf2)  }
0x2d7: {  	v54 =	vld [tilespmem:$0x1BA0];
	v6 =	vsel vm4, v6, v7;
	v7 =	vbroadcast v50, $0xF;
	v57, _, _ =	vpop (xrf2)  }
0x2d8: {  	v6 =	vsel vm5, v6, v51;
	v56 =	vbroadcast v53, $0xF;
	v58, _, _ =	vpop (xrf2)  }
0x2d9: {  	v4 =	vmul.f32 v4, v8;
	v6 =	vsel vm6, v6, v7;
	v7 =	vbroadcast v55, $0xF;
	v8, _, _ =	vpop (xrf2)  }
0x2da: {  	v6 =	vsel vm7, v6, v56;
	v59 =	vbroadcast v57, $0xF;
	v8 =	vbroadcast v8, $0xF  }
0x2db: {  	v62 =	vld [tilespmem:$0x1BB0];
	v5 =	vmul.f32 v49, v5;
	v6 =	vsel vm8, v6, v7;
	v7 =	vbroadcast v58, $0xF  }
0x2dc: {  	v61 =	vmul.f32 v54, v52;
	v60 =	vld [tilespmem:$0xBB0];
	v6 =	vsel vm9, v6, v59  }
.Ltmp7:
0x2dd: {  	v4 =	vmul.f32 v4, v0;
	v5 =	vmul.f32 v5, v1;
	v63, _, _ =	vpop (xrf2);
	v6 =	vsel vm10, v6, v7;
	(pc) =	sbr.rel .LBB2_7-.Ltmp7, $4  }
0x2de: {  	v6 =	vsel vm11, v6, v8;
	v7 =	vbroadcast v63, $0xF;
	v8, _, _ =	vpop (xrf2)  }
0x2df: {  	v4 =	vadd.f32 v5, v4;
	v5 =	vbroadcast v8, $0xF;
	v8 =	vmul.f32 v61, v2  }
0x2e0: {  	v6 =	vsel vm12, v6, v7  }
0x2e1: {  	v7 =	vmul.f32 v62, v60;
	v5 =	vsel vm13, v6, v5;
	v6 =	vadd.f32 v8, v4  }
.LBB2_9:
0x2e2: {  	_ =	sfence.sel $0x180000  }
0x2e3: {  	[bflag:$0x0] =	sbarrier.arrive $0xFFFF  }
0x2e4: {  	_ =	strace $0x90000047  }
0x2e5: {  	s0 =	stileid.u32;
	[bflag:$0x2] =	sbarrier.arrive $0xFFFF  }
0x2e6: {  	p0 =	sne.s32 s0, $0x0;
	s0 =	rddreg [dreg:$0x4]  }
0x2e7: {  	s0 =	sadd.s32 @!p0 $0x100000, s0  }
0x2e8: {  	[sflag:s0] =	ssyncadd.tile.s32 @!p0 $0x1;
	_ =	shalt  }
.Lfunc_end2:
_tile_overlayer_lowered:
.L_overlay_start_2:
0x2e9: {  	(tag) =	ssettag $0x2  }
0x2ea: {  	s0 =	rddreg [dreg:$0x0];
	s2 =	stileid.u32  }
0x2eb: {  	s1 =	rddreg [dreg:$0x1];
	p0 =	sne.s32 s2, $0x0  }
0x2ec: {  	s3 =	rddreg [dreg:$0x2];
	[bflag:$0x3] =	sbarrier.arrive $0xFFFF;
	s2 =	simm.s32 @!p0 $0x1C03  }
0x2ed: {  	[timem:s3], [sflag:s2] =	dma.local @!p0 [hbm:s0], s1  }
0x2ee: {  	s0 =	simm.s32 @!p0 $0x3  }
0x2ef: {  	_ =	swait.ge @!p0 [sflag:s0], s1  }
0x2f0: {  	s1 =	ssub.s32 @!p0 $0x0, s1;
	[sflag:s0] =	ssyncset.done @!p0 $0x0  }
0x2f1: {  	[sflag:s0] =	ssyncadd.s32 @!p0 s1  }
0x2f2: {  	[bflag:$0x3] =	sbarrier.arrive $0xFFFF  }
0x2f3: {  	_ =	shalt  }

</sc_bundles>
